<compile_context>
chip_gen: v7x
topology: tpu7x:2x2x1
jax: 0.10.2.dev20260603
libtpu: 0.0.44.dev20260713+nightly
codegen_flags: <defaults>
</compile_context>

<pallas_src>
import jax
import jax.numpy as jnp
from jax import lax
from jax.experimental import pallas as pl
from jax.experimental.pallas import tpu as pltpu
from jax.experimental.pallas import tpu_sc as plsc

N = 10000
E = 320000
D_IN = 128
D_H = 128
D_OUT = 64

NC = 2
NS = 16
NW = NC * NS
EPW = E // NW
B = 80
NCH = EPW // B
NB = 5
CPB = NCH // NB
NPAD = 10240
SPT = NPAD // NS
RPT = NPAD // NS

_mesh = plsc.VectorSubcoreMesh(core_axis_name="c", subcore_axis_name="s")


def _fill(ref, nelem, value):
    v16 = jnp.full((16,), value, jnp.float32)

    @pl.loop(0, nelem // 16)
    def _(i):
        ref[pl.ds(i * 16, 16)] = v16


def _deg_body(srcr, dstr, degs_out, dego_sh, degi_sh, stag_s, stag_d,
              ones_v, zero_v, semo, semi):
    cid = lax.axis_index("c")
    sid = lax.axis_index("s")
    w = cid * NS + sid
    base = sid * SPT

    _fill(ones_v, B, 1.0)
    _fill(zero_v, SPT, 0.0)
    pltpu.sync_copy(zero_v, dego_sh.at[pl.ds(base, SPT)])
    pltpu.sync_copy(zero_v, degi_sh.at[pl.ds(base, SPT)])
    plsc.subcore_barrier()

    pltpu.sync_copy(srcr.at[w], stag_s)
    pltpu.sync_copy(dstr.at[w], stag_d)

    def wait_pair():
        pltpu.make_async_copy(ones_v, dego_sh.at[stag_s.at[0, 0]],
                              semo).wait()
        pltpu.make_async_copy(ones_v, degi_sh.at[stag_d.at[0, 0]],
                              semi).wait()

    @pl.loop(0, NB)
    def _(b):
        @pl.loop(0, CPB)
        def _(j):
            pltpu.async_copy(ones_v, dego_sh.at[stag_s.at[b, j]], semo,
                             add=True)
            pltpu.async_copy(ones_v, degi_sh.at[stag_d.at[b, j]], semi,
                             add=True)

            @pl.when(b * CPB + j >= 4)
            def _():
                wait_pair()

    for _ in range(4):
        wait_pair()

    plsc.subcore_barrier()
    pltpu.sync_copy(dego_sh.at[pl.ds(base, SPT)],
                    degs_out.at[cid, 0, pl.ds(base, SPT)])
    pltpu.sync_copy(degi_sh.at[pl.ds(base, SPT)],
                    degs_out.at[cid, 1, pl.ds(base, SPT)])


_deg_kernel = pl.kernel(
    _deg_body,
    out_type=jax.ShapeDtypeStruct((NC, 2, NPAD), jnp.float32),
    mesh=_mesh,
    scratch_types=[
        pltpu.VMEM_SHARED((NPAD,), jnp.float32),
        pltpu.VMEM_SHARED((NPAD,), jnp.float32),
        pltpu.VMEM((NB, CPB, B), jnp.int32),
        pltpu.VMEM((NB, CPB, B), jnp.int32),
        pltpu.VMEM((B,), jnp.float32),
        pltpu.VMEM((SPT,), jnp.float32),
        pltpu.SemaphoreType.DMA,
        pltpu.SemaphoreType.DMA,
    ],
)


def _make_prop_body(with_c):
    def body(g, srcr, dstr, zrows, *rest):
        if with_c:
            (normd, ma, mb, c_out, acc_sh, c_sh, stag_s, stag_d,
             rb0, rb1, rb2, vb0, vb1, vb2,
             rg0, rg1, rg2, rs0, rs1, rs2,
             cg0, cg1, cg2, cs0, cs1, cs2) = rest
            RB = ((rb0, rg0, rs0), (rb1, rg1, rs1), (rb2, rg2, rs2))
            VB = ((vb0, cg0, cs0), (vb1, cg1, cs1), (vb2, cg2, cs2))
        else:
            (ma, mb, acc_sh, stag_s, stag_d, rb0, rb1, rb2,
             rg0, rg1, rg2, rs0, rs1, rs2) = rest
            RB = ((rb0, rg0, rs0), (rb1, rg1, rs1), (rb2, rg2, rs2))

        cid = lax.axis_index("c")
        sid = lax.axis_index("s")
        w = cid * NS + sid
        rbase = sid * RPT
        base = sid * SPT

        if with_c:
            _fill(vb0, B, 0.0)
            for k in range(SPT // B):
                pltpu.sync_copy(vb0, c_sh.at[pl.ds(base + k * B, B)])

        @pl.when(cid == 0)
        def _():
            pltpu.sync_copy(g.at[pl.ds(rbase, RPT)],
                            acc_sh.at[pl.ds(rbase, RPT)])

        @pl.when(cid == 1)
        def _():
            pltpu.sync_copy(zrows, acc_sh.at[pl.ds(rbase, RPT)])

        plsc.subcore_barrier()

        def rgf(j, bi):
            pltpu.async_copy(g.at[stag_s.at[j]], RB[bi][0], RB[bi][1])

        def rgw(bi):
            pltpu.make_async_copy(g.at[stag_s.at[0]], RB[bi][0],
                                  RB[bi][1]).wait()

        def rsf(j, bi):
            pltpu.async_copy(RB[bi][0], acc_sh.at[stag_d.at[j]], RB[bi][2],
                             add=True)

        def rsw(bi):
            pltpu.make_async_copy(RB[bi][0], acc_sh.at[stag_d.at[0]],
                                  RB[bi][2]).wait()

        if with_c:
            def cgf(j, bi):
                pltpu.async_copy(normd.at[stag_d.at[j]], VB[bi][0],
                                 VB[bi][1])

            def cgw(bi):
                pltpu.make_async_copy(normd.at[stag_d.at[0]], VB[bi][0],
                                      VB[bi][1]).wait()

            def csf(j, bi):
                pltpu.async_copy(VB[bi][0], c_sh.at[stag_s.at[j]],
                                 VB[bi][2], add=True)

            def csw(bi):
                pltpu.make_async_copy(VB[bi][0], c_sh.at[stag_s.at[0]],
                                      VB[bi][2]).wait()

        def fire(j, bi):
            rgf(j, bi)
            if with_c:
                cgf(j, bi)

        def phase(j, bi, jn=None, bn=None, first=False):
            rgw(bi)
            rsf(j, bi)
            if with_c:
                cgw(bi)
                csf(j, bi)
            if jn is not None:
                if not first:
                    rsw(bn)
                    if with_c:
                        csw(bn)
                fire(jn, bn)

        @pl.loop(0, NB)
        def _(b):
            pltpu.sync_copy(srcr.at[w, b], stag_s)
            pltpu.sync_copy(dstr.at[w, b], stag_d)
            fire(0, 0)
            fire(1, 1)
            phase(0, 0, 2, 2, first=True)
            phase(1, 1, 3, 0)

            @pl.loop(0, (CPB - 4) // 3)
            def _(t):
                j = 2 + 3 * t
                phase(j, 2, j + 2, 1)
                phase(j + 1, 0, j + 3, 2)
                phase(j + 2, 1, j + 4, 0)

            phase(CPB - 2, 2)
            phase(CPB - 1, 0)
            for bi in range(3):
                rsw(bi)
                if with_c:
                    csw(bi)

        plsc.subcore_barrier()

        @pl.when(cid == 0)
        def _():
            pltpu.sync_copy(acc_sh.at[pl.ds(rbase, RPT)],
                            ma.at[pl.ds(rbase, RPT)])

        @pl.when(cid == 1)
        def _():
            pltpu.sync_copy(acc_sh.at[pl.ds(rbase, RPT)],
                            mb.at[pl.ds(rbase, RPT)])

        if with_c:
            pltpu.sync_copy(c_sh.at[pl.ds(base, SPT)],
                            c_out.at[cid, pl.ds(base, SPT)])

    return body


_prop_scratch = [
    pltpu.VMEM_SHARED((NPAD, D_H), jnp.float32),
    pltpu.VMEM((CPB, B), jnp.int32),
    pltpu.VMEM((CPB, B), jnp.int32),
    pltpu.VMEM((B, D_H), jnp.float32),
    pltpu.VMEM((B, D_H), jnp.float32),
    pltpu.VMEM((B, D_H), jnp.float32),
] + [pltpu.SemaphoreType.DMA] * 6

_prop_c_scratch = [
    pltpu.VMEM_SHARED((NPAD, D_H), jnp.float32),
    pltpu.VMEM_SHARED((NPAD,), jnp.float32),
    pltpu.VMEM((CPB, B), jnp.int32),
    pltpu.VMEM((CPB, B), jnp.int32),
    pltpu.VMEM((B, D_H), jnp.float32),
    pltpu.VMEM((B, D_H), jnp.float32),
    pltpu.VMEM((B, D_H), jnp.float32),
    pltpu.VMEM((B,), jnp.float32),
    pltpu.VMEM((B,), jnp.float32),
    pltpu.VMEM((B,), jnp.float32),
] + [pltpu.SemaphoreType.DMA] * 12

_prop_kernel = pl.kernel(
    _make_prop_body(with_c=False),
    out_type=(
        jax.ShapeDtypeStruct((NPAD, D_H), jnp.float32),
        jax.ShapeDtypeStruct((NPAD, D_H), jnp.float32),
    ),
    mesh=_mesh,
    scratch_types=_prop_scratch,
)

_prop_c_kernel = pl.kernel(
    _make_prop_body(with_c=True),
    out_type=(
        jax.ShapeDtypeStruct((NPAD, D_H), jnp.float32),
        jax.ShapeDtypeStruct((NPAD, D_H), jnp.float32),
        jax.ShapeDtypeStruct((NC, NPAD), jnp.float32),
    ),
    mesh=_mesh,
    scratch_types=_prop_c_scratch,
)


def _tca_body(ma_ref, mb_ref, w_ref, nd_ref, ns_ref, b_ref, o_ref):
    m = jnp.dot(ma_ref[...] + mb_ref[...], w_ref[...],
                preferred_element_type=jnp.float32)
    o_ref[...] = jnp.maximum(m * nd_ref[...] + b_ref[...], 0.0) * ns_ref[...]


def _tcb_body(ma_ref, mb_ref, w_ref, nd_ref, b2_ref, wv_ref, w3_ref, b3_ref,
              o_ref):
    m = jnp.dot(ma_ref[...] + mb_ref[...], w_ref[...],
                preferred_element_type=jnp.float32)
    h = jnp.maximum(m * nd_ref[...] + b2_ref[...], 0.0)
    u = jnp.sum(h * wv_ref[...], axis=0, keepdims=True)
    o_ref[...] = jnp.dot(u, w3_ref[...],
                         preferred_element_type=jnp.float32) + b3_ref[...]


_tca = pl.pallas_call(
    _tca_body, out_shape=jax.ShapeDtypeStruct((NPAD, D_H), jnp.float32))
_tcb = pl.pallas_call(
    _tcb_body, out_shape=jax.ShapeDtypeStruct((1, D_OUT), jnp.float32))


def kernel(x, edge_index, W1, b1, W2, b2, W3, b3):
    src = edge_index[0]
    dst = edge_index[1]
    srcr = src.reshape(NW, NB, CPB, B)
    dstr = dst.reshape(NW, NB, CPB, B)
    zrows = jnp.zeros((RPT, D_H), jnp.float32)
    x_pad = jnp.pad(x, ((0, NPAD - N), (0, 0)))

    degs = _deg_kernel(srcr, dstr)
    pad0 = jnp.zeros((NPAD - N,), jnp.float32)
    norm_src = jnp.concatenate(
        [lax.rsqrt(degs[0, 0, :N] + degs[1, 0, :N] + 1.0), pad0])
    norm_dst = jnp.concatenate(
        [lax.rsqrt(degs[0, 1, :N] + degs[1, 1, :N] + 1.0), pad0])

    xs = x_pad * norm_src[:, None]
    m1a, m1b, cparts = _prop_c_kernel(xs, srcr, dstr, zrows, norm_dst)

    h1s = _tca(m1a, m1b, W1, norm_dst[:, None], norm_src[:, None],
               b1.reshape(1, D_H))
    m2a, m2b = _prop_kernel(h1s, srcr, dstr, zrows)

    c = cparts[0] + cparts[1] + norm_dst
    wvec = (c * norm_src * (1.0 / N))[:, None]
    out = _tcb(m2a, m2b, W2, norm_dst[:, None], b2.reshape(1, D_H), wvec,
               W3, b3.reshape(1, D_OUT))
    return out.reshape(D_OUT)

# --- scband reference (transcript-rebuilt; emitter-appended) ---
"""Pipeline reference for scband-gcn-23330262352099 (READ-ONLY COPY).

The authoritative reference and input builder live on the scoring server;
editing this copy changes nothing except your own understanding.
"""

import jax, jax.numpy as jnp
import numpy as np

N = 10000
E = 320000
D_IN = 128
D_H = 128
D_OUT = 64


def setup_inputs(seed: int = 0):
    key = jax.random.key(seed)
    ks = jax.random.split(key, 6)
    x = jax.random.normal(ks[0], (N, D_IN), dtype=jnp.float32)
    edge_index = jax.random.randint(ks[1], (2, E), 0, N, dtype=jnp.int32)
    W1 = jax.random.normal(ks[2], (D_IN, D_H), dtype=jnp.float32) / np.sqrt(D_IN)
    b1 = jnp.zeros((D_H,), dtype=jnp.float32)
    W2 = jax.random.normal(ks[3], (D_H, D_H), dtype=jnp.float32) / np.sqrt(D_H)
    b2 = jnp.zeros((D_H,), dtype=jnp.float32)
    W3 = jax.random.normal(ks[4], (D_H, D_OUT), dtype=jnp.float32) / np.sqrt(D_H)
    b3 = jnp.zeros((D_OUT,), dtype=jnp.float32)
    return {"x": x, "edge_index": edge_index, "W1": W1, "b1": b1,
            "W2": W2, "b2": b2, "W3": W3, "b3": b3}


def _graph_conv(h, src, dst, norm_src, norm_dst, W, b):
    # DGL GraphConv, norm='both': D^{-1/2} A D^{-1/2} X W + b
    h = h * norm_src[:, None]
    h = h @ W
    m = jax.ops.segment_sum(h[src], dst, num_segments=N)
    m = m * norm_dst[:, None]
    return m + b


def reference(x, edge_index, W1, b1, W2, b2, W3, b3):
    # dgl.add_self_loop
    loops = jnp.arange(N, dtype=edge_index.dtype)
    src = jnp.concatenate([edge_index[0], loops])
    dst = jnp.concatenate([edge_index[1], loops])
    ones = jnp.ones(src.shape[0], dtype=jnp.float32)
    deg_out = jax.ops.segment_sum(ones, src, num_segments=N)
    deg_in = jax.ops.segment_sum(ones, dst, num_segments=N)
    norm_src = jax.lax.rsqrt(jnp.maximum(deg_out, 1.0))
    norm_dst = jax.lax.rsqrt(jnp.maximum(deg_in, 1.0))
    h = _graph_conv(x, src, dst, norm_src, norm_dst, W1, b1)
    h = jax.nn.relu(h)
    h = _graph_conv(h, src, dst, norm_src, norm_dst, W2, b2)
    h = jax.nn.relu(h)
    h = _graph_conv(h, src, dst, norm_src, norm_dst, W3, b3)
    # dgl.mean_nodes over the single graph, then squeeze
    hg = jnp.mean(h, axis=0)
    return jnp.squeeze(hg)

if __name__ == "__main__":
    import jax
    _d = setup_inputs()
    print(jax.jit(kernel)(*tuple(_d.values())))

</pallas_src>

<mosaic_0001>
#map = affine_map<(d0, d1) -> (0, 0, 0, 0)>
#map1 = affine_map<(d0, d1) -> (0, 0, 0)>
module attributes {stable_mosaic.version = 14 : i64} {
  func.func @_deg_body(%arg0: i32, %arg1: i32, %arg2: memref<32x5x25x80xi32, #tpu.memory_space<hbm>>, %arg3: memref<32x5x25x80xi32, #tpu.memory_space<hbm>>, %arg4: memref<2x2x10240xf32, #tpu.memory_space<hbm>>, %arg5: memref<10240xf32, #tpu.memory_space<vmem_shared>>, %arg6: memref<10240xf32, #tpu.memory_space<vmem_shared>>, %arg7: memref<5x25x80xi32, #tpu.memory_space<vmem>>, %arg8: memref<5x25x80xi32, #tpu.memory_space<vmem>>, %arg9: memref<80xf32, #tpu.memory_space<vmem>>, %arg10: memref<640xf32, #tpu.memory_space<vmem>>, %arg11: memref<!tpu.dma_semaphore, #tpu.memory_space<semaphore_mem>>, %arg12: memref<!tpu.dma_semaphore, #tpu.memory_space<semaphore_mem>>) attributes {dimension_semantics = [#tpu.dimension_semantics<core_parallel>, #tpu.dimension_semantics<subcore_parallel>], iteration_bounds = array<i64: 2, 16>, scalar_prefetch = 0 : i64, scratch_operands = 8 : i64, tpu.core_type = #tpu.core_type<sc_vector_subcore>, window_params = [{transform_indices = #map}, {transform_indices = #map}, {transform_indices = #map1}]} {
    %mul3A = arith.constant 16 : i32
    %mul3A_0 = arith.muli %arg0, %mul3A : i32
    %add3A = arith.addi %mul3A_0, %arg1 : i32
    %mul3A_1 = arith.constant 640 : i32
    %mul3A_2 = arith.muli %arg1, %mul3A_1 : i32
    %broadcast_in_dim3A = arith.constant 1.000000e+00 : f32
    %broadcast_in_dim3A_3 = vector.broadcast %broadcast_in_dim3A : f32 to vector<16xf32>
    %scan3A = arith.constant 0 : i32
    %scan3A_4 = arith.constant 5 : i32
    %scan3A_5 = arith.addi %scan3A, %scan3A_4 : i32
    %scan3A_6 = arith.constant 1 : i32
    scf.for %scan3A_77 = %scan3A to %scan3A_5 step %scan3A_6  : i32 {
      %mul3A_78 = arith.constant 1 : i32
      %mul3A_79 = arith.muli %scan3A_77, %mul3A_78 : i32
      %add3A_80 = arith.constant 0 : i32
      %add3A_81 = arith.addi %add3A_80, %mul3A_79 : i32
      %mul3A_82 = arith.constant 16 : i32
      %mul3A_83 = arith.muli %add3A_81, %mul3A_82 : i32
      %swap3A = arith.index_cast %mul3A_83 : i32 to index
      %swap3A_84 = tpu.vector_load %arg9[%swap3A] {strides = array<i32>} : memref<80xf32, #tpu.memory_space<vmem>>, vector<16xf32>,
      %swap3A_85 = vector.shape_cast %swap3A_84 : vector<16xf32> to vector<16xf32>
      %swap3A_86 = vector.shape_cast %broadcast_in_dim3A_3 : vector<16xf32> to vector<16xf32>
      tpu.vector_store %arg9[%swap3A], %swap3A_86 {strides = array<i32>} : memref<80xf32, #tpu.memory_space<vmem>>, vector<16xf32>,
    }
    %scan3A_7 = arith.constant 5 : i32
    %broadcast_in_dim3A_8 = arith.constant 0.000000e+00 : f32
    %broadcast_in_dim3A_9 = vector.broadcast %broadcast_in_dim3A_8 : f32 to vector<16xf32>
    %scan3A_10 = arith.constant 0 : i32
    %scan3A_11 = arith.constant 40 : i32
    %scan3A_12 = arith.addi %scan3A_10, %scan3A_11 : i32
    %scan3A_13 = arith.constant 1 : i32
    scf.for %scan3A_77 = %scan3A_10 to %scan3A_12 step %scan3A_13  : i32 {
      %mul3A_78 = arith.constant 1 : i32
      %mul3A_79 = arith.muli %scan3A_77, %mul3A_78 : i32
      %add3A_80 = arith.constant 0 : i32
      %add3A_81 = arith.addi %add3A_80, %mul3A_79 : i32
      %mul3A_82 = arith.constant 16 : i32
      %mul3A_83 = arith.muli %add3A_81, %mul3A_82 : i32
      %swap3A = arith.index_cast %mul3A_83 : i32 to index
      %swap3A_84 = tpu.vector_load %arg10[%swap3A] {strides = array<i32>} : memref<640xf32, #tpu.memory_space<vmem>>, vector<16xf32>,
      %swap3A_85 = vector.shape_cast %swap3A_84 : vector<16xf32> to vector<16xf32>
      %swap3A_86 = vector.shape_cast %broadcast_in_dim3A_9 : vector<16xf32> to vector<16xf32>
      tpu.vector_store %arg10[%swap3A], %swap3A_86 {strides = array<i32>} : memref<640xf32, #tpu.memory_space<vmem>>, vector<16xf32>,
    }
    %scan3A_14 = arith.constant 40 : i32
    "tpu.region"() ({
      %run_scoped3A_77 = tpu.sem_alloc : memref<!tpu.dma_semaphore, #tpu.memory_space<semaphore_mem>>
      %dma_start3A = tpu.memref_slice %arg5[%mul3A_2] : memref<10240xf32, #tpu.memory_space<vmem_shared>> -> memref<640xf32, #tpu.memory_space<vmem_shared>>
      %dma_start3A_78 = tpu.memref_slice %arg5[%mul3A_2] : memref<10240xf32, #tpu.memory_space<vmem_shared>> -> memref<640xf32, #tpu.memory_space<vmem_shared>>
      tpu.enqueue_dma source(%arg10 : memref<640xf32, #tpu.memory_space<vmem>>) target(%dma_start3A_78 : memref<640xf32, #tpu.memory_space<vmem_shared>>) target_semaphore(%run_scoped3A_77 : memref<!tpu.dma_semaphore, #tpu.memory_space<semaphore_mem>>)
      %dma_wait3A_79 = tpu.memref_slice %arg5[%mul3A_2] : memref<10240xf32, #tpu.memory_space<vmem_shared>> -> memref<640xf32, #tpu.memory_space<vmem_shared>>
      %dma_wait3A_80 = tpu.memref_slice %arg5[%mul3A_2] : memref<10240xf32, #tpu.memory_space<vmem_shared>> -> memref<640xf32, #tpu.memory_space<vmem_shared>>
      tpu.wait_dma2 semaphore(%run_scoped3A_77 : memref<!tpu.dma_semaphore, #tpu.memory_space<semaphore_mem>>) src(%arg10 : memref<640xf32, #tpu.memory_space<vmem>>) dst(%dma_wait3A_80 : memref<640xf32, #tpu.memory_space<vmem_shared>>)
      tpu.yield
    }) : () -> ()
    "tpu.region"() ({
      %run_scoped3A_77 = tpu.sem_alloc : memref<!tpu.dma_semaphore, #tpu.memory_space<semaphore_mem>>
      %dma_start3A = tpu.memref_slice %arg6[%mul3A_2] : memref<10240xf32, #tpu.memory_space<vmem_shared>> -> memref<640xf32, #tpu.memory_space<vmem_shared>>
      %dma_start3A_78 = tpu.memref_slice %arg6[%mul3A_2] : memref<10240xf32, #tpu.memory_space<vmem_shared>> -> memref<640xf32, #tpu.memory_space<vmem_shared>>
      tpu.enqueue_dma source(%arg10 : memref<640xf32, #tpu.memory_space<vmem>>) target(%dma_start3A_78 : memref<640xf32, #tpu.memory_space<vmem_shared>>) target_semaphore(%run_scoped3A_77 : memref<!tpu.dma_semaphore, #tpu.memory_space<semaphore_mem>>)
      %dma_wait3A_79 = tpu.memref_slice %arg6[%mul3A_2] : memref<10240xf32, #tpu.memory_space<vmem_shared>> -> memref<640xf32, #tpu.memory_space<vmem_shared>>
      %dma_wait3A_80 = tpu.memref_slice %arg6[%mul3A_2] : memref<10240xf32, #tpu.memory_space<vmem_shared>> -> memref<640xf32, #tpu.memory_space<vmem_shared>>
      tpu.wait_dma2 semaphore(%run_scoped3A_77 : memref<!tpu.dma_semaphore, #tpu.memory_space<semaphore_mem>>) src(%arg10 : memref<640xf32, #tpu.memory_space<vmem>>) dst(%dma_wait3A_80 : memref<640xf32, #tpu.memory_space<vmem_shared>>)
      tpu.yield
    }) : () -> ()
    %barrier3A = arith.constant 0 : index
    tpu.barrier barrier_id(%barrier3A)
    "tpu.region"() ({
      %run_scoped3A_77 = tpu.sem_alloc : memref<!tpu.dma_semaphore, #tpu.memory_space<semaphore_mem>>
      %dma_start3A = arith.constant 0 : i32
      %dma_start3A_78 = arith.constant 0 : i32
      %dma_start3A_79 = arith.constant 0 : i32
      %dma_start3A_80 = tpu.memref_slice %arg2[%add3A, %dma_start3A, %dma_start3A_78, %dma_start3A_79] : memref<32x5x25x80xi32, #tpu.memory_space<hbm>> -> memref<1x5x25x80xi32, #tpu.memory_space<hbm>>
      %dma_start3A_81 = tpu.memref_squeeze %dma_start3A_80 : memref<1x5x25x80xi32, #tpu.memory_space<hbm>> -> memref<5x25x80xi32, #tpu.memory_space<hbm>>
      %dma_start3A_82 = arith.constant 0 : i32
      %dma_start3A_83 = arith.constant 0 : i32
      %dma_start3A_84 = arith.constant 0 : i32
      %dma_start3A_85 = tpu.memref_slice %arg2[%add3A, %dma_start3A_82, %dma_start3A_83, %dma_start3A_84] : memref<32x5x25x80xi32, #tpu.memory_space<hbm>> -> memref<1x5x25x80xi32, #tpu.memory_space<hbm>>
      %dma_start3A_86 = tpu.memref_squeeze %dma_start3A_85 : memref<1x5x25x80xi32, #tpu.memory_space<hbm>> -> memref<5x25x80xi32, #tpu.memory_space<hbm>>
      tpu.enqueue_dma source(%dma_start3A_86 : memref<5x25x80xi32, #tpu.memory_space<hbm>>) target(%arg7 : memref<5x25x80xi32, #tpu.memory_space<vmem>>) target_semaphore(%run_scoped3A_77 : memref<!tpu.dma_semaphore, #tpu.memory_space<semaphore_mem>>)
      %dma_wait3A_87 = arith.constant 0 : i32
      %dma_wait3A_88 = arith.constant 0 : i32
      %dma_wait3A_89 = arith.constant 0 : i32
      %dma_wait3A_90 = tpu.memref_slice %arg2[%add3A, %dma_wait3A_87, %dma_wait3A_88, %dma_wait3A_89] : memref<32x5x25x80xi32, #tpu.memory_space<hbm>> -> memref<1x5x25x80xi32, #tpu.memory_space<hbm>>
      %dma_wait3A_91 = tpu.memref_squeeze %dma_wait3A_90 : memref<1x5x25x80xi32, #tpu.memory_space<hbm>> -> memref<5x25x80xi32, #tpu.memory_space<hbm>>
      %dma_wait3A_92 = arith.constant 0 : i32
      %dma_wait3A_93 = arith.constant 0 : i32
      %dma_wait3A_94 = arith.constant 0 : i32
      %dma_wait3A_95 = tpu.memref_slice %arg2[%add3A, %dma_wait3A_92, %dma_wait3A_93, %dma_wait3A_94] : memref<32x5x25x80xi32, #tpu.memory_space<hbm>> -> memref<1x5x25x80xi32, #tpu.memory_space<hbm>>
      %dma_wait3A_96 = tpu.memref_squeeze %dma_wait3A_95 : memref<1x5x25x80xi32, #tpu.memory_space<hbm>> -> memref<5x25x80xi32, #tpu.memory_space<hbm>>
      tpu.wait_dma2 semaphore(%run_scoped3A_77 : memref<!tpu.dma_semaphore, #tpu.memory_space<semaphore_mem>>) src(%dma_wait3A_96 : memref<5x25x80xi32, #tpu.memory_space<hbm>>) dst(%arg7 : memref<5x25x80xi32, #tpu.memory_space<vmem>>)
      tpu.yield
    }) : () -> ()
    "tpu.region"() ({
      %run_scoped3A_77 = tpu.sem_alloc : memref<!tpu.dma_semaphore, #tpu.memory_space<semaphore_mem>>
      %dma_start3A = arith.constant 0 : i32
      %dma_start3A_78 = arith.constant 0 : i32
      %dma_start3A_79 = arith.constant 0 : i32
      %dma_start3A_80 = tpu.memref_slice %arg3[%add3A, %dma_start3A, %dma_start3A_78, %dma_start3A_79] : memref<32x5x25x80xi32, #tpu.memory_space<hbm>> -> memref<1x5x25x80xi32, #tpu.memory_space<hbm>>
      %dma_start3A_81 = tpu.memref_squeeze %dma_start3A_80 : memref<1x5x25x80xi32, #tpu.memory_space<hbm>> -> memref<5x25x80xi32, #tpu.memory_space<hbm>>
      %dma_start3A_82 = arith.constant 0 : i32
      %dma_start3A_83 = arith.constant 0 : i32
      %dma_start3A_84 = arith.constant 0 : i32
      %dma_start3A_85 = tpu.memref_slice %arg3[%add3A, %dma_start3A_82, %dma_start3A_83, %dma_start3A_84] : memref<32x5x25x80xi32, #tpu.memory_space<hbm>> -> memref<1x5x25x80xi32, #tpu.memory_space<hbm>>
      %dma_start3A_86 = tpu.memref_squeeze %dma_start3A_85 : memref<1x5x25x80xi32, #tpu.memory_space<hbm>> -> memref<5x25x80xi32, #tpu.memory_space<hbm>>
      tpu.enqueue_dma source(%dma_start3A_86 : memref<5x25x80xi32, #tpu.memory_space<hbm>>) target(%arg8 : memref<5x25x80xi32, #tpu.memory_space<vmem>>) target_semaphore(%run_scoped3A_77 : memref<!tpu.dma_semaphore, #tpu.memory_space<semaphore_mem>>)
      %dma_wait3A_87 = arith.constant 0 : i32
      %dma_wait3A_88 = arith.constant 0 : i32
      %dma_wait3A_89 = arith.constant 0 : i32
      %dma_wait3A_90 = tpu.memref_slice %arg3[%add3A, %dma_wait3A_87, %dma_wait3A_88, %dma_wait3A_89] : memref<32x5x25x80xi32, #tpu.memory_space<hbm>> -> memref<1x5x25x80xi32, #tpu.memory_space<hbm>>
      %dma_wait3A_91 = tpu.memref_squeeze %dma_wait3A_90 : memref<1x5x25x80xi32, #tpu.memory_space<hbm>> -> memref<5x25x80xi32, #tpu.memory_space<hbm>>
      %dma_wait3A_92 = arith.constant 0 : i32
      %dma_wait3A_93 = arith.constant 0 : i32
      %dma_wait3A_94 = arith.constant 0 : i32
      %dma_wait3A_95 = tpu.memref_slice %arg3[%add3A, %dma_wait3A_92, %dma_wait3A_93, %dma_wait3A_94] : memref<32x5x25x80xi32, #tpu.memory_space<hbm>> -> memref<1x5x25x80xi32, #tpu.memory_space<hbm>>
      %dma_wait3A_96 = tpu.memref_squeeze %dma_wait3A_95 : memref<1x5x25x80xi32, #tpu.memory_space<hbm>> -> memref<5x25x80xi32, #tpu.memory_space<hbm>>
      tpu.wait_dma2 semaphore(%run_scoped3A_77 : memref<!tpu.dma_semaphore, #tpu.memory_space<semaphore_mem>>) src(%dma_wait3A_96 : memref<5x25x80xi32, #tpu.memory_space<hbm>>) dst(%arg8 : memref<5x25x80xi32, #tpu.memory_space<vmem>>)
      tpu.yield
    }) : () -> ()
    %scan3A_15 = arith.constant 0 : i32
    %scan3A_16 = arith.constant 5 : i32
    %scan3A_17 = arith.addi %scan3A_15, %scan3A_16 : i32
    %scan3A_18 = arith.constant 1 : i32
    scf.for %scan3A_77 = %scan3A_15 to %scan3A_17 step %scan3A_18  : i32 {
      %mul3A_78 = arith.constant 1 : i32
      %mul3A_79 = arith.muli %scan3A_77, %mul3A_78 : i32
      %add3A_80 = arith.constant 0 : i32
      %add3A_81 = arith.addi %add3A_80, %mul3A_79 : i32
      %scan3A_82 = arith.constant 0 : i32
      %scan3A_83 = arith.constant 25 : i32
      %scan3A_84 = arith.addi %scan3A_82, %scan3A_83 : i32
      %scan3A_85 = arith.constant 1 : i32
      scf.for %scan3A_87 = %scan3A_82 to %scan3A_84 step %scan3A_85  : i32 {
        %mul3A_88 = arith.constant 1 : i32
        %mul3A_89 = arith.muli %scan3A_87, %mul3A_88 : i32
        %add3A_90 = arith.constant 0 : i32
        %add3A_91 = arith.addi %add3A_90, %mul3A_89 : i32
        %dma_start3A = arith.constant 0 : i32
        %dma_start3A_92 = tpu.memref_slice %arg7[%add3A_81, %add3A_91, %dma_start3A] : memref<5x25x80xi32, #tpu.memory_space<vmem>> -> memref<1x1x80xi32, #tpu.memory_space<vmem>>
        %dma_start3A_93 = tpu.memref_squeeze %dma_start3A_92 : memref<1x1x80xi32, #tpu.memory_space<vmem>> -> memref<80xi32, #tpu.memory_space<vmem>>
        %dma_start3A_94 = arith.constant 0 : i32
        %dma_start3A_95 = tpu.memref_slice %arg5[%dma_start3A_94] : memref<10240xf32, #tpu.memory_space<vmem_shared>> -> memref<10240xf32, #tpu.memory_space<vmem_shared>>
        tpu.enqueue_indirect_dma source(%arg9 : memref<80xf32, #tpu.memory_space<vmem>>) target(%dma_start3A_95 : memref<10240xf32, #tpu.memory_space<vmem_shared>>) offsets(%dma_start3A_93 : memref<80xi32, #tpu.memory_space<vmem>>) semaphore(%arg11 : memref<!tpu.dma_semaphore, #tpu.memory_space<semaphore_mem>>) {add = true}
        %dma_start3A_96 = arith.constant 0 : i32
        %dma_start3A_97 = tpu.memref_slice %arg8[%add3A_81, %add3A_91, %dma_start3A_96] : memref<5x25x80xi32, #tpu.memory_space<vmem>> -> memref<1x1x80xi32, #tpu.memory_space<vmem>>
        %dma_start3A_98 = tpu.memref_squeeze %dma_start3A_97 : memref<1x1x80xi32, #tpu.memory_space<vmem>> -> memref<80xi32, #tpu.memory_space<vmem>>
        %dma_start3A_99 = arith.constant 0 : i32
        %dma_start3A_100 = tpu.memref_slice %arg6[%dma_start3A_99] : memref<10240xf32, #tpu.memory_space<vmem_shared>> -> memref<10240xf32, #tpu.memory_space<vmem_shared>>
        tpu.enqueue_indirect_dma source(%arg9 : memref<80xf32, #tpu.memory_space<vmem>>) target(%dma_start3A_100 : memref<10240xf32, #tpu.memory_space<vmem_shared>>) offsets(%dma_start3A_98 : memref<80xi32, #tpu.memory_space<vmem>>) semaphore(%arg12 : memref<!tpu.dma_semaphore, #tpu.memory_space<semaphore_mem>>) {add = true}
        %mul3A_101 = arith.constant 25 : i32
        %mul3A_102 = arith.muli %add3A_81, %mul3A_101 : i32
        %add3A_103 = arith.addi %mul3A_102, %add3A_91 : i32
        %ge3A = arith.constant 4 : i32
        %ge3A_104 = arith.cmpi sge, %add3A_103, %ge3A : i32
        %convert_element_type3A = arith.extui %ge3A_104 : i1 to i32
        %cond3A = arith.constant 0 : i32
        %cond3A_105 = arith.cmpi ne, %convert_element_type3A, %cond3A : i32
        scf.if %cond3A_105 {
          %dma_wait3A_106 = arith.constant 0 : i32
          %dma_wait3A_107 = arith.constant 0 : i32
          %dma_wait3A_108 = arith.constant 0 : i32
          %dma_wait3A_109 = tpu.memref_slice %arg7[%dma_wait3A_106, %dma_wait3A_107, %dma_wait3A_108] : memref<5x25x80xi32, #tpu.memory_space<vmem>> -> memref<1x1x80xi32, #tpu.memory_space<vmem>>
          %dma_wait3A_110 = tpu.memref_squeeze %dma_wait3A_109 : memref<1x1x80xi32, #tpu.memory_space<vmem>> -> memref<80xi32, #tpu.memory_space<vmem>>
          %dma_wait3A_111 = arith.constant 0 : i32
          %dma_wait3A_112 = tpu.memref_slice %arg5[%dma_wait3A_111] : memref<10240xf32, #tpu.memory_space<vmem_shared>> -> memref<10240xf32, #tpu.memory_space<vmem_shared>>
          tpu.wait_indirect_dma semaphore(%arg11 : memref<!tpu.dma_semaphore, #tpu.memory_space<semaphore_mem>>) src(%arg9 : memref<80xf32, #tpu.memory_space<vmem>>) dst(%dma_wait3A_112 : memref<10240xf32, #tpu.memory_space<vmem_shared>>)
          %dma_wait3A_113 = arith.constant 0 : i32
          %dma_wait3A_114 = arith.constant 0 : i32
          %dma_wait3A_115 = arith.constant 0 : i32
          %dma_wait3A_116 = tpu.memref_slice %arg8[%dma_wait3A_113, %dma_wait3A_114, %dma_wait3A_115] : memref<5x25x80xi32, #tpu.memory_space<vmem>> -> memref<1x1x80xi32, #tpu.memory_space<vmem>>
          %dma_wait3A_117 = tpu.memref_squeeze %dma_wait3A_116 : memref<1x1x80xi32, #tpu.memory_space<vmem>> -> memref<80xi32, #tpu.memory_space<vmem>>
          %dma_wait3A_118 = arith.constant 0 : i32
          %dma_wait3A_119 = tpu.memref_slice %arg6[%dma_wait3A_118] : memref<10240xf32, #tpu.memory_space<vmem_shared>> -> memref<10240xf32, #tpu.memory_space<vmem_shared>>
          tpu.wait_indirect_dma semaphore(%arg12 : memref<!tpu.dma_semaphore, #tpu.memory_space<semaphore_mem>>) src(%arg9 : memref<80xf32, #tpu.memory_space<vmem>>) dst(%dma_wait3A_119 : memref<10240xf32, #tpu.memory_space<vmem_shared>>)
        } else {
        }
      }
      %scan3A_86 = arith.constant 25 : i32
    }
    %scan3A_19 = arith.constant 5 : i32
    %dma_wait3A = arith.constant 0 : i32
    %dma_wait3A_20 = arith.constant 0 : i32
    %dma_wait3A_21 = arith.constant 0 : i32
    %dma_wait3A_22 = tpu.memref_slice %arg7[%dma_wait3A, %dma_wait3A_20, %dma_wait3A_21] : memref<5x25x80xi32, #tpu.memory_space<vmem>> -> memref<1x1x80xi32, #tpu.memory_space<vmem>>
    %dma_wait3A_23 = tpu.memref_squeeze %dma_wait3A_22 : memref<1x1x80xi32, #tpu.memory_space<vmem>> -> memref<80xi32, #tpu.memory_space<vmem>>
    %dma_wait3A_24 = arith.constant 0 : i32
    %dma_wait3A_25 = tpu.memref_slice %arg5[%dma_wait3A_24] : memref<10240xf32, #tpu.memory_space<vmem_shared>> -> memref<10240xf32, #tpu.memory_space<vmem_shared>>
    tpu.wait_indirect_dma semaphore(%arg11 : memref<!tpu.dma_semaphore, #tpu.memory_space<semaphore_mem>>) src(%arg9 : memref<80xf32, #tpu.memory_space<vmem>>) dst(%dma_wait3A_25 : memref<10240xf32, #tpu.memory_space<vmem_shared>>)
    %dma_wait3A_26 = arith.constant 0 : i32
    %dma_wait3A_27 = arith.constant 0 : i32
    %dma_wait3A_28 = arith.constant 0 : i32
    %dma_wait3A_29 = tpu.memref_slice %arg8[%dma_wait3A_26, %dma_wait3A_27, %dma_wait3A_28] : memref<5x25x80xi32, #tpu.memory_space<vmem>> -> memref<1x1x80xi32, #tpu.memory_space<vmem>>
    %dma_wait3A_30 = tpu.memref_squeeze %dma_wait3A_29 : memref<1x1x80xi32, #tpu.memory_space<vmem>> -> memref<80xi32, #tpu.memory_space<vmem>>
    %dma_wait3A_31 = arith.constant 0 : i32
    %dma_wait3A_32 = tpu.memref_slice %arg6[%dma_wait3A_31] : memref<10240xf32, #tpu.memory_space<vmem_shared>> -> memref<10240xf32, #tpu.memory_space<vmem_shared>>
    tpu.wait_indirect_dma semaphore(%arg12 : memref<!tpu.dma_semaphore, #tpu.memory_space<semaphore_mem>>) src(%arg9 : memref<80xf32, #tpu.memory_space<vmem>>) dst(%dma_wait3A_32 : memref<10240xf32, #tpu.memory_space<vmem_shared>>)
    %dma_wait3A_33 = arith.constant 0 : i32
    %dma_wait3A_34 = arith.constant 0 : i32
    %dma_wait3A_35 = arith.constant 0 : i32
    %dma_wait3A_36 = tpu.memref_slice %arg7[%dma_wait3A_33, %dma_wait3A_34, %dma_wait3A_35] : memref<5x25x80xi32, #tpu.memory_space<vmem>> -> memref<1x1x80xi32, #tpu.memory_space<vmem>>
    %dma_wait3A_37 = tpu.memref_squeeze %dma_wait3A_36 : memref<1x1x80xi32, #tpu.memory_space<vmem>> -> memref<80xi32, #tpu.memory_space<vmem>>
    %dma_wait3A_38 = arith.constant 0 : i32
    %dma_wait3A_39 = tpu.memref_slice %arg5[%dma_wait3A_38] : memref<10240xf32, #tpu.memory_space<vmem_shared>> -> memref<10240xf32, #tpu.memory_space<vmem_shared>>
    tpu.wait_indirect_dma semaphore(%arg11 : memref<!tpu.dma_semaphore, #tpu.memory_space<semaphore_mem>>) src(%arg9 : memref<80xf32, #tpu.memory_space<vmem>>) dst(%dma_wait3A_39 : memref<10240xf32, #tpu.memory_space<vmem_shared>>)
    %dma_wait3A_40 = arith.constant 0 : i32
    %dma_wait3A_41 = arith.constant 0 : i32
    %dma_wait3A_42 = arith.constant 0 : i32
    %dma_wait3A_43 = tpu.memref_slice %arg8[%dma_wait3A_40, %dma_wait3A_41, %dma_wait3A_42] : memref<5x25x80xi32, #tpu.memory_space<vmem>> -> memref<1x1x80xi32, #tpu.memory_space<vmem>>
    %dma_wait3A_44 = tpu.memref_squeeze %dma_wait3A_43 : memref<1x1x80xi32, #tpu.memory_space<vmem>> -> memref<80xi32, #tpu.memory_space<vmem>>
    %dma_wait3A_45 = arith.constant 0 : i32
    %dma_wait3A_46 = tpu.memref_slice %arg6[%dma_wait3A_45] : memref<10240xf32, #tpu.memory_space<vmem_shared>> -> memref<10240xf32, #tpu.memory_space<vmem_shared>>
    tpu.wait_indirect_dma semaphore(%arg12 : memref<!tpu.dma_semaphore, #tpu.memory_space<semaphore_mem>>) src(%arg9 : memref<80xf32, #tpu.memory_space<vmem>>) dst(%dma_wait3A_46 : memref<10240xf32, #tpu.memory_space<vmem_shared>>)
    %dma_wait3A_47 = arith.constant 0 : i32
    %dma_wait3A_48 = arith.constant 0 : i32
    %dma_wait3A_49 = arith.constant 0 : i32
    %dma_wait3A_50 = tpu.memref_slice %arg7[%dma_wait3A_47, %dma_wait3A_48, %dma_wait3A_49] : memref<5x25x80xi32, #tpu.memory_space<vmem>> -> memref<1x1x80xi32, #tpu.memory_space<vmem>>
    %dma_wait3A_51 = tpu.memref_squeeze %dma_wait3A_50 : memref<1x1x80xi32, #tpu.memory_space<vmem>> -> memref<80xi32, #tpu.memory_space<vmem>>
    %dma_wait3A_52 = arith.constant 0 : i32
    %dma_wait3A_53 = tpu.memref_slice %arg5[%dma_wait3A_52] : memref<10240xf32, #tpu.memory_space<vmem_shared>> -> memref<10240xf32, #tpu.memory_space<vmem_shared>>
    tpu.wait_indirect_dma semaphore(%arg11 : memref<!tpu.dma_semaphore, #tpu.memory_space<semaphore_mem>>) src(%arg9 : memref<80xf32, #tpu.memory_space<vmem>>) dst(%dma_wait3A_53 : memref<10240xf32, #tpu.memory_space<vmem_shared>>)
    %dma_wait3A_54 = arith.constant 0 : i32
    %dma_wait3A_55 = arith.constant 0 : i32
    %dma_wait3A_56 = arith.constant 0 : i32
    %dma_wait3A_57 = tpu.memref_slice %arg8[%dma_wait3A_54, %dma_wait3A_55, %dma_wait3A_56] : memref<5x25x80xi32, #tpu.memory_space<vmem>> -> memref<1x1x80xi32, #tpu.memory_space<vmem>>
    %dma_wait3A_58 = tpu.memref_squeeze %dma_wait3A_57 : memref<1x1x80xi32, #tpu.memory_space<vmem>> -> memref<80xi32, #tpu.memory_space<vmem>>
    %dma_wait3A_59 = arith.constant 0 : i32
    %dma_wait3A_60 = tpu.memref_slice %arg6[%dma_wait3A_59] : memref<10240xf32, #tpu.memory_space<vmem_shared>> -> memref<10240xf32, #tpu.memory_space<vmem_shared>>
    tpu.wait_indirect_dma semaphore(%arg12 : memref<!tpu.dma_semaphore, #tpu.memory_space<semaphore_mem>>) src(%arg9 : memref<80xf32, #tpu.memory_space<vmem>>) dst(%dma_wait3A_60 : memref<10240xf32, #tpu.memory_space<vmem_shared>>)
    %dma_wait3A_61 = arith.constant 0 : i32
    %dma_wait3A_62 = arith.constant 0 : i32
    %dma_wait3A_63 = arith.constant 0 : i32
    %dma_wait3A_64 = tpu.memref_slice %arg7[%dma_wait3A_61, %dma_wait3A_62, %dma_wait3A_63] : memref<5x25x80xi32, #tpu.memory_space<vmem>> -> memref<1x1x80xi32, #tpu.memory_space<vmem>>
    %dma_wait3A_65 = tpu.memref_squeeze %dma_wait3A_64 : memref<1x1x80xi32, #tpu.memory_space<vmem>> -> memref<80xi32, #tpu.memory_space<vmem>>
    %dma_wait3A_66 = arith.constant 0 : i32
    %dma_wait3A_67 = tpu.memref_slice %arg5[%dma_wait3A_66] : memref<10240xf32, #tpu.memory_space<vmem_shared>> -> memref<10240xf32, #tpu.memory_space<vmem_shared>>
    tpu.wait_indirect_dma semaphore(%arg11 : memref<!tpu.dma_semaphore, #tpu.memory_space<semaphore_mem>>) src(%arg9 : memref<80xf32, #tpu.memory_space<vmem>>) dst(%dma_wait3A_67 : memref<10240xf32, #tpu.memory_space<vmem_shared>>)
    %dma_wait3A_68 = arith.constant 0 : i32
    %dma_wait3A_69 = arith.constant 0 : i32
    %dma_wait3A_70 = arith.constant 0 : i32
    %dma_wait3A_71 = tpu.memref_slice %arg8[%dma_wait3A_68, %dma_wait3A_69, %dma_wait3A_70] : memref<5x25x80xi32, #tpu.memory_space<vmem>> -> memref<1x1x80xi32, #tpu.memory_space<vmem>>
    %dma_wait3A_72 = tpu.memref_squeeze %dma_wait3A_71 : memref<1x1x80xi32, #tpu.memory_space<vmem>> -> memref<80xi32, #tpu.memory_space<vmem>>
    %dma_wait3A_73 = arith.constant 0 : i32
    %dma_wait3A_74 = tpu.memref_slice %arg6[%dma_wait3A_73] : memref<10240xf32, #tpu.memory_space<vmem_shared>> -> memref<10240xf32, #tpu.memory_space<vmem_shared>>
    tpu.wait_indirect_dma semaphore(%arg12 : memref<!tpu.dma_semaphore, #tpu.memory_space<semaphore_mem>>) src(%arg9 : memref<80xf32, #tpu.memory_space<vmem>>) dst(%dma_wait3A_74 : memref<10240xf32, #tpu.memory_space<vmem_shared>>)
    %barrier3A_75 = arith.constant 0 : index
    tpu.barrier barrier_id(%barrier3A_75)
    %run_scoped3A = arith.constant 0 : i32
    "tpu.region"() ({
      %run_scoped3A_77 = tpu.sem_alloc : memref<!tpu.dma_semaphore, #tpu.memory_space<semaphore_mem>>
      %dma_start3A = tpu.memref_slice %arg4[%arg0, %run_scoped3A, %mul3A_2] : memref<2x2x10240xf32, #tpu.memory_space<hbm>> -> memref<1x1x640xf32, #tpu.memory_space<hbm>>
      %dma_start3A_78 = tpu.memref_squeeze %dma_start3A : memref<1x1x640xf32, #tpu.memory_space<hbm>> -> memref<640xf32, #tpu.memory_space<hbm>>
      %dma_start3A_79 = tpu.memref_slice %arg5[%mul3A_2] : memref<10240xf32, #tpu.memory_space<vmem_shared>> -> memref<640xf32, #tpu.memory_space<vmem_shared>>
      tpu.enqueue_dma source(%dma_start3A_79 : memref<640xf32, #tpu.memory_space<vmem_shared>>) target(%dma_start3A_78 : memref<640xf32, #tpu.memory_space<hbm>>) target_semaphore(%run_scoped3A_77 : memref<!tpu.dma_semaphore, #tpu.memory_space<semaphore_mem>>)
      %dma_wait3A_80 = tpu.memref_slice %arg4[%arg0, %run_scoped3A, %mul3A_2] : memref<2x2x10240xf32, #tpu.memory_space<hbm>> -> memref<1x1x640xf32, #tpu.memory_space<hbm>>
      %dma_wait3A_81 = tpu.memref_squeeze %dma_wait3A_80 : memref<1x1x640xf32, #tpu.memory_space<hbm>> -> memref<640xf32, #tpu.memory_space<hbm>>
      %dma_wait3A_82 = tpu.memref_slice %arg5[%mul3A_2] : memref<10240xf32, #tpu.memory_space<vmem_shared>> -> memref<640xf32, #tpu.memory_space<vmem_shared>>
      tpu.wait_dma2 semaphore(%run_scoped3A_77 : memref<!tpu.dma_semaphore, #tpu.memory_space<semaphore_mem>>) src(%dma_wait3A_82 : memref<640xf32, #tpu.memory_space<vmem_shared>>) dst(%dma_wait3A_81 : memref<640xf32, #tpu.memory_space<hbm>>)
      tpu.yield
    }) : () -> ()
    %run_scoped3A_76 = arith.constant 1 : i32
    "tpu.region"() ({
      %run_scoped3A_77 = tpu.sem_alloc : memref<!tpu.dma_semaphore, #tpu.memory_space<semaphore_mem>>
      %dma_start3A = tpu.memref_slice %arg4[%arg0, %run_scoped3A_76, %mul3A_2] : memref<2x2x10240xf32, #tpu.memory_space<hbm>> -> memref<1x1x640xf32, #tpu.memory_space<hbm>>
      %dma_start3A_78 = tpu.memref_squeeze %dma_start3A : memref<1x1x640xf32, #tpu.memory_space<hbm>> -> memref<640xf32, #tpu.memory_space<hbm>>
      %dma_start3A_79 = tpu.memref_slice %arg6[%mul3A_2] : memref<10240xf32, #tpu.memory_space<vmem_shared>> -> memref<640xf32, #tpu.memory_space<vmem_shared>>
      tpu.enqueue_dma source(%dma_start3A_79 : memref<640xf32, #tpu.memory_space<vmem_shared>>) target(%dma_start3A_78 : memref<640xf32, #tpu.memory_space<hbm>>) target_semaphore(%run_scoped3A_77 : memref<!tpu.dma_semaphore, #tpu.memory_space<semaphore_mem>>)
      %dma_wait3A_80 = tpu.memref_slice %arg4[%arg0, %run_scoped3A_76, %mul3A_2] : memref<2x2x10240xf32, #tpu.memory_space<hbm>> -> memref<1x1x640xf32, #tpu.memory_space<hbm>>
      %dma_wait3A_81 = tpu.memref_squeeze %dma_wait3A_80 : memref<1x1x640xf32, #tpu.memory_space<hbm>> -> memref<640xf32, #tpu.memory_space<hbm>>
      %dma_wait3A_82 = tpu.memref_slice %arg6[%mul3A_2] : memref<10240xf32, #tpu.memory_space<vmem_shared>> -> memref<640xf32, #tpu.memory_space<vmem_shared>>
      tpu.wait_dma2 semaphore(%run_scoped3A_77 : memref<!tpu.dma_semaphore, #tpu.memory_space<semaphore_mem>>) src(%dma_wait3A_82 : memref<640xf32, #tpu.memory_space<vmem_shared>>) dst(%dma_wait3A_81 : memref<640xf32, #tpu.memory_space<hbm>>)
      tpu.yield
    }) : () -> ()
    return
  }
}

#map = affine_map<(d0, d1) -> (0, 0)>
#map1 = affine_map<(d0, d1) -> (0, 0, 0, 0)>
#map2 = affine_map<(d0, d1) -> (0)>
module attributes {stable_mosaic.version = 14 : i64} {
  func.func @body(%arg0: i32, %arg1: i32, %arg2: memref<10240x128xf32, #tpu.memory_space<hbm>>, %arg3: memref<32x5x25x80xi32, #tpu.memory_space<hbm>>, %arg4: memref<32x5x25x80xi32, #tpu.memory_space<hbm>>, %arg5: memref<640x128xf32, #tpu.memory_space<hbm>>, %arg6: memref<10240xf32, #tpu.memory_space<hbm>>, %arg7: memref<10240x128xf32, #tpu.memory_space<hbm>>, %arg8: memref<10240x128xf32, #tpu.memory_space<hbm>>, %arg9: memref<2x10240xf32, #tpu.memory_space<hbm>>, %arg10: memref<10240x128xf32, #tpu.memory_space<vmem_shared>>, %arg11: memref<10240xf32, #tpu.memory_space<vmem_shared>>, %arg12: memref<25x80xi32, #tpu.memory_space<vmem>>, %arg13: memref<25x80xi32, #tpu.memory_space<vmem>>, %arg14: memref<80x128xf32, #tpu.memory_space<vmem>>, %arg15: memref<80x128xf32, #tpu.memory_space<vmem>>, %arg16: memref<80x128xf32, #tpu.memory_space<vmem>>, %arg17: memref<80xf32, #tpu.memory_space<vmem>>, %arg18: memref<80xf32, #tpu.memory_space<vmem>>, %arg19: memref<80xf32, #tpu.memory_space<vmem>>, %arg20: memref<!tpu.dma_semaphore, #tpu.memory_space<semaphore_mem>>, %arg21: memref<!tpu.dma_semaphore, #tpu.memory_space<semaphore_mem>>, %arg22: memref<!tpu.dma_semaphore, #tpu.memory_space<semaphore_mem>>, %arg23: memref<!tpu.dma_semaphore, #tpu.memory_space<semaphore_mem>>, %arg24: memref<!tpu.dma_semaphore, #tpu.memory_space<semaphore_mem>>, %arg25: memref<!tpu.dma_semaphore, #tpu.memory_space<semaphore_mem>>, %arg26: memref<!tpu.dma_semaphore, #tpu.memory_space<semaphore_mem>>, %arg27: memref<!tpu.dma_semaphore, #tpu.memory_space<semaphore_mem>>, %arg28: memref<!tpu.dma_semaphore, #tpu.memory_space<semaphore_mem>>, %arg29: memref<!tpu.dma_semaphore, #tpu.memory_space<semaphore_mem>>, %arg30: memref<!tpu.dma_semaphore, #tpu.memory_space<semaphore_mem>>, %arg31: memref<!tpu.dma_semaphore, #tpu.memory_space<semaphore_mem>>) attributes {dimension_semantics = [#tpu.dimension_semantics<core_parallel>, #tpu.dimension_semantics<subcore_parallel>], iteration_bounds = array<i64: 2, 16>, scalar_prefetch = 0 : i64, scratch_operands = 22 : i64, tpu.core_type = #tpu.core_type<sc_vector_subcore>, window_params = [{transform_indices = #map}, {transform_indices = #map1}, {transform_indices = #map1}, {transform_indices = #map}, {transform_indices = #map2}, {transform_indices = #map}, {transform_indices = #map}, {transform_indices = #map}]} {
    %mul3A = arith.constant 16 : i32
    %mul3A_0 = arith.muli %arg0, %mul3A : i32
    %add3A = arith.addi %mul3A_0, %arg1 : i32
    %mul3A_1 = arith.constant 640 : i32
    %mul3A_2 = arith.muli %arg1, %mul3A_1 : i32
    %mul3A_3 = arith.constant 640 : i32
    %mul3A_4 = arith.muli %arg1, %mul3A_3 : i32
    %broadcast_in_dim3A = arith.constant 0.000000e+00 : f32
    %broadcast_in_dim3A_5 = vector.broadcast %broadcast_in_dim3A : f32 to vector<16xf32>
    %scan3A = arith.constant 0 : i32
    %scan3A_6 = arith.constant 5 : i32
    %scan3A_7 = arith.addi %scan3A, %scan3A_6 : i32
    %scan3A_8 = arith.constant 1 : i32
    scf.for %scan3A_49 = %scan3A to %scan3A_7 step %scan3A_8  : i32 {
      %mul3A_50 = arith.constant 1 : i32
      %mul3A_51 = arith.muli %scan3A_49, %mul3A_50 : i32
      %add3A_52 = arith.constant 0 : i32
      %add3A_53 = arith.addi %add3A_52, %mul3A_51 : i32
      %mul3A_54 = arith.constant 16 : i32
      %mul3A_55 = arith.muli %add3A_53, %mul3A_54 : i32
      %swap3A = arith.index_cast %mul3A_55 : i32 to index
      %swap3A_56 = tpu.vector_load %arg17[%swap3A] {strides = array<i32>} : memref<80xf32, #tpu.memory_space<vmem>>, vector<16xf32>,
      %swap3A_57 = vector.shape_cast %swap3A_56 : vector<16xf32> to vector<16xf32>
      %swap3A_58 = vector.shape_cast %broadcast_in_dim3A_5 : vector<16xf32> to vector<16xf32>
      tpu.vector_store %arg17[%swap3A], %swap3A_58 {strides = array<i32>} : memref<80xf32, #tpu.memory_space<vmem>>, vector<16xf32>,
    }
    %scan3A_9 = arith.constant 5 : i32
    %add3A_10 = arith.constant 0 : i32
    %add3A_11 = arith.addi %mul3A_4, %add3A_10 : i32
    "tpu.region"() ({
      %run_scoped3A = tpu.sem_alloc : memref<!tpu.dma_semaphore, #tpu.memory_space<semaphore_mem>>
      %dma_start3A = tpu.memref_slice %arg11[%add3A_11] : memref<10240xf32, #tpu.memory_space<vmem_shared>> -> memref<80xf32, #tpu.memory_space<vmem_shared>>
      %dma_start3A_49 = tpu.memref_slice %arg11[%add3A_11] : memref<10240xf32, #tpu.memory_space<vmem_shared>> -> memref<80xf32, #tpu.memory_space<vmem_shared>>
      tpu.enqueue_dma source(%arg17 : memref<80xf32, #tpu.memory_space<vmem>>) target(%dma_start3A_49 : memref<80xf32, #tpu.memory_space<vmem_shared>>) target_semaphore(%run_scoped3A : memref<!tpu.dma_semaphore, #tpu.memory_space<semaphore_mem>>)
      %dma_wait3A = tpu.memref_slice %arg11[%add3A_11] : memref<10240xf32, #tpu.memory_space<vmem_shared>> -> memref<80xf32, #tpu.memory_space<vmem_shared>>
      %dma_wait3A_50 = tpu.memref_slice %arg11[%add3A_11] : memref<10240xf32, #tpu.memory_space<vmem_shared>> -> memref<80xf32, #tpu.memory_space<vmem_shared>>
      tpu.wait_dma2 semaphore(%run_scoped3A : memref<!tpu.dma_semaphore, #tpu.memory_space<semaphore_mem>>) src(%arg17 : memref<80xf32, #tpu.memory_space<vmem>>) dst(%dma_wait3A_50 : memref<80xf32, #tpu.memory_space<vmem_shared>>)
      tpu.yield
    }) : () -> ()
    %add3A_12 = arith.constant 80 : i32
    %add3A_13 = arith.addi %mul3A_4, %add3A_12 : i32
    "tpu.region"() ({
      %run_scoped3A = tpu.sem_alloc : memref<!tpu.dma_semaphore, #tpu.memory_space<semaphore_mem>>
      %dma_start3A = tpu.memref_slice %arg11[%add3A_13] : memref<10240xf32, #tpu.memory_space<vmem_shared>> -> memref<80xf32, #tpu.memory_space<vmem_shared>>
      %dma_start3A_49 = tpu.memref_slice %arg11[%add3A_13] : memref<10240xf32, #tpu.memory_space<vmem_shared>> -> memref<80xf32, #tpu.memory_space<vmem_shared>>
      tpu.enqueue_dma source(%arg17 : memref<80xf32, #tpu.memory_space<vmem>>) target(%dma_start3A_49 : memref<80xf32, #tpu.memory_space<vmem_shared>>) target_semaphore(%run_scoped3A : memref<!tpu.dma_semaphore, #tpu.memory_space<semaphore_mem>>)
      %dma_wait3A = tpu.memref_slice %arg11[%add3A_13] : memref<10240xf32, #tpu.memory_space<vmem_shared>> -> memref<80xf32, #tpu.memory_space<vmem_shared>>
      %dma_wait3A_50 = tpu.memref_slice %arg11[%add3A_13] : memref<10240xf32, #tpu.memory_space<vmem_shared>> -> memref<80xf32, #tpu.memory_space<vmem_shared>>
      tpu.wait_dma2 semaphore(%run_scoped3A : memref<!tpu.dma_semaphore, #tpu.memory_space<semaphore_mem>>) src(%arg17 : memref<80xf32, #tpu.memory_space<vmem>>) dst(%dma_wait3A_50 : memref<80xf32, #tpu.memory_space<vmem_shared>>)
      tpu.yield
    }) : () -> ()
    %add3A_14 = arith.constant 160 : i32
    %add3A_15 = arith.addi %mul3A_4, %add3A_14 : i32
    "tpu.region"() ({
      %run_scoped3A = tpu.sem_alloc : memref<!tpu.dma_semaphore, #tpu.memory_space<semaphore_mem>>
      %dma_start3A = tpu.memref_slice %arg11[%add3A_15] : memref<10240xf32, #tpu.memory_space<vmem_shared>> -> memref<80xf32, #tpu.memory_space<vmem_shared>>
      %dma_start3A_49 = tpu.memref_slice %arg11[%add3A_15] : memref<10240xf32, #tpu.memory_space<vmem_shared>> -> memref<80xf32, #tpu.memory_space<vmem_shared>>
      tpu.enqueue_dma source(%arg17 : memref<80xf32, #tpu.memory_space<vmem>>) target(%dma_start3A_49 : memref<80xf32, #tpu.memory_space<vmem_shared>>) target_semaphore(%run_scoped3A : memref<!tpu.dma_semaphore, #tpu.memory_space<semaphore_mem>>)
      %dma_wait3A = tpu.memref_slice %arg11[%add3A_15] : memref<10240xf32, #tpu.memory_space<vmem_shared>> -> memref<80xf32, #tpu.memory_space<vmem_shared>>
      %dma_wait3A_50 = tpu.memref_slice %arg11[%add3A_15] : memref<10240xf32, #tpu.memory_space<vmem_shared>> -> memref<80xf32, #tpu.memory_space<vmem_shared>>
      tpu.wait_dma2 semaphore(%run_scoped3A : memref<!tpu.dma_semaphore, #tpu.memory_space<semaphore_mem>>) src(%arg17 : memref<80xf32, #tpu.memory_space<vmem>>) dst(%dma_wait3A_50 : memref<80xf32, #tpu.memory_space<vmem_shared>>)
      tpu.yield
    }) : () -> ()
    %add3A_16 = arith.constant 240 : i32
    %add3A_17 = arith.addi %mul3A_4, %add3A_16 : i32
    "tpu.region"() ({
      %run_scoped3A = tpu.sem_alloc : memref<!tpu.dma_semaphore, #tpu.memory_space<semaphore_mem>>
      %dma_start3A = tpu.memref_slice %arg11[%add3A_17] : memref<10240xf32, #tpu.memory_space<vmem_shared>> -> memref<80xf32, #tpu.memory_space<vmem_shared>>
      %dma_start3A_49 = tpu.memref_slice %arg11[%add3A_17] : memref<10240xf32, #tpu.memory_space<vmem_shared>> -> memref<80xf32, #tpu.memory_space<vmem_shared>>
      tpu.enqueue_dma source(%arg17 : memref<80xf32, #tpu.memory_space<vmem>>) target(%dma_start3A_49 : memref<80xf32, #tpu.memory_space<vmem_shared>>) target_semaphore(%run_scoped3A : memref<!tpu.dma_semaphore, #tpu.memory_space<semaphore_mem>>)
      %dma_wait3A = tpu.memref_slice %arg11[%add3A_17] : memref<10240xf32, #tpu.memory_space<vmem_shared>> -> memref<80xf32, #tpu.memory_space<vmem_shared>>
      %dma_wait3A_50 = tpu.memref_slice %arg11[%add3A_17] : memref<10240xf32, #tpu.memory_space<vmem_shared>> -> memref<80xf32, #tpu.memory_space<vmem_shared>>
      tpu.wait_dma2 semaphore(%run_scoped3A : memref<!tpu.dma_semaphore, #tpu.memory_space<semaphore_mem>>) src(%arg17 : memref<80xf32, #tpu.memory_space<vmem>>) dst(%dma_wait3A_50 : memref<80xf32, #tpu.memory_space<vmem_shared>>)
      tpu.yield
    }) : () -> ()
    %add3A_18 = arith.constant 320 : i32
    %add3A_19 = arith.addi %mul3A_4, %add3A_18 : i32
    "tpu.region"() ({
      %run_scoped3A = tpu.sem_alloc : memref<!tpu.dma_semaphore, #tpu.memory_space<semaphore_mem>>
      %dma_start3A = tpu.memref_slice %arg11[%add3A_19] : memref<10240xf32, #tpu.memory_space<vmem_shared>> -> memref<80xf32, #tpu.memory_space<vmem_shared>>
      %dma_start3A_49 = tpu.memref_slice %arg11[%add3A_19] : memref<10240xf32, #tpu.memory_space<vmem_shared>> -> memref<80xf32, #tpu.memory_space<vmem_shared>>
      tpu.enqueue_dma source(%arg17 : memref<80xf32, #tpu.memory_space<vmem>>) target(%dma_start3A_49 : memref<80xf32, #tpu.memory_space<vmem_shared>>) target_semaphore(%run_scoped3A : memref<!tpu.dma_semaphore, #tpu.memory_space<semaphore_mem>>)
      %dma_wait3A = tpu.memref_slice %arg11[%add3A_19] : memref<10240xf32, #tpu.memory_space<vmem_shared>> -> memref<80xf32, #tpu.memory_space<vmem_shared>>
      %dma_wait3A_50 = tpu.memref_slice %arg11[%add3A_19] : memref<10240xf32, #tpu.memory_space<vmem_shared>> -> memref<80xf32, #tpu.memory_space<vmem_shared>>
      tpu.wait_dma2 semaphore(%run_scoped3A : memref<!tpu.dma_semaphore, #tpu.memory_space<semaphore_mem>>) src(%arg17 : memref<80xf32, #tpu.memory_space<vmem>>) dst(%dma_wait3A_50 : memref<80xf32, #tpu.memory_space<vmem_shared>>)
      tpu.yield
    }) : () -> ()
    %add3A_20 = arith.constant 400 : i32
    %add3A_21 = arith.addi %mul3A_4, %add3A_20 : i32
    "tpu.region"() ({
      %run_scoped3A = tpu.sem_alloc : memref<!tpu.dma_semaphore, #tpu.memory_space<semaphore_mem>>
      %dma_start3A = tpu.memref_slice %arg11[%add3A_21] : memref<10240xf32, #tpu.memory_space<vmem_shared>> -> memref<80xf32, #tpu.memory_space<vmem_shared>>
      %dma_start3A_49 = tpu.memref_slice %arg11[%add3A_21] : memref<10240xf32, #tpu.memory_space<vmem_shared>> -> memref<80xf32, #tpu.memory_space<vmem_shared>>
      tpu.enqueue_dma source(%arg17 : memref<80xf32, #tpu.memory_space<vmem>>) target(%dma_start3A_49 : memref<80xf32, #tpu.memory_space<vmem_shared>>) target_semaphore(%run_scoped3A : memref<!tpu.dma_semaphore, #tpu.memory_space<semaphore_mem>>)
      %dma_wait3A = tpu.memref_slice %arg11[%add3A_21] : memref<10240xf32, #tpu.memory_space<vmem_shared>> -> memref<80xf32, #tpu.memory_space<vmem_shared>>
      %dma_wait3A_50 = tpu.memref_slice %arg11[%add3A_21] : memref<10240xf32, #tpu.memory_space<vmem_shared>> -> memref<80xf32, #tpu.memory_space<vmem_shared>>
      tpu.wait_dma2 semaphore(%run_scoped3A : memref<!tpu.dma_semaphore, #tpu.memory_space<semaphore_mem>>) src(%arg17 : memref<80xf32, #tpu.memory_space<vmem>>) dst(%dma_wait3A_50 : memref<80xf32, #tpu.memory_space<vmem_shared>>)
      tpu.yield
    }) : () -> ()
    %add3A_22 = arith.constant 480 : i32
    %add3A_23 = arith.addi %mul3A_4, %add3A_22 : i32
    "tpu.region"() ({
      %run_scoped3A = tpu.sem_alloc : memref<!tpu.dma_semaphore, #tpu.memory_space<semaphore_mem>>
      %dma_start3A = tpu.memref_slice %arg11[%add3A_23] : memref<10240xf32, #tpu.memory_space<vmem_shared>> -> memref<80xf32, #tpu.memory_space<vmem_shared>>
      %dma_start3A_49 = tpu.memref_slice %arg11[%add3A_23] : memref<10240xf32, #tpu.memory_space<vmem_shared>> -> memref<80xf32, #tpu.memory_space<vmem_shared>>
      tpu.enqueue_dma source(%arg17 : memref<80xf32, #tpu.memory_space<vmem>>) target(%dma_start3A_49 : memref<80xf32, #tpu.memory_space<vmem_shared>>) target_semaphore(%run_scoped3A : memref<!tpu.dma_semaphore, #tpu.memory_space<semaphore_mem>>)
      %dma_wait3A = tpu.memref_slice %arg11[%add3A_23] : memref<10240xf32, #tpu.memory_space<vmem_shared>> -> memref<80xf32, #tpu.memory_space<vmem_shared>>
      %dma_wait3A_50 = tpu.memref_slice %arg11[%add3A_23] : memref<10240xf32, #tpu.memory_space<vmem_shared>> -> memref<80xf32, #tpu.memory_space<vmem_shared>>
      tpu.wait_dma2 semaphore(%run_scoped3A : memref<!tpu.dma_semaphore, #tpu.memory_space<semaphore_mem>>) src(%arg17 : memref<80xf32, #tpu.memory_space<vmem>>) dst(%dma_wait3A_50 : memref<80xf32, #tpu.memory_space<vmem_shared>>)
      tpu.yield
    }) : () -> ()
    %add3A_24 = arith.constant 560 : i32
    %add3A_25 = arith.addi %mul3A_4, %add3A_24 : i32
    "tpu.region"() ({
      %run_scoped3A = tpu.sem_alloc : memref<!tpu.dma_semaphore, #tpu.memory_space<semaphore_mem>>
      %dma_start3A = tpu.memref_slice %arg11[%add3A_25] : memref<10240xf32, #tpu.memory_space<vmem_shared>> -> memref<80xf32, #tpu.memory_space<vmem_shared>>
      %dma_start3A_49 = tpu.memref_slice %arg11[%add3A_25] : memref<10240xf32, #tpu.memory_space<vmem_shared>> -> memref<80xf32, #tpu.memory_space<vmem_shared>>
      tpu.enqueue_dma source(%arg17 : memref<80xf32, #tpu.memory_space<vmem>>) target(%dma_start3A_49 : memref<80xf32, #tpu.memory_space<vmem_shared>>) target_semaphore(%run_scoped3A : memref<!tpu.dma_semaphore, #tpu.memory_space<semaphore_mem>>)
      %dma_wait3A = tpu.memref_slice %arg11[%add3A_25] : memref<10240xf32, #tpu.memory_space<vmem_shared>> -> memref<80xf32, #tpu.memory_space<vmem_shared>>
      %dma_wait3A_50 = tpu.memref_slice %arg11[%add3A_25] : memref<10240xf32, #tpu.memory_space<vmem_shared>> -> memref<80xf32, #tpu.memory_space<vmem_shared>>
      tpu.wait_dma2 semaphore(%run_scoped3A : memref<!tpu.dma_semaphore, #tpu.memory_space<semaphore_mem>>) src(%arg17 : memref<80xf32, #tpu.memory_space<vmem>>) dst(%dma_wait3A_50 : memref<80xf32, #tpu.memory_space<vmem_shared>>)
      tpu.yield
    }) : () -> ()
    %eq3A = arith.constant 0 : i32
    %eq3A_26 = arith.cmpi eq, %arg0, %eq3A : i32
    %convert_element_type3A = arith.extui %eq3A_26 : i1 to i32
    %cond3A = arith.constant 0 : i32
    %cond3A_27 = arith.cmpi ne, %convert_element_type3A, %cond3A : i32
    scf.if %cond3A_27 {
      "tpu.region"() ({
        %run_scoped3A = tpu.sem_alloc : memref<!tpu.dma_semaphore, #tpu.memory_space<semaphore_mem>>
        %dma_start3A = arith.constant 0 : i32
        %dma_start3A_49 = tpu.memref_slice %arg10[%mul3A_2, %dma_start3A] : memref<10240x128xf32, #tpu.memory_space<vmem_shared>> -> memref<640x128xf32, #tpu.memory_space<vmem_shared>>
        %dma_start3A_50 = arith.constant 0 : i32
        %dma_start3A_51 = tpu.memref_slice %arg2[%mul3A_2, %dma_start3A_50] : memref<10240x128xf32, #tpu.memory_space<hbm>> -> memref<640x128xf32, #tpu.memory_space<hbm>>
        tpu.enqueue_dma source(%dma_start3A_51 : memref<640x128xf32, #tpu.memory_space<hbm>>) target(%dma_start3A_49 : memref<640x128xf32, #tpu.memory_space<vmem_shared>>) target_semaphore(%run_scoped3A : memref<!tpu.dma_semaphore, #tpu.memory_space<semaphore_mem>>)
        %dma_wait3A = arith.constant 0 : i32
        %dma_wait3A_52 = tpu.memref_slice %arg10[%mul3A_2, %dma_wait3A] : memref<10240x128xf32, #tpu.memory_space<vmem_shared>> -> memref<640x128xf32, #tpu.memory_space<vmem_shared>>
        %dma_wait3A_53 = arith.constant 0 : i32
        %dma_wait3A_54 = tpu.memref_slice %arg2[%mul3A_2, %dma_wait3A_53] : memref<10240x128xf32, #tpu.memory_space<hbm>> -> memref<640x128xf32, #tpu.memory_space<hbm>>
        tpu.wait_dma2 semaphore(%run_scoped3A : memref<!tpu.dma_semaphore, #tpu.memory_space<semaphore_mem>>) src(%dma_wait3A_54 : memref<640x128xf32, #tpu.memory_space<hbm>>) dst(%dma_wait3A_52 : memref<640x128xf32, #tpu.memory_space<vmem_shared>>)
        tpu.yield
      }) : () -> ()
    } else {
    }
    %eq3A_28 = arith.constant 1 : i32
    %eq3A_29 = arith.cmpi eq, %arg0, %eq3A_28 : i32
    %convert_element_type3A_30 = arith.extui %eq3A_29 : i1 to i32
    %cond3A_31 = arith.constant 0 : i32
    %cond3A_32 = arith.cmpi ne, %convert_element_type3A_30, %cond3A_31 : i32
    scf.if %cond3A_32 {
      "tpu.region"() ({
        %run_scoped3A = tpu.sem_alloc : memref<!tpu.dma_semaphore, #tpu.memory_space<semaphore_mem>>
        %dma_start3A = arith.constant 0 : i32
        %dma_start3A_49 = tpu.memref_slice %arg10[%mul3A_2, %dma_start3A] : memref<10240x128xf32, #tpu.memory_space<vmem_shared>> -> memref<640x128xf32, #tpu.memory_space<vmem_shared>>
        tpu.enqueue_dma source(%arg5 : memref<640x128xf32, #tpu.memory_space<hbm>>) target(%dma_start3A_49 : memref<640x128xf32, #tpu.memory_space<vmem_shared>>) target_semaphore(%run_scoped3A : memref<!tpu.dma_semaphore, #tpu.memory_space<semaphore_mem>>)
        %dma_wait3A = arith.constant 0 : i32
        %dma_wait3A_50 = tpu.memref_slice %arg10[%mul3A_2, %dma_wait3A] : memref<10240x128xf32, #tpu.memory_space<vmem_shared>> -> memref<640x128xf32, #tpu.memory_space<vmem_shared>>
        tpu.wait_dma2 semaphore(%run_scoped3A : memref<!tpu.dma_semaphore, #tpu.memory_space<semaphore_mem>>) src(%arg5 : memref<640x128xf32, #tpu.memory_space<hbm>>) dst(%dma_wait3A_50 : memref<640x128xf32, #tpu.memory_space<vmem_shared>>)
        tpu.yield
      }) : () -> ()
    } else {
    }
    %barrier3A = arith.constant 0 : index
    tpu.barrier barrier_id(%barrier3A)
    %scan3A_33 = arith.constant 0 : i32
    %scan3A_34 = arith.constant 5 : i32
    %scan3A_35 = arith.addi %scan3A_33, %scan3A_34 : i32
    %scan3A_36 = arith.constant 1 : i32
    scf.for %scan3A_49 = %scan3A_33 to %scan3A_35 step %scan3A_36  : i32 {
      %mul3A_50 = arith.constant 1 : i32
      %mul3A_51 = arith.muli %scan3A_49, %mul3A_50 : i32
      %add3A_52 = arith.constant 0 : i32
      %add3A_53 = arith.addi %add3A_52, %mul3A_51 : i32
      "tpu.region"() ({
        %run_scoped3A = tpu.sem_alloc : memref<!tpu.dma_semaphore, #tpu.memory_space<semaphore_mem>>
        %dma_start3A_265 = arith.constant 0 : i32
        %dma_start3A_266 = arith.constant 0 : i32
        %dma_start3A_267 = tpu.memref_slice %arg3[%add3A, %add3A_53, %dma_start3A_265, %dma_start3A_266] : memref<32x5x25x80xi32, #tpu.memory_space<hbm>> -> memref<1x1x25x80xi32, #tpu.memory_space<hbm>>
        %dma_start3A_268 = tpu.memref_squeeze %dma_start3A_267 : memref<1x1x25x80xi32, #tpu.memory_space<hbm>> -> memref<25x80xi32, #tpu.memory_space<hbm>>
        %dma_start3A_269 = arith.constant 0 : i32
        %dma_start3A_270 = arith.constant 0 : i32
        %dma_start3A_271 = tpu.memref_slice %arg3[%add3A, %add3A_53, %dma_start3A_269, %dma_start3A_270] : memref<32x5x25x80xi32, #tpu.memory_space<hbm>> -> memref<1x1x25x80xi32, #tpu.memory_space<hbm>>
        %dma_start3A_272 = tpu.memref_squeeze %dma_start3A_271 : memref<1x1x25x80xi32, #tpu.memory_space<hbm>> -> memref<25x80xi32, #tpu.memory_space<hbm>>
        tpu.enqueue_dma source(%dma_start3A_272 : memref<25x80xi32, #tpu.memory_space<hbm>>) target(%arg12 : memref<25x80xi32, #tpu.memory_space<vmem>>) target_semaphore(%run_scoped3A : memref<!tpu.dma_semaphore, #tpu.memory_space<semaphore_mem>>)
        %dma_wait3A_273 = arith.constant 0 : i32
        %dma_wait3A_274 = arith.constant 0 : i32
        %dma_wait3A_275 = tpu.memref_slice %arg3[%add3A, %add3A_53, %dma_wait3A_273, %dma_wait3A_274] : memref<32x5x25x80xi32, #tpu.memory_space<hbm>> -> memref<1x1x25x80xi32, #tpu.memory_space<hbm>>
        %dma_wait3A_276 = tpu.memref_squeeze %dma_wait3A_275 : memref<1x1x25x80xi32, #tpu.memory_space<hbm>> -> memref<25x80xi32, #tpu.memory_space<hbm>>
        %dma_wait3A_277 = arith.constant 0 : i32
        %dma_wait3A_278 = arith.constant 0 : i32
        %dma_wait3A_279 = tpu.memref_slice %arg3[%add3A, %add3A_53, %dma_wait3A_277, %dma_wait3A_278] : memref<32x5x25x80xi32, #tpu.memory_space<hbm>> -> memref<1x1x25x80xi32, #tpu.memory_space<hbm>>
        %dma_wait3A_280 = tpu.memref_squeeze %dma_wait3A_279 : memref<1x1x25x80xi32, #tpu.memory_space<hbm>> -> memref<25x80xi32, #tpu.memory_space<hbm>>
        tpu.wait_dma2 semaphore(%run_scoped3A : memref<!tpu.dma_semaphore, #tpu.memory_space<semaphore_mem>>) src(%dma_wait3A_280 : memref<25x80xi32, #tpu.memory_space<hbm>>) dst(%arg12 : memref<25x80xi32, #tpu.memory_space<vmem>>)
        tpu.yield
      }) : () -> ()
      "tpu.region"() ({
        %run_scoped3A = tpu.sem_alloc : memref<!tpu.dma_semaphore, #tpu.memory_space<semaphore_mem>>
        %dma_start3A_265 = arith.constant 0 : i32
        %dma_start3A_266 = arith.constant 0 : i32
        %dma_start3A_267 = tpu.memref_slice %arg4[%add3A, %add3A_53, %dma_start3A_265, %dma_start3A_266] : memref<32x5x25x80xi32, #tpu.memory_space<hbm>> -> memref<1x1x25x80xi32, #tpu.memory_space<hbm>>
        %dma_start3A_268 = tpu.memref_squeeze %dma_start3A_267 : memref<1x1x25x80xi32, #tpu.memory_space<hbm>> -> memref<25x80xi32, #tpu.memory_space<hbm>>
        %dma_start3A_269 = arith.constant 0 : i32
        %dma_start3A_270 = arith.constant 0 : i32
        %dma_start3A_271 = tpu.memref_slice %arg4[%add3A, %add3A_53, %dma_start3A_269, %dma_start3A_270] : memref<32x5x25x80xi32, #tpu.memory_space<hbm>> -> memref<1x1x25x80xi32, #tpu.memory_space<hbm>>
        %dma_start3A_272 = tpu.memref_squeeze %dma_start3A_271 : memref<1x1x25x80xi32, #tpu.memory_space<hbm>> -> memref<25x80xi32, #tpu.memory_space<hbm>>
        tpu.enqueue_dma source(%dma_start3A_272 : memref<25x80xi32, #tpu.memory_space<hbm>>) target(%arg13 : memref<25x80xi32, #tpu.memory_space<vmem>>) target_semaphore(%run_scoped3A : memref<!tpu.dma_semaphore, #tpu.memory_space<semaphore_mem>>)
        %dma_wait3A_273 = arith.constant 0 : i32
        %dma_wait3A_274 = arith.constant 0 : i32
        %dma_wait3A_275 = tpu.memref_slice %arg4[%add3A, %add3A_53, %dma_wait3A_273, %dma_wait3A_274] : memref<32x5x25x80xi32, #tpu.memory_space<hbm>> -> memref<1x1x25x80xi32, #tpu.memory_space<hbm>>
        %dma_wait3A_276 = tpu.memref_squeeze %dma_wait3A_275 : memref<1x1x25x80xi32, #tpu.memory_space<hbm>> -> memref<25x80xi32, #tpu.memory_space<hbm>>
        %dma_wait3A_277 = arith.constant 0 : i32
        %dma_wait3A_278 = arith.constant 0 : i32
        %dma_wait3A_279 = tpu.memref_slice %arg4[%add3A, %add3A_53, %dma_wait3A_277, %dma_wait3A_278] : memref<32x5x25x80xi32, #tpu.memory_space<hbm>> -> memref<1x1x25x80xi32, #tpu.memory_space<hbm>>
        %dma_wait3A_280 = tpu.memref_squeeze %dma_wait3A_279 : memref<1x1x25x80xi32, #tpu.memory_space<hbm>> -> memref<25x80xi32, #tpu.memory_space<hbm>>
        tpu.wait_dma2 semaphore(%run_scoped3A : memref<!tpu.dma_semaphore, #tpu.memory_space<semaphore_mem>>) src(%dma_wait3A_280 : memref<25x80xi32, #tpu.memory_space<hbm>>) dst(%arg13 : memref<25x80xi32, #tpu.memory_space<vmem>>)
        tpu.yield
      }) : () -> ()
      %dma_start3A = arith.constant 0 : i32
      %dma_start3A_54 = arith.constant 0 : i32
      %dma_start3A_55 = tpu.memref_slice %arg12[%dma_start3A, %dma_start3A_54] : memref<25x80xi32, #tpu.memory_space<vmem>> -> memref<1x80xi32, #tpu.memory_space<vmem>>
      %dma_start3A_56 = tpu.memref_squeeze %dma_start3A_55 : memref<1x80xi32, #tpu.memory_space<vmem>> -> memref<80xi32, #tpu.memory_space<vmem>>
      %dma_start3A_57 = arith.constant 0 : i32
      %dma_start3A_58 = arith.constant 0 : i32
      %dma_start3A_59 = tpu.memref_slice %arg2[%dma_start3A_57, %dma_start3A_58] : memref<10240x128xf32, #tpu.memory_space<hbm>> -> memref<10240x128xf32, #tpu.memory_space<hbm>>
      tpu.enqueue_indirect_dma source(%dma_start3A_59 : memref<10240x128xf32, #tpu.memory_space<hbm>>) target(%arg14 : memref<80x128xf32, #tpu.memory_space<vmem>>) offsets(%dma_start3A_56 : memref<80xi32, #tpu.memory_space<vmem>>) semaphore(%arg20 : memref<!tpu.dma_semaphore, #tpu.memory_space<semaphore_mem>>)
      %dma_start3A_60 = arith.constant 0 : i32
      %dma_start3A_61 = arith.constant 0 : i32
      %dma_start3A_62 = tpu.memref_slice %arg13[%dma_start3A_60, %dma_start3A_61] : memref<25x80xi32, #tpu.memory_space<vmem>> -> memref<1x80xi32, #tpu.memory_space<vmem>>
      %dma_start3A_63 = tpu.memref_squeeze %dma_start3A_62 : memref<1x80xi32, #tpu.memory_space<vmem>> -> memref<80xi32, #tpu.memory_space<vmem>>
      %dma_start3A_64 = arith.constant 0 : i32
      %dma_start3A_65 = tpu.memref_slice %arg6[%dma_start3A_64] : memref<10240xf32, #tpu.memory_space<hbm>> -> memref<10240xf32, #tpu.memory_space<hbm>>
      tpu.enqueue_indirect_dma source(%dma_start3A_65 : memref<10240xf32, #tpu.memory_space<hbm>>) target(%arg17 : memref<80xf32, #tpu.memory_space<vmem>>) offsets(%dma_start3A_63 : memref<80xi32, #tpu.memory_space<vmem>>) semaphore(%arg26 : memref<!tpu.dma_semaphore, #tpu.memory_space<semaphore_mem>>)
      %dma_start3A_66 = arith.constant 1 : i32
      %dma_start3A_67 = arith.constant 0 : i32
      %dma_start3A_68 = tpu.memref_slice %arg12[%dma_start3A_66, %dma_start3A_67] : memref<25x80xi32, #tpu.memory_space<vmem>> -> memref<1x80xi32, #tpu.memory_space<vmem>>
      %dma_start3A_69 = tpu.memref_squeeze %dma_start3A_68 : memref<1x80xi32, #tpu.memory_space<vmem>> -> memref<80xi32, #tpu.memory_space<vmem>>
      %dma_start3A_70 = arith.constant 0 : i32
      %dma_start3A_71 = arith.constant 0 : i32
      %dma_start3A_72 = tpu.memref_slice %arg2[%dma_start3A_70, %dma_start3A_71] : memref<10240x128xf32, #tpu.memory_space<hbm>> -> memref<10240x128xf32, #tpu.memory_space<hbm>>
      tpu.enqueue_indirect_dma source(%dma_start3A_72 : memref<10240x128xf32, #tpu.memory_space<hbm>>) target(%arg15 : memref<80x128xf32, #tpu.memory_space<vmem>>) offsets(%dma_start3A_69 : memref<80xi32, #tpu.memory_space<vmem>>) semaphore(%arg21 : memref<!tpu.dma_semaphore, #tpu.memory_space<semaphore_mem>>)
      %dma_start3A_73 = arith.constant 1 : i32
      %dma_start3A_74 = arith.constant 0 : i32
      %dma_start3A_75 = tpu.memref_slice %arg13[%dma_start3A_73, %dma_start3A_74] : memref<25x80xi32, #tpu.memory_space<vmem>> -> memref<1x80xi32, #tpu.memory_space<vmem>>
      %dma_start3A_76 = tpu.memref_squeeze %dma_start3A_75 : memref<1x80xi32, #tpu.memory_space<vmem>> -> memref<80xi32, #tpu.memory_space<vmem>>
      %dma_start3A_77 = arith.constant 0 : i32
      %dma_start3A_78 = tpu.memref_slice %arg6[%dma_start3A_77] : memref<10240xf32, #tpu.memory_space<hbm>> -> memref<10240xf32, #tpu.memory_space<hbm>>
      tpu.enqueue_indirect_dma source(%dma_start3A_78 : memref<10240xf32, #tpu.memory_space<hbm>>) target(%arg18 : memref<80xf32, #tpu.memory_space<vmem>>) offsets(%dma_start3A_76 : memref<80xi32, #tpu.memory_space<vmem>>) semaphore(%arg27 : memref<!tpu.dma_semaphore, #tpu.memory_space<semaphore_mem>>)
      %dma_wait3A = arith.constant 0 : i32
      %dma_wait3A_79 = arith.constant 0 : i32
      %dma_wait3A_80 = tpu.memref_slice %arg12[%dma_wait3A, %dma_wait3A_79] : memref<25x80xi32, #tpu.memory_space<vmem>> -> memref<1x80xi32, #tpu.memory_space<vmem>>
      %dma_wait3A_81 = tpu.memref_squeeze %dma_wait3A_80 : memref<1x80xi32, #tpu.memory_space<vmem>> -> memref<80xi32, #tpu.memory_space<vmem>>
      %dma_wait3A_82 = arith.constant 0 : i32
      %dma_wait3A_83 = arith.constant 0 : i32
      %dma_wait3A_84 = tpu.memref_slice %arg2[%dma_wait3A_82, %dma_wait3A_83] : memref<10240x128xf32, #tpu.memory_space<hbm>> -> memref<10240x128xf32, #tpu.memory_space<hbm>>
      tpu.wait_indirect_dma semaphore(%arg20 : memref<!tpu.dma_semaphore, #tpu.memory_space<semaphore_mem>>) src(%dma_wait3A_84 : memref<10240x128xf32, #tpu.memory_space<hbm>>) dst(%arg14 : memref<80x128xf32, #tpu.memory_space<vmem>>)
      %dma_start3A_85 = arith.constant 0 : i32
      %dma_start3A_86 = arith.constant 0 : i32
      %dma_start3A_87 = tpu.memref_slice %arg13[%dma_start3A_85, %dma_start3A_86] : memref<25x80xi32, #tpu.memory_space<vmem>> -> memref<1x80xi32, #tpu.memory_space<vmem>>
      %dma_start3A_88 = tpu.memref_squeeze %dma_start3A_87 : memref<1x80xi32, #tpu.memory_space<vmem>> -> memref<80xi32, #tpu.memory_space<vmem>>
      %dma_start3A_89 = arith.constant 0 : i32
      %dma_start3A_90 = arith.constant 0 : i32
      %dma_start3A_91 = tpu.memref_slice %arg10[%dma_start3A_89, %dma_start3A_90] : memref<10240x128xf32, #tpu.memory_space<vmem_shared>> -> memref<10240x128xf32, #tpu.memory_space<vmem_shared>>
      tpu.enqueue_indirect_dma source(%arg14 : memref<80x128xf32, #tpu.memory_space<vmem>>) target(%dma_start3A_91 : memref<10240x128xf32, #tpu.memory_space<vmem_shared>>) offsets(%dma_start3A_88 : memref<80xi32, #tpu.memory_space<vmem>>) semaphore(%arg23 : memref<!tpu.dma_semaphore, #tpu.memory_space<semaphore_mem>>) {add = true}
      %dma_wait3A_92 = arith.constant 0 : i32
      %dma_wait3A_93 = arith.constant 0 : i32
      %dma_wait3A_94 = tpu.memref_slice %arg13[%dma_wait3A_92, %dma_wait3A_93] : memref<25x80xi32, #tpu.memory_space<vmem>> -> memref<1x80xi32, #tpu.memory_space<vmem>>
      %dma_wait3A_95 = tpu.memref_squeeze %dma_wait3A_94 : memref<1x80xi32, #tpu.memory_space<vmem>> -> memref<80xi32, #tpu.memory_space<vmem>>
      %dma_wait3A_96 = arith.constant 0 : i32
      %dma_wait3A_97 = tpu.memref_slice %arg6[%dma_wait3A_96] : memref<10240xf32, #tpu.memory_space<hbm>> -> memref<10240xf32, #tpu.memory_space<hbm>>
      tpu.wait_indirect_dma semaphore(%arg26 : memref<!tpu.dma_semaphore, #tpu.memory_space<semaphore_mem>>) src(%dma_wait3A_97 : memref<10240xf32, #tpu.memory_space<hbm>>) dst(%arg17 : memref<80xf32, #tpu.memory_space<vmem>>)
      %dma_start3A_98 = arith.constant 0 : i32
      %dma_start3A_99 = arith.constant 0 : i32
      %dma_start3A_100 = tpu.memref_slice %arg12[%dma_start3A_98, %dma_start3A_99] : memref<25x80xi32, #tpu.memory_space<vmem>> -> memref<1x80xi32, #tpu.memory_space<vmem>>
      %dma_start3A_101 = tpu.memref_squeeze %dma_start3A_100 : memref<1x80xi32, #tpu.memory_space<vmem>> -> memref<80xi32, #tpu.memory_space<vmem>>
      %dma_start3A_102 = arith.constant 0 : i32
      %dma_start3A_103 = tpu.memref_slice %arg11[%dma_start3A_102] : memref<10240xf32, #tpu.memory_space<vmem_shared>> -> memref<10240xf32, #tpu.memory_space<vmem_shared>>
      tpu.enqueue_indirect_dma source(%arg17 : memref<80xf32, #tpu.memory_space<vmem>>) target(%dma_start3A_103 : memref<10240xf32, #tpu.memory_space<vmem_shared>>) offsets(%dma_start3A_101 : memref<80xi32, #tpu.memory_space<vmem>>) semaphore(%arg29 : memref<!tpu.dma_semaphore, #tpu.memory_space<semaphore_mem>>) {add = true}
      %dma_start3A_104 = arith.constant 2 : i32
      %dma_start3A_105 = arith.constant 0 : i32
      %dma_start3A_106 = tpu.memref_slice %arg12[%dma_start3A_104, %dma_start3A_105] : memref<25x80xi32, #tpu.memory_space<vmem>> -> memref<1x80xi32, #tpu.memory_space<vmem>>
      %dma_start3A_107 = tpu.memref_squeeze %dma_start3A_106 : memref<1x80xi32, #tpu.memory_space<vmem>> -> memref<80xi32, #tpu.memory_space<vmem>>
      %dma_start3A_108 = arith.constant 0 : i32
      %dma_start3A_109 = arith.constant 0 : i32
      %dma_start3A_110 = tpu.memref_slice %arg2[%dma_start3A_108, %dma_start3A_109] : memref<10240x128xf32, #tpu.memory_space<hbm>> -> memref<10240x128xf32, #tpu.memory_space<hbm>>
      tpu.enqueue_indirect_dma source(%dma_start3A_110 : memref<10240x128xf32, #tpu.memory_space<hbm>>) target(%arg16 : memref<80x128xf32, #tpu.memory_space<vmem>>) offsets(%dma_start3A_107 : memref<80xi32, #tpu.memory_space<vmem>>) semaphore(%arg22 : memref<!tpu.dma_semaphore, #tpu.memory_space<semaphore_mem>>)
      %dma_start3A_111 = arith.constant 2 : i32
      %dma_start3A_112 = arith.constant 0 : i32
      %dma_start3A_113 = tpu.memref_slice %arg13[%dma_start3A_111, %dma_start3A_112] : memref<25x80xi32, #tpu.memory_space<vmem>> -> memref<1x80xi32, #tpu.memory_space<vmem>>
      %dma_start3A_114 = tpu.memref_squeeze %dma_start3A_113 : memref<1x80xi32, #tpu.memory_space<vmem>> -> memref<80xi32, #tpu.memory_space<vmem>>
      %dma_start3A_115 = arith.constant 0 : i32
      %dma_start3A_116 = tpu.memref_slice %arg6[%dma_start3A_115] : memref<10240xf32, #tpu.memory_space<hbm>> -> memref<10240xf32, #tpu.memory_space<hbm>>
      tpu.enqueue_indirect_dma source(%dma_start3A_116 : memref<10240xf32, #tpu.memory_space<hbm>>) target(%arg19 : memref<80xf32, #tpu.memory_space<vmem>>) offsets(%dma_start3A_114 : memref<80xi32, #tpu.memory_space<vmem>>) semaphore(%arg28 : memref<!tpu.dma_semaphore, #tpu.memory_space<semaphore_mem>>)
      %dma_wait3A_117 = arith.constant 0 : i32
      %dma_wait3A_118 = arith.constant 0 : i32
      %dma_wait3A_119 = tpu.memref_slice %arg12[%dma_wait3A_117, %dma_wait3A_118] : memref<25x80xi32, #tpu.memory_space<vmem>> -> memref<1x80xi32, #tpu.memory_space<vmem>>
      %dma_wait3A_120 = tpu.memref_squeeze %dma_wait3A_119 : memref<1x80xi32, #tpu.memory_space<vmem>> -> memref<80xi32, #tpu.memory_space<vmem>>
      %dma_wait3A_121 = arith.constant 0 : i32
      %dma_wait3A_122 = arith.constant 0 : i32
      %dma_wait3A_123 = tpu.memref_slice %arg2[%dma_wait3A_121, %dma_wait3A_122] : memref<10240x128xf32, #tpu.memory_space<hbm>> -> memref<10240x128xf32, #tpu.memory_space<hbm>>
      tpu.wait_indirect_dma semaphore(%arg21 : memref<!tpu.dma_semaphore, #tpu.memory_space<semaphore_mem>>) src(%dma_wait3A_123 : memref<10240x128xf32, #tpu.memory_space<hbm>>) dst(%arg15 : memref<80x128xf32, #tpu.memory_space<vmem>>)
      %dma_start3A_124 = arith.constant 1 : i32
      %dma_start3A_125 = arith.constant 0 : i32
      %dma_start3A_126 = tpu.memref_slice %arg13[%dma_start3A_124, %dma_start3A_125] : memref<25x80xi32, #tpu.memory_space<vmem>> -> memref<1x80xi32, #tpu.memory_space<vmem>>
      %dma_start3A_127 = tpu.memref_squeeze %dma_start3A_126 : memref<1x80xi32, #tpu.memory_space<vmem>> -> memref<80xi32, #tpu.memory_space<vmem>>
      %dma_start3A_128 = arith.constant 0 : i32
      %dma_start3A_129 = arith.constant 0 : i32
      %dma_start3A_130 = tpu.memref_slice %arg10[%dma_start3A_128, %dma_start3A_129] : memref<10240x128xf32, #tpu.memory_space<vmem_shared>> -> memref<10240x128xf32, #tpu.memory_space<vmem_shared>>
      tpu.enqueue_indirect_dma source(%arg15 : memref<80x128xf32, #tpu.memory_space<vmem>>) target(%dma_start3A_130 : memref<10240x128xf32, #tpu.memory_space<vmem_shared>>) offsets(%dma_start3A_127 : memref<80xi32, #tpu.memory_space<vmem>>) semaphore(%arg24 : memref<!tpu.dma_semaphore, #tpu.memory_space<semaphore_mem>>) {add = true}
      %dma_wait3A_131 = arith.constant 0 : i32
      %dma_wait3A_132 = arith.constant 0 : i32
      %dma_wait3A_133 = tpu.memref_slice %arg13[%dma_wait3A_131, %dma_wait3A_132] : memref<25x80xi32, #tpu.memory_space<vmem>> -> memref<1x80xi32, #tpu.memory_space<vmem>>
      %dma_wait3A_134 = tpu.memref_squeeze %dma_wait3A_133 : memref<1x80xi32, #tpu.memory_space<vmem>> -> memref<80xi32, #tpu.memory_space<vmem>>
      %dma_wait3A_135 = arith.constant 0 : i32
      %dma_wait3A_136 = tpu.memref_slice %arg6[%dma_wait3A_135] : memref<10240xf32, #tpu.memory_space<hbm>> -> memref<10240xf32, #tpu.memory_space<hbm>>
      tpu.wait_indirect_dma semaphore(%arg27 : memref<!tpu.dma_semaphore, #tpu.memory_space<semaphore_mem>>) src(%dma_wait3A_136 : memref<10240xf32, #tpu.memory_space<hbm>>) dst(%arg18 : memref<80xf32, #tpu.memory_space<vmem>>)
      %dma_start3A_137 = arith.constant 1 : i32
      %dma_start3A_138 = arith.constant 0 : i32
      %dma_start3A_139 = tpu.memref_slice %arg12[%dma_start3A_137, %dma_start3A_138] : memref<25x80xi32, #tpu.memory_space<vmem>> -> memref<1x80xi32, #tpu.memory_space<vmem>>
      %dma_start3A_140 = tpu.memref_squeeze %dma_start3A_139 : memref<1x80xi32, #tpu.memory_space<vmem>> -> memref<80xi32, #tpu.memory_space<vmem>>
      %dma_start3A_141 = arith.constant 0 : i32
      %dma_start3A_142 = tpu.memref_slice %arg11[%dma_start3A_141] : memref<10240xf32, #tpu.memory_space<vmem_shared>> -> memref<10240xf32, #tpu.memory_space<vmem_shared>>
      tpu.enqueue_indirect_dma source(%arg18 : memref<80xf32, #tpu.memory_space<vmem>>) target(%dma_start3A_142 : memref<10240xf32, #tpu.memory_space<vmem_shared>>) offsets(%dma_start3A_140 : memref<80xi32, #tpu.memory_space<vmem>>) semaphore(%arg30 : memref<!tpu.dma_semaphore, #tpu.memory_space<semaphore_mem>>) {add = true}
      %dma_wait3A_143 = arith.constant 0 : i32
      %dma_wait3A_144 = arith.constant 0 : i32
      %dma_wait3A_145 = tpu.memref_slice %arg13[%dma_wait3A_143, %dma_wait3A_144] : memref<25x80xi32, #tpu.memory_space<vmem>> -> memref<1x80xi32, #tpu.memory_space<vmem>>
      %dma_wait3A_146 = tpu.memref_squeeze %dma_wait3A_145 : memref<1x80xi32, #tpu.memory_space<vmem>> -> memref<80xi32, #tpu.memory_space<vmem>>
      %dma_wait3A_147 = arith.constant 0 : i32
      %dma_wait3A_148 = arith.constant 0 : i32
      %dma_wait3A_149 = tpu.memref_slice %arg10[%dma_wait3A_147, %dma_wait3A_148] : memref<10240x128xf32, #tpu.memory_space<vmem_shared>> -> memref<10240x128xf32, #tpu.memory_space<vmem_shared>>
      tpu.wait_indirect_dma semaphore(%arg23 : memref<!tpu.dma_semaphore, #tpu.memory_space<semaphore_mem>>) src(%arg14 : memref<80x128xf32, #tpu.memory_space<vmem>>) dst(%dma_wait3A_149 : memref<10240x128xf32, #tpu.memory_space<vmem_shared>>)
      %dma_wait3A_150 = arith.constant 0 : i32
      %dma_wait3A_151 = arith.constant 0 : i32
      %dma_wait3A_152 = tpu.memref_slice %arg12[%dma_wait3A_150, %dma_wait3A_151] : memref<25x80xi32, #tpu.memory_space<vmem>> -> memref<1x80xi32, #tpu.memory_space<vmem>>
      %dma_wait3A_153 = tpu.memref_squeeze %dma_wait3A_152 : memref<1x80xi32, #tpu.memory_space<vmem>> -> memref<80xi32, #tpu.memory_space<vmem>>
      %dma_wait3A_154 = arith.constant 0 : i32
      %dma_wait3A_155 = tpu.memref_slice %arg11[%dma_wait3A_154] : memref<10240xf32, #tpu.memory_space<vmem_shared>> -> memref<10240xf32, #tpu.memory_space<vmem_shared>>
      tpu.wait_indirect_dma semaphore(%arg29 : memref<!tpu.dma_semaphore, #tpu.memory_space<semaphore_mem>>) src(%arg17 : memref<80xf32, #tpu.memory_space<vmem>>) dst(%dma_wait3A_155 : memref<10240xf32, #tpu.memory_space<vmem_shared>>)
      %dma_start3A_156 = arith.constant 3 : i32
      %dma_start3A_157 = arith.constant 0 : i32
      %dma_start3A_158 = tpu.memref_slice %arg12[%dma_start3A_156, %dma_start3A_157] : memref<25x80xi32, #tpu.memory_space<vmem>> -> memref<1x80xi32, #tpu.memory_space<vmem>>
      %dma_start3A_159 = tpu.memref_squeeze %dma_start3A_158 : memref<1x80xi32, #tpu.memory_space<vmem>> -> memref<80xi32, #tpu.memory_space<vmem>>
      %dma_start3A_160 = arith.constant 0 : i32
      %dma_start3A_161 = arith.constant 0 : i32
      %dma_start3A_162 = tpu.memref_slice %arg2[%dma_start3A_160, %dma_start3A_161] : memref<10240x128xf32, #tpu.memory_space<hbm>> -> memref<10240x128xf32, #tpu.memory_space<hbm>>
      tpu.enqueue_indirect_dma source(%dma_start3A_162 : memref<10240x128xf32, #tpu.memory_space<hbm>>) target(%arg14 : memref<80x128xf32, #tpu.memory_space<vmem>>) offsets(%dma_start3A_159 : memref<80xi32, #tpu.memory_space<vmem>>) semaphore(%arg20 : memref<!tpu.dma_semaphore, #tpu.memory_space<semaphore_mem>>)
      %dma_start3A_163 = arith.constant 3 : i32
      %dma_start3A_164 = arith.constant 0 : i32
      %dma_start3A_165 = tpu.memref_slice %arg13[%dma_start3A_163, %dma_start3A_164] : memref<25x80xi32, #tpu.memory_space<vmem>> -> memref<1x80xi32, #tpu.memory_space<vmem>>
      %dma_start3A_166 = tpu.memref_squeeze %dma_start3A_165 : memref<1x80xi32, #tpu.memory_space<vmem>> -> memref<80xi32, #tpu.memory_space<vmem>>
      %dma_start3A_167 = arith.constant 0 : i32
      %dma_start3A_168 = tpu.memref_slice %arg6[%dma_start3A_167] : memref<10240xf32, #tpu.memory_space<hbm>> -> memref<10240xf32, #tpu.memory_space<hbm>>
      tpu.enqueue_indirect_dma source(%dma_start3A_168 : memref<10240xf32, #tpu.memory_space<hbm>>) target(%arg17 : memref<80xf32, #tpu.memory_space<vmem>>) offsets(%dma_start3A_166 : memref<80xi32, #tpu.memory_space<vmem>>) semaphore(%arg26 : memref<!tpu.dma_semaphore, #tpu.memory_space<semaphore_mem>>)
      %scan3A_169 = arith.constant 0 : i32
      %scan3A_170 = arith.constant 7 : i32
      %scan3A_171 = arith.addi %scan3A_169, %scan3A_170 : i32
      %scan3A_172 = arith.constant 1 : i32
      scf.for %scan3A_265 = %scan3A_169 to %scan3A_171 step %scan3A_172  : i32 {
        %mul3A_266 = arith.constant 1 : i32
        %mul3A_267 = arith.muli %scan3A_265, %mul3A_266 : i32
        %add3A_268 = arith.constant 0 : i32
        %add3A_269 = arith.addi %add3A_268, %mul3A_267 : i32
        %mul3A_270 = arith.constant 3 : i32
        %mul3A_271 = arith.muli %mul3A_270, %add3A_269 : i32
        %add3A_272 = arith.constant 2 : i32
        %add3A_273 = arith.addi %add3A_272, %mul3A_271 : i32
        %add3A_274 = arith.constant 2 : i32
        %add3A_275 = arith.addi %add3A_273, %add3A_274 : i32
        %dma_wait3A_276 = arith.constant 0 : i32
        %dma_wait3A_277 = arith.constant 0 : i32
        %dma_wait3A_278 = tpu.memref_slice %arg12[%dma_wait3A_276, %dma_wait3A_277] : memref<25x80xi32, #tpu.memory_space<vmem>> -> memref<1x80xi32, #tpu.memory_space<vmem>>
        %dma_wait3A_279 = tpu.memref_squeeze %dma_wait3A_278 : memref<1x80xi32, #tpu.memory_space<vmem>> -> memref<80xi32, #tpu.memory_space<vmem>>
        %dma_wait3A_280 = arith.constant 0 : i32
        %dma_wait3A_281 = arith.constant 0 : i32
        %dma_wait3A_282 = tpu.memref_slice %arg2[%dma_wait3A_280, %dma_wait3A_281] : memref<10240x128xf32, #tpu.memory_space<hbm>> -> memref<10240x128xf32, #tpu.memory_space<hbm>>
        tpu.wait_indirect_dma semaphore(%arg22 : memref<!tpu.dma_semaphore, #tpu.memory_space<semaphore_mem>>) src(%dma_wait3A_282 : memref<10240x128xf32, #tpu.memory_space<hbm>>) dst(%arg16 : memref<80x128xf32, #tpu.memory_space<vmem>>)
        %dma_start3A_283 = arith.constant 0 : i32
        %dma_start3A_284 = tpu.memref_slice %arg13[%add3A_273, %dma_start3A_283] : memref<25x80xi32, #tpu.memory_space<vmem>> -> memref<1x80xi32, #tpu.memory_space<vmem>>
        %dma_start3A_285 = tpu.memref_squeeze %dma_start3A_284 : memref<1x80xi32, #tpu.memory_space<vmem>> -> memref<80xi32, #tpu.memory_space<vmem>>
        %dma_start3A_286 = arith.constant 0 : i32
        %dma_start3A_287 = arith.constant 0 : i32
        %dma_start3A_288 = tpu.memref_slice %arg10[%dma_start3A_286, %dma_start3A_287] : memref<10240x128xf32, #tpu.memory_space<vmem_shared>> -> memref<10240x128xf32, #tpu.memory_space<vmem_shared>>
        tpu.enqueue_indirect_dma source(%arg16 : memref<80x128xf32, #tpu.memory_space<vmem>>) target(%dma_start3A_288 : memref<10240x128xf32, #tpu.memory_space<vmem_shared>>) offsets(%dma_start3A_285 : memref<80xi32, #tpu.memory_space<vmem>>) semaphore(%arg25 : memref<!tpu.dma_semaphore, #tpu.memory_space<semaphore_mem>>) {add = true}
        %dma_wait3A_289 = arith.constant 0 : i32
        %dma_wait3A_290 = arith.constant 0 : i32
        %dma_wait3A_291 = tpu.memref_slice %arg13[%dma_wait3A_289, %dma_wait3A_290] : memref<25x80xi32, #tpu.memory_space<vmem>> -> memref<1x80xi32, #tpu.memory_space<vmem>>
        %dma_wait3A_292 = tpu.memref_squeeze %dma_wait3A_291 : memref<1x80xi32, #tpu.memory_space<vmem>> -> memref<80xi32, #tpu.memory_space<vmem>>
        %dma_wait3A_293 = arith.constant 0 : i32
        %dma_wait3A_294 = tpu.memref_slice %arg6[%dma_wait3A_293] : memref<10240xf32, #tpu.memory_space<hbm>> -> memref<10240xf32, #tpu.memory_space<hbm>>
        tpu.wait_indirect_dma semaphore(%arg28 : memref<!tpu.dma_semaphore, #tpu.memory_space<semaphore_mem>>) src(%dma_wait3A_294 : memref<10240xf32, #tpu.memory_space<hbm>>) dst(%arg19 : memref<80xf32, #tpu.memory_space<vmem>>)
        %dma_start3A_295 = arith.constant 0 : i32
        %dma_start3A_296 = tpu.memref_slice %arg12[%add3A_273, %dma_start3A_295] : memref<25x80xi32, #tpu.memory_space<vmem>> -> memref<1x80xi32, #tpu.memory_space<vmem>>
        %dma_start3A_297 = tpu.memref_squeeze %dma_start3A_296 : memref<1x80xi32, #tpu.memory_space<vmem>> -> memref<80xi32, #tpu.memory_space<vmem>>
        %dma_start3A_298 = arith.constant 0 : i32
        %dma_start3A_299 = tpu.memref_slice %arg11[%dma_start3A_298] : memref<10240xf32, #tpu.memory_space<vmem_shared>> -> memref<10240xf32, #tpu.memory_space<vmem_shared>>
        tpu.enqueue_indirect_dma source(%arg19 : memref<80xf32, #tpu.memory_space<vmem>>) target(%dma_start3A_299 : memref<10240xf32, #tpu.memory_space<vmem_shared>>) offsets(%dma_start3A_297 : memref<80xi32, #tpu.memory_space<vmem>>) semaphore(%arg31 : memref<!tpu.dma_semaphore, #tpu.memory_space<semaphore_mem>>) {add = true}
        %dma_wait3A_300 = arith.constant 0 : i32
        %dma_wait3A_301 = arith.constant 0 : i32
        %dma_wait3A_302 = tpu.memref_slice %arg13[%dma_wait3A_300, %dma_wait3A_301] : memref<25x80xi32, #tpu.memory_space<vmem>> -> memref<1x80xi32, #tpu.memory_space<vmem>>
        %dma_wait3A_303 = tpu.memref_squeeze %dma_wait3A_302 : memref<1x80xi32, #tpu.memory_space<vmem>> -> memref<80xi32, #tpu.memory_space<vmem>>
        %dma_wait3A_304 = arith.constant 0 : i32
        %dma_wait3A_305 = arith.constant 0 : i32
        %dma_wait3A_306 = tpu.memref_slice %arg10[%dma_wait3A_304, %dma_wait3A_305] : memref<10240x128xf32, #tpu.memory_space<vmem_shared>> -> memref<10240x128xf32, #tpu.memory_space<vmem_shared>>
        tpu.wait_indirect_dma semaphore(%arg24 : memref<!tpu.dma_semaphore, #tpu.memory_space<semaphore_mem>>) src(%arg15 : memref<80x128xf32, #tpu.memory_space<vmem>>) dst(%dma_wait3A_306 : memref<10240x128xf32, #tpu.memory_space<vmem_shared>>)
        %dma_wait3A_307 = arith.constant 0 : i32
        %dma_wait3A_308 = arith.constant 0 : i32
        %dma_wait3A_309 = tpu.memref_slice %arg12[%dma_wait3A_307, %dma_wait3A_308] : memref<25x80xi32, #tpu.memory_space<vmem>> -> memref<1x80xi32, #tpu.memory_space<vmem>>
        %dma_wait3A_310 = tpu.memref_squeeze %dma_wait3A_309 : memref<1x80xi32, #tpu.memory_space<vmem>> -> memref<80xi32, #tpu.memory_space<vmem>>
        %dma_wait3A_311 = arith.constant 0 : i32
        %dma_wait3A_312 = tpu.memref_slice %arg11[%dma_wait3A_311] : memref<10240xf32, #tpu.memory_space<vmem_shared>> -> memref<10240xf32, #tpu.memory_space<vmem_shared>>
        tpu.wait_indirect_dma semaphore(%arg30 : memref<!tpu.dma_semaphore, #tpu.memory_space<semaphore_mem>>) src(%arg18 : memref<80xf32, #tpu.memory_space<vmem>>) dst(%dma_wait3A_312 : memref<10240xf32, #tpu.memory_space<vmem_shared>>)
        %dma_start3A_313 = arith.constant 0 : i32
        %dma_start3A_314 = tpu.memref_slice %arg12[%add3A_275, %dma_start3A_313] : memref<25x80xi32, #tpu.memory_space<vmem>> -> memref<1x80xi32, #tpu.memory_space<vmem>>
        %dma_start3A_315 = tpu.memref_squeeze %dma_start3A_314 : memref<1x80xi32, #tpu.memory_space<vmem>> -> memref<80xi32, #tpu.memory_space<vmem>>
        %dma_start3A_316 = arith.constant 0 : i32
        %dma_start3A_317 = arith.constant 0 : i32
        %dma_start3A_318 = tpu.memref_slice %arg2[%dma_start3A_316, %dma_start3A_317] : memref<10240x128xf32, #tpu.memory_space<hbm>> -> memref<10240x128xf32, #tpu.memory_space<hbm>>
        tpu.enqueue_indirect_dma source(%dma_start3A_318 : memref<10240x128xf32, #tpu.memory_space<hbm>>) target(%arg15 : memref<80x128xf32, #tpu.memory_space<vmem>>) offsets(%dma_start3A_315 : memref<80xi32, #tpu.memory_space<vmem>>) semaphore(%arg21 : memref<!tpu.dma_semaphore, #tpu.memory_space<semaphore_mem>>)
        %dma_start3A_319 = arith.constant 0 : i32
        %dma_start3A_320 = tpu.memref_slice %arg13[%add3A_275, %dma_start3A_319] : memref<25x80xi32, #tpu.memory_space<vmem>> -> memref<1x80xi32, #tpu.memory_space<vmem>>
        %dma_start3A_321 = tpu.memref_squeeze %dma_start3A_320 : memref<1x80xi32, #tpu.memory_space<vmem>> -> memref<80xi32, #tpu.memory_space<vmem>>
        %dma_start3A_322 = arith.constant 0 : i32
        %dma_start3A_323 = tpu.memref_slice %arg6[%dma_start3A_322] : memref<10240xf32, #tpu.memory_space<hbm>> -> memref<10240xf32, #tpu.memory_space<hbm>>
        tpu.enqueue_indirect_dma source(%dma_start3A_323 : memref<10240xf32, #tpu.memory_space<hbm>>) target(%arg18 : memref<80xf32, #tpu.memory_space<vmem>>) offsets(%dma_start3A_321 : memref<80xi32, #tpu.memory_space<vmem>>) semaphore(%arg27 : memref<!tpu.dma_semaphore, #tpu.memory_space<semaphore_mem>>)
        %add3A_324 = arith.constant 1 : i32
        %add3A_325 = arith.addi %add3A_273, %add3A_324 : i32
        %add3A_326 = arith.constant 3 : i32
        %add3A_327 = arith.addi %add3A_273, %add3A_326 : i32
        %dma_wait3A_328 = arith.constant 0 : i32
        %dma_wait3A_329 = arith.constant 0 : i32
        %dma_wait3A_330 = tpu.memref_slice %arg12[%dma_wait3A_328, %dma_wait3A_329] : memref<25x80xi32, #tpu.memory_space<vmem>> -> memref<1x80xi32, #tpu.memory_space<vmem>>
        %dma_wait3A_331 = tpu.memref_squeeze %dma_wait3A_330 : memref<1x80xi32, #tpu.memory_space<vmem>> -> memref<80xi32, #tpu.memory_space<vmem>>
        %dma_wait3A_332 = arith.constant 0 : i32
        %dma_wait3A_333 = arith.constant 0 : i32
        %dma_wait3A_334 = tpu.memref_slice %arg2[%dma_wait3A_332, %dma_wait3A_333] : memref<10240x128xf32, #tpu.memory_space<hbm>> -> memref<10240x128xf32, #tpu.memory_space<hbm>>
        tpu.wait_indirect_dma semaphore(%arg20 : memref<!tpu.dma_semaphore, #tpu.memory_space<semaphore_mem>>) src(%dma_wait3A_334 : memref<10240x128xf32, #tpu.memory_space<hbm>>) dst(%arg14 : memref<80x128xf32, #tpu.memory_space<vmem>>)
        %dma_start3A_335 = arith.constant 0 : i32
        %dma_start3A_336 = tpu.memref_slice %arg13[%add3A_325, %dma_start3A_335] : memref<25x80xi32, #tpu.memory_space<vmem>> -> memref<1x80xi32, #tpu.memory_space<vmem>>
        %dma_start3A_337 = tpu.memref_squeeze %dma_start3A_336 : memref<1x80xi32, #tpu.memory_space<vmem>> -> memref<80xi32, #tpu.memory_space<vmem>>
        %dma_start3A_338 = arith.constant 0 : i32
        %dma_start3A_339 = arith.constant 0 : i32
        %dma_start3A_340 = tpu.memref_slice %arg10[%dma_start3A_338, %dma_start3A_339] : memref<10240x128xf32, #tpu.memory_space<vmem_shared>> -> memref<10240x128xf32, #tpu.memory_space<vmem_shared>>
        tpu.enqueue_indirect_dma source(%arg14 : memref<80x128xf32, #tpu.memory_space<vmem>>) target(%dma_start3A_340 : memref<10240x128xf32, #tpu.memory_space<vmem_shared>>) offsets(%dma_start3A_337 : memref<80xi32, #tpu.memory_space<vmem>>) semaphore(%arg23 : memref<!tpu.dma_semaphore, #tpu.memory_space<semaphore_mem>>) {add = true}
        %dma_wait3A_341 = arith.constant 0 : i32
        %dma_wait3A_342 = arith.constant 0 : i32
        %dma_wait3A_343 = tpu.memref_slice %arg13[%dma_wait3A_341, %dma_wait3A_342] : memref<25x80xi32, #tpu.memory_space<vmem>> -> memref<1x80xi32, #tpu.memory_space<vmem>>
        %dma_wait3A_344 = tpu.memref_squeeze %dma_wait3A_343 : memref<1x80xi32, #tpu.memory_space<vmem>> -> memref<80xi32, #tpu.memory_space<vmem>>
        %dma_wait3A_345 = arith.constant 0 : i32
        %dma_wait3A_346 = tpu.memref_slice %arg6[%dma_wait3A_345] : memref<10240xf32, #tpu.memory_space<hbm>> -> memref<10240xf32, #tpu.memory_space<hbm>>
        tpu.wait_indirect_dma semaphore(%arg26 : memref<!tpu.dma_semaphore, #tpu.memory_space<semaphore_mem>>) src(%dma_wait3A_346 : memref<10240xf32, #tpu.memory_space<hbm>>) dst(%arg17 : memref<80xf32, #tpu.memory_space<vmem>>)
        %dma_start3A_347 = arith.constant 0 : i32
        %dma_start3A_348 = tpu.memref_slice %arg12[%add3A_325, %dma_start3A_347] : memref<25x80xi32, #tpu.memory_space<vmem>> -> memref<1x80xi32, #tpu.memory_space<vmem>>
        %dma_start3A_349 = tpu.memref_squeeze %dma_start3A_348 : memref<1x80xi32, #tpu.memory_space<vmem>> -> memref<80xi32, #tpu.memory_space<vmem>>
        %dma_start3A_350 = arith.constant 0 : i32
        %dma_start3A_351 = tpu.memref_slice %arg11[%dma_start3A_350] : memref<10240xf32, #tpu.memory_space<vmem_shared>> -> memref<10240xf32, #tpu.memory_space<vmem_shared>>
        tpu.enqueue_indirect_dma source(%arg17 : memref<80xf32, #tpu.memory_space<vmem>>) target(%dma_start3A_351 : memref<10240xf32, #tpu.memory_space<vmem_shared>>) offsets(%dma_start3A_349 : memref<80xi32, #tpu.memory_space<vmem>>) semaphore(%arg29 : memref<!tpu.dma_semaphore, #tpu.memory_space<semaphore_mem>>) {add = true}
        %dma_wait3A_352 = arith.constant 0 : i32
        %dma_wait3A_353 = arith.constant 0 : i32
        %dma_wait3A_354 = tpu.memref_slice %arg13[%dma_wait3A_352, %dma_wait3A_353] : memref<25x80xi32, #tpu.memory_space<vmem>> -> memref<1x80xi32, #tpu.memory_space<vmem>>
        %dma_wait3A_355 = tpu.memref_squeeze %dma_wait3A_354 : memref<1x80xi32, #tpu.memory_space<vmem>> -> memref<80xi32, #tpu.memory_space<vmem>>
        %dma_wait3A_356 = arith.constant 0 : i32
        %dma_wait3A_357 = arith.constant 0 : i32
        %dma_wait3A_358 = tpu.memref_slice %arg10[%dma_wait3A_356, %dma_wait3A_357] : memref<10240x128xf32, #tpu.memory_space<vmem_shared>> -> memref<10240x128xf32, #tpu.memory_space<vmem_shared>>
        tpu.wait_indirect_dma semaphore(%arg25 : memref<!tpu.dma_semaphore, #tpu.memory_space<semaphore_mem>>) src(%arg16 : memref<80x128xf32, #tpu.memory_space<vmem>>) dst(%dma_wait3A_358 : memref<10240x128xf32, #tpu.memory_space<vmem_shared>>)
        %dma_wait3A_359 = arith.constant 0 : i32
        %dma_wait3A_360 = arith.constant 0 : i32
        %dma_wait3A_361 = tpu.memref_slice %arg12[%dma_wait3A_359, %dma_wait3A_360] : memref<25x80xi32, #tpu.memory_space<vmem>> -> memref<1x80xi32, #tpu.memory_space<vmem>>
        %dma_wait3A_362 = tpu.memref_squeeze %dma_wait3A_361 : memref<1x80xi32, #tpu.memory_space<vmem>> -> memref<80xi32, #tpu.memory_space<vmem>>
        %dma_wait3A_363 = arith.constant 0 : i32
        %dma_wait3A_364 = tpu.memref_slice %arg11[%dma_wait3A_363] : memref<10240xf32, #tpu.memory_space<vmem_shared>> -> memref<10240xf32, #tpu.memory_space<vmem_shared>>
        tpu.wait_indirect_dma semaphore(%arg31 : memref<!tpu.dma_semaphore, #tpu.memory_space<semaphore_mem>>) src(%arg19 : memref<80xf32, #tpu.memory_space<vmem>>) dst(%dma_wait3A_364 : memref<10240xf32, #tpu.memory_space<vmem_shared>>)
        %dma_start3A_365 = arith.constant 0 : i32
        %dma_start3A_366 = tpu.memref_slice %arg12[%add3A_327, %dma_start3A_365] : memref<25x80xi32, #tpu.memory_space<vmem>> -> memref<1x80xi32, #tpu.memory_space<vmem>>
        %dma_start3A_367 = tpu.memref_squeeze %dma_start3A_366 : memref<1x80xi32, #tpu.memory_space<vmem>> -> memref<80xi32, #tpu.memory_space<vmem>>
        %dma_start3A_368 = arith.constant 0 : i32
        %dma_start3A_369 = arith.constant 0 : i32
        %dma_start3A_370 = tpu.memref_slice %arg2[%dma_start3A_368, %dma_start3A_369] : memref<10240x128xf32, #tpu.memory_space<hbm>> -> memref<10240x128xf32, #tpu.memory_space<hbm>>
        tpu.enqueue_indirect_dma source(%dma_start3A_370 : memref<10240x128xf32, #tpu.memory_space<hbm>>) target(%arg16 : memref<80x128xf32, #tpu.memory_space<vmem>>) offsets(%dma_start3A_367 : memref<80xi32, #tpu.memory_space<vmem>>) semaphore(%arg22 : memref<!tpu.dma_semaphore, #tpu.memory_space<semaphore_mem>>)
        %dma_start3A_371 = arith.constant 0 : i32
        %dma_start3A_372 = tpu.memref_slice %arg13[%add3A_327, %dma_start3A_371] : memref<25x80xi32, #tpu.memory_space<vmem>> -> memref<1x80xi32, #tpu.memory_space<vmem>>
        %dma_start3A_373 = tpu.memref_squeeze %dma_start3A_372 : memref<1x80xi32, #tpu.memory_space<vmem>> -> memref<80xi32, #tpu.memory_space<vmem>>
        %dma_start3A_374 = arith.constant 0 : i32
        %dma_start3A_375 = tpu.memref_slice %arg6[%dma_start3A_374] : memref<10240xf32, #tpu.memory_space<hbm>> -> memref<10240xf32, #tpu.memory_space<hbm>>
        tpu.enqueue_indirect_dma source(%dma_start3A_375 : memref<10240xf32, #tpu.memory_space<hbm>>) target(%arg19 : memref<80xf32, #tpu.memory_space<vmem>>) offsets(%dma_start3A_373 : memref<80xi32, #tpu.memory_space<vmem>>) semaphore(%arg28 : memref<!tpu.dma_semaphore, #tpu.memory_space<semaphore_mem>>)
        %add3A_376 = arith.constant 2 : i32
        %add3A_377 = arith.addi %add3A_273, %add3A_376 : i32
        %add3A_378 = arith.constant 4 : i32
        %add3A_379 = arith.addi %add3A_273, %add3A_378 : i32
        %dma_wait3A_380 = arith.constant 0 : i32
        %dma_wait3A_381 = arith.constant 0 : i32
        %dma_wait3A_382 = tpu.memref_slice %arg12[%dma_wait3A_380, %dma_wait3A_381] : memref<25x80xi32, #tpu.memory_space<vmem>> -> memref<1x80xi32, #tpu.memory_space<vmem>>
        %dma_wait3A_383 = tpu.memref_squeeze %dma_wait3A_382 : memref<1x80xi32, #tpu.memory_space<vmem>> -> memref<80xi32, #tpu.memory_space<vmem>>
        %dma_wait3A_384 = arith.constant 0 : i32
        %dma_wait3A_385 = arith.constant 0 : i32
        %dma_wait3A_386 = tpu.memref_slice %arg2[%dma_wait3A_384, %dma_wait3A_385] : memref<10240x128xf32, #tpu.memory_space<hbm>> -> memref<10240x128xf32, #tpu.memory_space<hbm>>
        tpu.wait_indirect_dma semaphore(%arg21 : memref<!tpu.dma_semaphore, #tpu.memory_space<semaphore_mem>>) src(%dma_wait3A_386 : memref<10240x128xf32, #tpu.memory_space<hbm>>) dst(%arg15 : memref<80x128xf32, #tpu.memory_space<vmem>>)
        %dma_start3A_387 = arith.constant 0 : i32
        %dma_start3A_388 = tpu.memref_slice %arg13[%add3A_377, %dma_start3A_387] : memref<25x80xi32, #tpu.memory_space<vmem>> -> memref<1x80xi32, #tpu.memory_space<vmem>>
        %dma_start3A_389 = tpu.memref_squeeze %dma_start3A_388 : memref<1x80xi32, #tpu.memory_space<vmem>> -> memref<80xi32, #tpu.memory_space<vmem>>
        %dma_start3A_390 = arith.constant 0 : i32
        %dma_start3A_391 = arith.constant 0 : i32
        %dma_start3A_392 = tpu.memref_slice %arg10[%dma_start3A_390, %dma_start3A_391] : memref<10240x128xf32, #tpu.memory_space<vmem_shared>> -> memref<10240x128xf32, #tpu.memory_space<vmem_shared>>
        tpu.enqueue_indirect_dma source(%arg15 : memref<80x128xf32, #tpu.memory_space<vmem>>) target(%dma_start3A_392 : memref<10240x128xf32, #tpu.memory_space<vmem_shared>>) offsets(%dma_start3A_389 : memref<80xi32, #tpu.memory_space<vmem>>) semaphore(%arg24 : memref<!tpu.dma_semaphore, #tpu.memory_space<semaphore_mem>>) {add = true}
        %dma_wait3A_393 = arith.constant 0 : i32
        %dma_wait3A_394 = arith.constant 0 : i32
        %dma_wait3A_395 = tpu.memref_slice %arg13[%dma_wait3A_393, %dma_wait3A_394] : memref<25x80xi32, #tpu.memory_space<vmem>> -> memref<1x80xi32, #tpu.memory_space<vmem>>
        %dma_wait3A_396 = tpu.memref_squeeze %dma_wait3A_395 : memref<1x80xi32, #tpu.memory_space<vmem>> -> memref<80xi32, #tpu.memory_space<vmem>>
        %dma_wait3A_397 = arith.constant 0 : i32
        %dma_wait3A_398 = tpu.memref_slice %arg6[%dma_wait3A_397] : memref<10240xf32, #tpu.memory_space<hbm>> -> memref<10240xf32, #tpu.memory_space<hbm>>
        tpu.wait_indirect_dma semaphore(%arg27 : memref<!tpu.dma_semaphore, #tpu.memory_space<semaphore_mem>>) src(%dma_wait3A_398 : memref<10240xf32, #tpu.memory_space<hbm>>) dst(%arg18 : memref<80xf32, #tpu.memory_space<vmem>>)
        %dma_start3A_399 = arith.constant 0 : i32
        %dma_start3A_400 = tpu.memref_slice %arg12[%add3A_377, %dma_start3A_399] : memref<25x80xi32, #tpu.memory_space<vmem>> -> memref<1x80xi32, #tpu.memory_space<vmem>>
        %dma_start3A_401 = tpu.memref_squeeze %dma_start3A_400 : memref<1x80xi32, #tpu.memory_space<vmem>> -> memref<80xi32, #tpu.memory_space<vmem>>
        %dma_start3A_402 = arith.constant 0 : i32
        %dma_start3A_403 = tpu.memref_slice %arg11[%dma_start3A_402] : memref<10240xf32, #tpu.memory_space<vmem_shared>> -> memref<10240xf32, #tpu.memory_space<vmem_shared>>
        tpu.enqueue_indirect_dma source(%arg18 : memref<80xf32, #tpu.memory_space<vmem>>) target(%dma_start3A_403 : memref<10240xf32, #tpu.memory_space<vmem_shared>>) offsets(%dma_start3A_401 : memref<80xi32, #tpu.memory_space<vmem>>) semaphore(%arg30 : memref<!tpu.dma_semaphore, #tpu.memory_space<semaphore_mem>>) {add = true}
        %dma_wait3A_404 = arith.constant 0 : i32
        %dma_wait3A_405 = arith.constant 0 : i32
        %dma_wait3A_406 = tpu.memref_slice %arg13[%dma_wait3A_404, %dma_wait3A_405] : memref<25x80xi32, #tpu.memory_space<vmem>> -> memref<1x80xi32, #tpu.memory_space<vmem>>
        %dma_wait3A_407 = tpu.memref_squeeze %dma_wait3A_406 : memref<1x80xi32, #tpu.memory_space<vmem>> -> memref<80xi32, #tpu.memory_space<vmem>>
        %dma_wait3A_408 = arith.constant 0 : i32
        %dma_wait3A_409 = arith.constant 0 : i32
        %dma_wait3A_410 = tpu.memref_slice %arg10[%dma_wait3A_408, %dma_wait3A_409] : memref<10240x128xf32, #tpu.memory_space<vmem_shared>> -> memref<10240x128xf32, #tpu.memory_space<vmem_shared>>
        tpu.wait_indirect_dma semaphore(%arg23 : memref<!tpu.dma_semaphore, #tpu.memory_space<semaphore_mem>>) src(%arg14 : memref<80x128xf32, #tpu.memory_space<vmem>>) dst(%dma_wait3A_410 : memref<10240x128xf32, #tpu.memory_space<vmem_shared>>)
        %dma_wait3A_411 = arith.constant 0 : i32
        %dma_wait3A_412 = arith.constant 0 : i32
        %dma_wait3A_413 = tpu.memref_slice %arg12[%dma_wait3A_411, %dma_wait3A_412] : memref<25x80xi32, #tpu.memory_space<vmem>> -> memref<1x80xi32, #tpu.memory_space<vmem>>
        %dma_wait3A_414 = tpu.memref_squeeze %dma_wait3A_413 : memref<1x80xi32, #tpu.memory_space<vmem>> -> memref<80xi32, #tpu.memory_space<vmem>>
        %dma_wait3A_415 = arith.constant 0 : i32
        %dma_wait3A_416 = tpu.memref_slice %arg11[%dma_wait3A_415] : memref<10240xf32, #tpu.memory_space<vmem_shared>> -> memref<10240xf32, #tpu.memory_space<vmem_shared>>
        tpu.wait_indirect_dma semaphore(%arg29 : memref<!tpu.dma_semaphore, #tpu.memory_space<semaphore_mem>>) src(%arg17 : memref<80xf32, #tpu.memory_space<vmem>>) dst(%dma_wait3A_416 : memref<10240xf32, #tpu.memory_space<vmem_shared>>)
        %dma_start3A_417 = arith.constant 0 : i32
        %dma_start3A_418 = tpu.memref_slice %arg12[%add3A_379, %dma_start3A_417] : memref<25x80xi32, #tpu.memory_space<vmem>> -> memref<1x80xi32, #tpu.memory_space<vmem>>
        %dma_start3A_419 = tpu.memref_squeeze %dma_start3A_418 : memref<1x80xi32, #tpu.memory_space<vmem>> -> memref<80xi32, #tpu.memory_space<vmem>>
        %dma_start3A_420 = arith.constant 0 : i32
        %dma_start3A_421 = arith.constant 0 : i32
        %dma_start3A_422 = tpu.memref_slice %arg2[%dma_start3A_420, %dma_start3A_421] : memref<10240x128xf32, #tpu.memory_space<hbm>> -> memref<10240x128xf32, #tpu.memory_space<hbm>>
        tpu.enqueue_indirect_dma source(%dma_start3A_422 : memref<10240x128xf32, #tpu.memory_space<hbm>>) target(%arg14 : memref<80x128xf32, #tpu.memory_space<vmem>>) offsets(%dma_start3A_419 : memref<80xi32, #tpu.memory_space<vmem>>) semaphore(%arg20 : memref<!tpu.dma_semaphore, #tpu.memory_space<semaphore_mem>>)
        %dma_start3A_423 = arith.constant 0 : i32
        %dma_start3A_424 = tpu.memref_slice %arg13[%add3A_379, %dma_start3A_423] : memref<25x80xi32, #tpu.memory_space<vmem>> -> memref<1x80xi32, #tpu.memory_space<vmem>>
        %dma_start3A_425 = tpu.memref_squeeze %dma_start3A_424 : memref<1x80xi32, #tpu.memory_space<vmem>> -> memref<80xi32, #tpu.memory_space<vmem>>
        %dma_start3A_426 = arith.constant 0 : i32
        %dma_start3A_427 = tpu.memref_slice %arg6[%dma_start3A_426] : memref<10240xf32, #tpu.memory_space<hbm>> -> memref<10240xf32, #tpu.memory_space<hbm>>
        tpu.enqueue_indirect_dma source(%dma_start3A_427 : memref<10240xf32, #tpu.memory_space<hbm>>) target(%arg17 : memref<80xf32, #tpu.memory_space<vmem>>) offsets(%dma_start3A_425 : memref<80xi32, #tpu.memory_space<vmem>>) semaphore(%arg26 : memref<!tpu.dma_semaphore, #tpu.memory_space<semaphore_mem>>)
      }
      %scan3A_173 = arith.constant 7 : i32
      %dma_wait3A_174 = arith.constant 0 : i32
      %dma_wait3A_175 = arith.constant 0 : i32
      %dma_wait3A_176 = tpu.memref_slice %arg12[%dma_wait3A_174, %dma_wait3A_175] : memref<25x80xi32, #tpu.memory_space<vmem>> -> memref<1x80xi32, #tpu.memory_space<vmem>>
      %dma_wait3A_177 = tpu.memref_squeeze %dma_wait3A_176 : memref<1x80xi32, #tpu.memory_space<vmem>> -> memref<80xi32, #tpu.memory_space<vmem>>
      %dma_wait3A_178 = arith.constant 0 : i32
      %dma_wait3A_179 = arith.constant 0 : i32
      %dma_wait3A_180 = tpu.memref_slice %arg2[%dma_wait3A_178, %dma_wait3A_179] : memref<10240x128xf32, #tpu.memory_space<hbm>> -> memref<10240x128xf32, #tpu.memory_space<hbm>>
      tpu.wait_indirect_dma semaphore(%arg22 : memref<!tpu.dma_semaphore, #tpu.memory_space<semaphore_mem>>) src(%dma_wait3A_180 : memref<10240x128xf32, #tpu.memory_space<hbm>>) dst(%arg16 : memref<80x128xf32, #tpu.memory_space<vmem>>)
      %dma_start3A_181 = arith.constant 23 : i32
      %dma_start3A_182 = arith.constant 0 : i32
      %dma_start3A_183 = tpu.memref_slice %arg13[%dma_start3A_181, %dma_start3A_182] : memref<25x80xi32, #tpu.memory_space<vmem>> -> memref<1x80xi32, #tpu.memory_space<vmem>>
      %dma_start3A_184 = tpu.memref_squeeze %dma_start3A_183 : memref<1x80xi32, #tpu.memory_space<vmem>> -> memref<80xi32, #tpu.memory_space<vmem>>
      %dma_start3A_185 = arith.constant 0 : i32
      %dma_start3A_186 = arith.constant 0 : i32
      %dma_start3A_187 = tpu.memref_slice %arg10[%dma_start3A_185, %dma_start3A_186] : memref<10240x128xf32, #tpu.memory_space<vmem_shared>> -> memref<10240x128xf32, #tpu.memory_space<vmem_shared>>
      tpu.enqueue_indirect_dma source(%arg16 : memref<80x128xf32, #tpu.memory_space<vmem>>) target(%dma_start3A_187 : memref<10240x128xf32, #tpu.memory_space<vmem_shared>>) offsets(%dma_start3A_184 : memref<80xi32, #tpu.memory_space<vmem>>) semaphore(%arg25 : memref<!tpu.dma_semaphore, #tpu.memory_space<semaphore_mem>>) {add = true}
      %dma_wait3A_188 = arith.constant 0 : i32
      %dma_wait3A_189 = arith.constant 0 : i32
      %dma_wait3A_190 = tpu.memref_slice %arg13[%dma_wait3A_188, %dma_wait3A_189] : memref<25x80xi32, #tpu.memory_space<vmem>> -> memref<1x80xi32, #tpu.memory_space<vmem>>
      %dma_wait3A_191 = tpu.memref_squeeze %dma_wait3A_190 : memref<1x80xi32, #tpu.memory_space<vmem>> -> memref<80xi32, #tpu.memory_space<vmem>>
      %dma_wait3A_192 = arith.constant 0 : i32
      %dma_wait3A_193 = tpu.memref_slice %arg6[%dma_wait3A_192] : memref<10240xf32, #tpu.memory_space<hbm>> -> memref<10240xf32, #tpu.memory_space<hbm>>
      tpu.wait_indirect_dma semaphore(%arg28 : memref<!tpu.dma_semaphore, #tpu.memory_space<semaphore_mem>>) src(%dma_wait3A_193 : memref<10240xf32, #tpu.memory_space<hbm>>) dst(%arg19 : memref<80xf32, #tpu.memory_space<vmem>>)
      %dma_start3A_194 = arith.constant 23 : i32
      %dma_start3A_195 = arith.constant 0 : i32
      %dma_start3A_196 = tpu.memref_slice %arg12[%dma_start3A_194, %dma_start3A_195] : memref<25x80xi32, #tpu.memory_space<vmem>> -> memref<1x80xi32, #tpu.memory_space<vmem>>
      %dma_start3A_197 = tpu.memref_squeeze %dma_start3A_196 : memref<1x80xi32, #tpu.memory_space<vmem>> -> memref<80xi32, #tpu.memory_space<vmem>>
      %dma_start3A_198 = arith.constant 0 : i32
      %dma_start3A_199 = tpu.memref_slice %arg11[%dma_start3A_198] : memref<10240xf32, #tpu.memory_space<vmem_shared>> -> memref<10240xf32, #tpu.memory_space<vmem_shared>>
      tpu.enqueue_indirect_dma source(%arg19 : memref<80xf32, #tpu.memory_space<vmem>>) target(%dma_start3A_199 : memref<10240xf32, #tpu.memory_space<vmem_shared>>) offsets(%dma_start3A_197 : memref<80xi32, #tpu.memory_space<vmem>>) semaphore(%arg31 : memref<!tpu.dma_semaphore, #tpu.memory_space<semaphore_mem>>) {add = true}
      %dma_wait3A_200 = arith.constant 0 : i32
      %dma_wait3A_201 = arith.constant 0 : i32
      %dma_wait3A_202 = tpu.memref_slice %arg12[%dma_wait3A_200, %dma_wait3A_201] : memref<25x80xi32, #tpu.memory_space<vmem>> -> memref<1x80xi32, #tpu.memory_space<vmem>>
      %dma_wait3A_203 = tpu.memref_squeeze %dma_wait3A_202 : memref<1x80xi32, #tpu.memory_space<vmem>> -> memref<80xi32, #tpu.memory_space<vmem>>
      %dma_wait3A_204 = arith.constant 0 : i32
      %dma_wait3A_205 = arith.constant 0 : i32
      %dma_wait3A_206 = tpu.memref_slice %arg2[%dma_wait3A_204, %dma_wait3A_205] : memref<10240x128xf32, #tpu.memory_space<hbm>> -> memref<10240x128xf32, #tpu.memory_space<hbm>>
      tpu.wait_indirect_dma semaphore(%arg20 : memref<!tpu.dma_semaphore, #tpu.memory_space<semaphore_mem>>) src(%dma_wait3A_206 : memref<10240x128xf32, #tpu.memory_space<hbm>>) dst(%arg14 : memref<80x128xf32, #tpu.memory_space<vmem>>)
      %dma_start3A_207 = arith.constant 24 : i32
      %dma_start3A_208 = arith.constant 0 : i32
      %dma_start3A_209 = tpu.memref_slice %arg13[%dma_start3A_207, %dma_start3A_208] : memref<25x80xi32, #tpu.memory_space<vmem>> -> memref<1x80xi32, #tpu.memory_space<vmem>>
      %dma_start3A_210 = tpu.memref_squeeze %dma_start3A_209 : memref<1x80xi32, #tpu.memory_space<vmem>> -> memref<80xi32, #tpu.memory_space<vmem>>
      %dma_start3A_211 = arith.constant 0 : i32
      %dma_start3A_212 = arith.constant 0 : i32
      %dma_start3A_213 = tpu.memref_slice %arg10[%dma_start3A_211, %dma_start3A_212] : memref<10240x128xf32, #tpu.memory_space<vmem_shared>> -> memref<10240x128xf32, #tpu.memory_space<vmem_shared>>
      tpu.enqueue_indirect_dma source(%arg14 : memref<80x128xf32, #tpu.memory_space<vmem>>) target(%dma_start3A_213 : memref<10240x128xf32, #tpu.memory_space<vmem_shared>>) offsets(%dma_start3A_210 : memref<80xi32, #tpu.memory_space<vmem>>) semaphore(%arg23 : memref<!tpu.dma_semaphore, #tpu.memory_space<semaphore_mem>>) {add = true}
      %dma_wait3A_214 = arith.constant 0 : i32
      %dma_wait3A_215 = arith.constant 0 : i32
      %dma_wait3A_216 = tpu.memref_slice %arg13[%dma_wait3A_214, %dma_wait3A_215] : memref<25x80xi32, #tpu.memory_space<vmem>> -> memref<1x80xi32, #tpu.memory_space<vmem>>
      %dma_wait3A_217 = tpu.memref_squeeze %dma_wait3A_216 : memref<1x80xi32, #tpu.memory_space<vmem>> -> memref<80xi32, #tpu.memory_space<vmem>>
      %dma_wait3A_218 = arith.constant 0 : i32
      %dma_wait3A_219 = tpu.memref_slice %arg6[%dma_wait3A_218] : memref<10240xf32, #tpu.memory_space<hbm>> -> memref<10240xf32, #tpu.memory_space<hbm>>
      tpu.wait_indirect_dma semaphore(%arg26 : memref<!tpu.dma_semaphore, #tpu.memory_space<semaphore_mem>>) src(%dma_wait3A_219 : memref<10240xf32, #tpu.memory_space<hbm>>) dst(%arg17 : memref<80xf32, #tpu.memory_space<vmem>>)
      %dma_start3A_220 = arith.constant 24 : i32
      %dma_start3A_221 = arith.constant 0 : i32
      %dma_start3A_222 = tpu.memref_slice %arg12[%dma_start3A_220, %dma_start3A_221] : memref<25x80xi32, #tpu.memory_space<vmem>> -> memref<1x80xi32, #tpu.memory_space<vmem>>
      %dma_start3A_223 = tpu.memref_squeeze %dma_start3A_222 : memref<1x80xi32, #tpu.memory_space<vmem>> -> memref<80xi32, #tpu.memory_space<vmem>>
      %dma_start3A_224 = arith.constant 0 : i32
      %dma_start3A_225 = tpu.memref_slice %arg11[%dma_start3A_224] : memref<10240xf32, #tpu.memory_space<vmem_shared>> -> memref<10240xf32, #tpu.memory_space<vmem_shared>>
      tpu.enqueue_indirect_dma source(%arg17 : memref<80xf32, #tpu.memory_space<vmem>>) target(%dma_start3A_225 : memref<10240xf32, #tpu.memory_space<vmem_shared>>) offsets(%dma_start3A_223 : memref<80xi32, #tpu.memory_space<vmem>>) semaphore(%arg29 : memref<!tpu.dma_semaphore, #tpu.memory_space<semaphore_mem>>) {add = true}
      %dma_wait3A_226 = arith.constant 0 : i32
      %dma_wait3A_227 = arith.constant 0 : i32
      %dma_wait3A_228 = tpu.memref_slice %arg13[%dma_wait3A_226, %dma_wait3A_227] : memref<25x80xi32, #tpu.memory_space<vmem>> -> memref<1x80xi32, #tpu.memory_space<vmem>>
      %dma_wait3A_229 = tpu.memref_squeeze %dma_wait3A_228 : memref<1x80xi32, #tpu.memory_space<vmem>> -> memref<80xi32, #tpu.memory_space<vmem>>
      %dma_wait3A_230 = arith.constant 0 : i32
      %dma_wait3A_231 = arith.constant 0 : i32
      %dma_wait3A_232 = tpu.memref_slice %arg10[%dma_wait3A_230, %dma_wait3A_231] : memref<10240x128xf32, #tpu.memory_space<vmem_shared>> -> memref<10240x128xf32, #tpu.memory_space<vmem_shared>>
      tpu.wait_indirect_dma semaphore(%arg23 : memref<!tpu.dma_semaphore, #tpu.memory_space<semaphore_mem>>) src(%arg14 : memref<80x128xf32, #tpu.memory_space<vmem>>) dst(%dma_wait3A_232 : memref<10240x128xf32, #tpu.memory_space<vmem_shared>>)
      %dma_wait3A_233 = arith.constant 0 : i32
      %dma_wait3A_234 = arith.constant 0 : i32
      %dma_wait3A_235 = tpu.memref_slice %arg12[%dma_wait3A_233, %dma_wait3A_234] : memref<25x80xi32, #tpu.memory_space<vmem>> -> memref<1x80xi32, #tpu.memory_space<vmem>>
      %dma_wait3A_236 = tpu.memref_squeeze %dma_wait3A_235 : memref<1x80xi32, #tpu.memory_space<vmem>> -> memref<80xi32, #tpu.memory_space<vmem>>
      %dma_wait3A_237 = arith.constant 0 : i32
      %dma_wait3A_238 = tpu.memref_slice %arg11[%dma_wait3A_237] : memref<10240xf32, #tpu.memory_space<vmem_shared>> -> memref<10240xf32, #tpu.memory_space<vmem_shared>>
      tpu.wait_indirect_dma semaphore(%arg29 : memref<!tpu.dma_semaphore, #tpu.memory_space<semaphore_mem>>) src(%arg17 : memref<80xf32, #tpu.memory_space<vmem>>) dst(%dma_wait3A_238 : memref<10240xf32, #tpu.memory_space<vmem_shared>>)
      %dma_wait3A_239 = arith.constant 0 : i32
      %dma_wait3A_240 = arith.constant 0 : i32
      %dma_wait3A_241 = tpu.memref_slice %arg13[%dma_wait3A_239, %dma_wait3A_240] : memref<25x80xi32, #tpu.memory_space<vmem>> -> memref<1x80xi32, #tpu.memory_space<vmem>>
      %dma_wait3A_242 = tpu.memref_squeeze %dma_wait3A_241 : memref<1x80xi32, #tpu.memory_space<vmem>> -> memref<80xi32, #tpu.memory_space<vmem>>
      %dma_wait3A_243 = arith.constant 0 : i32
      %dma_wait3A_244 = arith.constant 0 : i32
      %dma_wait3A_245 = tpu.memref_slice %arg10[%dma_wait3A_243, %dma_wait3A_244] : memref<10240x128xf32, #tpu.memory_space<vmem_shared>> -> memref<10240x128xf32, #tpu.memory_space<vmem_shared>>
      tpu.wait_indirect_dma semaphore(%arg24 : memref<!tpu.dma_semaphore, #tpu.memory_space<semaphore_mem>>) src(%arg15 : memref<80x128xf32, #tpu.memory_space<vmem>>) dst(%dma_wait3A_245 : memref<10240x128xf32, #tpu.memory_space<vmem_shared>>)
      %dma_wait3A_246 = arith.constant 0 : i32
      %dma_wait3A_247 = arith.constant 0 : i32
      %dma_wait3A_248 = tpu.memref_slice %arg12[%dma_wait3A_246, %dma_wait3A_247] : memref<25x80xi32, #tpu.memory_space<vmem>> -> memref<1x80xi32, #tpu.memory_space<vmem>>
      %dma_wait3A_249 = tpu.memref_squeeze %dma_wait3A_248 : memref<1x80xi32, #tpu.memory_space<vmem>> -> memref<80xi32, #tpu.memory_space<vmem>>
      %dma_wait3A_250 = arith.constant 0 : i32
      %dma_wait3A_251 = tpu.memref_slice %arg11[%dma_wait3A_250] : memref<10240xf32, #tpu.memory_space<vmem_shared>> -> memref<10240xf32, #tpu.memory_space<vmem_shared>>
      tpu.wait_indirect_dma semaphore(%arg30 : memref<!tpu.dma_semaphore, #tpu.memory_space<semaphore_mem>>) src(%arg18 : memref<80xf32, #tpu.memory_space<vmem>>) dst(%dma_wait3A_251 : memref<10240xf32, #tpu.memory_space<vmem_shared>>)
      %dma_wait3A_252 = arith.constant 0 : i32
      %dma_wait3A_253 = arith.constant 0 : i32
      %dma_wait3A_254 = tpu.memref_slice %arg13[%dma_wait3A_252, %dma_wait3A_253] : memref<25x80xi32, #tpu.memory_space<vmem>> -> memref<1x80xi32, #tpu.memory_space<vmem>>
      %dma_wait3A_255 = tpu.memref_squeeze %dma_wait3A_254 : memref<1x80xi32, #tpu.memory_space<vmem>> -> memref<80xi32, #tpu.memory_space<vmem>>
      %dma_wait3A_256 = arith.constant 0 : i32
      %dma_wait3A_257 = arith.constant 0 : i32
      %dma_wait3A_258 = tpu.memref_slice %arg10[%dma_wait3A_256, %dma_wait3A_257] : memref<10240x128xf32, #tpu.memory_space<vmem_shared>> -> memref<10240x128xf32, #tpu.memory_space<vmem_shared>>
      tpu.wait_indirect_dma semaphore(%arg25 : memref<!tpu.dma_semaphore, #tpu.memory_space<semaphore_mem>>) src(%arg16 : memref<80x128xf32, #tpu.memory_space<vmem>>) dst(%dma_wait3A_258 : memref<10240x128xf32, #tpu.memory_space<vmem_shared>>)
      %dma_wait3A_259 = arith.constant 0 : i32
      %dma_wait3A_260 = arith.constant 0 : i32
      %dma_wait3A_261 = tpu.memref_slice %arg12[%dma_wait3A_259, %dma_wait3A_260] : memref<25x80xi32, #tpu.memory_space<vmem>> -> memref<1x80xi32, #tpu.memory_space<vmem>>
      %dma_wait3A_262 = tpu.memref_squeeze %dma_wait3A_261 : memref<1x80xi32, #tpu.memory_space<vmem>> -> memref<80xi32, #tpu.memory_space<vmem>>
      %dma_wait3A_263 = arith.constant 0 : i32
      %dma_wait3A_264 = tpu.memref_slice %arg11[%dma_wait3A_263] : memref<10240xf32, #tpu.memory_space<vmem_shared>> -> memref<10240xf32, #tpu.memory_space<vmem_shared>>
      tpu.wait_indirect_dma semaphore(%arg31 : memref<!tpu.dma_semaphore, #tpu.memory_space<semaphore_mem>>) src(%arg19 : memref<80xf32, #tpu.memory_space<vmem>>) dst(%dma_wait3A_264 : memref<10240xf32, #tpu.memory_space<vmem_shared>>)
    }
    %scan3A_37 = arith.constant 5 : i32
    %barrier3A_38 = arith.constant 0 : index
    tpu.barrier barrier_id(%barrier3A_38)
    %eq3A_39 = arith.constant 0 : i32
    %eq3A_40 = arith.cmpi eq, %arg0, %eq3A_39 : i32
    %convert_element_type3A_41 = arith.extui %eq3A_40 : i1 to i32
    %cond3A_42 = arith.constant 0 : i32
    %cond3A_43 = arith.cmpi ne, %convert_element_type3A_41, %cond3A_42 : i32
    scf.if %cond3A_43 {
      "tpu.region"() ({
        %run_scoped3A = tpu.sem_alloc : memref<!tpu.dma_semaphore, #tpu.memory_space<semaphore_mem>>
        %dma_start3A = arith.constant 0 : i32
        %dma_start3A_49 = tpu.memref_slice %arg7[%mul3A_2, %dma_start3A] : memref<10240x128xf32, #tpu.memory_space<hbm>> -> memref<640x128xf32, #tpu.memory_space<hbm>>
        %dma_start3A_50 = arith.constant 0 : i32
        %dma_start3A_51 = tpu.memref_slice %arg10[%mul3A_2, %dma_start3A_50] : memref<10240x128xf32, #tpu.memory_space<vmem_shared>> -> memref<640x128xf32, #tpu.memory_space<vmem_shared>>
        tpu.enqueue_dma source(%dma_start3A_51 : memref<640x128xf32, #tpu.memory_space<vmem_shared>>) target(%dma_start3A_49 : memref<640x128xf32, #tpu.memory_space<hbm>>) target_semaphore(%run_scoped3A : memref<!tpu.dma_semaphore, #tpu.memory_space<semaphore_mem>>)
        %dma_wait3A = arith.constant 0 : i32
        %dma_wait3A_52 = tpu.memref_slice %arg7[%mul3A_2, %dma_wait3A] : memref<10240x128xf32, #tpu.memory_space<hbm>> -> memref<640x128xf32, #tpu.memory_space<hbm>>
        %dma_wait3A_53 = arith.constant 0 : i32
        %dma_wait3A_54 = tpu.memref_slice %arg10[%mul3A_2, %dma_wait3A_53] : memref<10240x128xf32, #tpu.memory_space<vmem_shared>> -> memref<640x128xf32, #tpu.memory_space<vmem_shared>>
        tpu.wait_dma2 semaphore(%run_scoped3A : memref<!tpu.dma_semaphore, #tpu.memory_space<semaphore_mem>>) src(%dma_wait3A_54 : memref<640x128xf32, #tpu.memory_space<vmem_shared>>) dst(%dma_wait3A_52 : memref<640x128xf32, #tpu.memory_space<hbm>>)
        tpu.yield
      }) : () -> ()
    } else {
    }
    %eq3A_44 = arith.constant 1 : i32
    %eq3A_45 = arith.cmpi eq, %arg0, %eq3A_44 : i32
    %convert_element_type3A_46 = arith.extui %eq3A_45 : i1 to i32
    %cond3A_47 = arith.constant 0 : i32
    %cond3A_48 = arith.cmpi ne, %convert_element_type3A_46, %cond3A_47 : i32
    scf.if %cond3A_48 {
      "tpu.region"() ({
        %run_scoped3A = tpu.sem_alloc : memref<!tpu.dma_semaphore, #tpu.memory_space<semaphore_mem>>
        %dma_start3A = arith.constant 0 : i32
        %dma_start3A_49 = tpu.memref_slice %arg8[%mul3A_2, %dma_start3A] : memref<10240x128xf32, #tpu.memory_space<hbm>> -> memref<640x128xf32, #tpu.memory_space<hbm>>
        %dma_start3A_50 = arith.constant 0 : i32
        %dma_start3A_51 = tpu.memref_slice %arg10[%mul3A_2, %dma_start3A_50] : memref<10240x128xf32, #tpu.memory_space<vmem_shared>> -> memref<640x128xf32, #tpu.memory_space<vmem_shared>>
        tpu.enqueue_dma source(%dma_start3A_51 : memref<640x128xf32, #tpu.memory_space<vmem_shared>>) target(%dma_start3A_49 : memref<640x128xf32, #tpu.memory_space<hbm>>) target_semaphore(%run_scoped3A : memref<!tpu.dma_semaphore, #tpu.memory_space<semaphore_mem>>)
        %dma_wait3A = arith.constant 0 : i32
        %dma_wait3A_52 = tpu.memref_slice %arg8[%mul3A_2, %dma_wait3A] : memref<10240x128xf32, #tpu.memory_space<hbm>> -> memref<640x128xf32, #tpu.memory_space<hbm>>
        %dma_wait3A_53 = arith.constant 0 : i32
        %dma_wait3A_54 = tpu.memref_slice %arg10[%mul3A_2, %dma_wait3A_53] : memref<10240x128xf32, #tpu.memory_space<vmem_shared>> -> memref<640x128xf32, #tpu.memory_space<vmem_shared>>
        tpu.wait_dma2 semaphore(%run_scoped3A : memref<!tpu.dma_semaphore, #tpu.memory_space<semaphore_mem>>) src(%dma_wait3A_54 : memref<640x128xf32, #tpu.memory_space<vmem_shared>>) dst(%dma_wait3A_52 : memref<640x128xf32, #tpu.memory_space<hbm>>)
        tpu.yield
      }) : () -> ()
    } else {
    }
    "tpu.region"() ({
      %run_scoped3A = tpu.sem_alloc : memref<!tpu.dma_semaphore, #tpu.memory_space<semaphore_mem>>
      %dma_start3A = tpu.memref_slice %arg9[%arg0, %mul3A_4] : memref<2x10240xf32, #tpu.memory_space<hbm>> -> memref<1x640xf32, #tpu.memory_space<hbm>>
      %dma_start3A_49 = tpu.memref_squeeze %dma_start3A : memref<1x640xf32, #tpu.memory_space<hbm>> -> memref<640xf32, #tpu.memory_space<hbm>>
      %dma_start3A_50 = tpu.memref_slice %arg11[%mul3A_4] : memref<10240xf32, #tpu.memory_space<vmem_shared>> -> memref<640xf32, #tpu.memory_space<vmem_shared>>
      tpu.enqueue_dma source(%dma_start3A_50 : memref<640xf32, #tpu.memory_space<vmem_shared>>) target(%dma_start3A_49 : memref<640xf32, #tpu.memory_space<hbm>>) target_semaphore(%run_scoped3A : memref<!tpu.dma_semaphore, #tpu.memory_space<semaphore_mem>>)
      %dma_wait3A = tpu.memref_slice %arg9[%arg0, %mul3A_4] : memref<2x10240xf32, #tpu.memory_space<hbm>> -> memref<1x640xf32, #tpu.memory_space<hbm>>
      %dma_wait3A_51 = tpu.memref_squeeze %dma_wait3A : memref<1x640xf32, #tpu.memory_space<hbm>> -> memref<640xf32, #tpu.memory_space<hbm>>
      %dma_wait3A_52 = tpu.memref_slice %arg11[%mul3A_4] : memref<10240xf32, #tpu.memory_space<vmem_shared>> -> memref<640xf32, #tpu.memory_space<vmem_shared>>
      tpu.wait_dma2 semaphore(%run_scoped3A : memref<!tpu.dma_semaphore, #tpu.memory_space<semaphore_mem>>) src(%dma_wait3A_52 : memref<640xf32, #tpu.memory_space<vmem_shared>>) dst(%dma_wait3A_51 : memref<640xf32, #tpu.memory_space<hbm>>)
      tpu.yield
    }) : () -> ()
    return
  }
}

#map = affine_map<(d0, d1) -> (0, 0)>
#map1 = affine_map<(d0, d1) -> (0, 0, 0, 0)>
module attributes {stable_mosaic.version = 14 : i64} {
  func.func @body(%arg0: i32, %arg1: i32, %arg2: memref<10240x128xf32, #tpu.memory_space<hbm>>, %arg3: memref<32x5x25x80xi32, #tpu.memory_space<hbm>>, %arg4: memref<32x5x25x80xi32, #tpu.memory_space<hbm>>, %arg5: memref<640x128xf32, #tpu.memory_space<hbm>>, %arg6: memref<10240x128xf32, #tpu.memory_space<hbm>>, %arg7: memref<10240x128xf32, #tpu.memory_space<hbm>>, %arg8: memref<10240x128xf32, #tpu.memory_space<vmem_shared>>, %arg9: memref<25x80xi32, #tpu.memory_space<vmem>>, %arg10: memref<25x80xi32, #tpu.memory_space<vmem>>, %arg11: memref<80x128xf32, #tpu.memory_space<vmem>>, %arg12: memref<80x128xf32, #tpu.memory_space<vmem>>, %arg13: memref<80x128xf32, #tpu.memory_space<vmem>>, %arg14: memref<!tpu.dma_semaphore, #tpu.memory_space<semaphore_mem>>, %arg15: memref<!tpu.dma_semaphore, #tpu.memory_space<semaphore_mem>>, %arg16: memref<!tpu.dma_semaphore, #tpu.memory_space<semaphore_mem>>, %arg17: memref<!tpu.dma_semaphore, #tpu.memory_space<semaphore_mem>>, %arg18: memref<!tpu.dma_semaphore, #tpu.memory_space<semaphore_mem>>, %arg19: memref<!tpu.dma_semaphore, #tpu.memory_space<semaphore_mem>>) attributes {dimension_semantics = [#tpu.dimension_semantics<core_parallel>, #tpu.dimension_semantics<subcore_parallel>], iteration_bounds = array<i64: 2, 16>, scalar_prefetch = 0 : i64, scratch_operands = 12 : i64, tpu.core_type = #tpu.core_type<sc_vector_subcore>, window_params = [{transform_indices = #map}, {transform_indices = #map1}, {transform_indices = #map1}, {transform_indices = #map}, {transform_indices = #map}, {transform_indices = #map}]} {
    %mul3A = arith.constant 16 : i32
    %mul3A_0 = arith.muli %arg0, %mul3A : i32
    %add3A = arith.addi %mul3A_0, %arg1 : i32
    %mul3A_1 = arith.constant 640 : i32
    %mul3A_2 = arith.muli %arg1, %mul3A_1 : i32
    %mul3A_3 = arith.constant 640 : i32
    %mul3A_4 = arith.muli %arg1, %mul3A_3 : i32
    %eq3A = arith.constant 0 : i32
    %eq3A_5 = arith.cmpi eq, %arg0, %eq3A : i32
    %convert_element_type3A = arith.extui %eq3A_5 : i1 to i32
    %cond3A = arith.constant 0 : i32
    %cond3A_6 = arith.cmpi ne, %convert_element_type3A, %cond3A : i32
    scf.if %cond3A_6 {
      "tpu.region"() ({
        %run_scoped3A = tpu.sem_alloc : memref<!tpu.dma_semaphore, #tpu.memory_space<semaphore_mem>>
        %dma_start3A = arith.constant 0 : i32
        %dma_start3A_27 = tpu.memref_slice %arg8[%mul3A_2, %dma_start3A] : memref<10240x128xf32, #tpu.memory_space<vmem_shared>> -> memref<640x128xf32, #tpu.memory_space<vmem_shared>>
        %dma_start3A_28 = arith.constant 0 : i32
        %dma_start3A_29 = tpu.memref_slice %arg2[%mul3A_2, %dma_start3A_28] : memref<10240x128xf32, #tpu.memory_space<hbm>> -> memref<640x128xf32, #tpu.memory_space<hbm>>
        tpu.enqueue_dma source(%dma_start3A_29 : memref<640x128xf32, #tpu.memory_space<hbm>>) target(%dma_start3A_27 : memref<640x128xf32, #tpu.memory_space<vmem_shared>>) target_semaphore(%run_scoped3A : memref<!tpu.dma_semaphore, #tpu.memory_space<semaphore_mem>>)
        %dma_wait3A = arith.constant 0 : i32
        %dma_wait3A_30 = tpu.memref_slice %arg8[%mul3A_2, %dma_wait3A] : memref<10240x128xf32, #tpu.memory_space<vmem_shared>> -> memref<640x128xf32, #tpu.memory_space<vmem_shared>>
        %dma_wait3A_31 = arith.constant 0 : i32
        %dma_wait3A_32 = tpu.memref_slice %arg2[%mul3A_2, %dma_wait3A_31] : memref<10240x128xf32, #tpu.memory_space<hbm>> -> memref<640x128xf32, #tpu.memory_space<hbm>>
        tpu.wait_dma2 semaphore(%run_scoped3A : memref<!tpu.dma_semaphore, #tpu.memory_space<semaphore_mem>>) src(%dma_wait3A_32 : memref<640x128xf32, #tpu.memory_space<hbm>>) dst(%dma_wait3A_30 : memref<640x128xf32, #tpu.memory_space<vmem_shared>>)
        tpu.yield
      }) : () -> ()
    } else {
    }
    %eq3A_7 = arith.constant 1 : i32
    %eq3A_8 = arith.cmpi eq, %arg0, %eq3A_7 : i32
    %convert_element_type3A_9 = arith.extui %eq3A_8 : i1 to i32
    %cond3A_10 = arith.constant 0 : i32
    %cond3A_11 = arith.cmpi ne, %convert_element_type3A_9, %cond3A_10 : i32
    scf.if %cond3A_11 {
      "tpu.region"() ({
        %run_scoped3A = tpu.sem_alloc : memref<!tpu.dma_semaphore, #tpu.memory_space<semaphore_mem>>
        %dma_start3A = arith.constant 0 : i32
        %dma_start3A_27 = tpu.memref_slice %arg8[%mul3A_2, %dma_start3A] : memref<10240x128xf32, #tpu.memory_space<vmem_shared>> -> memref<640x128xf32, #tpu.memory_space<vmem_shared>>
        tpu.enqueue_dma source(%arg5 : memref<640x128xf32, #tpu.memory_space<hbm>>) target(%dma_start3A_27 : memref<640x128xf32, #tpu.memory_space<vmem_shared>>) target_semaphore(%run_scoped3A : memref<!tpu.dma_semaphore, #tpu.memory_space<semaphore_mem>>)
        %dma_wait3A = arith.constant 0 : i32
        %dma_wait3A_28 = tpu.memref_slice %arg8[%mul3A_2, %dma_wait3A] : memref<10240x128xf32, #tpu.memory_space<vmem_shared>> -> memref<640x128xf32, #tpu.memory_space<vmem_shared>>
        tpu.wait_dma2 semaphore(%run_scoped3A : memref<!tpu.dma_semaphore, #tpu.memory_space<semaphore_mem>>) src(%arg5 : memref<640x128xf32, #tpu.memory_space<hbm>>) dst(%dma_wait3A_28 : memref<640x128xf32, #tpu.memory_space<vmem_shared>>)
        tpu.yield
      }) : () -> ()
    } else {
    }
    %barrier3A = arith.constant 0 : index
    tpu.barrier barrier_id(%barrier3A)
    %scan3A = arith.constant 0 : i32
    %scan3A_12 = arith.constant 5 : i32
    %scan3A_13 = arith.addi %scan3A, %scan3A_12 : i32
    %scan3A_14 = arith.constant 1 : i32
    scf.for %scan3A_27 = %scan3A to %scan3A_13 step %scan3A_14  : i32 {
      %mul3A_28 = arith.constant 1 : i32
      %mul3A_29 = arith.muli %scan3A_27, %mul3A_28 : i32
      %add3A_30 = arith.constant 0 : i32
      %add3A_31 = arith.addi %add3A_30, %mul3A_29 : i32
      "tpu.region"() ({
        %run_scoped3A = tpu.sem_alloc : memref<!tpu.dma_semaphore, #tpu.memory_space<semaphore_mem>>
        %dma_start3A_147 = arith.constant 0 : i32
        %dma_start3A_148 = arith.constant 0 : i32
        %dma_start3A_149 = tpu.memref_slice %arg3[%add3A, %add3A_31, %dma_start3A_147, %dma_start3A_148] : memref<32x5x25x80xi32, #tpu.memory_space<hbm>> -> memref<1x1x25x80xi32, #tpu.memory_space<hbm>>
        %dma_start3A_150 = tpu.memref_squeeze %dma_start3A_149 : memref<1x1x25x80xi32, #tpu.memory_space<hbm>> -> memref<25x80xi32, #tpu.memory_space<hbm>>
        %dma_start3A_151 = arith.constant 0 : i32
        %dma_start3A_152 = arith.constant 0 : i32
        %dma_start3A_153 = tpu.memref_slice %arg3[%add3A, %add3A_31, %dma_start3A_151, %dma_start3A_152] : memref<32x5x25x80xi32, #tpu.memory_space<hbm>> -> memref<1x1x25x80xi32, #tpu.memory_space<hbm>>
        %dma_start3A_154 = tpu.memref_squeeze %dma_start3A_153 : memref<1x1x25x80xi32, #tpu.memory_space<hbm>> -> memref<25x80xi32, #tpu.memory_space<hbm>>
        tpu.enqueue_dma source(%dma_start3A_154 : memref<25x80xi32, #tpu.memory_space<hbm>>) target(%arg9 : memref<25x80xi32, #tpu.memory_space<vmem>>) target_semaphore(%run_scoped3A : memref<!tpu.dma_semaphore, #tpu.memory_space<semaphore_mem>>)
        %dma_wait3A_155 = arith.constant 0 : i32
        %dma_wait3A_156 = arith.constant 0 : i32
        %dma_wait3A_157 = tpu.memref_slice %arg3[%add3A, %add3A_31, %dma_wait3A_155, %dma_wait3A_156] : memref<32x5x25x80xi32, #tpu.memory_space<hbm>> -> memref<1x1x25x80xi32, #tpu.memory_space<hbm>>
        %dma_wait3A_158 = tpu.memref_squeeze %dma_wait3A_157 : memref<1x1x25x80xi32, #tpu.memory_space<hbm>> -> memref<25x80xi32, #tpu.memory_space<hbm>>
        %dma_wait3A_159 = arith.constant 0 : i32
        %dma_wait3A_160 = arith.constant 0 : i32
        %dma_wait3A_161 = tpu.memref_slice %arg3[%add3A, %add3A_31, %dma_wait3A_159, %dma_wait3A_160] : memref<32x5x25x80xi32, #tpu.memory_space<hbm>> -> memref<1x1x25x80xi32, #tpu.memory_space<hbm>>
        %dma_wait3A_162 = tpu.memref_squeeze %dma_wait3A_161 : memref<1x1x25x80xi32, #tpu.memory_space<hbm>> -> memref<25x80xi32, #tpu.memory_space<hbm>>
        tpu.wait_dma2 semaphore(%run_scoped3A : memref<!tpu.dma_semaphore, #tpu.memory_space<semaphore_mem>>) src(%dma_wait3A_162 : memref<25x80xi32, #tpu.memory_space<hbm>>) dst(%arg9 : memref<25x80xi32, #tpu.memory_space<vmem>>)
        tpu.yield
      }) : () -> ()
      "tpu.region"() ({
        %run_scoped3A = tpu.sem_alloc : memref<!tpu.dma_semaphore, #tpu.memory_space<semaphore_mem>>
        %dma_start3A_147 = arith.constant 0 : i32
        %dma_start3A_148 = arith.constant 0 : i32
        %dma_start3A_149 = tpu.memref_slice %arg4[%add3A, %add3A_31, %dma_start3A_147, %dma_start3A_148] : memref<32x5x25x80xi32, #tpu.memory_space<hbm>> -> memref<1x1x25x80xi32, #tpu.memory_space<hbm>>
        %dma_start3A_150 = tpu.memref_squeeze %dma_start3A_149 : memref<1x1x25x80xi32, #tpu.memory_space<hbm>> -> memref<25x80xi32, #tpu.memory_space<hbm>>
        %dma_start3A_151 = arith.constant 0 : i32
        %dma_start3A_152 = arith.constant 0 : i32
        %dma_start3A_153 = tpu.memref_slice %arg4[%add3A, %add3A_31, %dma_start3A_151, %dma_start3A_152] : memref<32x5x25x80xi32, #tpu.memory_space<hbm>> -> memref<1x1x25x80xi32, #tpu.memory_space<hbm>>
        %dma_start3A_154 = tpu.memref_squeeze %dma_start3A_153 : memref<1x1x25x80xi32, #tpu.memory_space<hbm>> -> memref<25x80xi32, #tpu.memory_space<hbm>>
        tpu.enqueue_dma source(%dma_start3A_154 : memref<25x80xi32, #tpu.memory_space<hbm>>) target(%arg10 : memref<25x80xi32, #tpu.memory_space<vmem>>) target_semaphore(%run_scoped3A : memref<!tpu.dma_semaphore, #tpu.memory_space<semaphore_mem>>)
        %dma_wait3A_155 = arith.constant 0 : i32
        %dma_wait3A_156 = arith.constant 0 : i32
        %dma_wait3A_157 = tpu.memref_slice %arg4[%add3A, %add3A_31, %dma_wait3A_155, %dma_wait3A_156] : memref<32x5x25x80xi32, #tpu.memory_space<hbm>> -> memref<1x1x25x80xi32, #tpu.memory_space<hbm>>
        %dma_wait3A_158 = tpu.memref_squeeze %dma_wait3A_157 : memref<1x1x25x80xi32, #tpu.memory_space<hbm>> -> memref<25x80xi32, #tpu.memory_space<hbm>>
        %dma_wait3A_159 = arith.constant 0 : i32
        %dma_wait3A_160 = arith.constant 0 : i32
        %dma_wait3A_161 = tpu.memref_slice %arg4[%add3A, %add3A_31, %dma_wait3A_159, %dma_wait3A_160] : memref<32x5x25x80xi32, #tpu.memory_space<hbm>> -> memref<1x1x25x80xi32, #tpu.memory_space<hbm>>
        %dma_wait3A_162 = tpu.memref_squeeze %dma_wait3A_161 : memref<1x1x25x80xi32, #tpu.memory_space<hbm>> -> memref<25x80xi32, #tpu.memory_space<hbm>>
        tpu.wait_dma2 semaphore(%run_scoped3A : memref<!tpu.dma_semaphore, #tpu.memory_space<semaphore_mem>>) src(%dma_wait3A_162 : memref<25x80xi32, #tpu.memory_space<hbm>>) dst(%arg10 : memref<25x80xi32, #tpu.memory_space<vmem>>)
        tpu.yield
      }) : () -> ()
      %dma_start3A = arith.constant 0 : i32
      %dma_start3A_32 = arith.constant 0 : i32
      %dma_start3A_33 = tpu.memref_slice %arg9[%dma_start3A, %dma_start3A_32] : memref<25x80xi32, #tpu.memory_space<vmem>> -> memref<1x80xi32, #tpu.memory_space<vmem>>
      %dma_start3A_34 = tpu.memref_squeeze %dma_start3A_33 : memref<1x80xi32, #tpu.memory_space<vmem>> -> memref<80xi32, #tpu.memory_space<vmem>>
      %dma_start3A_35 = arith.constant 0 : i32
      %dma_start3A_36 = arith.constant 0 : i32
      %dma_start3A_37 = tpu.memref_slice %arg2[%dma_start3A_35, %dma_start3A_36] : memref<10240x128xf32, #tpu.memory_space<hbm>> -> memref<10240x128xf32, #tpu.memory_space<hbm>>
      tpu.enqueue_indirect_dma source(%dma_start3A_37 : memref<10240x128xf32, #tpu.memory_space<hbm>>) target(%arg11 : memref<80x128xf32, #tpu.memory_space<vmem>>) offsets(%dma_start3A_34 : memref<80xi32, #tpu.memory_space<vmem>>) semaphore(%arg14 : memref<!tpu.dma_semaphore, #tpu.memory_space<semaphore_mem>>)
      %dma_start3A_38 = arith.constant 1 : i32
      %dma_start3A_39 = arith.constant 0 : i32
      %dma_start3A_40 = tpu.memref_slice %arg9[%dma_start3A_38, %dma_start3A_39] : memref<25x80xi32, #tpu.memory_space<vmem>> -> memref<1x80xi32, #tpu.memory_space<vmem>>
      %dma_start3A_41 = tpu.memref_squeeze %dma_start3A_40 : memref<1x80xi32, #tpu.memory_space<vmem>> -> memref<80xi32, #tpu.memory_space<vmem>>
      %dma_start3A_42 = arith.constant 0 : i32
      %dma_start3A_43 = arith.constant 0 : i32
      %dma_start3A_44 = tpu.memref_slice %arg2[%dma_start3A_42, %dma_start3A_43] : memref<10240x128xf32, #tpu.memory_space<hbm>> -> memref<10240x128xf32, #tpu.memory_space<hbm>>
      tpu.enqueue_indirect_dma source(%dma_start3A_44 : memref<10240x128xf32, #tpu.memory_space<hbm>>) target(%arg12 : memref<80x128xf32, #tpu.memory_space<vmem>>) offsets(%dma_start3A_41 : memref<80xi32, #tpu.memory_space<vmem>>) semaphore(%arg15 : memref<!tpu.dma_semaphore, #tpu.memory_space<semaphore_mem>>)
      %dma_wait3A = arith.constant 0 : i32
      %dma_wait3A_45 = arith.constant 0 : i32
      %dma_wait3A_46 = tpu.memref_slice %arg9[%dma_wait3A, %dma_wait3A_45] : memref<25x80xi32, #tpu.memory_space<vmem>> -> memref<1x80xi32, #tpu.memory_space<vmem>>
      %dma_wait3A_47 = tpu.memref_squeeze %dma_wait3A_46 : memref<1x80xi32, #tpu.memory_space<vmem>> -> memref<80xi32, #tpu.memory_space<vmem>>
      %dma_wait3A_48 = arith.constant 0 : i32
      %dma_wait3A_49 = arith.constant 0 : i32
      %dma_wait3A_50 = tpu.memref_slice %arg2[%dma_wait3A_48, %dma_wait3A_49] : memref<10240x128xf32, #tpu.memory_space<hbm>> -> memref<10240x128xf32, #tpu.memory_space<hbm>>
      tpu.wait_indirect_dma semaphore(%arg14 : memref<!tpu.dma_semaphore, #tpu.memory_space<semaphore_mem>>) src(%dma_wait3A_50 : memref<10240x128xf32, #tpu.memory_space<hbm>>) dst(%arg11 : memref<80x128xf32, #tpu.memory_space<vmem>>)
      %dma_start3A_51 = arith.constant 0 : i32
      %dma_start3A_52 = arith.constant 0 : i32
      %dma_start3A_53 = tpu.memref_slice %arg10[%dma_start3A_51, %dma_start3A_52] : memref<25x80xi32, #tpu.memory_space<vmem>> -> memref<1x80xi32, #tpu.memory_space<vmem>>
      %dma_start3A_54 = tpu.memref_squeeze %dma_start3A_53 : memref<1x80xi32, #tpu.memory_space<vmem>> -> memref<80xi32, #tpu.memory_space<vmem>>
      %dma_start3A_55 = arith.constant 0 : i32
      %dma_start3A_56 = arith.constant 0 : i32
      %dma_start3A_57 = tpu.memref_slice %arg8[%dma_start3A_55, %dma_start3A_56] : memref<10240x128xf32, #tpu.memory_space<vmem_shared>> -> memref<10240x128xf32, #tpu.memory_space<vmem_shared>>
      tpu.enqueue_indirect_dma source(%arg11 : memref<80x128xf32, #tpu.memory_space<vmem>>) target(%dma_start3A_57 : memref<10240x128xf32, #tpu.memory_space<vmem_shared>>) offsets(%dma_start3A_54 : memref<80xi32, #tpu.memory_space<vmem>>) semaphore(%arg17 : memref<!tpu.dma_semaphore, #tpu.memory_space<semaphore_mem>>) {add = true}
      %dma_start3A_58 = arith.constant 2 : i32
      %dma_start3A_59 = arith.constant 0 : i32
      %dma_start3A_60 = tpu.memref_slice %arg9[%dma_start3A_58, %dma_start3A_59] : memref<25x80xi32, #tpu.memory_space<vmem>> -> memref<1x80xi32, #tpu.memory_space<vmem>>
      %dma_start3A_61 = tpu.memref_squeeze %dma_start3A_60 : memref<1x80xi32, #tpu.memory_space<vmem>> -> memref<80xi32, #tpu.memory_space<vmem>>
      %dma_start3A_62 = arith.constant 0 : i32
      %dma_start3A_63 = arith.constant 0 : i32
      %dma_start3A_64 = tpu.memref_slice %arg2[%dma_start3A_62, %dma_start3A_63] : memref<10240x128xf32, #tpu.memory_space<hbm>> -> memref<10240x128xf32, #tpu.memory_space<hbm>>
      tpu.enqueue_indirect_dma source(%dma_start3A_64 : memref<10240x128xf32, #tpu.memory_space<hbm>>) target(%arg13 : memref<80x128xf32, #tpu.memory_space<vmem>>) offsets(%dma_start3A_61 : memref<80xi32, #tpu.memory_space<vmem>>) semaphore(%arg16 : memref<!tpu.dma_semaphore, #tpu.memory_space<semaphore_mem>>)
      %dma_wait3A_65 = arith.constant 0 : i32
      %dma_wait3A_66 = arith.constant 0 : i32
      %dma_wait3A_67 = tpu.memref_slice %arg9[%dma_wait3A_65, %dma_wait3A_66] : memref<25x80xi32, #tpu.memory_space<vmem>> -> memref<1x80xi32, #tpu.memory_space<vmem>>
      %dma_wait3A_68 = tpu.memref_squeeze %dma_wait3A_67 : memref<1x80xi32, #tpu.memory_space<vmem>> -> memref<80xi32, #tpu.memory_space<vmem>>
      %dma_wait3A_69 = arith.constant 0 : i32
      %dma_wait3A_70 = arith.constant 0 : i32
      %dma_wait3A_71 = tpu.memref_slice %arg2[%dma_wait3A_69, %dma_wait3A_70] : memref<10240x128xf32, #tpu.memory_space<hbm>> -> memref<10240x128xf32, #tpu.memory_space<hbm>>
      tpu.wait_indirect_dma semaphore(%arg15 : memref<!tpu.dma_semaphore, #tpu.memory_space<semaphore_mem>>) src(%dma_wait3A_71 : memref<10240x128xf32, #tpu.memory_space<hbm>>) dst(%arg12 : memref<80x128xf32, #tpu.memory_space<vmem>>)
      %dma_start3A_72 = arith.constant 1 : i32
      %dma_start3A_73 = arith.constant 0 : i32
      %dma_start3A_74 = tpu.memref_slice %arg10[%dma_start3A_72, %dma_start3A_73] : memref<25x80xi32, #tpu.memory_space<vmem>> -> memref<1x80xi32, #tpu.memory_space<vmem>>
      %dma_start3A_75 = tpu.memref_squeeze %dma_start3A_74 : memref<1x80xi32, #tpu.memory_space<vmem>> -> memref<80xi32, #tpu.memory_space<vmem>>
      %dma_start3A_76 = arith.constant 0 : i32
      %dma_start3A_77 = arith.constant 0 : i32
      %dma_start3A_78 = tpu.memref_slice %arg8[%dma_start3A_76, %dma_start3A_77] : memref<10240x128xf32, #tpu.memory_space<vmem_shared>> -> memref<10240x128xf32, #tpu.memory_space<vmem_shared>>
      tpu.enqueue_indirect_dma source(%arg12 : memref<80x128xf32, #tpu.memory_space<vmem>>) target(%dma_start3A_78 : memref<10240x128xf32, #tpu.memory_space<vmem_shared>>) offsets(%dma_start3A_75 : memref<80xi32, #tpu.memory_space<vmem>>) semaphore(%arg18 : memref<!tpu.dma_semaphore, #tpu.memory_space<semaphore_mem>>) {add = true}
      %dma_wait3A_79 = arith.constant 0 : i32
      %dma_wait3A_80 = arith.constant 0 : i32
      %dma_wait3A_81 = tpu.memref_slice %arg10[%dma_wait3A_79, %dma_wait3A_80] : memref<25x80xi32, #tpu.memory_space<vmem>> -> memref<1x80xi32, #tpu.memory_space<vmem>>
      %dma_wait3A_82 = tpu.memref_squeeze %dma_wait3A_81 : memref<1x80xi32, #tpu.memory_space<vmem>> -> memref<80xi32, #tpu.memory_space<vmem>>
      %dma_wait3A_83 = arith.constant 0 : i32
      %dma_wait3A_84 = arith.constant 0 : i32
      %dma_wait3A_85 = tpu.memref_slice %arg8[%dma_wait3A_83, %dma_wait3A_84] : memref<10240x128xf32, #tpu.memory_space<vmem_shared>> -> memref<10240x128xf32, #tpu.memory_space<vmem_shared>>
      tpu.wait_indirect_dma semaphore(%arg17 : memref<!tpu.dma_semaphore, #tpu.memory_space<semaphore_mem>>) src(%arg11 : memref<80x128xf32, #tpu.memory_space<vmem>>) dst(%dma_wait3A_85 : memref<10240x128xf32, #tpu.memory_space<vmem_shared>>)
      %dma_start3A_86 = arith.constant 3 : i32
      %dma_start3A_87 = arith.constant 0 : i32
      %dma_start3A_88 = tpu.memref_slice %arg9[%dma_start3A_86, %dma_start3A_87] : memref<25x80xi32, #tpu.memory_space<vmem>> -> memref<1x80xi32, #tpu.memory_space<vmem>>
      %dma_start3A_89 = tpu.memref_squeeze %dma_start3A_88 : memref<1x80xi32, #tpu.memory_space<vmem>> -> memref<80xi32, #tpu.memory_space<vmem>>
      %dma_start3A_90 = arith.constant 0 : i32
      %dma_start3A_91 = arith.constant 0 : i32
      %dma_start3A_92 = tpu.memref_slice %arg2[%dma_start3A_90, %dma_start3A_91] : memref<10240x128xf32, #tpu.memory_space<hbm>> -> memref<10240x128xf32, #tpu.memory_space<hbm>>
      tpu.enqueue_indirect_dma source(%dma_start3A_92 : memref<10240x128xf32, #tpu.memory_space<hbm>>) target(%arg11 : memref<80x128xf32, #tpu.memory_space<vmem>>) offsets(%dma_start3A_89 : memref<80xi32, #tpu.memory_space<vmem>>) semaphore(%arg14 : memref<!tpu.dma_semaphore, #tpu.memory_space<semaphore_mem>>)
      %scan3A_93 = arith.constant 0 : i32
      %scan3A_94 = arith.constant 7 : i32
      %scan3A_95 = arith.addi %scan3A_93, %scan3A_94 : i32
      %scan3A_96 = arith.constant 1 : i32
      scf.for %scan3A_147 = %scan3A_93 to %scan3A_95 step %scan3A_96  : i32 {
        %mul3A_148 = arith.constant 1 : i32
        %mul3A_149 = arith.muli %scan3A_147, %mul3A_148 : i32
        %add3A_150 = arith.constant 0 : i32
        %add3A_151 = arith.addi %add3A_150, %mul3A_149 : i32
        %mul3A_152 = arith.constant 3 : i32
        %mul3A_153 = arith.muli %mul3A_152, %add3A_151 : i32
        %add3A_154 = arith.constant 2 : i32
        %add3A_155 = arith.addi %add3A_154, %mul3A_153 : i32
        %add3A_156 = arith.constant 2 : i32
        %add3A_157 = arith.addi %add3A_155, %add3A_156 : i32
        %dma_wait3A_158 = arith.constant 0 : i32
        %dma_wait3A_159 = arith.constant 0 : i32
        %dma_wait3A_160 = tpu.memref_slice %arg9[%dma_wait3A_158, %dma_wait3A_159] : memref<25x80xi32, #tpu.memory_space<vmem>> -> memref<1x80xi32, #tpu.memory_space<vmem>>
        %dma_wait3A_161 = tpu.memref_squeeze %dma_wait3A_160 : memref<1x80xi32, #tpu.memory_space<vmem>> -> memref<80xi32, #tpu.memory_space<vmem>>
        %dma_wait3A_162 = arith.constant 0 : i32
        %dma_wait3A_163 = arith.constant 0 : i32
        %dma_wait3A_164 = tpu.memref_slice %arg2[%dma_wait3A_162, %dma_wait3A_163] : memref<10240x128xf32, #tpu.memory_space<hbm>> -> memref<10240x128xf32, #tpu.memory_space<hbm>>
        tpu.wait_indirect_dma semaphore(%arg16 : memref<!tpu.dma_semaphore, #tpu.memory_space<semaphore_mem>>) src(%dma_wait3A_164 : memref<10240x128xf32, #tpu.memory_space<hbm>>) dst(%arg13 : memref<80x128xf32, #tpu.memory_space<vmem>>)
        %dma_start3A_165 = arith.constant 0 : i32
        %dma_start3A_166 = tpu.memref_slice %arg10[%add3A_155, %dma_start3A_165] : memref<25x80xi32, #tpu.memory_space<vmem>> -> memref<1x80xi32, #tpu.memory_space<vmem>>
        %dma_start3A_167 = tpu.memref_squeeze %dma_start3A_166 : memref<1x80xi32, #tpu.memory_space<vmem>> -> memref<80xi32, #tpu.memory_space<vmem>>
        %dma_start3A_168 = arith.constant 0 : i32
        %dma_start3A_169 = arith.constant 0 : i32
        %dma_start3A_170 = tpu.memref_slice %arg8[%dma_start3A_168, %dma_start3A_169] : memref<10240x128xf32, #tpu.memory_space<vmem_shared>> -> memref<10240x128xf32, #tpu.memory_space<vmem_shared>>
        tpu.enqueue_indirect_dma source(%arg13 : memref<80x128xf32, #tpu.memory_space<vmem>>) target(%dma_start3A_170 : memref<10240x128xf32, #tpu.memory_space<vmem_shared>>) offsets(%dma_start3A_167 : memref<80xi32, #tpu.memory_space<vmem>>) semaphore(%arg19 : memref<!tpu.dma_semaphore, #tpu.memory_space<semaphore_mem>>) {add = true}
        %dma_wait3A_171 = arith.constant 0 : i32
        %dma_wait3A_172 = arith.constant 0 : i32
        %dma_wait3A_173 = tpu.memref_slice %arg10[%dma_wait3A_171, %dma_wait3A_172] : memref<25x80xi32, #tpu.memory_space<vmem>> -> memref<1x80xi32, #tpu.memory_space<vmem>>
        %dma_wait3A_174 = tpu.memref_squeeze %dma_wait3A_173 : memref<1x80xi32, #tpu.memory_space<vmem>> -> memref<80xi32, #tpu.memory_space<vmem>>
        %dma_wait3A_175 = arith.constant 0 : i32
        %dma_wait3A_176 = arith.constant 0 : i32
        %dma_wait3A_177 = tpu.memref_slice %arg8[%dma_wait3A_175, %dma_wait3A_176] : memref<10240x128xf32, #tpu.memory_space<vmem_shared>> -> memref<10240x128xf32, #tpu.memory_space<vmem_shared>>
        tpu.wait_indirect_dma semaphore(%arg18 : memref<!tpu.dma_semaphore, #tpu.memory_space<semaphore_mem>>) src(%arg12 : memref<80x128xf32, #tpu.memory_space<vmem>>) dst(%dma_wait3A_177 : memref<10240x128xf32, #tpu.memory_space<vmem_shared>>)
        %dma_start3A_178 = arith.constant 0 : i32
        %dma_start3A_179 = tpu.memref_slice %arg9[%add3A_157, %dma_start3A_178] : memref<25x80xi32, #tpu.memory_space<vmem>> -> memref<1x80xi32, #tpu.memory_space<vmem>>
        %dma_start3A_180 = tpu.memref_squeeze %dma_start3A_179 : memref<1x80xi32, #tpu.memory_space<vmem>> -> memref<80xi32, #tpu.memory_space<vmem>>
        %dma_start3A_181 = arith.constant 0 : i32
        %dma_start3A_182 = arith.constant 0 : i32
        %dma_start3A_183 = tpu.memref_slice %arg2[%dma_start3A_181, %dma_start3A_182] : memref<10240x128xf32, #tpu.memory_space<hbm>> -> memref<10240x128xf32, #tpu.memory_space<hbm>>
        tpu.enqueue_indirect_dma source(%dma_start3A_183 : memref<10240x128xf32, #tpu.memory_space<hbm>>) target(%arg12 : memref<80x128xf32, #tpu.memory_space<vmem>>) offsets(%dma_start3A_180 : memref<80xi32, #tpu.memory_space<vmem>>) semaphore(%arg15 : memref<!tpu.dma_semaphore, #tpu.memory_space<semaphore_mem>>)
        %add3A_184 = arith.constant 1 : i32
        %add3A_185 = arith.addi %add3A_155, %add3A_184 : i32
        %add3A_186 = arith.constant 3 : i32
        %add3A_187 = arith.addi %add3A_155, %add3A_186 : i32
        %dma_wait3A_188 = arith.constant 0 : i32
        %dma_wait3A_189 = arith.constant 0 : i32
        %dma_wait3A_190 = tpu.memref_slice %arg9[%dma_wait3A_188, %dma_wait3A_189] : memref<25x80xi32, #tpu.memory_space<vmem>> -> memref<1x80xi32, #tpu.memory_space<vmem>>
        %dma_wait3A_191 = tpu.memref_squeeze %dma_wait3A_190 : memref<1x80xi32, #tpu.memory_space<vmem>> -> memref<80xi32, #tpu.memory_space<vmem>>
        %dma_wait3A_192 = arith.constant 0 : i32
        %dma_wait3A_193 = arith.constant 0 : i32
        %dma_wait3A_194 = tpu.memref_slice %arg2[%dma_wait3A_192, %dma_wait3A_193] : memref<10240x128xf32, #tpu.memory_space<hbm>> -> memref<10240x128xf32, #tpu.memory_space<hbm>>
        tpu.wait_indirect_dma semaphore(%arg14 : memref<!tpu.dma_semaphore, #tpu.memory_space<semaphore_mem>>) src(%dma_wait3A_194 : memref<10240x128xf32, #tpu.memory_space<hbm>>) dst(%arg11 : memref<80x128xf32, #tpu.memory_space<vmem>>)
        %dma_start3A_195 = arith.constant 0 : i32
        %dma_start3A_196 = tpu.memref_slice %arg10[%add3A_185, %dma_start3A_195] : memref<25x80xi32, #tpu.memory_space<vmem>> -> memref<1x80xi32, #tpu.memory_space<vmem>>
        %dma_start3A_197 = tpu.memref_squeeze %dma_start3A_196 : memref<1x80xi32, #tpu.memory_space<vmem>> -> memref<80xi32, #tpu.memory_space<vmem>>
        %dma_start3A_198 = arith.constant 0 : i32
        %dma_start3A_199 = arith.constant 0 : i32
        %dma_start3A_200 = tpu.memref_slice %arg8[%dma_start3A_198, %dma_start3A_199] : memref<10240x128xf32, #tpu.memory_space<vmem_shared>> -> memref<10240x128xf32, #tpu.memory_space<vmem_shared>>
        tpu.enqueue_indirect_dma source(%arg11 : memref<80x128xf32, #tpu.memory_space<vmem>>) target(%dma_start3A_200 : memref<10240x128xf32, #tpu.memory_space<vmem_shared>>) offsets(%dma_start3A_197 : memref<80xi32, #tpu.memory_space<vmem>>) semaphore(%arg17 : memref<!tpu.dma_semaphore, #tpu.memory_space<semaphore_mem>>) {add = true}
        %dma_wait3A_201 = arith.constant 0 : i32
        %dma_wait3A_202 = arith.constant 0 : i32
        %dma_wait3A_203 = tpu.memref_slice %arg10[%dma_wait3A_201, %dma_wait3A_202] : memref<25x80xi32, #tpu.memory_space<vmem>> -> memref<1x80xi32, #tpu.memory_space<vmem>>
        %dma_wait3A_204 = tpu.memref_squeeze %dma_wait3A_203 : memref<1x80xi32, #tpu.memory_space<vmem>> -> memref<80xi32, #tpu.memory_space<vmem>>
        %dma_wait3A_205 = arith.constant 0 : i32
        %dma_wait3A_206 = arith.constant 0 : i32
        %dma_wait3A_207 = tpu.memref_slice %arg8[%dma_wait3A_205, %dma_wait3A_206] : memref<10240x128xf32, #tpu.memory_space<vmem_shared>> -> memref<10240x128xf32, #tpu.memory_space<vmem_shared>>
        tpu.wait_indirect_dma semaphore(%arg19 : memref<!tpu.dma_semaphore, #tpu.memory_space<semaphore_mem>>) src(%arg13 : memref<80x128xf32, #tpu.memory_space<vmem>>) dst(%dma_wait3A_207 : memref<10240x128xf32, #tpu.memory_space<vmem_shared>>)
        %dma_start3A_208 = arith.constant 0 : i32
        %dma_start3A_209 = tpu.memref_slice %arg9[%add3A_187, %dma_start3A_208] : memref<25x80xi32, #tpu.memory_space<vmem>> -> memref<1x80xi32, #tpu.memory_space<vmem>>
        %dma_start3A_210 = tpu.memref_squeeze %dma_start3A_209 : memref<1x80xi32, #tpu.memory_space<vmem>> -> memref<80xi32, #tpu.memory_space<vmem>>
        %dma_start3A_211 = arith.constant 0 : i32
        %dma_start3A_212 = arith.constant 0 : i32
        %dma_start3A_213 = tpu.memref_slice %arg2[%dma_start3A_211, %dma_start3A_212] : memref<10240x128xf32, #tpu.memory_space<hbm>> -> memref<10240x128xf32, #tpu.memory_space<hbm>>
        tpu.enqueue_indirect_dma source(%dma_start3A_213 : memref<10240x128xf32, #tpu.memory_space<hbm>>) target(%arg13 : memref<80x128xf32, #tpu.memory_space<vmem>>) offsets(%dma_start3A_210 : memref<80xi32, #tpu.memory_space<vmem>>) semaphore(%arg16 : memref<!tpu.dma_semaphore, #tpu.memory_space<semaphore_mem>>)
        %add3A_214 = arith.constant 2 : i32
        %add3A_215 = arith.addi %add3A_155, %add3A_214 : i32
        %add3A_216 = arith.constant 4 : i32
        %add3A_217 = arith.addi %add3A_155, %add3A_216 : i32
        %dma_wait3A_218 = arith.constant 0 : i32
        %dma_wait3A_219 = arith.constant 0 : i32
        %dma_wait3A_220 = tpu.memref_slice %arg9[%dma_wait3A_218, %dma_wait3A_219] : memref<25x80xi32, #tpu.memory_space<vmem>> -> memref<1x80xi32, #tpu.memory_space<vmem>>
        %dma_wait3A_221 = tpu.memref_squeeze %dma_wait3A_220 : memref<1x80xi32, #tpu.memory_space<vmem>> -> memref<80xi32, #tpu.memory_space<vmem>>
        %dma_wait3A_222 = arith.constant 0 : i32
        %dma_wait3A_223 = arith.constant 0 : i32
        %dma_wait3A_224 = tpu.memref_slice %arg2[%dma_wait3A_222, %dma_wait3A_223] : memref<10240x128xf32, #tpu.memory_space<hbm>> -> memref<10240x128xf32, #tpu.memory_space<hbm>>
        tpu.wait_indirect_dma semaphore(%arg15 : memref<!tpu.dma_semaphore, #tpu.memory_space<semaphore_mem>>) src(%dma_wait3A_224 : memref<10240x128xf32, #tpu.memory_space<hbm>>) dst(%arg12 : memref<80x128xf32, #tpu.memory_space<vmem>>)
        %dma_start3A_225 = arith.constant 0 : i32
        %dma_start3A_226 = tpu.memref_slice %arg10[%add3A_215, %dma_start3A_225] : memref<25x80xi32, #tpu.memory_space<vmem>> -> memref<1x80xi32, #tpu.memory_space<vmem>>
        %dma_start3A_227 = tpu.memref_squeeze %dma_start3A_226 : memref<1x80xi32, #tpu.memory_space<vmem>> -> memref<80xi32, #tpu.memory_space<vmem>>
        %dma_start3A_228 = arith.constant 0 : i32
        %dma_start3A_229 = arith.constant 0 : i32
        %dma_start3A_230 = tpu.memref_slice %arg8[%dma_start3A_228, %dma_start3A_229] : memref<10240x128xf32, #tpu.memory_space<vmem_shared>> -> memref<10240x128xf32, #tpu.memory_space<vmem_shared>>
        tpu.enqueue_indirect_dma source(%arg12 : memref<80x128xf32, #tpu.memory_space<vmem>>) target(%dma_start3A_230 : memref<10240x128xf32, #tpu.memory_space<vmem_shared>>) offsets(%dma_start3A_227 : memref<80xi32, #tpu.memory_space<vmem>>) semaphore(%arg18 : memref<!tpu.dma_semaphore, #tpu.memory_space<semaphore_mem>>) {add = true}
        %dma_wait3A_231 = arith.constant 0 : i32
        %dma_wait3A_232 = arith.constant 0 : i32
        %dma_wait3A_233 = tpu.memref_slice %arg10[%dma_wait3A_231, %dma_wait3A_232] : memref<25x80xi32, #tpu.memory_space<vmem>> -> memref<1x80xi32, #tpu.memory_space<vmem>>
        %dma_wait3A_234 = tpu.memref_squeeze %dma_wait3A_233 : memref<1x80xi32, #tpu.memory_space<vmem>> -> memref<80xi32, #tpu.memory_space<vmem>>
        %dma_wait3A_235 = arith.constant 0 : i32
        %dma_wait3A_236 = arith.constant 0 : i32
        %dma_wait3A_237 = tpu.memref_slice %arg8[%dma_wait3A_235, %dma_wait3A_236] : memref<10240x128xf32, #tpu.memory_space<vmem_shared>> -> memref<10240x128xf32, #tpu.memory_space<vmem_shared>>
        tpu.wait_indirect_dma semaphore(%arg17 : memref<!tpu.dma_semaphore, #tpu.memory_space<semaphore_mem>>) src(%arg11 : memref<80x128xf32, #tpu.memory_space<vmem>>) dst(%dma_wait3A_237 : memref<10240x128xf32, #tpu.memory_space<vmem_shared>>)
        %dma_start3A_238 = arith.constant 0 : i32
        %dma_start3A_239 = tpu.memref_slice %arg9[%add3A_217, %dma_start3A_238] : memref<25x80xi32, #tpu.memory_space<vmem>> -> memref<1x80xi32, #tpu.memory_space<vmem>>
        %dma_start3A_240 = tpu.memref_squeeze %dma_start3A_239 : memref<1x80xi32, #tpu.memory_space<vmem>> -> memref<80xi32, #tpu.memory_space<vmem>>
        %dma_start3A_241 = arith.constant 0 : i32
        %dma_start3A_242 = arith.constant 0 : i32
        %dma_start3A_243 = tpu.memref_slice %arg2[%dma_start3A_241, %dma_start3A_242] : memref<10240x128xf32, #tpu.memory_space<hbm>> -> memref<10240x128xf32, #tpu.memory_space<hbm>>
        tpu.enqueue_indirect_dma source(%dma_start3A_243 : memref<10240x128xf32, #tpu.memory_space<hbm>>) target(%arg11 : memref<80x128xf32, #tpu.memory_space<vmem>>) offsets(%dma_start3A_240 : memref<80xi32, #tpu.memory_space<vmem>>) semaphore(%arg14 : memref<!tpu.dma_semaphore, #tpu.memory_space<semaphore_mem>>)
      }
      %scan3A_97 = arith.constant 7 : i32
      %dma_wait3A_98 = arith.constant 0 : i32
      %dma_wait3A_99 = arith.constant 0 : i32
      %dma_wait3A_100 = tpu.memref_slice %arg9[%dma_wait3A_98, %dma_wait3A_99] : memref<25x80xi32, #tpu.memory_space<vmem>> -> memref<1x80xi32, #tpu.memory_space<vmem>>
      %dma_wait3A_101 = tpu.memref_squeeze %dma_wait3A_100 : memref<1x80xi32, #tpu.memory_space<vmem>> -> memref<80xi32, #tpu.memory_space<vmem>>
      %dma_wait3A_102 = arith.constant 0 : i32
      %dma_wait3A_103 = arith.constant 0 : i32
      %dma_wait3A_104 = tpu.memref_slice %arg2[%dma_wait3A_102, %dma_wait3A_103] : memref<10240x128xf32, #tpu.memory_space<hbm>> -> memref<10240x128xf32, #tpu.memory_space<hbm>>
      tpu.wait_indirect_dma semaphore(%arg16 : memref<!tpu.dma_semaphore, #tpu.memory_space<semaphore_mem>>) src(%dma_wait3A_104 : memref<10240x128xf32, #tpu.memory_space<hbm>>) dst(%arg13 : memref<80x128xf32, #tpu.memory_space<vmem>>)
      %dma_start3A_105 = arith.constant 23 : i32
      %dma_start3A_106 = arith.constant 0 : i32
      %dma_start3A_107 = tpu.memref_slice %arg10[%dma_start3A_105, %dma_start3A_106] : memref<25x80xi32, #tpu.memory_space<vmem>> -> memref<1x80xi32, #tpu.memory_space<vmem>>
      %dma_start3A_108 = tpu.memref_squeeze %dma_start3A_107 : memref<1x80xi32, #tpu.memory_space<vmem>> -> memref<80xi32, #tpu.memory_space<vmem>>
      %dma_start3A_109 = arith.constant 0 : i32
      %dma_start3A_110 = arith.constant 0 : i32
      %dma_start3A_111 = tpu.memref_slice %arg8[%dma_start3A_109, %dma_start3A_110] : memref<10240x128xf32, #tpu.memory_space<vmem_shared>> -> memref<10240x128xf32, #tpu.memory_space<vmem_shared>>
      tpu.enqueue_indirect_dma source(%arg13 : memref<80x128xf32, #tpu.memory_space<vmem>>) target(%dma_start3A_111 : memref<10240x128xf32, #tpu.memory_space<vmem_shared>>) offsets(%dma_start3A_108 : memref<80xi32, #tpu.memory_space<vmem>>) semaphore(%arg19 : memref<!tpu.dma_semaphore, #tpu.memory_space<semaphore_mem>>) {add = true}
      %dma_wait3A_112 = arith.constant 0 : i32
      %dma_wait3A_113 = arith.constant 0 : i32
      %dma_wait3A_114 = tpu.memref_slice %arg9[%dma_wait3A_112, %dma_wait3A_113] : memref<25x80xi32, #tpu.memory_space<vmem>> -> memref<1x80xi32, #tpu.memory_space<vmem>>
      %dma_wait3A_115 = tpu.memref_squeeze %dma_wait3A_114 : memref<1x80xi32, #tpu.memory_space<vmem>> -> memref<80xi32, #tpu.memory_space<vmem>>
      %dma_wait3A_116 = arith.constant 0 : i32
      %dma_wait3A_117 = arith.constant 0 : i32
      %dma_wait3A_118 = tpu.memref_slice %arg2[%dma_wait3A_116, %dma_wait3A_117] : memref<10240x128xf32, #tpu.memory_space<hbm>> -> memref<10240x128xf32, #tpu.memory_space<hbm>>
      tpu.wait_indirect_dma semaphore(%arg14 : memref<!tpu.dma_semaphore, #tpu.memory_space<semaphore_mem>>) src(%dma_wait3A_118 : memref<10240x128xf32, #tpu.memory_space<hbm>>) dst(%arg11 : memref<80x128xf32, #tpu.memory_space<vmem>>)
      %dma_start3A_119 = arith.constant 24 : i32
      %dma_start3A_120 = arith.constant 0 : i32
      %dma_start3A_121 = tpu.memref_slice %arg10[%dma_start3A_119, %dma_start3A_120] : memref<25x80xi32, #tpu.memory_space<vmem>> -> memref<1x80xi32, #tpu.memory_space<vmem>>
      %dma_start3A_122 = tpu.memref_squeeze %dma_start3A_121 : memref<1x80xi32, #tpu.memory_space<vmem>> -> memref<80xi32, #tpu.memory_space<vmem>>
      %dma_start3A_123 = arith.constant 0 : i32
      %dma_start3A_124 = arith.constant 0 : i32
      %dma_start3A_125 = tpu.memref_slice %arg8[%dma_start3A_123, %dma_start3A_124] : memref<10240x128xf32, #tpu.memory_space<vmem_shared>> -> memref<10240x128xf32, #tpu.memory_space<vmem_shared>>
      tpu.enqueue_indirect_dma source(%arg11 : memref<80x128xf32, #tpu.memory_space<vmem>>) target(%dma_start3A_125 : memref<10240x128xf32, #tpu.memory_space<vmem_shared>>) offsets(%dma_start3A_122 : memref<80xi32, #tpu.memory_space<vmem>>) semaphore(%arg17 : memref<!tpu.dma_semaphore, #tpu.memory_space<semaphore_mem>>) {add = true}
      %dma_wait3A_126 = arith.constant 0 : i32
      %dma_wait3A_127 = arith.constant 0 : i32
      %dma_wait3A_128 = tpu.memref_slice %arg10[%dma_wait3A_126, %dma_wait3A_127] : memref<25x80xi32, #tpu.memory_space<vmem>> -> memref<1x80xi32, #tpu.memory_space<vmem>>
      %dma_wait3A_129 = tpu.memref_squeeze %dma_wait3A_128 : memref<1x80xi32, #tpu.memory_space<vmem>> -> memref<80xi32, #tpu.memory_space<vmem>>
      %dma_wait3A_130 = arith.constant 0 : i32
      %dma_wait3A_131 = arith.constant 0 : i32
      %dma_wait3A_132 = tpu.memref_slice %arg8[%dma_wait3A_130, %dma_wait3A_131] : memref<10240x128xf32, #tpu.memory_space<vmem_shared>> -> memref<10240x128xf32, #tpu.memory_space<vmem_shared>>
      tpu.wait_indirect_dma semaphore(%arg17 : memref<!tpu.dma_semaphore, #tpu.memory_space<semaphore_mem>>) src(%arg11 : memref<80x128xf32, #tpu.memory_space<vmem>>) dst(%dma_wait3A_132 : memref<10240x128xf32, #tpu.memory_space<vmem_shared>>)
      %dma_wait3A_133 = arith.constant 0 : i32
      %dma_wait3A_134 = arith.constant 0 : i32
      %dma_wait3A_135 = tpu.memref_slice %arg10[%dma_wait3A_133, %dma_wait3A_134] : memref<25x80xi32, #tpu.memory_space<vmem>> -> memref<1x80xi32, #tpu.memory_space<vmem>>
      %dma_wait3A_136 = tpu.memref_squeeze %dma_wait3A_135 : memref<1x80xi32, #tpu.memory_space<vmem>> -> memref<80xi32, #tpu.memory_space<vmem>>
      %dma_wait3A_137 = arith.constant 0 : i32
      %dma_wait3A_138 = arith.constant 0 : i32
      %dma_wait3A_139 = tpu.memref_slice %arg8[%dma_wait3A_137, %dma_wait3A_138] : memref<10240x128xf32, #tpu.memory_space<vmem_shared>> -> memref<10240x128xf32, #tpu.memory_space<vmem_shared>>
      tpu.wait_indirect_dma semaphore(%arg18 : memref<!tpu.dma_semaphore, #tpu.memory_space<semaphore_mem>>) src(%arg12 : memref<80x128xf32, #tpu.memory_space<vmem>>) dst(%dma_wait3A_139 : memref<10240x128xf32, #tpu.memory_space<vmem_shared>>)
      %dma_wait3A_140 = arith.constant 0 : i32
      %dma_wait3A_141 = arith.constant 0 : i32
      %dma_wait3A_142 = tpu.memref_slice %arg10[%dma_wait3A_140, %dma_wait3A_141] : memref<25x80xi32, #tpu.memory_space<vmem>> -> memref<1x80xi32, #tpu.memory_space<vmem>>
      %dma_wait3A_143 = tpu.memref_squeeze %dma_wait3A_142 : memref<1x80xi32, #tpu.memory_space<vmem>> -> memref<80xi32, #tpu.memory_space<vmem>>
      %dma_wait3A_144 = arith.constant 0 : i32
      %dma_wait3A_145 = arith.constant 0 : i32
      %dma_wait3A_146 = tpu.memref_slice %arg8[%dma_wait3A_144, %dma_wait3A_145] : memref<10240x128xf32, #tpu.memory_space<vmem_shared>> -> memref<10240x128xf32, #tpu.memory_space<vmem_shared>>
      tpu.wait_indirect_dma semaphore(%arg19 : memref<!tpu.dma_semaphore, #tpu.memory_space<semaphore_mem>>) src(%arg13 : memref<80x128xf32, #tpu.memory_space<vmem>>) dst(%dma_wait3A_146 : memref<10240x128xf32, #tpu.memory_space<vmem_shared>>)
    }
    %scan3A_15 = arith.constant 5 : i32
    %barrier3A_16 = arith.constant 0 : index
    tpu.barrier barrier_id(%barrier3A_16)
    %eq3A_17 = arith.constant 0 : i32
    %eq3A_18 = arith.cmpi eq, %arg0, %eq3A_17 : i32
    %convert_element_type3A_19 = arith.extui %eq3A_18 : i1 to i32
    %cond3A_20 = arith.constant 0 : i32
    %cond3A_21 = arith.cmpi ne, %convert_element_type3A_19, %cond3A_20 : i32
    scf.if %cond3A_21 {
      "tpu.region"() ({
        %run_scoped3A = tpu.sem_alloc : memref<!tpu.dma_semaphore, #tpu.memory_space<semaphore_mem>>
        %dma_start3A = arith.constant 0 : i32
        %dma_start3A_27 = tpu.memref_slice %arg6[%mul3A_2, %dma_start3A] : memref<10240x128xf32, #tpu.memory_space<hbm>> -> memref<640x128xf32, #tpu.memory_space<hbm>>
        %dma_start3A_28 = arith.constant 0 : i32
        %dma_start3A_29 = tpu.memref_slice %arg8[%mul3A_2, %dma_start3A_28] : memref<10240x128xf32, #tpu.memory_space<vmem_shared>> -> memref<640x128xf32, #tpu.memory_space<vmem_shared>>
        tpu.enqueue_dma source(%dma_start3A_29 : memref<640x128xf32, #tpu.memory_space<vmem_shared>>) target(%dma_start3A_27 : memref<640x128xf32, #tpu.memory_space<hbm>>) target_semaphore(%run_scoped3A : memref<!tpu.dma_semaphore, #tpu.memory_space<semaphore_mem>>)
        %dma_wait3A = arith.constant 0 : i32
        %dma_wait3A_30 = tpu.memref_slice %arg6[%mul3A_2, %dma_wait3A] : memref<10240x128xf32, #tpu.memory_space<hbm>> -> memref<640x128xf32, #tpu.memory_space<hbm>>
        %dma_wait3A_31 = arith.constant 0 : i32
        %dma_wait3A_32 = tpu.memref_slice %arg8[%mul3A_2, %dma_wait3A_31] : memref<10240x128xf32, #tpu.memory_space<vmem_shared>> -> memref<640x128xf32, #tpu.memory_space<vmem_shared>>
        tpu.wait_dma2 semaphore(%run_scoped3A : memref<!tpu.dma_semaphore, #tpu.memory_space<semaphore_mem>>) src(%dma_wait3A_32 : memref<640x128xf32, #tpu.memory_space<vmem_shared>>) dst(%dma_wait3A_30 : memref<640x128xf32, #tpu.memory_space<hbm>>)
        tpu.yield
      }) : () -> ()
    } else {
    }
    %eq3A_22 = arith.constant 1 : i32
    %eq3A_23 = arith.cmpi eq, %arg0, %eq3A_22 : i32
    %convert_element_type3A_24 = arith.extui %eq3A_23 : i1 to i32
    %cond3A_25 = arith.constant 0 : i32
    %cond3A_26 = arith.cmpi ne, %convert_element_type3A_24, %cond3A_25 : i32
    scf.if %cond3A_26 {
      "tpu.region"() ({
        %run_scoped3A = tpu.sem_alloc : memref<!tpu.dma_semaphore, #tpu.memory_space<semaphore_mem>>
        %dma_start3A = arith.constant 0 : i32
        %dma_start3A_27 = tpu.memref_slice %arg7[%mul3A_2, %dma_start3A] : memref<10240x128xf32, #tpu.memory_space<hbm>> -> memref<640x128xf32, #tpu.memory_space<hbm>>
        %dma_start3A_28 = arith.constant 0 : i32
        %dma_start3A_29 = tpu.memref_slice %arg8[%mul3A_2, %dma_start3A_28] : memref<10240x128xf32, #tpu.memory_space<vmem_shared>> -> memref<640x128xf32, #tpu.memory_space<vmem_shared>>
        tpu.enqueue_dma source(%dma_start3A_29 : memref<640x128xf32, #tpu.memory_space<vmem_shared>>) target(%dma_start3A_27 : memref<640x128xf32, #tpu.memory_space<hbm>>) target_semaphore(%run_scoped3A : memref<!tpu.dma_semaphore, #tpu.memory_space<semaphore_mem>>)
        %dma_wait3A = arith.constant 0 : i32
        %dma_wait3A_30 = tpu.memref_slice %arg7[%mul3A_2, %dma_wait3A] : memref<10240x128xf32, #tpu.memory_space<hbm>> -> memref<640x128xf32, #tpu.memory_space<hbm>>
        %dma_wait3A_31 = arith.constant 0 : i32
        %dma_wait3A_32 = tpu.memref_slice %arg8[%mul3A_2, %dma_wait3A_31] : memref<10240x128xf32, #tpu.memory_space<vmem_shared>> -> memref<640x128xf32, #tpu.memory_space<vmem_shared>>
        tpu.wait_dma2 semaphore(%run_scoped3A : memref<!tpu.dma_semaphore, #tpu.memory_space<semaphore_mem>>) src(%dma_wait3A_32 : memref<640x128xf32, #tpu.memory_space<vmem_shared>>) dst(%dma_wait3A_30 : memref<640x128xf32, #tpu.memory_space<hbm>>)
        tpu.yield
      }) : () -> ()
    } else {
    }
    return
  }
}

module attributes {stable_mosaic.version = 14 : i64} {
  func.func @_tca_body(%arg0: memref<10240x128xf32, #tpu.memory_space<vmem>>, %arg1: memref<10240x128xf32, #tpu.memory_space<vmem>>, %arg2: memref<128x128xf32, #tpu.memory_space<vmem>>, %arg3: memref<10240x1xf32, #tpu.memory_space<vmem>>, %arg4: memref<10240x1xf32, #tpu.memory_space<vmem>>, %arg5: memref<1x128xf32, #tpu.memory_space<vmem>>, %arg6: memref<10240x128xf32, #tpu.memory_space<vmem>>) attributes {dimension_semantics = [], scalar_prefetch = 0 : i64, scratch_operands = 0 : i64, tpu.core_type = #tpu.core_type<tc>} {
    %get3A = arith.constant 0 : index
    %get3A_0 = arith.constant 0 : index
    %get3A_1 = vector.load %arg0[%get3A, %get3A_0] : memref<10240x128xf32, #tpu.memory_space<vmem>>, vector<10240x128xf32>
    %get3A_2 = arith.constant 0 : index
    %get3A_3 = arith.constant 0 : index
    %get3A_4 = vector.load %arg1[%get3A_2, %get3A_3] : memref<10240x128xf32, #tpu.memory_space<vmem>>, vector<10240x128xf32>
    %add3A = arith.addf %get3A_1, %get3A_4 : vector<10240x128xf32>
    %get3A_5 = arith.constant 0 : index
    %get3A_6 = arith.constant 0 : index
    %get3A_7 = vector.load %arg2[%get3A_5, %get3A_6] : memref<128x128xf32, #tpu.memory_space<vmem>>, vector<128x128xf32>
    %dot_general3A = arith.constant dense<0.000000e+00> : vector<10240x128xf32>
    %dot_general3A_8 = tpu.matmul %add3A, %get3A_7, %dot_general3A {dimension_numbers = #tpu.dot_dimension_numbers<[1], [0], [0], [1], [0, 0, 1, 1], [], []>, transpose_lhs_hint = false} : vector<10240x128xf32>, vector<128x128xf32>, vector<10240x128xf32> -> vector<10240x128xf32>
    %get3A_9 = arith.constant 0 : index
    %get3A_10 = arith.constant 0 : index
    %get3A_11 = vector.load %arg3[%get3A_9, %get3A_10] : memref<10240x1xf32, #tpu.memory_space<vmem>>, vector<10240x1xf32>
    %mul3A = vector.broadcast %get3A_11 : vector<10240x1xf32> to vector<10240x128xf32>
    %mul3A_12 = arith.mulf %dot_general3A_8, %mul3A : vector<10240x128xf32>
    %get3A_13 = arith.constant 0 : index
    %get3A_14 = arith.constant 0 : index
    %get3A_15 = vector.load %arg5[%get3A_13, %get3A_14] : memref<1x128xf32, #tpu.memory_space<vmem>>, vector<1x128xf32>
    %add3A_16 = vector.broadcast %get3A_15 : vector<1x128xf32> to vector<10240x128xf32>
    %add3A_17 = arith.addf %mul3A_12, %add3A_16 : vector<10240x128xf32>
    %max3A = arith.constant 0.000000e+00 : f32
    %max3A_18 = vector.broadcast %max3A : f32 to vector<10240x128xf32>
    %max3A_19 = arith.maximumf %add3A_17, %max3A_18 : vector<10240x128xf32>
    %get3A_20 = arith.constant 0 : index
    %get3A_21 = arith.constant 0 : index
    %get3A_22 = vector.load %arg4[%get3A_20, %get3A_21] : memref<10240x1xf32, #tpu.memory_space<vmem>>, vector<10240x1xf32>
    %mul3A_23 = vector.broadcast %get3A_22 : vector<10240x1xf32> to vector<10240x128xf32>
    %mul3A_24 = arith.mulf %max3A_19, %mul3A_23 : vector<10240x128xf32>
    %swap3A = arith.constant 0 : index
    %swap3A_25 = arith.constant 0 : index
    %swap3A_26 = vector.load %arg6[%swap3A, %swap3A_25] : memref<10240x128xf32, #tpu.memory_space<vmem>>, vector<10240x128xf32>
    tpu.vector_store %arg6[%swap3A, %swap3A_25], %mul3A_24 {strides = array<i32>} : memref<10240x128xf32, #tpu.memory_space<vmem>>, vector<10240x128xf32>,
    return
  }
}

module attributes {stable_mosaic.version = 14 : i64} {
  func.func @_tcb_body(%arg0: memref<10240x128xf32, #tpu.memory_space<vmem>>, %arg1: memref<10240x128xf32, #tpu.memory_space<vmem>>, %arg2: memref<128x128xf32, #tpu.memory_space<vmem>>, %arg3: memref<10240x1xf32, #tpu.memory_space<vmem>>, %arg4: memref<1x128xf32, #tpu.memory_space<vmem>>, %arg5: memref<10240x1xf32, #tpu.memory_space<vmem>>, %arg6: memref<128x64xf32, #tpu.memory_space<vmem>>, %arg7: memref<1x64xf32, #tpu.memory_space<vmem>>, %arg8: memref<1x64xf32, #tpu.memory_space<vmem>>) attributes {dimension_semantics = [], scalar_prefetch = 0 : i64, scratch_operands = 0 : i64, tpu.core_type = #tpu.core_type<tc>} {
    %get3A = arith.constant 0 : index
    %get3A_0 = arith.constant 0 : index
    %get3A_1 = vector.load %arg0[%get3A, %get3A_0] : memref<10240x128xf32, #tpu.memory_space<vmem>>, vector<10240x128xf32>
    %get3A_2 = arith.constant 0 : index
    %get3A_3 = arith.constant 0 : index
    %get3A_4 = vector.load %arg1[%get3A_2, %get3A_3] : memref<10240x128xf32, #tpu.memory_space<vmem>>, vector<10240x128xf32>
    %add3A = arith.addf %get3A_1, %get3A_4 : vector<10240x128xf32>
    %get3A_5 = arith.constant 0 : index
    %get3A_6 = arith.constant 0 : index
    %get3A_7 = vector.load %arg2[%get3A_5, %get3A_6] : memref<128x128xf32, #tpu.memory_space<vmem>>, vector<128x128xf32>
    %dot_general3A = arith.constant dense<0.000000e+00> : vector<10240x128xf32>
    %dot_general3A_8 = tpu.matmul %add3A, %get3A_7, %dot_general3A {dimension_numbers = #tpu.dot_dimension_numbers<[1], [0], [0], [1], [0, 0, 1, 1], [], []>, transpose_lhs_hint = false} : vector<10240x128xf32>, vector<128x128xf32>, vector<10240x128xf32> -> vector<10240x128xf32>
    %get3A_9 = arith.constant 0 : index
    %get3A_10 = arith.constant 0 : index
    %get3A_11 = vector.load %arg3[%get3A_9, %get3A_10] : memref<10240x1xf32, #tpu.memory_space<vmem>>, vector<10240x1xf32>
    %mul3A = vector.broadcast %get3A_11 : vector<10240x1xf32> to vector<10240x128xf32>
    %mul3A_12 = arith.mulf %dot_general3A_8, %mul3A : vector<10240x128xf32>
    %get3A_13 = arith.constant 0 : index
    %get3A_14 = arith.constant 0 : index
    %get3A_15 = vector.load %arg4[%get3A_13, %get3A_14] : memref<1x128xf32, #tpu.memory_space<vmem>>, vector<1x128xf32>
    %add3A_16 = vector.broadcast %get3A_15 : vector<1x128xf32> to vector<10240x128xf32>
    %add3A_17 = arith.addf %mul3A_12, %add3A_16 : vector<10240x128xf32>
    %max3A = arith.constant 0.000000e+00 : f32
    %max3A_18 = vector.broadcast %max3A : f32 to vector<10240x128xf32>
    %max3A_19 = arith.maximumf %add3A_17, %max3A_18 : vector<10240x128xf32>
    %get3A_20 = arith.constant 0 : index
    %get3A_21 = arith.constant 0 : index
    %get3A_22 = vector.load %arg5[%get3A_20, %get3A_21] : memref<10240x1xf32, #tpu.memory_space<vmem>>, vector<10240x1xf32>
    %mul3A_23 = vector.broadcast %get3A_22 : vector<10240x1xf32> to vector<10240x128xf32>
    %mul3A_24 = arith.mulf %max3A_19, %mul3A_23 : vector<10240x128xf32>
    %reduce_sum3A = arith.constant dense<0.000000e+00> : vector<128xf32>
    %reduce_sum3A_25 = vector.multi_reduction <add>, %mul3A_24, %reduce_sum3A [0] : vector<10240x128xf32> to vector<128xf32>
    %broadcast_in_dim3A = vector.shape_cast %reduce_sum3A_25 : vector<128xf32> to vector<1x128xf32>
    %get3A_26 = arith.constant 0 : index
    %get3A_27 = arith.constant 0 : index
    %get3A_28 = vector.load %arg6[%get3A_26, %get3A_27] : memref<128x64xf32, #tpu.memory_space<vmem>>, vector<128x64xf32>
    %dot_general3A_29 = arith.constant dense<0.000000e+00> : vector<1x64xf32>
    %dot_general3A_30 = tpu.matmul %broadcast_in_dim3A, %get3A_28, %dot_general3A_29 {dimension_numbers = #tpu.dot_dimension_numbers<[1], [0], [0], [1], [0, 0, 1, 1], [], []>, transpose_lhs_hint = false} : vector<1x128xf32>, vector<128x64xf32>, vector<1x64xf32> -> vector<1x64xf32>
    %get3A_31 = arith.constant 0 : index
    %get3A_32 = arith.constant 0 : index
    %get3A_33 = vector.load %arg7[%get3A_31, %get3A_32] : memref<1x64xf32, #tpu.memory_space<vmem>>, vector<1x64xf32>
    %add3A_34 = arith.addf %dot_general3A_30, %get3A_33 : vector<1x64xf32>
    %swap3A = arith.constant 0 : index
    %swap3A_35 = arith.constant 0 : index
    %swap3A_36 = vector.load %arg8[%swap3A, %swap3A_35] : memref<1x64xf32, #tpu.memory_space<vmem>>, vector<1x64xf32>
    tpu.vector_store %arg8[%swap3A, %swap3A_35], %add3A_34 {strides = array<i32>} : memref<1x64xf32, #tpu.memory_space<vmem>>, vector<1x64xf32>,
    return
  }
}

</mosaic_0001>

<sc_bundles>
// kernel: kernel.10.cloned.1.call-start
scs
__scs_entry_jumppad:
0x0: {  	(pc) =	sbr.rel $0x88, $3  }
0x1: {  	(tag) =	ssettag $0x0;
	lr =	simm.s32 $0x1  }
0x2: {  	[smem:$0x3F99] =	sst lr;
	_ =	strace $0xD0000000  }
0x3: {  	_ = 	snop  }
0x4: {  	_ = 	snop  }
0x5: {  	_ = 	snop  }
0x6: {  	_ = 	snop  }
0x7: {  	_ = 	snop  }
__scs_overlays_trampoline_lowered:
0x8: {  	[smem:$0x3FA8] =	sst s0  }
0x9: {  	[smem:$0x3FA9] =	sst s1  }
0xa: {  	[smem:$0x3FAA] =	sst s2  }
0xb: {  	[smem:$0x3FAB] =	sst s3  }
0xc: {  	[smem:$0x3FAC] =	sst s4  }
0xd: {  	[smem:$0x3FAD] =	sst s5  }
0xe: {  	[smem:$0x3FAE] =	sst s6  }
0xf: {  	[smem:$0x3FAF] =	sst s7  }
0x10: {  	[smem:$0x3FB0] =	sst s8  }
0x11: {  	[smem:$0x3FB1] =	sst s9;
	s0 =	simm.s32 @!p0 $0x0  }
0x12: {  	s1 =	sld [smem:$0x3F97];
	s0 =	simm.s32 @p0 $0x1  }
0x13: {  	[smem:$0x3FB2] =	sst s0;
	s0 =	simm.s32 @!p1 $0x0  }
0x14: {  	s2 =	sld [smem:$0x3F96];
	s0 =	simm.s32 @p1 $0x1  }
0x15: {  	[smem:$0x3FB3] =	sst s0;
	s0 =	simm.s32 @!p2 $0x0  }
0x16: {  	s3 =	sld [smem:$0x3FDB];
	s0 =	simm.s32 @p2 $0x1  }
0x17: {  	s4 =	simm.s32 $0x1BF5;
	[smem:$0x3FB5] =	sst s0  }
0x18: {  	s0 =	sld [smem:$0x3F98];
	_ =	swait.ge [sflag:s4], $0x0  }
0x19: {  	s7 =	sld [smem:$0x3F99]  }
0x1a: {  	s8 =	sadd.s32 $0xFFFFE003, lr  }
0x1b: {  	s9 =	sadd.s32 $0xFFFFFEF7, lr;
	s5 =	simm.s32 $0xFFFFFFFF;
	p2 =	slt.u32 s8, $0xFFFFF086  }
0x1c: {  	p1 =	slt.u32 s9, $0xF7A;
	s5 =	simm.s32 @!p2 $0x0  }
0x1d: {  	s5 =	simm.s32 @p1 $0x1;
	p0 =	seq.s32 s7, s2  }
0x1e: {  	s7 =	smul.u32 @!p0 $0xF7A, s2;
	p2 =	seq.s32 @!p0 s5, $0x0  }
0x1f: {  	s9 =	smul.u32 $0xF7A, s1;
	s8 =	simm.s32 @!p0 $0x1BF5;
	p2 =	por !p2, p0  }
0x20: {  	[sflag:s8] =	ssyncset.s32 @!p0 $0xFFFFF086;
	s6 =	sadd.s32 @!p0 s3, s7;
	s7 =	simm.s32 @!p0 $0x108  }
0x21: {  	s3 =	sadd.s32 s3, s9;
	s6 =	sadd.s32 @!p0 $0x88, s6;
	s7 =	simm.s32 @p2 $0x1082  }
0x22: {  	[simem:s7], [sflag:s8] =	dma.local @!p0 [hbm:s6], $0xF7A  }
0x23: {  	s9 =	sor.u32 $0xD0000000, s2;
	s6 =	simm.s32 $0x108;
	_ =	swait.ge @!p0 [sflag:s8], $0x0  }
0x24: {  	s3 =	sadd.s32 $0x88, s3;
	s6 =	simm.s32 @!p1 $0x1082;
	[sflag:s4] =	ssyncset.s32 $0xFFFFF086  }
0x25: {  	[simem:s6], [sflag:s4] =	dma.local [hbm:s3], $0xF7A  }
0x26: {  	[smem:$0x3F99] =	sst s1;
	(tag) =	ssettag s2;
	_ =	strace s9  }
0x27: {  	s1 =	sld [smem:$0x3FA9]  }
0x28: {  	s2 =	sld [smem:$0x3FAA]  }
0x29: {  	s4 =	sld [smem:$0x3FAC]  }
0x2a: {  	p0 =	seq.s32 s5, $0x0;
	s5 =	sld [smem:$0x3FAD]  }
0x2b: {  	s6 =	sld [smem:$0x3FAE]  }
0x2c: {  	s7 =	sld [smem:$0x3FAF]  }
0x2d: {  	s3 =	simm.s32 $0x108;
	s8 =	sld [smem:$0x3FB0]  }
0x2e: {  	s3 =	simm.s32 @!p0 $0x1082;
	s9 =	sld [smem:$0x3FB1]  }
0x2f: {  	lr =	sadd.s32 s0, s3;
	s0 =	sld [smem:$0x3FA8]  }
0x30: {  	s3 =	sld [smem:$0x3FAB]  }
0x31: {  	[smem:$0x3FB4] =	sst s10  }
0x32: {  	s10 =	sld [smem:$0x3FB2];
	_ =	sdelay $0x3  }
0x33: {  	p0 =	seq.s32 s10, $0x1;
	s10 =	sld [smem:$0x3FB4];
	_ =	sdelay $0x3  }
0x34: {  	[smem:$0x3FB4] =	sst s10  }
0x35: {  	s10 =	sld [smem:$0x3FB3];
	_ =	sdelay $0x3  }
0x36: {  	p1 =	seq.s32 s10, $0x1;
	s10 =	sld [smem:$0x3FB4];
	_ =	sdelay $0x3  }
0x37: {  	[smem:$0x3FB4] =	sst s10  }
0x38: {  	s10 =	sld [smem:$0x3FB5]  }
0x39: {  	_ = 	snop;
	(pc) =	sbr.ind lr, $3  }
0x3a: {  	_ = 	snop  }
0x3b: {  	_ = 	snop  }
0x3c: {  	p2 =	seq.s32 s10, $0x1;
	s10 =	sld [smem:$0x3FB4]  }
0x3d: {  	_ =	shalt  }
0x3e: {  	_ =	shalt  }
0x3f: {  	_ =	shalt  }
0x40: {  	_ =	shalt  }
0x41: {  	_ =	shalt  }
0x42: {  	_ =	shalt  }
0x43: {  	_ =	shalt  }
0x44: {  	_ =	shalt  }
0x45: {  	_ =	shalt  }
0x46: {  	_ =	shalt  }
0x47: {  	_ =	shalt  }
0x48: {  	_ =	shalt  }
0x49: {  	_ =	shalt  }
0x4a: {  	_ =	shalt  }
0x4b: {  	_ =	shalt  }
0x4c: {  	_ =	shalt  }
0x4d: {  	_ =	shalt  }
0x4e: {  	_ =	shalt  }
0x4f: {  	_ =	shalt  }
0x50: {  	_ =	shalt  }
0x51: {  	_ =	shalt  }
0x52: {  	_ =	shalt  }
0x53: {  	_ =	shalt  }
0x54: {  	_ =	shalt  }
0x55: {  	_ =	shalt  }
0x56: {  	_ =	shalt  }
0x57: {  	_ =	shalt  }
0x58: {  	_ =	shalt  }
0x59: {  	_ =	shalt  }
0x5a: {  	_ =	shalt  }
0x5b: {  	_ =	shalt  }
0x5c: {  	_ =	shalt  }
0x5d: {  	_ =	shalt  }
0x5e: {  	_ =	shalt  }
0x5f: {  	_ =	shalt  }
0x60: {  	_ =	shalt  }
0x61: {  	_ =	shalt  }
0x62: {  	_ =	shalt  }
0x63: {  	_ =	shalt  }
0x64: {  	_ =	shalt  }
0x65: {  	_ =	shalt  }
0x66: {  	_ =	shalt  }
0x67: {  	_ =	shalt  }
0x68: {  	_ =	shalt  }
0x69: {  	_ =	shalt  }
0x6a: {  	_ =	shalt  }
0x6b: {  	_ =	shalt  }
0x6c: {  	_ =	shalt  }
0x6d: {  	_ =	shalt  }
0x6e: {  	_ =	shalt  }
0x6f: {  	_ =	shalt  }
0x70: {  	_ =	shalt  }
0x71: {  	_ =	shalt  }
0x72: {  	_ =	shalt  }
0x73: {  	_ =	shalt  }
0x74: {  	_ =	shalt  }
0x75: {  	_ =	shalt  }
0x76: {  	_ =	shalt  }
0x77: {  	_ =	shalt  }
0x78: {  	_ =	shalt  }
0x79: {  	_ =	shalt  }
0x7a: {  	_ =	shalt  }
0x7b: {  	_ =	shalt  }
0x7c: {  	_ =	shalt  }
0x7d: {  	_ =	shalt  }
0x7e: {  	_ =	shalt  }
0x7f: {  	_ =	shalt  }
0x80: {  	_ =	shalt  }
0x81: {  	_ =	shalt  }
0x82: {  	_ =	shalt  }
0x83: {  	_ =	shalt  }
0x84: {  	_ =	shalt  }
0x85: {  	_ =	shalt  }
0x86: {  	_ =	shalt  }
0x87: {  	_ =	shalt  }
.Lfunc_end0:
.L_simem_size_0:
called_computation.1_lowered:
.L_overlay_start_0:
0x88: {  	s2 =	sld [smem:$0x3FD9]  }
0x89: {  	s3 =	sld [smem:$0x3FFE];
	_ =	sdelay $0x1  }
0x8a: {  	s1 =	srdreg.scid  }
0x8b: {  	s0 =	sand.u32 $0x1, s1  }
0x8c: {  	s16 =	sshll.u32 s0, $0xA;
	s2 =	sadd.s32 s3, s2  }
0x8d: {  	s2 =	sadd.s32 s2, s16  }
0x8e: {  	[smem:$0x3FC0] =	sst s2  }
0x8f: {  	_ = 	snop  }
0x90: {  	(tm) =	ssettm $0x1  }
0x91: {  	s17 =	sld [smem:$0x3FFB];
	_ =	sdelay $0x3  }
0x92: {  	_ =	strace s17  }
0x93: {  	s2 =	sld [smem:$0x3FFC];
	_ =	sdelay $0x3  }
0x94: {  	_ =	strace s2  }
0x95: {  	s2 =	sld [smem:$0x3FFD];
	_ =	sdelay $0x3  }
0x96: {  	_ =	strace s2  }
0x97: {  	_ =	strace $0x8FFFFFFF  }
0x98: {  	s18 =	sld [smem:$0x3FDB];
	_ =	sdelay $0x1  }
0x99: {  	s19 =	simm.s32 $_scs_section_size  }
0x9a: {  	s4 =	simm.s32 $_size__tile_overlayer_lowered;
	s5 =	simm.s32 $_tile_overlayer_lowered  }
0x9b: {  	s22 =	simm.s32 $0x1BFF;
	s21 =	sshll.u32 s5, $0x1;
	s2 =	sadd.s32 s19, s18  }
0x9c: {  	s6 =	simm.s32 $0x0;
	s20 =	sshll.u32 s4, $0x1;
	s4 =	sadd.s32 s21, s2  }
0x9d: {  	[timem:s6], [sflag:s22] =	dma.local [hbm:s4], s20  }
0x9e: {  	_ =	swait.ge [sflag:s22], s20  }
0x9f: {  	s3 =	ssub.s32 $0x0, s20;
	[sflag:s22] =	ssyncset.done $0x0  }
0xa0: {  	[sflag:s22] =	ssyncadd.s32 s3;
	_ =	sdelay $0x1  }
0xa1: {  	s23 =	simm.s32 $0x1B8B  }
0xa2: {  	_ =	swait.ge [sflag:s23], $0x1  }
0xa3: {  	[sflag:s23] =	ssyncset.done $0x0  }
0xa4: {  	s25 =	simm.s32 $0x1B8E;
	s24 =	sld [smem:$0x3FFE];
	[sflag:s23] =	ssyncadd.s32 $0xFFFFFFFF  }
0xa5: {  	s26 =	simm.s32 $execute0_lowered;
	[smem:$0x3FD2] =	sst s25  }
0xa6: {  	s4 =	sshll.u32 s26, $0x1;
	_ =	strace $0x80000049;
	[dreg:$0x1] =	wrdreg $0xFFFFFFFF  }
0xa7: {  	s28 =	simm.s32 $_size_execute0_lowered;
	s2 =	sadd.s32 s2, s4;
	[dreg:$0x0] =	wrdreg $0x0  }
0xa8: {  	s4 =	sshll.u32 s28, $0x1;
	[dreg:$0x2] =	wrdreg s2  }
0xa9: {  	[dreg:$0x3] =	wrdreg s4  }
0xaa: {  	[dreg:$0x4] =	wrdreg $0xC0  }
0xab: {  	_ =	task [dreg:s6], $0x5FFFF  }
0xac: {  	[dreg:$0x1] =	wrdreg $0xFFFFFFFF  }
0xad: {  	[dreg:$0x0] =	wrdreg $0x60  }
0xae: {  	[dreg:$0x2] =	wrdreg s24  }
0xaf: {  	[dreg:$0x3] =	wrdreg $0x0  }
0xb0: {  	[dreg:$0x4] =	wrdreg $0x140000  }
0xb1: {  	[dreg:$0x5] =	wrdreg $0x9  }
0xb2: {  	_ =	task.clear_ibuf [dreg:s6], $0x6FFFF;
	_ =	strace $0x90000049  }
0xb3: {  	s29 =	simm.s32 $0x9;
	_ =	strace $0x8000004B  }
0xb4: {  	_ =	swait.ge [sflag:s29], $0x1  }
0xb5: {  	[sflag:s29] =	ssyncadd.s32 $0xFFFFFFFF  }
0xb6: {  	_ =	strace $0x9000004B  }
0xb7: {  	_ =	sfence  }
0xb8: {  	s30 =	sld [smem:$0x0];
	_ =	sdelay $0x2  }
0xb9: {  	s31 =	sshll.u32 s1, $0xD;
	s1 =	sshrl.u32 s1, $0x2  }
0xba: {  	s3 =	sand.u32 $0x4000, s31;
	s1 =	sadd.s32 s1, s30  }
0xbb: {  	s0 =	sor.u32 s3, s0;
	s1 =	sshll.u32 s1, $0x11  }
0xbc: {  	s0 =	sor.u32 s1, s0  }
0xbd: {  	s0 =	sadd.s32 $0x8F2B, s0  }
0xbe: {  	[sflag:s0] =	ssyncadd.remote.s32 $0x1  }
0xbf: {  	_ =	sfence.sel $0xFFFF  }
0xc0: {  	[dreg:$0x0] =	wrdreg $0xFFFFFFFF;
	(pc) =	sbr.abs _section_cstart, $3  }
0xc1: {  	[dreg:$0x1] =	wrdreg $0xFFFFFFFF  }
0xc2: {  	_ =	task.clear_ibuf [dreg:s6], $0x2FFFF;
	_ =	strace $0x9FFFFFFF  }
0xc3: {  	(tm) =	ssettm $0x7FFFFFFF  }
tec
execute0_lowered:
.L_overlay_start_1:
0x0: {  	(tag) =	ssettag $0x1  }
0x1: {  	s0 =	rddreg [dreg:$0x0]  }
0x2: {  	s1 =	rddreg [dreg:$0x1]  }
0x3: {  	s2 =	rddreg [dreg:$0x2]  }
0x4: {  	s18 =	simm.s32 $0x0;
	s3 =	srdreg.scid;
	s13 =	stileid.u32  }
0x5: {  	s28 =	simm.s32 $0x15280;
	s29 =	simm.s32 $0x50;
	s30 =	simm.s32 $0x16280  }
0x6: {  	[smem:$0x7FF] =	sst s18;
	s5 =	sadd.s32 $0x2AA00, s0;
	s3 =	sand.u32 $0x1, s3  }
0x7: {  	s4 =	smul.u32 $0x500, s13;
	s6 =	sadd.s32 $0x2400, s0;
	s11 =	sadd.s32 $0x16400, s0  }
0x8: {  	s7 =	sadd.s32 $0x52A00, s0;
	s14 =	smul.u32 $0xA00, s13;
	s8 =	sadd.s32 $0x2A400, s0  }
0x9: {  	s22 =	smul.u32 $0x50000, s13;
	_ =	strace $0x8000004A;
	[dreg:$0x5] =	wrdreg s6  }
0xa: {  	s24 =	smul.u32 $0x2800, s13;
	s31 =	sshll.u32 s13, $0x6;
	[dreg:$0x6] =	wrdreg s11  }
0xb: {  	s12 =	sshll.u32 s3, $0x7;
	s9 =	ssub.s32 $0x2, s3;
	s15 =	sshll.u32 s3, $0x4  }
0xc: {  	p0 =	seq.s32 s3, $0x0;
	s4 =	sor.u32 s12, s4;
	s10 =	sshrl.u32 s9, $0x1  }
0xd: {  	s6 =	sshrl.u32 s14, $0x2;
	s16 =	sor.u32 s13, s15;
	s12 =	simm.s32 $0x55200  }
0xe: {  	s13 =	simm.s32 $0x5;
	s15 =	simm.s32 $0xB;
	s4 =	sshrl.u32 s4, $0x3  }
0xf: {  	s9 =	ssub.s32 s9, s10;
	s26 =	sadd.s32 s6, s2;
	s10 =	sshrl.u32 s22, $0x2  }
0x10: {  	s12 =	simm.s32 @!p0 $0x7D200;
	s17 =	sadd.s32 $0x50, s26;
	[dreg:$0x7] =	wrdreg s26  }
0x11: {  	s6 =	smul.u32 $0x5000, s16;
	s19 =	sadd.s32 $0xA0, s26;
	[dreg:$0x8] =	wrdreg s17  }
0x12: {  	p0 =	sne.s32 s3, $0x0;
	s20 =	sadd.s32 $0xF0, s26;
	[dreg:$0x9] =	wrdreg s19  }
0x13: {  	s22 =	simm.s32 $0x1DA80;
	s21 =	sadd.s32 $0x140, s26;
	[dreg:$0xa] =	wrdreg s20  }
0x14: {  	s16 =	simm.s32 $0x1DB80;
	s11 =	sadd.s32 $0x190, s26;
	[dreg:$0xb] =	wrdreg s21  }
0x15: {  	s4 =	sadd.s32 s4, s0;
	s23 =	sadd.s32 $0x1E0, s26;
	[dreg:$0xc] =	wrdreg s11  }
0x16: {  	s14 =	sadd.s32 $0x230, s26;
	s10 =	sadd.s32 s10, s1;
	[dreg:$0xd] =	wrdreg s23  }
0x17: {  	s0 =	sadd.s32 s12, s0;
	s12 =	sadd.s32 s5, s24;
	[dreg:$0xe] =	wrdreg s14  }
0x18: {  	s25 =	smax.u32 s9, $0x1;
	s9 =	simm.s32 $0xC;
	[dreg:$0x10] =	wrdreg s6  }
0x19: {  	s4 =	sadd.s32 $0xA5200, s4;
	[dreg:$0x12] =	wrdreg s25;
	s0 =	sadd.s32 s0, s24  }
0x1a: {  	s12 =	smov.u32 @p0 s7;
	s23 =	simm.s32 $0xD;
	s7 =	sor.u32 $0x1C0D, s31  }
0x1b: {  	s6 =	sshrl.u32 s10, $0x3;
	s10 =	simm.s32 $0x1DB00;
	s11 =	simm.s32 $0x1  }
0x1c: {  	s14 =	simm.s32 $0x1B280;
	s19 =	simm.s32 $0x2;
	[dreg:$0x11] =	wrdreg s4  }
0x1d: {  	s20 =	simm.s32 $0x8;
	s21 =	simm.s32 $0x4;
	[dreg:$0x13] =	wrdreg s0  }
0x1e: {  	s17 =	simm.s32 $0xA;
	s24 =	simm.s32 $0x3;
	[dreg:$0xf] =	wrdreg s12  }
0x1f: {  	s25 =	simm.s32 $0x6;
	s0 =	simm.s32 $0x18A80;
	[dreg:$0x14] =	wrdreg s7  }
0x20: {  	v0 =	vimm.f32 $0.0e+00;
	s12 =	simm.s32 $0x7;
	s4 =	simm.s32 $0x9;
	[dreg:$0x15] =	wrdreg s6  }
.LBB2_1:
0x21: {  	[tilespmem:$0x1DA80] =	vst v0  }
0x22: {  	[tilespmem:$0x1DA90] =	vst v0  }
0x23: {  	[tilespmem:$0x1DAA0] =	vst v0  }
0x24: {  	[tilespmem:$0x1DAB0] =	vst v0  }
0x25: {  	[dreg:$0x4] =	wrdreg s18;
	[tilespmem:$0x1DAC0] =	vst v0  }
0x26: {  	[spmem:s26] =	stream.linear.scatter [tilespmem:s22], [sflag:$0xD], $0x50, $0x38;
	[tilespmem:$0x1DC00] =	vst v63  }
0x27: {  	_ =	swait.ge [sflag:s23], $0x50  }
0x28: {  	[sflag:s23] =	ssyncset.done $0x0  }
0x29: {  	s3 =	rddreg [dreg:$0x8];
	[sflag:s23] =	ssyncadd.s32 $0xFFFFFFB0  }
0x2a: {  	[spmem:s3] =	stream.linear.scatter [tilespmem:s22], [sflag:$0xD], $0x50, $0x38;
	[tilespmem:$0x1DC00] =	vst v63  }
0x2b: {  	_ =	swait.ge [sflag:s23], $0x50  }
0x2c: {  	[sflag:s23] =	ssyncset.done $0x0  }
0x2d: {  	s31 =	rddreg [dreg:$0x9];
	[sflag:s23] =	ssyncadd.s32 $0xFFFFFFB0  }
0x2e: {  	[spmem:s31] =	stream.linear.scatter [tilespmem:s22], [sflag:$0xD], $0x50, $0x38;
	[tilespmem:$0x1DC00] =	vst v63  }
0x2f: {  	_ =	swait.ge [sflag:s23], $0x50  }
0x30: {  	[sflag:s23] =	ssyncset.done $0x0  }
0x31: {  	s18 =	rddreg [dreg:$0xa];
	[sflag:s23] =	ssyncadd.s32 $0xFFFFFFB0  }
0x32: {  	[spmem:s18] =	stream.linear.scatter [tilespmem:s22], [sflag:$0xD], $0x50, $0x38;
	[tilespmem:$0x1DC00] =	vst v63  }
0x33: {  	_ =	swait.ge [sflag:s23], $0x50  }
0x34: {  	[sflag:s23] =	ssyncset.done $0x0  }
0x35: {  	s26 =	rddreg [dreg:$0xb];
	[sflag:s23] =	ssyncadd.s32 $0xFFFFFFB0  }
0x36: {  	[spmem:s26] =	stream.linear.scatter [tilespmem:s22], [sflag:$0xD], $0x50, $0x38;
	[tilespmem:$0x1DC00] =	vst v63  }
0x37: {  	_ =	swait.ge [sflag:s23], $0x50  }
0x38: {  	[sflag:s23] =	ssyncset.done $0x0  }
0x39: {  	s31 =	rddreg [dreg:$0xc];
	[sflag:s23] =	ssyncadd.s32 $0xFFFFFFB0  }
0x3a: {  	[spmem:s31] =	stream.linear.scatter [tilespmem:s22], [sflag:$0xD], $0x50, $0x38;
	[tilespmem:$0x1DC00] =	vst v63  }
0x3b: {  	_ =	swait.ge [sflag:s23], $0x50  }
0x3c: {  	[sflag:s23] =	ssyncset.done $0x0  }
0x3d: {  	s18 =	rddreg [dreg:$0xd];
	[sflag:s23] =	ssyncadd.s32 $0xFFFFFFB0  }
0x3e: {  	[spmem:s18] =	stream.linear.scatter [tilespmem:s22], [sflag:$0xD], $0x50, $0x38;
	[tilespmem:$0x1DC00] =	vst v63  }
0x3f: {  	_ =	swait.ge [sflag:s23], $0x50  }
0x40: {  	[sflag:s23] =	ssyncset.done $0x0  }
0x41: {  	s26 =	rddreg [dreg:$0xe];
	[sflag:s23] =	ssyncadd.s32 $0xFFFFFFB0  }
0x42: {  	[spmem:s26] =	stream.linear.scatter [tilespmem:s22], [sflag:$0xD], $0x50, $0x38;
	[tilespmem:$0x1DC00] =	vst v63  }
0x43: {  	_ =	swait.ge [sflag:s23], $0x50  }
0x44: {  	[sflag:s23] =	ssyncset.done $0x0  }
0x45: {  	s31 =	rddreg [dreg:$0xf];
	[sflag:s23] =	ssyncadd.s32 $0xFFFFFFB0  }
0x46: {  	[spmem:s6], [sflag:s7] =	dma.local [hbm:s31], $0x2800  }
0x47: {  	_ =	swait.ge [sflag:s23], $0x2800  }
0x48: {  	[sflag:s23] =	ssyncset.done $0x0  }
0x49: {  	[sflag:s23] =	ssyncadd.s32 $0xFFFFD800  }
0x4a: {  	s6 =	simm.s32 $0x0;
	[bflag:$0x0] =	sbarrier.arrive $0xFFFF  }
.LBB2_2:
0x4b: {  	s7 =	sshll.u32 s6, $0xC;
	s3 =	rddreg [dreg:$0x10]  }
0x4c: {  	s7 =	sadd.s32 s3, s7  }
0x4d: {  	s31 =	rddreg [dreg:$0x5];
	s7 =	sshrl.u32 s7, $0x3  }
0x4e: {  	s26 =	simm.s32 $0x14280;
	s18 =	sadd.s32 s31, s7;
	s31 =	simm.s32 $0x0  }
0x4f: {  	[tilespmem:s26], [sflag:$0xD] =	stream.linear.gather [hbm4b:s18+s31], $0xC80, $0x38;
	[tilespmem:$0x1DC00] =	vst v63  }
0x50: {  	_ =	swait.ge [sflag:s23], $0xC80  }
0x51: {  	[sflag:s23] =	ssyncset.done $0x0;
	s18 =	rddreg [dreg:$0x6]  }
0x52: {  	[sflag:s23] =	ssyncadd.s32 $0xFFFFF380;
	s7 =	sadd.s32 s18, s7  }
0x53: {  	[tilespmem:s28], [sflag:$0xD] =	stream.linear.gather [hbm4b:s7+s31], $0xC80, $0x38;
	[tilespmem:$0x1DC00] =	vst v63  }
0x54: {  	_ =	swait.ge [sflag:s23], $0xC80  }
0x55: {  	[sflag:s23] =	ssyncset.done $0x0  }
0x56: {  	[sflag:s23] =	ssyncadd.s32 $0xFFFFF380  }
0x57: {  	[tilespmem:s30], [sflag:$0x1] =	stream.indirect.gather [hbm4b:s5+s29], $0x80, s26, s29, $0xb8;
	[tilespmem:$0x1DC00] =	vst v63  }
0x58: {  	_ = 	snop  }
0x59: {  	[tilespmem:s22], [sflag:$0x7] =	stream.indirect.gather [hbm4b:s8+s29], $0x1, s28, s29, $0xb8;
	[tilespmem:$0x1DC00] =	vst v63  }
0x5a: {  	s3 =	simm.s32 $0x14300  }
0x5b: {  	[tilespmem:s0], [sflag:$0x2] =	stream.indirect.gather [hbm4b:s5+s29], $0x80, s3, s29, $0xb8;
	[tilespmem:$0x1DC00] =	vst v63  }
0x5c: {  	s7 =	simm.s32 $0x15300  }
0x5d: {  	[tilespmem:s10], [sflag:$0x8] =	stream.indirect.gather [hbm4b:s8+s29], $0x1, s7, s29, $0xb8;
	[tilespmem:$0x1DC00] =	vst v63  }
0x5e: {  	_ =	swait.ge [sflag:s11], $0x2800  }
0x5f: {  	[sflag:s11] =	ssyncset.done $0x0  }
0x60: {  	[sflag:s11] =	ssyncadd.s32 $0xFFFFD800  }
0x61: {  	[spmem:s1] =	stream.indirect.scatter.add.f32 [tilespmem:s30], [sflag:$0x4], $0x80, s28, s29, $0xb8;
	[tilespmem:$0x1DC00] =	vst v63  }
0x62: {  	_ =	swait.ge [sflag:s12], $0x50  }
0x63: {  	[sflag:s12] =	ssyncset.done $0x0  }
0x64: {  	[sflag:s12] =	ssyncadd.s32 $0xFFFFFFB0  }
0x65: {  	[spmem:s2] =	stream.indirect.scatter.add.f32 [tilespmem:s22], [sflag:$0xA], $0x1, s26, s29, $0xb8;
	[tilespmem:$0x1DC00] =	vst v63  }
0x66: {  	s26 =	simm.s32 $0x14380  }
0x67: {  	[tilespmem:s14], [sflag:$0x3] =	stream.indirect.gather [hbm4b:s5+s29], $0x80, s26, s29, $0xb8;
	[tilespmem:$0x1DC00] =	vst v63  }
0x68: {  	s31 =	simm.s32 $0x15380  }
0x69: {  	[tilespmem:s16], [sflag:$0x9] =	stream.indirect.gather [hbm4b:s8+s29], $0x1, s31, s29, $0xb8;
	[tilespmem:$0x1DC00] =	vst v63  }
0x6a: {  	_ =	swait.ge [sflag:s19], $0x2800  }
0x6b: {  	[sflag:s19] =	ssyncset.done $0x0  }
0x6c: {  	[sflag:s19] =	ssyncadd.s32 $0xFFFFD800  }
0x6d: {  	[spmem:s1] =	stream.indirect.scatter.add.f32 [tilespmem:s0], [sflag:$0x5], $0x80, s7, s29, $0xb8;
	[tilespmem:$0x1DC00] =	vst v63  }
0x6e: {  	_ =	swait.ge [sflag:s20], $0x50  }
0x6f: {  	[sflag:s20] =	ssyncset.done $0x0  }
0x70: {  	[sflag:s20] =	ssyncadd.s32 $0xFFFFFFB0  }
0x71: {  	[spmem:s2] =	stream.indirect.scatter.add.f32 [tilespmem:s10], [sflag:$0xB], $0x1, s3, s29, $0xb8;
	[tilespmem:$0x1DC00] =	vst v63  }
0x72: {  	_ =	swait.ge [sflag:s21], $0x2800  }
0x73: {  	[sflag:s21] =	ssyncset.done $0x0  }
0x74: {  	[sflag:s21] =	ssyncadd.s32 $0xFFFFD800  }
0x75: {  	_ =	swait.ge [sflag:s17], $0x50  }
0x76: {  	[sflag:s17] =	ssyncset.done $0x0  }
0x77: {  	s7 =	simm.s32 $0x14400;
	[sflag:s17] =	ssyncadd.s32 $0xFFFFFFB0  }
0x78: {  	[tilespmem:s30], [sflag:$0x1] =	stream.indirect.gather [hbm4b:s5+s29], $0x80, s7, s29, $0xb8;
	[tilespmem:$0x1DC00] =	vst v63  }
0x79: {  	s18 =	simm.s32 $0x15400  }
0x7a: {  	[tilespmem:s22], [sflag:$0x7] =	stream.indirect.gather [hbm4b:s8+s29], $0x1, s18, s29, $0xb8;
	[tilespmem:$0x1DC00] =	vst v63  }
0x7b: {  	_ =	swait.ge [sflag:s24], $0x2800  }
0x7c: {  	[sflag:s24] =	ssyncset.done $0x0  }
0x7d: {  	s26 =	simm.s32 $0x15380;
	[sflag:s24] =	ssyncadd.s32 $0xFFFFD800  }
0x7e: {  	[spmem:s1] =	stream.indirect.scatter.add.f32 [tilespmem:s14], [sflag:$0x6], $0x80, s26, s29, $0xb8;
	[tilespmem:$0x1DC00] =	vst v63  }
0x7f: {  	_ =	swait.ge [sflag:s4], $0x50  }
0x80: {  	[sflag:s4] =	ssyncset.done $0x0  }
0x81: {  	s31 =	simm.s32 $0x14380;
	[sflag:s4] =	ssyncadd.s32 $0xFFFFFFB0  }
0x82: {  	[spmem:s2] =	stream.indirect.scatter.add.f32 [tilespmem:s16], [sflag:$0xC], $0x1, s31, s29, $0xb8;
	[tilespmem:$0x1DC00] =	vst v63  }
0x83: {  	_ =	swait.ge [sflag:s13], $0x2800  }
0x84: {  	[sflag:s13] =	ssyncset.done $0x0  }
0x85: {  	[sflag:s13] =	ssyncadd.s32 $0xFFFFD800  }
0x86: {  	_ =	swait.ge [sflag:s15], $0x50  }
0x87: {  	[sflag:s15] =	ssyncset.done $0x0  }
0x88: {  	s7 =	simm.s32 $0x14480;
	[sflag:s15] =	ssyncadd.s32 $0xFFFFFFB0  }
0x89: {  	[tilespmem:s0], [sflag:$0x2] =	stream.indirect.gather [hbm4b:s5+s29], $0x80, s7, s29, $0xb8;
	[tilespmem:$0x1DC00] =	vst v63  }
0x8a: {  	s18 =	simm.s32 $0x15480  }
0x8b: {  	[tilespmem:s10], [sflag:$0x8] =	stream.indirect.gather [hbm4b:s8+s29], $0x1, s18, s29, $0xb8;
	[tilespmem:$0x1DC00] =	vst v63  }
0x8c: {  	_ =	swait.ge [sflag:s11], $0x2800  }
0x8d: {  	[sflag:s11] =	ssyncset.done $0x0  }
0x8e: {  	s3 =	simm.s32 $0x15400;
	[sflag:s11] =	ssyncadd.s32 $0xFFFFD800  }
0x8f: {  	[spmem:s1] =	stream.indirect.scatter.add.f32 [tilespmem:s30], [sflag:$0x4], $0x80, s3, s29, $0xb8;
	[tilespmem:$0x1DC00] =	vst v63  }
0x90: {  	_ =	swait.ge [sflag:s12], $0x50  }
0x91: {  	[sflag:s12] =	ssyncset.done $0x0  }
0x92: {  	s26 =	simm.s32 $0x14400;
	[sflag:s12] =	ssyncadd.s32 $0xFFFFFFB0  }
0x93: {  	[spmem:s2] =	stream.indirect.scatter.add.f32 [tilespmem:s22], [sflag:$0xA], $0x1, s26, s29, $0xb8;
	[tilespmem:$0x1DC00] =	vst v63  }
0x94: {  	_ =	swait.ge [sflag:s25], $0x2800  }
0x95: {  	[sflag:s25] =	ssyncset.done $0x0  }
0x96: {  	[sflag:s25] =	ssyncadd.s32 $0xFFFFD800  }
0x97: {  	_ =	swait.ge [sflag:s9], $0x50  }
0x98: {  	[sflag:s9] =	ssyncset.done $0x0  }
0x99: {  	s3 =	simm.s32 $0x14500;
	[sflag:s9] =	ssyncadd.s32 $0xFFFFFFB0  }
0x9a: {  	[tilespmem:s14], [sflag:$0x3] =	stream.indirect.gather [hbm4b:s5+s29], $0x80, s3, s29, $0xb8;
	[tilespmem:$0x1DC00] =	vst v63  }
0x9b: {  	s26 =	simm.s32 $0x15500  }
0x9c: {  	[tilespmem:s16], [sflag:$0x9] =	stream.indirect.gather [hbm4b:s8+s29], $0x1, s26, s29, $0xb8;
	[tilespmem:$0x1DC00] =	vst v63  }
0x9d: {  	_ =	swait.ge [sflag:s19], $0x2800  }
0x9e: {  	[sflag:s19] =	ssyncset.done $0x0  }
0x9f: {  	[sflag:s19] =	ssyncadd.s32 $0xFFFFD800  }
0xa0: {  	[spmem:s1] =	stream.indirect.scatter.add.f32 [tilespmem:s0], [sflag:$0x5], $0x80, s18, s29, $0xb8;
	[tilespmem:$0x1DC00] =	vst v63  }
0xa1: {  	_ =	swait.ge [sflag:s20], $0x50  }
0xa2: {  	[sflag:s20] =	ssyncset.done $0x0  }
0xa3: {  	[sflag:s20] =	ssyncadd.s32 $0xFFFFFFB0  }
0xa4: {  	[spmem:s2] =	stream.indirect.scatter.add.f32 [tilespmem:s10], [sflag:$0xB], $0x1, s7, s29, $0xb8;
	[tilespmem:$0x1DC00] =	vst v63  }
0xa5: {  	_ =	swait.ge [sflag:s21], $0x2800  }
0xa6: {  	[sflag:s21] =	ssyncset.done $0x0  }
0xa7: {  	[sflag:s21] =	ssyncadd.s32 $0xFFFFD800  }
0xa8: {  	_ =	swait.ge [sflag:s17], $0x50  }
0xa9: {  	s31 =	simm.s32 $0x14580;
	[sflag:s17] =	ssyncset.done $0x0  }
0xaa: {  	s18 =	simm.s32 $0x15580;
	s7 =	simm.s32 $0x600;
	[sflag:s17] =	ssyncadd.s32 $0xFFFFFFB0  }
0xab: {  	[tilespmem:s30], [sflag:$0x1] =	stream.indirect.gather [hbm4b:s5+s29], $0x80, s31, s29, $0xb8;
	[tilespmem:$0x1DC00] =	vst v63  }
.LBB2_3:
0xac: {  	[tilespmem:s22], [sflag:$0x7] =	stream.indirect.gather [hbm4b:s8+s29], $0x1, s18, s29, $0xb8;
	[tilespmem:$0x1DC00] =	vst v63  }
0xad: {  	s18 =	smov.u32 s7  }
0xae: {  	p0 =	sne.s32 s7, $0x2400;
	s7 =	sadd.s32 $0x600, s7;
	_ =	swait.ge [sflag:s24], $0x2800  }
0xaf: {  	s18 =	sshra.s32 s18, $0x2;
	[sflag:s24] =	ssyncset.done $0x0  }
0xb0: {  	s31 =	sadd.s32 $0x15380, s18;
	[sflag:s24] =	ssyncadd.s32 $0xFFFFD800  }
0xb1: {  	[spmem:s1] =	stream.indirect.scatter.add.f32 [tilespmem:s14], [sflag:$0x6], $0x80, s31, s29, $0xb8;
	[tilespmem:$0x1DC00] =	vst v63  }
0xb2: {  	_ =	swait.ge [sflag:s4], $0x50  }
0xb3: {  	[sflag:s4] =	ssyncset.done $0x0  }
0xb4: {  	s31 =	sadd.s32 $0x14380, s18;
	[sflag:s4] =	ssyncadd.s32 $0xFFFFFFB0  }
0xb5: {  	[spmem:s2] =	stream.indirect.scatter.add.f32 [tilespmem:s16], [sflag:$0xC], $0x1, s31, s29, $0xb8;
	[tilespmem:$0x1DC00] =	vst v63  }
0xb6: {  	_ =	swait.ge [sflag:s13], $0x2800  }
0xb7: {  	[sflag:s13] =	ssyncset.done $0x0  }
0xb8: {  	[sflag:s13] =	ssyncadd.s32 $0xFFFFD800  }
0xb9: {  	_ =	swait.ge [sflag:s15], $0x50  }
0xba: {  	[sflag:s15] =	ssyncset.done $0x0  }
0xbb: {  	s31 =	sadd.s32 $0x14480, s18;
	[sflag:s15] =	ssyncadd.s32 $0xFFFFFFB0  }
0xbc: {  	[tilespmem:s0], [sflag:$0x2] =	stream.indirect.gather [hbm4b:s5+s29], $0x80, s31, s29, $0xb8;
	[tilespmem:$0x1DC00] =	vst v63  }
0xbd: {  	s3 =	sadd.s32 $0x15480, s18  }
0xbe: {  	[tilespmem:s10], [sflag:$0x8] =	stream.indirect.gather [hbm4b:s8+s29], $0x1, s3, s29, $0xb8;
	[tilespmem:$0x1DC00] =	vst v63  }
0xbf: {  	_ =	swait.ge [sflag:s11], $0x2800  }
0xc0: {  	[sflag:s11] =	ssyncset.done $0x0  }
0xc1: {  	s26 =	sadd.s32 $0x15400, s18;
	[sflag:s11] =	ssyncadd.s32 $0xFFFFD800  }
0xc2: {  	[spmem:s1] =	stream.indirect.scatter.add.f32 [tilespmem:s30], [sflag:$0x4], $0x80, s26, s29, $0xb8;
	[tilespmem:$0x1DC00] =	vst v63  }
0xc3: {  	_ =	swait.ge [sflag:s12], $0x50  }
0xc4: {  	[sflag:s12] =	ssyncset.done $0x0  }
0xc5: {  	s26 =	sadd.s32 $0x14400, s18;
	[sflag:s12] =	ssyncadd.s32 $0xFFFFFFB0  }
0xc6: {  	[spmem:s2] =	stream.indirect.scatter.add.f32 [tilespmem:s22], [sflag:$0xA], $0x1, s26, s29, $0xb8;
	[tilespmem:$0x1DC00] =	vst v63  }
0xc7: {  	_ =	swait.ge [sflag:s25], $0x2800  }
0xc8: {  	[sflag:s25] =	ssyncset.done $0x0  }
0xc9: {  	[sflag:s25] =	ssyncadd.s32 $0xFFFFD800  }
0xca: {  	_ =	swait.ge [sflag:s9], $0x50  }
0xcb: {  	[sflag:s9] =	ssyncset.done $0x0  }
0xcc: {  	s26 =	sadd.s32 $0x14500, s18;
	[sflag:s9] =	ssyncadd.s32 $0xFFFFFFB0  }
0xcd: {  	[tilespmem:s14], [sflag:$0x3] =	stream.indirect.gather [hbm4b:s5+s29], $0x80, s26, s29, $0xb8;
	[tilespmem:$0x1DC00] =	vst v63  }
0xce: {  	s26 =	sadd.s32 $0x15500, s18  }
0xcf: {  	[tilespmem:s16], [sflag:$0x9] =	stream.indirect.gather [hbm4b:s8+s29], $0x1, s26, s29, $0xb8;
	[tilespmem:$0x1DC00] =	vst v63  }
0xd0: {  	_ =	swait.ge [sflag:s19], $0x2800  }
0xd1: {  	[sflag:s19] =	ssyncset.done $0x0  }
0xd2: {  	[sflag:s19] =	ssyncadd.s32 $0xFFFFD800  }
0xd3: {  	[spmem:s1] =	stream.indirect.scatter.add.f32 [tilespmem:s0], [sflag:$0x5], $0x80, s3, s29, $0xb8;
	[tilespmem:$0x1DC00] =	vst v63  }
0xd4: {  	_ =	swait.ge [sflag:s20], $0x50  }
0xd5: {  	[sflag:s20] =	ssyncset.done $0x0  }
0xd6: {  	[sflag:s20] =	ssyncadd.s32 $0xFFFFFFB0  }
0xd7: {  	[spmem:s2] =	stream.indirect.scatter.add.f32 [tilespmem:s10], [sflag:$0xB], $0x1, s31, s29, $0xb8;
	[tilespmem:$0x1DC00] =	vst v63  }
0xd8: {  	_ =	swait.ge [sflag:s21], $0x2800  }
0xd9: {  	[sflag:s21] =	ssyncset.done $0x0  }
0xda: {  	[sflag:s21] =	ssyncadd.s32 $0xFFFFD800  }
.Ltmp0:
0xdb: {  	_ =	swait.ge [sflag:s17], $0x50;
	(pc) =	sbr.rel @p0 .LBB2_3-.Ltmp0, $4  }
0xdc: {  	[sflag:s17] =	ssyncset.done $0x0  }
0xdd: {  	s3 =	sadd.s32 $0x14580, s18;
	[sflag:s17] =	ssyncadd.s32 $0xFFFFFFB0  }
0xde: {  	[tilespmem:s30], [sflag:$0x1] =	stream.indirect.gather [hbm4b:s5+s29], $0x80, s3, s29, $0xb8;
	[tilespmem:$0x1DC00] =	vst v63  }
0xdf: {  	s18 =	sadd.s32 $0x15580, s18  }
0xe0: {  	[tilespmem:s22], [sflag:$0x7] =	stream.indirect.gather [hbm4b:s8+s29], $0x1, s18, s29, $0xb8;
	[tilespmem:$0x1DC00] =	vst v63  }
0xe1: {  	_ =	swait.ge [sflag:s24], $0x2800  }
0xe2: {  	[sflag:s24] =	ssyncset.done $0x0  }
0xe3: {  	s3 =	simm.s32 $0x15E00;
	[sflag:s24] =	ssyncadd.s32 $0xFFFFD800  }
0xe4: {  	[spmem:s1] =	stream.indirect.scatter.add.f32 [tilespmem:s14], [sflag:$0x6], $0x80, s3, s29, $0xb8;
	[tilespmem:$0x1DC00] =	vst v63  }
0xe5: {  	_ =	swait.ge [sflag:s4], $0x50  }
0xe6: {  	[sflag:s4] =	ssyncset.done $0x0  }
0xe7: {  	s18 =	simm.s32 $0x14E00;
	[sflag:s4] =	ssyncadd.s32 $0xFFFFFFB0  }
0xe8: {  	[spmem:s2] =	stream.indirect.scatter.add.f32 [tilespmem:s16], [sflag:$0xC], $0x1, s18, s29, $0xb8;
	[tilespmem:$0x1DC00] =	vst v63  }
0xe9: {  	_ =	swait.ge [sflag:s11], $0x2800  }
0xea: {  	[sflag:s11] =	ssyncset.done $0x0  }
0xeb: {  	s26 =	simm.s32 $0x15E80;
	[sflag:s11] =	ssyncadd.s32 $0xFFFFD800  }
0xec: {  	[spmem:s1] =	stream.indirect.scatter.add.f32 [tilespmem:s30], [sflag:$0x4], $0x80, s26, s29, $0xb8;
	[tilespmem:$0x1DC00] =	vst v63  }
0xed: {  	_ =	swait.ge [sflag:s12], $0x50  }
0xee: {  	[sflag:s12] =	ssyncset.done $0x0  }
0xef: {  	s31 =	simm.s32 $0x14E80;
	[sflag:s12] =	ssyncadd.s32 $0xFFFFFFB0  }
0xf0: {  	[spmem:s2] =	stream.indirect.scatter.add.f32 [tilespmem:s22], [sflag:$0xA], $0x1, s31, s29, $0xb8;
	[tilespmem:$0x1DC00] =	vst v63  }
0xf1: {  	_ =	swait.ge [sflag:s21], $0x2800  }
0xf2: {  	[sflag:s21] =	ssyncset.done $0x0  }
0xf3: {  	[sflag:s21] =	ssyncadd.s32 $0xFFFFD800  }
0xf4: {  	_ =	swait.ge [sflag:s17], $0x50  }
0xf5: {  	[sflag:s17] =	ssyncset.done $0x0  }
0xf6: {  	[sflag:s17] =	ssyncadd.s32 $0xFFFFFFB0  }
0xf7: {  	_ =	swait.ge [sflag:s13], $0x2800  }
0xf8: {  	[sflag:s13] =	ssyncset.done $0x0  }
0xf9: {  	[sflag:s13] =	ssyncadd.s32 $0xFFFFD800  }
0xfa: {  	_ =	swait.ge [sflag:s15], $0x50  }
0xfb: {  	[sflag:s15] =	ssyncset.done $0x0  }
0xfc: {  	s6 =	sadd.s32 $0x1, s6;
	[sflag:s15] =	ssyncadd.s32 $0xFFFFFFB0  }
0xfd: {  	p0 =	sne.s32 s6, $0x5;
	_ =	swait.ge [sflag:s25], $0x2800  }
.Ltmp1:
0xfe: {  	[sflag:s25] =	ssyncset.done $0x0;
	(pc) =	sbr.rel @p0 .LBB2_2-.Ltmp1, $4  }
0xff: {  	[sflag:s25] =	ssyncadd.s32 $0xFFFFD800  }
0x100: {  	_ =	swait.ge [sflag:s9], $0x50  }
0x101: {  	[sflag:s9] =	ssyncset.done $0x0  }
0x102: {  	[sflag:s9] =	ssyncadd.s32 $0xFFFFFFB0  }
0x103: {  	[bflag:$0x0] =	sbarrier.arrive $0xFFFF  }
0x104: {  	s3 =	rddreg [dreg:$0x13]  }
0x105: {  	s7 =	rddreg [dreg:$0x14]  }
0x106: {  	s6 =	rddreg [dreg:$0x15]  }
0x107: {  	[hbm:s3], [sflag:s7] =	dma.local [spmem:s6], $0x2800  }
0x108: {  	s18 =	simm.s32 $0x20;
	_ =	swait.ge [sflag:s23], $0x2800  }
0x109: {  	s31 =	simm.s32 $0x10;
	[sflag:s23] =	ssyncset.done $0x0;
	s26 =	rddreg [dreg:$0x7]  }
0x10a: {  	s6 =	rddreg [dreg:$0x11];
	[sflag:s23] =	ssyncadd.s32 $0xFFFFD800;
	s3 =	sshrl.u32 s26, $0x3  }
0x10b: {  	[hbm:s6@s18], [sflag:s7] =	dma.strided [spmem:s3@s31], $0x50, s11, $0x10   }
0x10c: {  	s6 =	rddreg [dreg:$0x15];
	_ =	swait.ge [sflag:s23], $0x50  }
0x10d: {  	s3 =	rddreg [dreg:$0x4]  }
0x10e: {  	s31 =	rddreg [dreg:$0x12];
	s18 =	sadd.s32 $0x1, s3  }
0x10f: {  	p0 =	sne.s32 s18, s31  }
.Ltmp2:
0x110: {  	_ = 	snop;
	(pc) =	sbr.rel @p0 .LBB2_1-.Ltmp2, $3  }
0x111: {  	_ =	sdelay $0x1  }
0x112: {  	[sflag:s23] =	ssyncset.done $0x0  }
0x113: {  	[sflag:s23] =	ssyncadd.s32 $0xFFFFFFB0  }
0x114: {  	_ =	sfence.sel $0x180000  }
0x115: {  	[bflag:$0x0] =	sbarrier.arrive $0xFFFF  }
0x116: {  	_ =	strace $0x9000004A  }
0x117: {  	s0 =	stileid.u32;
	[bflag:$0x2] =	sbarrier.arrive $0xFFFF  }
0x118: {  	p0 =	sne.s32 s0, $0x0;
	s0 =	rddreg [dreg:$0x3]  }
0x119: {  	s0 =	sadd.s32 @!p0 $0x100000, s0  }
0x11a: {  	[sflag:s0] =	ssyncadd.tile.s32 @!p0 $0x1;
	_ =	shalt  }
.Lfunc_end2:
_tile_overlayer_lowered:
.L_overlay_start_2:
0x11b: {  	(tag) =	ssettag $0x2  }
0x11c: {  	s0 =	rddreg [dreg:$0x0];
	s2 =	stileid.u32  }
0x11d: {  	s1 =	rddreg [dreg:$0x1];
	p0 =	sne.s32 s2, $0x0  }
0x11e: {  	s3 =	rddreg [dreg:$0x2];
	[bflag:$0x3] =	sbarrier.arrive $0xFFFF;
	s2 =	simm.s32 @!p0 $0x1C0D  }
0x11f: {  	[timem:s3], [sflag:s2] =	dma.local @!p0 [hbm:s0], s1  }
0x120: {  	s0 =	simm.s32 @!p0 $0xD  }
0x121: {  	_ =	swait.ge @!p0 [sflag:s0], s1  }
0x122: {  	s1 =	ssub.s32 @!p0 $0x0, s1;
	[sflag:s0] =	ssyncset.done @!p0 $0x0  }
0x123: {  	[sflag:s0] =	ssyncadd.s32 @!p0 s1  }
0x124: {  	[bflag:$0x3] =	sbarrier.arrive $0xFFFF  }
0x125: {  	_ =	shalt  }

// kernel: kernel.13.cloned.1.call-start
scs
__scs_entry_jumppad:
0x0: {  	(pc) =	sbr.rel $0x88, $3  }
0x1: {  	(tag) =	ssettag $0x0;
	lr =	simm.s32 $0x1  }
0x2: {  	[smem:$0x3F99] =	sst lr;
	_ =	strace $0xD0000000  }
0x3: {  	_ = 	snop  }
0x4: {  	_ = 	snop  }
0x5: {  	_ = 	snop  }
0x6: {  	_ = 	snop  }
0x7: {  	_ = 	snop  }
__scs_overlays_trampoline_lowered:
0x8: {  	[smem:$0x3FA8] =	sst s0  }
0x9: {  	[smem:$0x3FA9] =	sst s1  }
0xa: {  	[smem:$0x3FAA] =	sst s2  }
0xb: {  	[smem:$0x3FAB] =	sst s3  }
0xc: {  	[smem:$0x3FAC] =	sst s4  }
0xd: {  	[smem:$0x3FAD] =	sst s5  }
0xe: {  	[smem:$0x3FAE] =	sst s6  }
0xf: {  	[smem:$0x3FAF] =	sst s7  }
0x10: {  	[smem:$0x3FB0] =	sst s8  }
0x11: {  	[smem:$0x3FB1] =	sst s9;
	s0 =	simm.s32 @!p0 $0x0  }
0x12: {  	s1 =	sld [smem:$0x3F97];
	s0 =	simm.s32 @p0 $0x1  }
0x13: {  	[smem:$0x3FB2] =	sst s0;
	s0 =	simm.s32 @!p1 $0x0  }
0x14: {  	s2 =	sld [smem:$0x3F96];
	s0 =	simm.s32 @p1 $0x1  }
0x15: {  	[smem:$0x3FB3] =	sst s0;
	s0 =	simm.s32 @!p2 $0x0  }
0x16: {  	s3 =	sld [smem:$0x3FDB];
	s0 =	simm.s32 @p2 $0x1  }
0x17: {  	s4 =	simm.s32 $0x1BF5;
	[smem:$0x3FB5] =	sst s0  }
0x18: {  	s0 =	sld [smem:$0x3F98];
	_ =	swait.ge [sflag:s4], $0x0  }
0x19: {  	s7 =	sld [smem:$0x3F99]  }
0x1a: {  	s8 =	sadd.s32 $0xFFFFE003, lr  }
0x1b: {  	s9 =	sadd.s32 $0xFFFFFEF7, lr;
	s5 =	simm.s32 $0xFFFFFFFF;
	p2 =	slt.u32 s8, $0xFFFFF086  }
0x1c: {  	p1 =	slt.u32 s9, $0xF7A;
	s5 =	simm.s32 @!p2 $0x0  }
0x1d: {  	s5 =	simm.s32 @p1 $0x1;
	p0 =	seq.s32 s7, s2  }
0x1e: {  	s7 =	smul.u32 @!p0 $0xF7A, s2;
	p2 =	seq.s32 @!p0 s5, $0x0  }
0x1f: {  	s9 =	smul.u32 $0xF7A, s1;
	s8 =	simm.s32 @!p0 $0x1BF5;
	p2 =	por !p2, p0  }
0x20: {  	[sflag:s8] =	ssyncset.s32 @!p0 $0xFFFFF086;
	s6 =	sadd.s32 @!p0 s3, s7;
	s7 =	simm.s32 @!p0 $0x108  }
0x21: {  	s3 =	sadd.s32 s3, s9;
	s6 =	sadd.s32 @!p0 $0x88, s6;
	s7 =	simm.s32 @p2 $0x1082  }
0x22: {  	[simem:s7], [sflag:s8] =	dma.local @!p0 [hbm:s6], $0xF7A  }
0x23: {  	s9 =	sor.u32 $0xD0000000, s2;
	s6 =	simm.s32 $0x108;
	_ =	swait.ge @!p0 [sflag:s8], $0x0  }
0x24: {  	s3 =	sadd.s32 $0x88, s3;
	s6 =	simm.s32 @!p1 $0x1082;
	[sflag:s4] =	ssyncset.s32 $0xFFFFF086  }
0x25: {  	[simem:s6], [sflag:s4] =	dma.local [hbm:s3], $0xF7A  }
0x26: {  	[smem:$0x3F99] =	sst s1;
	(tag) =	ssettag s2;
	_ =	strace s9  }
0x27: {  	s1 =	sld [smem:$0x3FA9]  }
0x28: {  	s2 =	sld [smem:$0x3FAA]  }
0x29: {  	s4 =	sld [smem:$0x3FAC]  }
0x2a: {  	p0 =	seq.s32 s5, $0x0;
	s5 =	sld [smem:$0x3FAD]  }
0x2b: {  	s6 =	sld [smem:$0x3FAE]  }
0x2c: {  	s7 =	sld [smem:$0x3FAF]  }
0x2d: {  	s3 =	simm.s32 $0x108;
	s8 =	sld [smem:$0x3FB0]  }
0x2e: {  	s3 =	simm.s32 @!p0 $0x1082;
	s9 =	sld [smem:$0x3FB1]  }
0x2f: {  	lr =	sadd.s32 s0, s3;
	s0 =	sld [smem:$0x3FA8]  }
0x30: {  	s3 =	sld [smem:$0x3FAB]  }
0x31: {  	[smem:$0x3FB4] =	sst s10  }
0x32: {  	s10 =	sld [smem:$0x3FB2];
	_ =	sdelay $0x3  }
0x33: {  	p0 =	seq.s32 s10, $0x1;
	s10 =	sld [smem:$0x3FB4];
	_ =	sdelay $0x3  }
0x34: {  	[smem:$0x3FB4] =	sst s10  }
0x35: {  	s10 =	sld [smem:$0x3FB3];
	_ =	sdelay $0x3  }
0x36: {  	p1 =	seq.s32 s10, $0x1;
	s10 =	sld [smem:$0x3FB4];
	_ =	sdelay $0x3  }
0x37: {  	[smem:$0x3FB4] =	sst s10  }
0x38: {  	s10 =	sld [smem:$0x3FB5]  }
0x39: {  	_ = 	snop;
	(pc) =	sbr.ind lr, $3  }
0x3a: {  	_ = 	snop  }
0x3b: {  	_ = 	snop  }
0x3c: {  	p2 =	seq.s32 s10, $0x1;
	s10 =	sld [smem:$0x3FB4]  }
0x3d: {  	_ =	shalt  }
0x3e: {  	_ =	shalt  }
0x3f: {  	_ =	shalt  }
0x40: {  	_ =	shalt  }
0x41: {  	_ =	shalt  }
0x42: {  	_ =	shalt  }
0x43: {  	_ =	shalt  }
0x44: {  	_ =	shalt  }
0x45: {  	_ =	shalt  }
0x46: {  	_ =	shalt  }
0x47: {  	_ =	shalt  }
0x48: {  	_ =	shalt  }
0x49: {  	_ =	shalt  }
0x4a: {  	_ =	shalt  }
0x4b: {  	_ =	shalt  }
0x4c: {  	_ =	shalt  }
0x4d: {  	_ =	shalt  }
0x4e: {  	_ =	shalt  }
0x4f: {  	_ =	shalt  }
0x50: {  	_ =	shalt  }
0x51: {  	_ =	shalt  }
0x52: {  	_ =	shalt  }
0x53: {  	_ =	shalt  }
0x54: {  	_ =	shalt  }
0x55: {  	_ =	shalt  }
0x56: {  	_ =	shalt  }
0x57: {  	_ =	shalt  }
0x58: {  	_ =	shalt  }
0x59: {  	_ =	shalt  }
0x5a: {  	_ =	shalt  }
0x5b: {  	_ =	shalt  }
0x5c: {  	_ =	shalt  }
0x5d: {  	_ =	shalt  }
0x5e: {  	_ =	shalt  }
0x5f: {  	_ =	shalt  }
0x60: {  	_ =	shalt  }
0x61: {  	_ =	shalt  }
0x62: {  	_ =	shalt  }
0x63: {  	_ =	shalt  }
0x64: {  	_ =	shalt  }
0x65: {  	_ =	shalt  }
0x66: {  	_ =	shalt  }
0x67: {  	_ =	shalt  }
0x68: {  	_ =	shalt  }
0x69: {  	_ =	shalt  }
0x6a: {  	_ =	shalt  }
0x6b: {  	_ =	shalt  }
0x6c: {  	_ =	shalt  }
0x6d: {  	_ =	shalt  }
0x6e: {  	_ =	shalt  }
0x6f: {  	_ =	shalt  }
0x70: {  	_ =	shalt  }
0x71: {  	_ =	shalt  }
0x72: {  	_ =	shalt  }
0x73: {  	_ =	shalt  }
0x74: {  	_ =	shalt  }
0x75: {  	_ =	shalt  }
0x76: {  	_ =	shalt  }
0x77: {  	_ =	shalt  }
0x78: {  	_ =	shalt  }
0x79: {  	_ =	shalt  }
0x7a: {  	_ =	shalt  }
0x7b: {  	_ =	shalt  }
0x7c: {  	_ =	shalt  }
0x7d: {  	_ =	shalt  }
0x7e: {  	_ =	shalt  }
0x7f: {  	_ =	shalt  }
0x80: {  	_ =	shalt  }
0x81: {  	_ =	shalt  }
0x82: {  	_ =	shalt  }
0x83: {  	_ =	shalt  }
0x84: {  	_ =	shalt  }
0x85: {  	_ =	shalt  }
0x86: {  	_ =	shalt  }
0x87: {  	_ =	shalt  }
.Lfunc_end0:
.L_simem_size_0:
called_computation.2_lowered:
.L_overlay_start_0:
0x88: {  	s2 =	sld [smem:$0x3FD9]  }
0x89: {  	s3 =	sld [smem:$0x3FFE];
	_ =	sdelay $0x1  }
0x8a: {  	s1 =	srdreg.scid  }
0x8b: {  	s0 =	sand.u32 $0x1, s1  }
0x8c: {  	s16 =	sshll.u32 s0, $0xA;
	s2 =	sadd.s32 s3, s2  }
0x8d: {  	s2 =	sadd.s32 s2, s16  }
0x8e: {  	[smem:$0x3FC0] =	sst s2  }
0x8f: {  	_ = 	snop  }
0x90: {  	(tm) =	ssettm $0x1  }
0x91: {  	s17 =	sld [smem:$0x3FFB];
	_ =	sdelay $0x3  }
0x92: {  	_ =	strace s17  }
0x93: {  	s2 =	sld [smem:$0x3FFC];
	_ =	sdelay $0x3  }
0x94: {  	_ =	strace s2  }
0x95: {  	s2 =	sld [smem:$0x3FFD];
	_ =	sdelay $0x3  }
0x96: {  	_ =	strace s2  }
0x97: {  	_ =	strace $0x8FFFFFFF  }
0x98: {  	s18 =	sld [smem:$0x3FDB];
	_ =	sdelay $0x1  }
0x99: {  	s19 =	simm.s32 $_scs_section_size  }
0x9a: {  	s4 =	simm.s32 $_size__tile_overlayer_lowered;
	s5 =	simm.s32 $_tile_overlayer_lowered  }
0x9b: {  	s22 =	simm.s32 $0x1BFF;
	s21 =	sshll.u32 s5, $0x1;
	s2 =	sadd.s32 s19, s18  }
0x9c: {  	s6 =	simm.s32 $0x0;
	s20 =	sshll.u32 s4, $0x1;
	s4 =	sadd.s32 s21, s2  }
0x9d: {  	[timem:s6], [sflag:s22] =	dma.local [hbm:s4], s20  }
0x9e: {  	_ =	swait.ge [sflag:s22], s20  }
0x9f: {  	s3 =	ssub.s32 $0x0, s20;
	[sflag:s22] =	ssyncset.done $0x0  }
0xa0: {  	[sflag:s22] =	ssyncadd.s32 s3;
	_ =	sdelay $0x1  }
0xa1: {  	s23 =	simm.s32 $0x1B8B  }
0xa2: {  	_ =	swait.ge [sflag:s23], $0x1  }
0xa3: {  	[sflag:s23] =	ssyncset.done $0x0  }
0xa4: {  	s25 =	simm.s32 $0x1B8E;
	s24 =	sld [smem:$0x3FFE];
	[sflag:s23] =	ssyncadd.s32 $0xFFFFFFFF  }
0xa5: {  	s26 =	simm.s32 $execute0_lowered;
	[smem:$0x3FD2] =	sst s25  }
0xa6: {  	s4 =	sshll.u32 s26, $0x1;
	_ =	strace $0x8000004C;
	[dreg:$0x1] =	wrdreg $0xFFFFFFFF  }
0xa7: {  	s28 =	simm.s32 $_size_execute0_lowered;
	s2 =	sadd.s32 s2, s4;
	[dreg:$0x0] =	wrdreg $0x0  }
0xa8: {  	s4 =	sshll.u32 s28, $0x1;
	[dreg:$0x2] =	wrdreg s2  }
0xa9: {  	[dreg:$0x3] =	wrdreg s4  }
0xaa: {  	[dreg:$0x4] =	wrdreg $0xC0  }
0xab: {  	_ =	task [dreg:s6], $0x5FFFF  }
0xac: {  	[dreg:$0x1] =	wrdreg $0xFFFFFFFF  }
0xad: {  	[dreg:$0x0] =	wrdreg $0x60  }
0xae: {  	[dreg:$0x2] =	wrdreg s24  }
0xaf: {  	[dreg:$0x3] =	wrdreg $0x0  }
0xb0: {  	[dreg:$0x4] =	wrdreg $0x9  }
0xb1: {  	_ =	task.clear_ibuf [dreg:s6], $0x5FFFF;
	_ =	strace $0x9000004C  }
0xb2: {  	s29 =	simm.s32 $0x9;
	_ =	strace $0x8000004E  }
0xb3: {  	_ =	swait.ge [sflag:s29], $0x1  }
0xb4: {  	[sflag:s29] =	ssyncadd.s32 $0xFFFFFFFF  }
0xb5: {  	_ =	strace $0x9000004E  }
0xb6: {  	_ =	sfence  }
0xb7: {  	s30 =	sld [smem:$0x0];
	_ =	sdelay $0x2  }
0xb8: {  	s31 =	sshll.u32 s1, $0xD;
	s1 =	sshrl.u32 s1, $0x2  }
0xb9: {  	s3 =	sand.u32 $0x4000, s31;
	s1 =	sadd.s32 s1, s30  }
0xba: {  	s0 =	sor.u32 s3, s0;
	s1 =	sshll.u32 s1, $0x11  }
0xbb: {  	s0 =	sor.u32 s1, s0  }
0xbc: {  	s0 =	sadd.s32 $0x8F2B, s0  }
0xbd: {  	[sflag:s0] =	ssyncadd.remote.s32 $0x1  }
0xbe: {  	_ =	sfence.sel $0xFFFF  }
0xbf: {  	[dreg:$0x0] =	wrdreg $0xFFFFFFFF;
	(pc) =	sbr.abs _section_cstart, $3  }
0xc0: {  	[dreg:$0x1] =	wrdreg $0xFFFFFFFF  }
0xc1: {  	_ =	task.clear_ibuf [dreg:s6], $0x2FFFF;
	_ =	strace $0x9FFFFFFF  }
0xc2: {  	(tm) =	ssettm $0x7FFFFFFF  }
0xc3: {  	_ =	shalt  }
tec
execute0_lowered:
.L_overlay_start_1:
0x0: {  	(tag) =	ssettag $0x1  }
0x1: {  	s0 =	srdreg.scid;
	s10 =	stileid.u32  }
0x2: {  	s0 =	sand.u32 $0x1, s0;
	s4 =	smul.u32 $0x5000, s10  }
0x3: {  	s3 =	smul.u32 $0x50000, s0  }
0x4: {  	s1 =	rddreg [dreg:$0x0]  }
0x5: {  	s2 =	rddreg [dreg:$0x1];
	s4 =	sadd.s32 s4, s3;
	s3 =	simm.s32 $0x0  }
0x6: {  	s6 =	simm.s32 $0x14100;
	[smem:$0x7FF] =	sst s3  }
0x7: {  	s7 =	simm.s32 $0x15080;
	_ =	strace $0x8000004D;
	[dreg:$0x6] =	wrdreg s6  }
0x8: {  	s8 =	simm.s32 $0x14180;
	[dreg:$0x7] =	wrdreg s7  }
0x9: {  	s9 =	simm.s32 $0x15100;
	[dreg:$0x8] =	wrdreg s8  }
0xa: {  	s11 =	simm.s32 $0x14200;
	[dreg:$0x9] =	wrdreg s9  }
0xb: {  	s12 =	simm.s32 $0x15180;
	[dreg:$0xa] =	wrdreg s11  }
0xc: {  	s13 =	simm.s32 $0x14280;
	[dreg:$0xb] =	wrdreg s12  }
0xd: {  	s14 =	simm.s32 $0x15200;
	[dreg:$0xc] =	wrdreg s13  }
0xe: {  	s15 =	simm.s32 $0x14300;
	[dreg:$0xd] =	wrdreg s14  }
0xf: {  	s17 =	simm.s32 $0x15280;
	s18 =	simm.s32 $0x14380;
	[dreg:$0xe] =	wrdreg s15  }
0x10: {  	s19 =	simm.s32 $0x15300;
	s20 =	simm.s32 $0x14400;
	[dreg:$0xf] =	wrdreg s17  }
0x11: {  	s21 =	simm.s32 $0x15380;
	s22 =	simm.s32 $0x14480;
	[dreg:$0x10] =	wrdreg s18  }
0x12: {  	s23 =	simm.s32 $0x15400;
	s24 =	simm.s32 $0x14500;
	[dreg:$0x11] =	wrdreg s19  }
0x13: {  	s25 =	simm.s32 $0x15480;
	s26 =	simm.s32 $0x14580;
	[dreg:$0x12] =	wrdreg s20  }
0x14: {  	s28 =	simm.s32 $0x14B00;
	s29 =	simm.s32 $0x15A80;
	[dreg:$0x13] =	wrdreg s21  }
0x15: {  	s30 =	simm.s32 $0x14B80;
	s31 =	simm.s32 $0x15B00;
	[dreg:$0x14] =	wrdreg s22  }
0x16: {  	s16 =	smul.u32 $0x50000, s10;
	s4 =	sshrl.u32 s4, $0x3;
	[dreg:$0x15] =	wrdreg s23  }
0x17: {  	p0 =	seq.s32 s0, $0x0;
	s4 =	sadd.s32 s4, s1;
	[dreg:$0x16] =	wrdreg s24  }
0x18: {  	s6 =	sadd.s32 $0x52A00, s1;
	s7 =	ssub.s32 $0x2, s0;
	[dreg:$0x17] =	wrdreg s25  }
0x19: {  	s9 =	smul.u32 $0x2800, s10;
	[dreg:$0x18] =	wrdreg s26;
	s13 =	simm.s32 $0x14680  }
0x1a: {  	s12 =	sshll.u32 s10, $0x6;
	s14 =	simm.s32 $0x15600;
	[dreg:$0x1c] =	wrdreg s13  }
0x1b: {  	s15 =	simm.s32 $0x14700;
	s10 =	simm.s32 $0x7;
	[dreg:$0x1d] =	wrdreg s14  }
0x1c: {  	s17 =	simm.s32 $0x14780;
	s18 =	simm.s32 $0x15700;
	[dreg:$0x1e] =	wrdreg s15  }
0x1d: {  	s19 =	simm.s32 $0x14800;
	s20 =	simm.s32 $0x15780;
	[smem:$0x7F2] =	sst s17  }
0x1e: {  	s21 =	simm.s32 $0x14880;
	s22 =	simm.s32 $0x15800;
	[smem:$0x7F3] =	sst s18  }
0x1f: {  	s23 =	simm.s32 $0x14900;
	s24 =	simm.s32 $0x15880;
	[smem:$0x7F4] =	sst s19  }
0x20: {  	s25 =	simm.s32 $0x14980;
	s26 =	simm.s32 $0x15900;
	[smem:$0x7F5] =	sst s20  }
0x21: {  	s5 =	sadd.s32 $0x16400, s4;
	s4 =	sadd.s32 $0x2400, s4;
	[smem:$0x7F6] =	sst s21  }
0x22: {  	s8 =	sshrl.u32 s7, $0x1;
	s13 =	simm.s32 $0x50;
	[smem:$0x7F7] =	sst s22  }
0x23: {  	s14 =	simm.s32 $0x16000;
	s15 =	simm.s32 $0x18800;
	[smem:$0x7F8] =	sst s23  }
0x24: {  	s17 =	simm.s32 $0x1B000;
	s18 =	simm.s32 $0x2;
	[smem:$0x7F9] =	sst s24  }
0x25: {  	s19 =	simm.s32 $0x4;
	s20 =	simm.s32 $0x3;
	[smem:$0x7FA] =	sst s25  }
0x26: {  	s21 =	simm.s32 $0x5;
	s22 =	simm.s32 $0x6;
	[smem:$0x7FB] =	sst s26  }
0x27: {  	s23 =	simm.s32 $0x14A00;
	s24 =	simm.s32 $0x15980;
	[dreg:$0x3] =	wrdreg s5  }
0x28: {  	s25 =	simm.s32 $0x14A80;
	s26 =	simm.s32 $0x15A00;
	[dreg:$0x4] =	wrdreg s4  }
0x29: {  	s5 =	simm.s32 $0x14080;
	s4 =	sadd.s32 $0x2A400, s1;
	s7 =	ssub.s32 s7, s8  }
0x2a: {  	s8 =	sshrl.u32 s16, $0x2;
	s16 =	simm.s32 $0x15680;
	[dreg:$0x5] =	wrdreg s5  }
0x2b: {  	s8 =	sadd.s32 s8, s2;
	s7 =	smax.u32 s7, $0x1;
	[dreg:$0x1f] =	wrdreg s16  }
0x2c: {  	s11 =	sadd.s32 s4, s9;
	[smem:$0x7EF] =	sst s7;
	s7 =	simm.s32 $0x55200  }
0x2d: {  	s8 =	sshrl.u32 s8, $0x3;
	s7 =	simm.s32 @!p0 $0x7D200;
	p0 =	sne.s32 s0, $0x0  }
0x2e: {  	[smem:$0x7FD] =	sst s8;
	s1 =	sadd.s32 s7, s1;
	s7 =	simm.s32 $0x15500  }
0x2f: {  	s16 =	simm.s32 $0x1;
	s11 =	smov.u32 @p0 s6;
	[dreg:$0x19] =	wrdreg s7  }
0x30: {  	s0 =	simm.s32 $0x15B80;
	s1 =	sadd.s32 s1, s9;
	[smem:$0x7F1] =	sst s11  }
0x31: {  	s6 =	simm.s32 $0x15C00;
	s9 =	simm.s32 $0x14600;
	[smem:$0x7F0] =	sst s1  }
0x32: {  	s11 =	simm.s32 $0x15580;
	s7 =	sor.u32 $0x1C07, s12;
	[dreg:$0x1a] =	wrdreg s9  }
0x33: {  	s12 =	simm.s32 $0x15000;
	[dreg:$0x1b] =	wrdreg s11;
	s11 =	simm.s32 $0x14000  }
0x34: {  	s1 =	simm.s32 $0x14C00;
	s9 =	simm.s32 $0x0;
	[smem:$0x7FC] =	sst s7  }
.LBB2_1:
0x35: {  	s5 =	sld [smem:$0x7F1];
	_ =	sdelay $0x1  }
0x36: {  	[smem:$0x7EE] =	sst s9  }
0x37: {  	[spmem:s8], [sflag:s7] =	dma.local [hbm:s5], $0x2800  }
0x38: {  	_ =	swait.ge [sflag:s10], $0x2800  }
0x39: {  	[sflag:s10] =	ssyncset.done $0x0  }
0x3a: {  	[sflag:s10] =	ssyncadd.s32 $0xFFFFD800  }
0x3b: {  	[bflag:$0x0] =	sbarrier.arrive $0xFFFF  }
0x3c: {  	s7 =	rddreg [dreg:$0x4]  }
0x3d: {  	s5 =	sadd.s32 $0x0, s7  }
0x3e: {  	[tilespmem:s11], [sflag:$0x7] =	stream.linear.gather [hbm4b:s5+s3], $0xC80, $0x38;
	[tilespmem:$0x1D800] =	vst v63  }
0x3f: {  	_ =	swait.ge [sflag:s10], $0xC80  }
0x40: {  	s8 =	rddreg [dreg:$0x3];
	[sflag:s10] =	ssyncset.done $0x0  }
0x41: {  	[sflag:s10] =	ssyncadd.s32 $0xFFFFF380;
	s5 =	sadd.s32 $0x0, s8  }
0x42: {  	[tilespmem:s12], [sflag:$0x7] =	stream.linear.gather [hbm4b:s5+s3], $0xC80, $0x38;
	[tilespmem:$0x1D800] =	vst v63  }
0x43: {  	_ =	swait.ge [sflag:s10], $0xC80  }
0x44: {  	[sflag:s10] =	ssyncset.done $0x0  }
0x45: {  	[sflag:s10] =	ssyncadd.s32 $0xFFFFF380  }
0x46: {  	[tilespmem:s14], [sflag:$0x1] =	stream.indirect.gather [hbm4b:s4+s13], $0x80, s11, s13, $0xb8;
	[tilespmem:$0x1D800] =	vst v63  }
0x47: {  	s9 =	rddreg [dreg:$0x5]  }
0x48: {  	[tilespmem:s15], [sflag:$0x2] =	stream.indirect.gather [hbm4b:s4+s13], $0x80, s9, s13, $0xb8;
	[tilespmem:$0x1D800] =	vst v63  }
0x49: {  	_ =	swait.ge [sflag:s16], $0x2800  }
0x4a: {  	[sflag:s16] =	ssyncset.done $0x0  }
0x4b: {  	[sflag:s16] =	ssyncadd.s32 $0xFFFFD800  }
0x4c: {  	[spmem:s2] =	stream.indirect.scatter.add.f32 [tilespmem:s14], [sflag:$0x4], $0x80, s12, s13, $0xb8;
	[tilespmem:$0x1D800] =	vst v63  }
0x4d: {  	s7 =	rddreg [dreg:$0x6]  }
0x4e: {  	[tilespmem:s17], [sflag:$0x3] =	stream.indirect.gather [hbm4b:s4+s13], $0x80, s7, s13, $0xb8;
	[tilespmem:$0x1D800] =	vst v63  }
0x4f: {  	_ =	swait.ge [sflag:s18], $0x2800  }
0x50: {  	[sflag:s18] =	ssyncset.done $0x0  }
0x51: {  	s8 =	rddreg [dreg:$0x7];
	[sflag:s18] =	ssyncadd.s32 $0xFFFFD800  }
0x52: {  	[spmem:s2] =	stream.indirect.scatter.add.f32 [tilespmem:s15], [sflag:$0x5], $0x80, s8, s13, $0xb8;
	[tilespmem:$0x1D800] =	vst v63  }
0x53: {  	_ =	swait.ge [sflag:s19], $0x2800  }
0x54: {  	[sflag:s19] =	ssyncset.done $0x0  }
0x55: {  	s9 =	rddreg [dreg:$0x8];
	[sflag:s19] =	ssyncadd.s32 $0xFFFFD800  }
0x56: {  	[tilespmem:s14], [sflag:$0x1] =	stream.indirect.gather [hbm4b:s4+s13], $0x80, s9, s13, $0xb8;
	[tilespmem:$0x1D800] =	vst v63  }
0x57: {  	_ =	swait.ge [sflag:s20], $0x2800  }
0x58: {  	[sflag:s20] =	ssyncset.done $0x0  }
0x59: {  	s7 =	rddreg [dreg:$0x9];
	[sflag:s20] =	ssyncadd.s32 $0xFFFFD800  }
0x5a: {  	[spmem:s2] =	stream.indirect.scatter.add.f32 [tilespmem:s17], [sflag:$0x6], $0x80, s7, s13, $0xb8;
	[tilespmem:$0x1D800] =	vst v63  }
0x5b: {  	_ =	swait.ge [sflag:s21], $0x2800  }
0x5c: {  	[sflag:s21] =	ssyncset.done $0x0  }
0x5d: {  	s8 =	rddreg [dreg:$0xa];
	[sflag:s21] =	ssyncadd.s32 $0xFFFFD800  }
0x5e: {  	[tilespmem:s15], [sflag:$0x2] =	stream.indirect.gather [hbm4b:s4+s13], $0x80, s8, s13, $0xb8;
	[tilespmem:$0x1D800] =	vst v63  }
0x5f: {  	_ =	swait.ge [sflag:s16], $0x2800  }
0x60: {  	[sflag:s16] =	ssyncset.done $0x0  }
0x61: {  	s9 =	rddreg [dreg:$0xb];
	[sflag:s16] =	ssyncadd.s32 $0xFFFFD800  }
0x62: {  	[spmem:s2] =	stream.indirect.scatter.add.f32 [tilespmem:s14], [sflag:$0x4], $0x80, s9, s13, $0xb8;
	[tilespmem:$0x1D800] =	vst v63  }
0x63: {  	_ =	swait.ge [sflag:s22], $0x2800  }
0x64: {  	[sflag:s22] =	ssyncset.done $0x0  }
0x65: {  	s7 =	rddreg [dreg:$0xc];
	[sflag:s22] =	ssyncadd.s32 $0xFFFFD800  }
0x66: {  	[tilespmem:s17], [sflag:$0x3] =	stream.indirect.gather [hbm4b:s4+s13], $0x80, s7, s13, $0xb8;
	[tilespmem:$0x1D800] =	vst v63  }
0x67: {  	_ =	swait.ge [sflag:s18], $0x2800  }
0x68: {  	[sflag:s18] =	ssyncset.done $0x0  }
0x69: {  	s8 =	rddreg [dreg:$0xd];
	[sflag:s18] =	ssyncadd.s32 $0xFFFFD800  }
0x6a: {  	[spmem:s2] =	stream.indirect.scatter.add.f32 [tilespmem:s15], [sflag:$0x5], $0x80, s8, s13, $0xb8;
	[tilespmem:$0x1D800] =	vst v63  }
0x6b: {  	_ =	swait.ge [sflag:s19], $0x2800  }
0x6c: {  	[sflag:s19] =	ssyncset.done $0x0  }
0x6d: {  	s9 =	rddreg [dreg:$0xe];
	[sflag:s19] =	ssyncadd.s32 $0xFFFFD800  }
0x6e: {  	[tilespmem:s14], [sflag:$0x1] =	stream.indirect.gather [hbm4b:s4+s13], $0x80, s9, s13, $0xb8;
	[tilespmem:$0x1D800] =	vst v63  }
0x6f: {  	_ =	swait.ge [sflag:s20], $0x2800  }
0x70: {  	[sflag:s20] =	ssyncset.done $0x0  }
0x71: {  	s7 =	rddreg [dreg:$0xf];
	[sflag:s20] =	ssyncadd.s32 $0xFFFFD800  }
0x72: {  	[spmem:s2] =	stream.indirect.scatter.add.f32 [tilespmem:s17], [sflag:$0x6], $0x80, s7, s13, $0xb8;
	[tilespmem:$0x1D800] =	vst v63  }
0x73: {  	_ =	swait.ge [sflag:s21], $0x2800  }
0x74: {  	[sflag:s21] =	ssyncset.done $0x0  }
0x75: {  	s8 =	rddreg [dreg:$0x10];
	[sflag:s21] =	ssyncadd.s32 $0xFFFFD800  }
0x76: {  	[tilespmem:s15], [sflag:$0x2] =	stream.indirect.gather [hbm4b:s4+s13], $0x80, s8, s13, $0xb8;
	[tilespmem:$0x1D800] =	vst v63  }
0x77: {  	_ =	swait.ge [sflag:s16], $0x2800  }
0x78: {  	[sflag:s16] =	ssyncset.done $0x0  }
0x79: {  	s9 =	rddreg [dreg:$0x11];
	[sflag:s16] =	ssyncadd.s32 $0xFFFFD800  }
0x7a: {  	[spmem:s2] =	stream.indirect.scatter.add.f32 [tilespmem:s14], [sflag:$0x4], $0x80, s9, s13, $0xb8;
	[tilespmem:$0x1D800] =	vst v63  }
0x7b: {  	_ =	swait.ge [sflag:s22], $0x2800  }
0x7c: {  	[sflag:s22] =	ssyncset.done $0x0  }
0x7d: {  	s7 =	rddreg [dreg:$0x12];
	[sflag:s22] =	ssyncadd.s32 $0xFFFFD800  }
0x7e: {  	[tilespmem:s17], [sflag:$0x3] =	stream.indirect.gather [hbm4b:s4+s13], $0x80, s7, s13, $0xb8;
	[tilespmem:$0x1D800] =	vst v63  }
0x7f: {  	_ =	swait.ge [sflag:s18], $0x2800  }
0x80: {  	[sflag:s18] =	ssyncset.done $0x0  }
0x81: {  	s8 =	rddreg [dreg:$0x13];
	[sflag:s18] =	ssyncadd.s32 $0xFFFFD800  }
0x82: {  	[spmem:s2] =	stream.indirect.scatter.add.f32 [tilespmem:s15], [sflag:$0x5], $0x80, s8, s13, $0xb8;
	[tilespmem:$0x1D800] =	vst v63  }
0x83: {  	_ =	swait.ge [sflag:s19], $0x2800  }
0x84: {  	[sflag:s19] =	ssyncset.done $0x0  }
0x85: {  	s9 =	rddreg [dreg:$0x14];
	[sflag:s19] =	ssyncadd.s32 $0xFFFFD800  }
0x86: {  	[tilespmem:s14], [sflag:$0x1] =	stream.indirect.gather [hbm4b:s4+s13], $0x80, s9, s13, $0xb8;
	[tilespmem:$0x1D800] =	vst v63  }
0x87: {  	_ =	swait.ge [sflag:s20], $0x2800  }
0x88: {  	[sflag:s20] =	ssyncset.done $0x0  }
0x89: {  	s7 =	rddreg [dreg:$0x15];
	[sflag:s20] =	ssyncadd.s32 $0xFFFFD800  }
0x8a: {  	[spmem:s2] =	stream.indirect.scatter.add.f32 [tilespmem:s17], [sflag:$0x6], $0x80, s7, s13, $0xb8;
	[tilespmem:$0x1D800] =	vst v63  }
0x8b: {  	_ =	swait.ge [sflag:s21], $0x2800  }
0x8c: {  	[sflag:s21] =	ssyncset.done $0x0  }
0x8d: {  	s8 =	rddreg [dreg:$0x16];
	[sflag:s21] =	ssyncadd.s32 $0xFFFFD800  }
0x8e: {  	[tilespmem:s15], [sflag:$0x2] =	stream.indirect.gather [hbm4b:s4+s13], $0x80, s8, s13, $0xb8;
	[tilespmem:$0x1D800] =	vst v63  }
0x8f: {  	_ =	swait.ge [sflag:s16], $0x2800  }
0x90: {  	[sflag:s16] =	ssyncset.done $0x0  }
0x91: {  	s9 =	rddreg [dreg:$0x17];
	[sflag:s16] =	ssyncadd.s32 $0xFFFFD800  }
0x92: {  	[spmem:s2] =	stream.indirect.scatter.add.f32 [tilespmem:s14], [sflag:$0x4], $0x80, s9, s13, $0xb8;
	[tilespmem:$0x1D800] =	vst v63  }
0x93: {  	_ =	swait.ge [sflag:s22], $0x2800  }
0x94: {  	[sflag:s22] =	ssyncset.done $0x0  }
0x95: {  	s7 =	rddreg [dreg:$0x18];
	[sflag:s22] =	ssyncadd.s32 $0xFFFFD800  }
0x96: {  	[tilespmem:s17], [sflag:$0x3] =	stream.indirect.gather [hbm4b:s4+s13], $0x80, s7, s13, $0xb8;
	[tilespmem:$0x1D800] =	vst v63  }
0x97: {  	_ =	swait.ge [sflag:s18], $0x2800  }
0x98: {  	[sflag:s18] =	ssyncset.done $0x0  }
0x99: {  	s8 =	rddreg [dreg:$0x19];
	[sflag:s18] =	ssyncadd.s32 $0xFFFFD800  }
0x9a: {  	[spmem:s2] =	stream.indirect.scatter.add.f32 [tilespmem:s15], [sflag:$0x5], $0x80, s8, s13, $0xb8;
	[tilespmem:$0x1D800] =	vst v63  }
0x9b: {  	_ =	swait.ge [sflag:s19], $0x2800  }
0x9c: {  	[sflag:s19] =	ssyncset.done $0x0  }
0x9d: {  	s9 =	rddreg [dreg:$0x1a];
	[sflag:s19] =	ssyncadd.s32 $0xFFFFD800  }
0x9e: {  	[tilespmem:s14], [sflag:$0x1] =	stream.indirect.gather [hbm4b:s4+s13], $0x80, s9, s13, $0xb8;
	[tilespmem:$0x1D800] =	vst v63  }
0x9f: {  	_ =	swait.ge [sflag:s20], $0x2800  }
0xa0: {  	[sflag:s20] =	ssyncset.done $0x0  }
0xa1: {  	s7 =	rddreg [dreg:$0x1b];
	[sflag:s20] =	ssyncadd.s32 $0xFFFFD800  }
0xa2: {  	[spmem:s2] =	stream.indirect.scatter.add.f32 [tilespmem:s17], [sflag:$0x6], $0x80, s7, s13, $0xb8;
	[tilespmem:$0x1D800] =	vst v63  }
0xa3: {  	_ =	swait.ge [sflag:s21], $0x2800  }
0xa4: {  	[sflag:s21] =	ssyncset.done $0x0  }
0xa5: {  	s8 =	rddreg [dreg:$0x1c];
	[sflag:s21] =	ssyncadd.s32 $0xFFFFD800  }
0xa6: {  	[tilespmem:s15], [sflag:$0x2] =	stream.indirect.gather [hbm4b:s4+s13], $0x80, s8, s13, $0xb8;
	[tilespmem:$0x1D800] =	vst v63  }
0xa7: {  	_ =	swait.ge [sflag:s16], $0x2800  }
0xa8: {  	[sflag:s16] =	ssyncset.done $0x0  }
0xa9: {  	s9 =	rddreg [dreg:$0x1d];
	[sflag:s16] =	ssyncadd.s32 $0xFFFFD800  }
0xaa: {  	[spmem:s2] =	stream.indirect.scatter.add.f32 [tilespmem:s14], [sflag:$0x4], $0x80, s9, s13, $0xb8;
	[tilespmem:$0x1D800] =	vst v63  }
0xab: {  	_ =	swait.ge [sflag:s22], $0x2800  }
0xac: {  	[sflag:s22] =	ssyncset.done $0x0  }
0xad: {  	s7 =	rddreg [dreg:$0x1e];
	[sflag:s22] =	ssyncadd.s32 $0xFFFFD800  }
0xae: {  	[tilespmem:s17], [sflag:$0x3] =	stream.indirect.gather [hbm4b:s4+s13], $0x80, s7, s13, $0xb8;
	[tilespmem:$0x1D800] =	vst v63  }
0xaf: {  	_ =	swait.ge [sflag:s18], $0x2800  }
0xb0: {  	[sflag:s18] =	ssyncset.done $0x0  }
0xb1: {  	s8 =	rddreg [dreg:$0x1f];
	[sflag:s18] =	ssyncadd.s32 $0xFFFFD800  }
0xb2: {  	[spmem:s2] =	stream.indirect.scatter.add.f32 [tilespmem:s15], [sflag:$0x5], $0x80, s8, s13, $0xb8;
	[tilespmem:$0x1D800] =	vst v63  }
0xb3: {  	_ =	swait.ge [sflag:s19], $0x2800  }
0xb4: {  	s9 =	sld [smem:$0x7F2]  }
0xb5: {  	[sflag:s19] =	ssyncset.done $0x0  }
0xb6: {  	[sflag:s19] =	ssyncadd.s32 $0xFFFFD800  }
0xb7: {  	[tilespmem:s14], [sflag:$0x1] =	stream.indirect.gather [hbm4b:s4+s13], $0x80, s9, s13, $0xb8;
	[tilespmem:$0x1D800] =	vst v63  }
0xb8: {  	_ =	swait.ge [sflag:s20], $0x2800  }
0xb9: {  	s7 =	sld [smem:$0x7F3]  }
0xba: {  	[sflag:s20] =	ssyncset.done $0x0  }
0xbb: {  	[sflag:s20] =	ssyncadd.s32 $0xFFFFD800  }
0xbc: {  	[spmem:s2] =	stream.indirect.scatter.add.f32 [tilespmem:s17], [sflag:$0x6], $0x80, s7, s13, $0xb8;
	[tilespmem:$0x1D800] =	vst v63  }
0xbd: {  	_ =	swait.ge [sflag:s21], $0x2800  }
0xbe: {  	s8 =	sld [smem:$0x7F4]  }
0xbf: {  	[sflag:s21] =	ssyncset.done $0x0  }
0xc0: {  	[sflag:s21] =	ssyncadd.s32 $0xFFFFD800  }
0xc1: {  	[tilespmem:s15], [sflag:$0x2] =	stream.indirect.gather [hbm4b:s4+s13], $0x80, s8, s13, $0xb8;
	[tilespmem:$0x1D800] =	vst v63  }
0xc2: {  	_ =	swait.ge [sflag:s16], $0x2800  }
0xc3: {  	s9 =	sld [smem:$0x7F5]  }
0xc4: {  	[sflag:s16] =	ssyncset.done $0x0  }
0xc5: {  	[sflag:s16] =	ssyncadd.s32 $0xFFFFD800  }
0xc6: {  	[spmem:s2] =	stream.indirect.scatter.add.f32 [tilespmem:s14], [sflag:$0x4], $0x80, s9, s13, $0xb8;
	[tilespmem:$0x1D800] =	vst v63  }
0xc7: {  	_ =	swait.ge [sflag:s22], $0x2800  }
0xc8: {  	s7 =	sld [smem:$0x7F6]  }
0xc9: {  	[sflag:s22] =	ssyncset.done $0x0  }
0xca: {  	[sflag:s22] =	ssyncadd.s32 $0xFFFFD800  }
0xcb: {  	[tilespmem:s17], [sflag:$0x3] =	stream.indirect.gather [hbm4b:s4+s13], $0x80, s7, s13, $0xb8;
	[tilespmem:$0x1D800] =	vst v63  }
0xcc: {  	_ =	swait.ge [sflag:s18], $0x2800  }
0xcd: {  	s8 =	sld [smem:$0x7F7]  }
0xce: {  	[sflag:s18] =	ssyncset.done $0x0  }
0xcf: {  	[sflag:s18] =	ssyncadd.s32 $0xFFFFD800  }
0xd0: {  	[spmem:s2] =	stream.indirect.scatter.add.f32 [tilespmem:s15], [sflag:$0x5], $0x80, s8, s13, $0xb8;
	[tilespmem:$0x1D800] =	vst v63  }
0xd1: {  	_ =	swait.ge [sflag:s19], $0x2800  }
0xd2: {  	s9 =	sld [smem:$0x7F8]  }
0xd3: {  	[sflag:s19] =	ssyncset.done $0x0  }
0xd4: {  	[sflag:s19] =	ssyncadd.s32 $0xFFFFD800  }
0xd5: {  	[tilespmem:s14], [sflag:$0x1] =	stream.indirect.gather [hbm4b:s4+s13], $0x80, s9, s13, $0xb8;
	[tilespmem:$0x1D800] =	vst v63  }
0xd6: {  	_ =	swait.ge [sflag:s20], $0x2800  }
0xd7: {  	s7 =	sld [smem:$0x7F9]  }
0xd8: {  	[sflag:s20] =	ssyncset.done $0x0  }
0xd9: {  	[sflag:s20] =	ssyncadd.s32 $0xFFFFD800  }
0xda: {  	[spmem:s2] =	stream.indirect.scatter.add.f32 [tilespmem:s17], [sflag:$0x6], $0x80, s7, s13, $0xb8;
	[tilespmem:$0x1D800] =	vst v63  }
0xdb: {  	_ =	swait.ge [sflag:s21], $0x2800  }
0xdc: {  	s8 =	sld [smem:$0x7FA]  }
0xdd: {  	[sflag:s21] =	ssyncset.done $0x0  }
0xde: {  	[sflag:s21] =	ssyncadd.s32 $0xFFFFD800  }
0xdf: {  	[tilespmem:s15], [sflag:$0x2] =	stream.indirect.gather [hbm4b:s4+s13], $0x80, s8, s13, $0xb8;
	[tilespmem:$0x1D800] =	vst v63  }
0xe0: {  	_ =	swait.ge [sflag:s16], $0x2800  }
0xe1: {  	s9 =	sld [smem:$0x7FB]  }
0xe2: {  	[sflag:s16] =	ssyncset.done $0x0  }
0xe3: {  	[sflag:s16] =	ssyncadd.s32 $0xFFFFD800  }
0xe4: {  	[spmem:s2] =	stream.indirect.scatter.add.f32 [tilespmem:s14], [sflag:$0x4], $0x80, s9, s13, $0xb8;
	[tilespmem:$0x1D800] =	vst v63  }
0xe5: {  	_ =	swait.ge [sflag:s22], $0x2800  }
0xe6: {  	[sflag:s22] =	ssyncset.done $0x0  }
0xe7: {  	[sflag:s22] =	ssyncadd.s32 $0xFFFFD800  }
0xe8: {  	[tilespmem:s17], [sflag:$0x3] =	stream.indirect.gather [hbm4b:s4+s13], $0x80, s23, s13, $0xb8;
	[tilespmem:$0x1D800] =	vst v63  }
0xe9: {  	_ =	swait.ge [sflag:s18], $0x2800  }
0xea: {  	[sflag:s18] =	ssyncset.done $0x0  }
0xeb: {  	[sflag:s18] =	ssyncadd.s32 $0xFFFFD800  }
0xec: {  	[spmem:s2] =	stream.indirect.scatter.add.f32 [tilespmem:s15], [sflag:$0x5], $0x80, s24, s13, $0xb8;
	[tilespmem:$0x1D800] =	vst v63  }
0xed: {  	_ =	swait.ge [sflag:s19], $0x2800  }
0xee: {  	[sflag:s19] =	ssyncset.done $0x0  }
0xef: {  	[sflag:s19] =	ssyncadd.s32 $0xFFFFD800  }
0xf0: {  	[tilespmem:s14], [sflag:$0x1] =	stream.indirect.gather [hbm4b:s4+s13], $0x80, s25, s13, $0xb8;
	[tilespmem:$0x1D800] =	vst v63  }
0xf1: {  	_ =	swait.ge [sflag:s20], $0x2800  }
0xf2: {  	[sflag:s20] =	ssyncset.done $0x0  }
0xf3: {  	[sflag:s20] =	ssyncadd.s32 $0xFFFFD800  }
0xf4: {  	[spmem:s2] =	stream.indirect.scatter.add.f32 [tilespmem:s17], [sflag:$0x6], $0x80, s26, s13, $0xb8;
	[tilespmem:$0x1D800] =	vst v63  }
0xf5: {  	_ =	swait.ge [sflag:s21], $0x2800  }
0xf6: {  	[sflag:s21] =	ssyncset.done $0x0  }
0xf7: {  	[sflag:s21] =	ssyncadd.s32 $0xFFFFD800  }
0xf8: {  	[tilespmem:s15], [sflag:$0x2] =	stream.indirect.gather [hbm4b:s4+s13], $0x80, s28, s13, $0xb8;
	[tilespmem:$0x1D800] =	vst v63  }
0xf9: {  	_ =	swait.ge [sflag:s16], $0x2800  }
0xfa: {  	[sflag:s16] =	ssyncset.done $0x0  }
0xfb: {  	[sflag:s16] =	ssyncadd.s32 $0xFFFFD800  }
0xfc: {  	[spmem:s2] =	stream.indirect.scatter.add.f32 [tilespmem:s14], [sflag:$0x4], $0x80, s29, s13, $0xb8;
	[tilespmem:$0x1D800] =	vst v63  }
0xfd: {  	_ =	swait.ge [sflag:s22], $0x2800  }
0xfe: {  	[sflag:s22] =	ssyncset.done $0x0  }
0xff: {  	[sflag:s22] =	ssyncadd.s32 $0xFFFFD800  }
0x100: {  	[tilespmem:s17], [sflag:$0x3] =	stream.indirect.gather [hbm4b:s4+s13], $0x80, s30, s13, $0xb8;
	[tilespmem:$0x1D800] =	vst v63  }
0x101: {  	_ =	swait.ge [sflag:s18], $0x2800  }
0x102: {  	[sflag:s18] =	ssyncset.done $0x0  }
0x103: {  	[sflag:s18] =	ssyncadd.s32 $0xFFFFD800  }
0x104: {  	[spmem:s2] =	stream.indirect.scatter.add.f32 [tilespmem:s15], [sflag:$0x5], $0x80, s31, s13, $0xb8;
	[tilespmem:$0x1D800] =	vst v63  }
0x105: {  	_ =	swait.ge [sflag:s19], $0x2800  }
0x106: {  	[sflag:s19] =	ssyncset.done $0x0  }
0x107: {  	[sflag:s19] =	ssyncadd.s32 $0xFFFFD800  }
0x108: {  	[tilespmem:s14], [sflag:$0x1] =	stream.indirect.gather [hbm4b:s4+s13], $0x80, s1, s13, $0xb8;
	[tilespmem:$0x1D800] =	vst v63  }
0x109: {  	_ =	swait.ge [sflag:s20], $0x2800  }
0x10a: {  	[sflag:s20] =	ssyncset.done $0x0  }
0x10b: {  	[sflag:s20] =	ssyncadd.s32 $0xFFFFD800  }
0x10c: {  	[spmem:s2] =	stream.indirect.scatter.add.f32 [tilespmem:s17], [sflag:$0x6], $0x80, s0, s13, $0xb8;
	[tilespmem:$0x1D800] =	vst v63  }
0x10d: {  	_ =	swait.ge [sflag:s16], $0x2800  }
0x10e: {  	[sflag:s16] =	ssyncset.done $0x0  }
0x10f: {  	[sflag:s16] =	ssyncadd.s32 $0xFFFFD800  }
0x110: {  	[spmem:s2] =	stream.indirect.scatter.add.f32 [tilespmem:s14], [sflag:$0x4], $0x80, s6, s13, $0xb8;
	[tilespmem:$0x1D800] =	vst v63  }
0x111: {  	_ =	swait.ge [sflag:s19], $0x2800  }
0x112: {  	[sflag:s19] =	ssyncset.done $0x0  }
0x113: {  	[sflag:s19] =	ssyncadd.s32 $0xFFFFD800  }
0x114: {  	_ =	swait.ge [sflag:s21], $0x2800  }
0x115: {  	[sflag:s21] =	ssyncset.done $0x0  }
0x116: {  	[sflag:s21] =	ssyncadd.s32 $0xFFFFD800  }
0x117: {  	s5 =	simm.s32 $0x200;
	_ =	swait.ge [sflag:s22], $0x2800  }
0x118: {  	s8 =	simm.s32 $0x400;
	s9 =	rddreg [dreg:$0x4];
	[sflag:s22] =	ssyncset.done $0x0  }
.LBB2_2:
0x119: {  	[sflag:s22] =	ssyncadd.s32 $0xFFFFD800;
	s9 =	sadd.s32 s5, s9  }
0x11a: {  	[tilespmem:s11], [sflag:$0x7] =	stream.linear.gather [hbm4b:s9+s3], $0xC80, $0x38;
	[tilespmem:$0x1D800] =	vst v63  }
0x11b: {  	_ =	swait.ge [sflag:s10], $0xC80  }
0x11c: {  	s9 =	rddreg [dreg:$0x3];
	[sflag:s10] =	ssyncset.done $0x0  }
0x11d: {  	[sflag:s10] =	ssyncadd.s32 $0xFFFFF380;
	s9 =	sadd.s32 s5, s9  }
0x11e: {  	[tilespmem:s12], [sflag:$0x7] =	stream.linear.gather [hbm4b:s9+s3], $0xC80, $0x38;
	[tilespmem:$0x1D800] =	vst v63  }
0x11f: {  	_ =	swait.ge [sflag:s10], $0xC80  }
0x120: {  	[sflag:s10] =	ssyncset.done $0x0  }
0x121: {  	[sflag:s10] =	ssyncadd.s32 $0xFFFFF380  }
0x122: {  	[tilespmem:s14], [sflag:$0x1] =	stream.indirect.gather [hbm4b:s4+s13], $0x80, s11, s13, $0xb8;
	[tilespmem:$0x1D800] =	vst v63  }
0x123: {  	s9 =	rddreg [dreg:$0x5]  }
0x124: {  	[tilespmem:s15], [sflag:$0x2] =	stream.indirect.gather [hbm4b:s4+s13], $0x80, s9, s13, $0xb8;
	[tilespmem:$0x1D800] =	vst v63  }
0x125: {  	_ =	swait.ge [sflag:s16], $0x2800  }
0x126: {  	[sflag:s16] =	ssyncset.done $0x0  }
0x127: {  	[sflag:s16] =	ssyncadd.s32 $0xFFFFD800  }
0x128: {  	[spmem:s2] =	stream.indirect.scatter.add.f32 [tilespmem:s14], [sflag:$0x4], $0x80, s12, s13, $0xb8;
	[tilespmem:$0x1D800] =	vst v63  }
0x129: {  	s9 =	rddreg [dreg:$0x6]  }
0x12a: {  	[tilespmem:s17], [sflag:$0x3] =	stream.indirect.gather [hbm4b:s4+s13], $0x80, s9, s13, $0xb8;
	[tilespmem:$0x1D800] =	vst v63  }
0x12b: {  	_ =	swait.ge [sflag:s18], $0x2800  }
0x12c: {  	[sflag:s18] =	ssyncset.done $0x0  }
0x12d: {  	s9 =	rddreg [dreg:$0x7];
	[sflag:s18] =	ssyncadd.s32 $0xFFFFD800  }
0x12e: {  	[spmem:s2] =	stream.indirect.scatter.add.f32 [tilespmem:s15], [sflag:$0x5], $0x80, s9, s13, $0xb8;
	[tilespmem:$0x1D800] =	vst v63  }
0x12f: {  	_ =	swait.ge [sflag:s19], $0x2800  }
0x130: {  	[sflag:s19] =	ssyncset.done $0x0  }
0x131: {  	s9 =	rddreg [dreg:$0x8];
	[sflag:s19] =	ssyncadd.s32 $0xFFFFD800  }
0x132: {  	[tilespmem:s14], [sflag:$0x1] =	stream.indirect.gather [hbm4b:s4+s13], $0x80, s9, s13, $0xb8;
	[tilespmem:$0x1D800] =	vst v63  }
0x133: {  	_ =	swait.ge [sflag:s20], $0x2800  }
0x134: {  	[sflag:s20] =	ssyncset.done $0x0  }
0x135: {  	s9 =	rddreg [dreg:$0x9];
	[sflag:s20] =	ssyncadd.s32 $0xFFFFD800  }
0x136: {  	[spmem:s2] =	stream.indirect.scatter.add.f32 [tilespmem:s17], [sflag:$0x6], $0x80, s9, s13, $0xb8;
	[tilespmem:$0x1D800] =	vst v63  }
0x137: {  	_ =	swait.ge [sflag:s21], $0x2800  }
0x138: {  	[sflag:s21] =	ssyncset.done $0x0  }
0x139: {  	s9 =	rddreg [dreg:$0xa];
	[sflag:s21] =	ssyncadd.s32 $0xFFFFD800  }
0x13a: {  	[tilespmem:s15], [sflag:$0x2] =	stream.indirect.gather [hbm4b:s4+s13], $0x80, s9, s13, $0xb8;
	[tilespmem:$0x1D800] =	vst v63  }
0x13b: {  	_ =	swait.ge [sflag:s16], $0x2800  }
0x13c: {  	[sflag:s16] =	ssyncset.done $0x0  }
0x13d: {  	s9 =	rddreg [dreg:$0xb];
	[sflag:s16] =	ssyncadd.s32 $0xFFFFD800  }
0x13e: {  	[spmem:s2] =	stream.indirect.scatter.add.f32 [tilespmem:s14], [sflag:$0x4], $0x80, s9, s13, $0xb8;
	[tilespmem:$0x1D800] =	vst v63  }
0x13f: {  	_ =	swait.ge [sflag:s22], $0x2800  }
0x140: {  	[sflag:s22] =	ssyncset.done $0x0  }
0x141: {  	s9 =	rddreg [dreg:$0xc];
	[sflag:s22] =	ssyncadd.s32 $0xFFFFD800  }
0x142: {  	[tilespmem:s17], [sflag:$0x3] =	stream.indirect.gather [hbm4b:s4+s13], $0x80, s9, s13, $0xb8;
	[tilespmem:$0x1D800] =	vst v63  }
0x143: {  	_ =	swait.ge [sflag:s18], $0x2800  }
0x144: {  	[sflag:s18] =	ssyncset.done $0x0  }
0x145: {  	s9 =	rddreg [dreg:$0xd];
	[sflag:s18] =	ssyncadd.s32 $0xFFFFD800  }
0x146: {  	[spmem:s2] =	stream.indirect.scatter.add.f32 [tilespmem:s15], [sflag:$0x5], $0x80, s9, s13, $0xb8;
	[tilespmem:$0x1D800] =	vst v63  }
0x147: {  	_ =	swait.ge [sflag:s19], $0x2800  }
0x148: {  	[sflag:s19] =	ssyncset.done $0x0  }
0x149: {  	s9 =	rddreg [dreg:$0xe];
	[sflag:s19] =	ssyncadd.s32 $0xFFFFD800  }
0x14a: {  	[tilespmem:s14], [sflag:$0x1] =	stream.indirect.gather [hbm4b:s4+s13], $0x80, s9, s13, $0xb8;
	[tilespmem:$0x1D800] =	vst v63  }
0x14b: {  	_ =	swait.ge [sflag:s20], $0x2800  }
0x14c: {  	[sflag:s20] =	ssyncset.done $0x0  }
0x14d: {  	s9 =	rddreg [dreg:$0xf];
	[sflag:s20] =	ssyncadd.s32 $0xFFFFD800  }
0x14e: {  	[spmem:s2] =	stream.indirect.scatter.add.f32 [tilespmem:s17], [sflag:$0x6], $0x80, s9, s13, $0xb8;
	[tilespmem:$0x1D800] =	vst v63  }
0x14f: {  	_ =	swait.ge [sflag:s21], $0x2800  }
0x150: {  	[sflag:s21] =	ssyncset.done $0x0  }
0x151: {  	s9 =	rddreg [dreg:$0x10];
	[sflag:s21] =	ssyncadd.s32 $0xFFFFD800  }
0x152: {  	[tilespmem:s15], [sflag:$0x2] =	stream.indirect.gather [hbm4b:s4+s13], $0x80, s9, s13, $0xb8;
	[tilespmem:$0x1D800] =	vst v63  }
0x153: {  	_ =	swait.ge [sflag:s16], $0x2800  }
0x154: {  	[sflag:s16] =	ssyncset.done $0x0  }
0x155: {  	s9 =	rddreg [dreg:$0x11];
	[sflag:s16] =	ssyncadd.s32 $0xFFFFD800  }
0x156: {  	[spmem:s2] =	stream.indirect.scatter.add.f32 [tilespmem:s14], [sflag:$0x4], $0x80, s9, s13, $0xb8;
	[tilespmem:$0x1D800] =	vst v63  }
0x157: {  	_ =	swait.ge [sflag:s22], $0x2800  }
0x158: {  	[sflag:s22] =	ssyncset.done $0x0  }
0x159: {  	s9 =	rddreg [dreg:$0x12];
	[sflag:s22] =	ssyncadd.s32 $0xFFFFD800  }
0x15a: {  	[tilespmem:s17], [sflag:$0x3] =	stream.indirect.gather [hbm4b:s4+s13], $0x80, s9, s13, $0xb8;
	[tilespmem:$0x1D800] =	vst v63  }
0x15b: {  	_ =	swait.ge [sflag:s18], $0x2800  }
0x15c: {  	[sflag:s18] =	ssyncset.done $0x0  }
0x15d: {  	s9 =	rddreg [dreg:$0x13];
	[sflag:s18] =	ssyncadd.s32 $0xFFFFD800  }
0x15e: {  	[spmem:s2] =	stream.indirect.scatter.add.f32 [tilespmem:s15], [sflag:$0x5], $0x80, s9, s13, $0xb8;
	[tilespmem:$0x1D800] =	vst v63  }
0x15f: {  	_ =	swait.ge [sflag:s19], $0x2800  }
0x160: {  	[sflag:s19] =	ssyncset.done $0x0  }
0x161: {  	s9 =	rddreg [dreg:$0x14];
	[sflag:s19] =	ssyncadd.s32 $0xFFFFD800  }
0x162: {  	[tilespmem:s14], [sflag:$0x1] =	stream.indirect.gather [hbm4b:s4+s13], $0x80, s9, s13, $0xb8;
	[tilespmem:$0x1D800] =	vst v63  }
0x163: {  	_ =	swait.ge [sflag:s20], $0x2800  }
0x164: {  	[sflag:s20] =	ssyncset.done $0x0  }
0x165: {  	s9 =	rddreg [dreg:$0x15];
	[sflag:s20] =	ssyncadd.s32 $0xFFFFD800  }
0x166: {  	[spmem:s2] =	stream.indirect.scatter.add.f32 [tilespmem:s17], [sflag:$0x6], $0x80, s9, s13, $0xb8;
	[tilespmem:$0x1D800] =	vst v63  }
0x167: {  	_ =	swait.ge [sflag:s21], $0x2800  }
0x168: {  	[sflag:s21] =	ssyncset.done $0x0  }
0x169: {  	s9 =	rddreg [dreg:$0x16];
	[sflag:s21] =	ssyncadd.s32 $0xFFFFD800  }
0x16a: {  	[tilespmem:s15], [sflag:$0x2] =	stream.indirect.gather [hbm4b:s4+s13], $0x80, s9, s13, $0xb8;
	[tilespmem:$0x1D800] =	vst v63  }
0x16b: {  	_ =	swait.ge [sflag:s16], $0x2800  }
0x16c: {  	[sflag:s16] =	ssyncset.done $0x0  }
0x16d: {  	s9 =	rddreg [dreg:$0x17];
	[sflag:s16] =	ssyncadd.s32 $0xFFFFD800  }
0x16e: {  	[spmem:s2] =	stream.indirect.scatter.add.f32 [tilespmem:s14], [sflag:$0x4], $0x80, s9, s13, $0xb8;
	[tilespmem:$0x1D800] =	vst v63  }
0x16f: {  	_ =	swait.ge [sflag:s22], $0x2800  }
0x170: {  	[sflag:s22] =	ssyncset.done $0x0  }
0x171: {  	s9 =	rddreg [dreg:$0x18];
	[sflag:s22] =	ssyncadd.s32 $0xFFFFD800  }
0x172: {  	[tilespmem:s17], [sflag:$0x3] =	stream.indirect.gather [hbm4b:s4+s13], $0x80, s9, s13, $0xb8;
	[tilespmem:$0x1D800] =	vst v63  }
0x173: {  	_ =	swait.ge [sflag:s18], $0x2800  }
0x174: {  	[sflag:s18] =	ssyncset.done $0x0  }
0x175: {  	s9 =	rddreg [dreg:$0x19];
	[sflag:s18] =	ssyncadd.s32 $0xFFFFD800  }
0x176: {  	[spmem:s2] =	stream.indirect.scatter.add.f32 [tilespmem:s15], [sflag:$0x5], $0x80, s9, s13, $0xb8;
	[tilespmem:$0x1D800] =	vst v63  }
0x177: {  	_ =	swait.ge [sflag:s19], $0x2800  }
0x178: {  	[sflag:s19] =	ssyncset.done $0x0  }
0x179: {  	s9 =	rddreg [dreg:$0x1a];
	[sflag:s19] =	ssyncadd.s32 $0xFFFFD800  }
0x17a: {  	[tilespmem:s14], [sflag:$0x1] =	stream.indirect.gather [hbm4b:s4+s13], $0x80, s9, s13, $0xb8;
	[tilespmem:$0x1D800] =	vst v63  }
0x17b: {  	_ =	swait.ge [sflag:s20], $0x2800  }
0x17c: {  	[sflag:s20] =	ssyncset.done $0x0  }
0x17d: {  	s9 =	rddreg [dreg:$0x1b];
	[sflag:s20] =	ssyncadd.s32 $0xFFFFD800  }
0x17e: {  	[spmem:s2] =	stream.indirect.scatter.add.f32 [tilespmem:s17], [sflag:$0x6], $0x80, s9, s13, $0xb8;
	[tilespmem:$0x1D800] =	vst v63  }
0x17f: {  	_ =	swait.ge [sflag:s21], $0x2800  }
0x180: {  	[sflag:s21] =	ssyncset.done $0x0  }
0x181: {  	s9 =	rddreg [dreg:$0x1c];
	[sflag:s21] =	ssyncadd.s32 $0xFFFFD800  }
0x182: {  	[tilespmem:s15], [sflag:$0x2] =	stream.indirect.gather [hbm4b:s4+s13], $0x80, s9, s13, $0xb8;
	[tilespmem:$0x1D800] =	vst v63  }
0x183: {  	_ =	swait.ge [sflag:s16], $0x2800  }
0x184: {  	[sflag:s16] =	ssyncset.done $0x0  }
0x185: {  	s9 =	rddreg [dreg:$0x1d];
	[sflag:s16] =	ssyncadd.s32 $0xFFFFD800  }
0x186: {  	[spmem:s2] =	stream.indirect.scatter.add.f32 [tilespmem:s14], [sflag:$0x4], $0x80, s9, s13, $0xb8;
	[tilespmem:$0x1D800] =	vst v63  }
0x187: {  	_ =	swait.ge [sflag:s22], $0x2800  }
0x188: {  	[sflag:s22] =	ssyncset.done $0x0  }
0x189: {  	s9 =	rddreg [dreg:$0x1e];
	[sflag:s22] =	ssyncadd.s32 $0xFFFFD800  }
0x18a: {  	[tilespmem:s17], [sflag:$0x3] =	stream.indirect.gather [hbm4b:s4+s13], $0x80, s9, s13, $0xb8;
	[tilespmem:$0x1D800] =	vst v63  }
0x18b: {  	_ =	swait.ge [sflag:s18], $0x2800  }
0x18c: {  	[sflag:s18] =	ssyncset.done $0x0  }
0x18d: {  	s9 =	rddreg [dreg:$0x1f];
	[sflag:s18] =	ssyncadd.s32 $0xFFFFD800  }
0x18e: {  	[spmem:s2] =	stream.indirect.scatter.add.f32 [tilespmem:s15], [sflag:$0x5], $0x80, s9, s13, $0xb8;
	[tilespmem:$0x1D800] =	vst v63  }
0x18f: {  	_ =	swait.ge [sflag:s19], $0x2800  }
0x190: {  	s9 =	sld [smem:$0x7F2]  }
0x191: {  	[sflag:s19] =	ssyncset.done $0x0  }
0x192: {  	[sflag:s19] =	ssyncadd.s32 $0xFFFFD800  }
0x193: {  	[tilespmem:s14], [sflag:$0x1] =	stream.indirect.gather [hbm4b:s4+s13], $0x80, s9, s13, $0xb8;
	[tilespmem:$0x1D800] =	vst v63  }
0x194: {  	_ =	swait.ge [sflag:s20], $0x2800  }
0x195: {  	s9 =	sld [smem:$0x7F3]  }
0x196: {  	[sflag:s20] =	ssyncset.done $0x0  }
0x197: {  	[sflag:s20] =	ssyncadd.s32 $0xFFFFD800  }
0x198: {  	[spmem:s2] =	stream.indirect.scatter.add.f32 [tilespmem:s17], [sflag:$0x6], $0x80, s9, s13, $0xb8;
	[tilespmem:$0x1D800] =	vst v63  }
0x199: {  	_ =	swait.ge [sflag:s21], $0x2800  }
0x19a: {  	s9 =	sld [smem:$0x7F4]  }
0x19b: {  	[sflag:s21] =	ssyncset.done $0x0  }
0x19c: {  	[sflag:s21] =	ssyncadd.s32 $0xFFFFD800  }
0x19d: {  	[tilespmem:s15], [sflag:$0x2] =	stream.indirect.gather [hbm4b:s4+s13], $0x80, s9, s13, $0xb8;
	[tilespmem:$0x1D800] =	vst v63  }
0x19e: {  	_ =	swait.ge [sflag:s16], $0x2800  }
0x19f: {  	s9 =	sld [smem:$0x7F5]  }
0x1a0: {  	[sflag:s16] =	ssyncset.done $0x0  }
0x1a1: {  	[sflag:s16] =	ssyncadd.s32 $0xFFFFD800  }
0x1a2: {  	[spmem:s2] =	stream.indirect.scatter.add.f32 [tilespmem:s14], [sflag:$0x4], $0x80, s9, s13, $0xb8;
	[tilespmem:$0x1D800] =	vst v63  }
0x1a3: {  	_ =	swait.ge [sflag:s22], $0x2800  }
0x1a4: {  	s9 =	sld [smem:$0x7F6]  }
0x1a5: {  	[sflag:s22] =	ssyncset.done $0x0  }
0x1a6: {  	[sflag:s22] =	ssyncadd.s32 $0xFFFFD800  }
0x1a7: {  	[tilespmem:s17], [sflag:$0x3] =	stream.indirect.gather [hbm4b:s4+s13], $0x80, s9, s13, $0xb8;
	[tilespmem:$0x1D800] =	vst v63  }
0x1a8: {  	_ =	swait.ge [sflag:s18], $0x2800  }
0x1a9: {  	s9 =	sld [smem:$0x7F7]  }
0x1aa: {  	[sflag:s18] =	ssyncset.done $0x0  }
0x1ab: {  	[sflag:s18] =	ssyncadd.s32 $0xFFFFD800  }
0x1ac: {  	[spmem:s2] =	stream.indirect.scatter.add.f32 [tilespmem:s15], [sflag:$0x5], $0x80, s9, s13, $0xb8;
	[tilespmem:$0x1D800] =	vst v63  }
0x1ad: {  	_ =	swait.ge [sflag:s19], $0x2800  }
0x1ae: {  	s9 =	sld [smem:$0x7F8]  }
0x1af: {  	[sflag:s19] =	ssyncset.done $0x0  }
0x1b0: {  	[sflag:s19] =	ssyncadd.s32 $0xFFFFD800  }
0x1b1: {  	[tilespmem:s14], [sflag:$0x1] =	stream.indirect.gather [hbm4b:s4+s13], $0x80, s9, s13, $0xb8;
	[tilespmem:$0x1D800] =	vst v63  }
0x1b2: {  	_ =	swait.ge [sflag:s20], $0x2800  }
0x1b3: {  	s9 =	sld [smem:$0x7F9]  }
0x1b4: {  	[sflag:s20] =	ssyncset.done $0x0  }
0x1b5: {  	[sflag:s20] =	ssyncadd.s32 $0xFFFFD800  }
0x1b6: {  	[spmem:s2] =	stream.indirect.scatter.add.f32 [tilespmem:s17], [sflag:$0x6], $0x80, s9, s13, $0xb8;
	[tilespmem:$0x1D800] =	vst v63  }
0x1b7: {  	_ =	swait.ge [sflag:s21], $0x2800  }
0x1b8: {  	s9 =	sld [smem:$0x7FA]  }
0x1b9: {  	[sflag:s21] =	ssyncset.done $0x0  }
0x1ba: {  	[sflag:s21] =	ssyncadd.s32 $0xFFFFD800  }
0x1bb: {  	[tilespmem:s15], [sflag:$0x2] =	stream.indirect.gather [hbm4b:s4+s13], $0x80, s9, s13, $0xb8;
	[tilespmem:$0x1D800] =	vst v63  }
0x1bc: {  	_ =	swait.ge [sflag:s16], $0x2800  }
0x1bd: {  	s9 =	sld [smem:$0x7FB]  }
0x1be: {  	[sflag:s16] =	ssyncset.done $0x0  }
0x1bf: {  	[sflag:s16] =	ssyncadd.s32 $0xFFFFD800  }
0x1c0: {  	[spmem:s2] =	stream.indirect.scatter.add.f32 [tilespmem:s14], [sflag:$0x4], $0x80, s9, s13, $0xb8;
	[tilespmem:$0x1D800] =	vst v63  }
0x1c1: {  	_ =	swait.ge [sflag:s22], $0x2800  }
0x1c2: {  	[sflag:s22] =	ssyncset.done $0x0  }
0x1c3: {  	[sflag:s22] =	ssyncadd.s32 $0xFFFFD800  }
0x1c4: {  	[tilespmem:s17], [sflag:$0x3] =	stream.indirect.gather [hbm4b:s4+s13], $0x80, s23, s13, $0xb8;
	[tilespmem:$0x1D800] =	vst v63  }
0x1c5: {  	_ =	swait.ge [sflag:s18], $0x2800  }
0x1c6: {  	[sflag:s18] =	ssyncset.done $0x0  }
0x1c7: {  	[sflag:s18] =	ssyncadd.s32 $0xFFFFD800  }
0x1c8: {  	[spmem:s2] =	stream.indirect.scatter.add.f32 [tilespmem:s15], [sflag:$0x5], $0x80, s24, s13, $0xb8;
	[tilespmem:$0x1D800] =	vst v63  }
0x1c9: {  	_ =	swait.ge [sflag:s19], $0x2800  }
0x1ca: {  	[sflag:s19] =	ssyncset.done $0x0  }
0x1cb: {  	[sflag:s19] =	ssyncadd.s32 $0xFFFFD800  }
0x1cc: {  	[tilespmem:s14], [sflag:$0x1] =	stream.indirect.gather [hbm4b:s4+s13], $0x80, s25, s13, $0xb8;
	[tilespmem:$0x1D800] =	vst v63  }
0x1cd: {  	_ =	swait.ge [sflag:s20], $0x2800  }
0x1ce: {  	[sflag:s20] =	ssyncset.done $0x0  }
0x1cf: {  	[sflag:s20] =	ssyncadd.s32 $0xFFFFD800  }
0x1d0: {  	[spmem:s2] =	stream.indirect.scatter.add.f32 [tilespmem:s17], [sflag:$0x6], $0x80, s26, s13, $0xb8;
	[tilespmem:$0x1D800] =	vst v63  }
0x1d1: {  	_ =	swait.ge [sflag:s21], $0x2800  }
0x1d2: {  	[sflag:s21] =	ssyncset.done $0x0  }
0x1d3: {  	[sflag:s21] =	ssyncadd.s32 $0xFFFFD800  }
0x1d4: {  	[tilespmem:s15], [sflag:$0x2] =	stream.indirect.gather [hbm4b:s4+s13], $0x80, s28, s13, $0xb8;
	[tilespmem:$0x1D800] =	vst v63  }
0x1d5: {  	_ =	swait.ge [sflag:s16], $0x2800  }
0x1d6: {  	[sflag:s16] =	ssyncset.done $0x0  }
0x1d7: {  	[sflag:s16] =	ssyncadd.s32 $0xFFFFD800  }
0x1d8: {  	[spmem:s2] =	stream.indirect.scatter.add.f32 [tilespmem:s14], [sflag:$0x4], $0x80, s29, s13, $0xb8;
	[tilespmem:$0x1D800] =	vst v63  }
0x1d9: {  	_ =	swait.ge [sflag:s22], $0x2800  }
0x1da: {  	[sflag:s22] =	ssyncset.done $0x0  }
0x1db: {  	[sflag:s22] =	ssyncadd.s32 $0xFFFFD800  }
0x1dc: {  	[tilespmem:s17], [sflag:$0x3] =	stream.indirect.gather [hbm4b:s4+s13], $0x80, s30, s13, $0xb8;
	[tilespmem:$0x1D800] =	vst v63  }
0x1dd: {  	_ =	swait.ge [sflag:s18], $0x2800  }
0x1de: {  	[sflag:s18] =	ssyncset.done $0x0  }
0x1df: {  	[sflag:s18] =	ssyncadd.s32 $0xFFFFD800  }
0x1e0: {  	[spmem:s2] =	stream.indirect.scatter.add.f32 [tilespmem:s15], [sflag:$0x5], $0x80, s31, s13, $0xb8;
	[tilespmem:$0x1D800] =	vst v63  }
0x1e1: {  	_ =	swait.ge [sflag:s19], $0x2800  }
0x1e2: {  	[sflag:s19] =	ssyncset.done $0x0  }
0x1e3: {  	[sflag:s19] =	ssyncadd.s32 $0xFFFFD800  }
0x1e4: {  	[tilespmem:s14], [sflag:$0x1] =	stream.indirect.gather [hbm4b:s4+s13], $0x80, s1, s13, $0xb8;
	[tilespmem:$0x1D800] =	vst v63  }
0x1e5: {  	_ =	swait.ge [sflag:s20], $0x2800  }
0x1e6: {  	[sflag:s20] =	ssyncset.done $0x0  }
0x1e7: {  	[sflag:s20] =	ssyncadd.s32 $0xFFFFD800  }
0x1e8: {  	[spmem:s2] =	stream.indirect.scatter.add.f32 [tilespmem:s17], [sflag:$0x6], $0x80, s0, s13, $0xb8;
	[tilespmem:$0x1D800] =	vst v63  }
0x1e9: {  	_ =	swait.ge [sflag:s16], $0x2800  }
0x1ea: {  	[sflag:s16] =	ssyncset.done $0x0  }
0x1eb: {  	[sflag:s16] =	ssyncadd.s32 $0xFFFFD800  }
0x1ec: {  	[spmem:s2] =	stream.indirect.scatter.add.f32 [tilespmem:s14], [sflag:$0x4], $0x80, s6, s13, $0xb8;
	[tilespmem:$0x1D800] =	vst v63  }
0x1ed: {  	_ =	swait.ge [sflag:s19], $0x2800  }
0x1ee: {  	[sflag:s19] =	ssyncset.done $0x0  }
0x1ef: {  	p0 =	sne.s32 s8, $0x800;
	[sflag:s19] =	ssyncadd.s32 $0xFFFFD800  }
.Ltmp0:
0x1f0: {  	_ =	swait.ge [sflag:s21], $0x2800;
	(pc) =	sbr.rel @p0 .LBB2_2-.Ltmp0, $4  }
0x1f1: {  	[sflag:s21] =	ssyncset.done $0x0  }
0x1f2: {  	[sflag:s21] =	ssyncadd.s32 $0xFFFFD800  }
0x1f3: {  	s7 =	smov.u32 s8;
	s8 =	sadd.s32 $0x200, s8;
	_ =	swait.ge [sflag:s22], $0x2800  }
0x1f4: {  	s5 =	smov.u32 s7;
	s9 =	rddreg [dreg:$0x4];
	[sflag:s22] =	ssyncset.done $0x0  }
0x1f5: {  	[sflag:s22] =	ssyncadd.s32 $0xFFFFD800;
	s7 =	sadd.s32 s5, s9  }
0x1f6: {  	[tilespmem:s11], [sflag:$0x7] =	stream.linear.gather [hbm4b:s7+s3], $0xC80, $0x38;
	[tilespmem:$0x1D800] =	vst v63  }
0x1f7: {  	_ =	swait.ge [sflag:s10], $0xC80  }
0x1f8: {  	s9 =	rddreg [dreg:$0x3];
	[sflag:s10] =	ssyncset.done $0x0  }
0x1f9: {  	s7 =	sadd.s32 s5, s9;
	[sflag:s10] =	ssyncadd.s32 $0xFFFFF380  }
0x1fa: {  	[tilespmem:s12], [sflag:$0x7] =	stream.linear.gather [hbm4b:s7+s3], $0xC80, $0x38;
	[tilespmem:$0x1D800] =	vst v63  }
0x1fb: {  	_ =	swait.ge [sflag:s10], $0xC80  }
0x1fc: {  	[sflag:s10] =	ssyncset.done $0x0  }
0x1fd: {  	[sflag:s10] =	ssyncadd.s32 $0xFFFFF380  }
0x1fe: {  	[tilespmem:s14], [sflag:$0x1] =	stream.indirect.gather [hbm4b:s4+s13], $0x80, s11, s13, $0xb8;
	[tilespmem:$0x1D800] =	vst v63  }
0x1ff: {  	s8 =	rddreg [dreg:$0x5]  }
0x200: {  	[tilespmem:s15], [sflag:$0x2] =	stream.indirect.gather [hbm4b:s4+s13], $0x80, s8, s13, $0xb8;
	[tilespmem:$0x1D800] =	vst v63  }
0x201: {  	_ =	swait.ge [sflag:s16], $0x2800  }
0x202: {  	[sflag:s16] =	ssyncset.done $0x0  }
0x203: {  	[sflag:s16] =	ssyncadd.s32 $0xFFFFD800  }
0x204: {  	[spmem:s2] =	stream.indirect.scatter.add.f32 [tilespmem:s14], [sflag:$0x4], $0x80, s12, s13, $0xb8;
	[tilespmem:$0x1D800] =	vst v63  }
0x205: {  	s9 =	rddreg [dreg:$0x6]  }
0x206: {  	[tilespmem:s17], [sflag:$0x3] =	stream.indirect.gather [hbm4b:s4+s13], $0x80, s9, s13, $0xb8;
	[tilespmem:$0x1D800] =	vst v63  }
0x207: {  	_ =	swait.ge [sflag:s18], $0x2800  }
0x208: {  	[sflag:s18] =	ssyncset.done $0x0  }
0x209: {  	s7 =	rddreg [dreg:$0x7];
	[sflag:s18] =	ssyncadd.s32 $0xFFFFD800  }
0x20a: {  	[spmem:s2] =	stream.indirect.scatter.add.f32 [tilespmem:s15], [sflag:$0x5], $0x80, s7, s13, $0xb8;
	[tilespmem:$0x1D800] =	vst v63  }
0x20b: {  	_ =	swait.ge [sflag:s19], $0x2800  }
0x20c: {  	[sflag:s19] =	ssyncset.done $0x0  }
0x20d: {  	s8 =	rddreg [dreg:$0x8];
	[sflag:s19] =	ssyncadd.s32 $0xFFFFD800  }
0x20e: {  	[tilespmem:s14], [sflag:$0x1] =	stream.indirect.gather [hbm4b:s4+s13], $0x80, s8, s13, $0xb8;
	[tilespmem:$0x1D800] =	vst v63  }
0x20f: {  	_ =	swait.ge [sflag:s20], $0x2800  }
0x210: {  	[sflag:s20] =	ssyncset.done $0x0  }
0x211: {  	s9 =	rddreg [dreg:$0x9];
	[sflag:s20] =	ssyncadd.s32 $0xFFFFD800  }
0x212: {  	[spmem:s2] =	stream.indirect.scatter.add.f32 [tilespmem:s17], [sflag:$0x6], $0x80, s9, s13, $0xb8;
	[tilespmem:$0x1D800] =	vst v63  }
0x213: {  	_ =	swait.ge [sflag:s21], $0x2800  }
0x214: {  	[sflag:s21] =	ssyncset.done $0x0  }
0x215: {  	s7 =	rddreg [dreg:$0xa];
	[sflag:s21] =	ssyncadd.s32 $0xFFFFD800  }
0x216: {  	[tilespmem:s15], [sflag:$0x2] =	stream.indirect.gather [hbm4b:s4+s13], $0x80, s7, s13, $0xb8;
	[tilespmem:$0x1D800] =	vst v63  }
0x217: {  	_ =	swait.ge [sflag:s16], $0x2800  }
0x218: {  	[sflag:s16] =	ssyncset.done $0x0  }
0x219: {  	s8 =	rddreg [dreg:$0xb];
	[sflag:s16] =	ssyncadd.s32 $0xFFFFD800  }
0x21a: {  	[spmem:s2] =	stream.indirect.scatter.add.f32 [tilespmem:s14], [sflag:$0x4], $0x80, s8, s13, $0xb8;
	[tilespmem:$0x1D800] =	vst v63  }
0x21b: {  	_ =	swait.ge [sflag:s22], $0x2800  }
0x21c: {  	[sflag:s22] =	ssyncset.done $0x0  }
0x21d: {  	s9 =	rddreg [dreg:$0xc];
	[sflag:s22] =	ssyncadd.s32 $0xFFFFD800  }
0x21e: {  	[tilespmem:s17], [sflag:$0x3] =	stream.indirect.gather [hbm4b:s4+s13], $0x80, s9, s13, $0xb8;
	[tilespmem:$0x1D800] =	vst v63  }
0x21f: {  	_ =	swait.ge [sflag:s18], $0x2800  }
0x220: {  	[sflag:s18] =	ssyncset.done $0x0  }
0x221: {  	s7 =	rddreg [dreg:$0xd];
	[sflag:s18] =	ssyncadd.s32 $0xFFFFD800  }
0x222: {  	[spmem:s2] =	stream.indirect.scatter.add.f32 [tilespmem:s15], [sflag:$0x5], $0x80, s7, s13, $0xb8;
	[tilespmem:$0x1D800] =	vst v63  }
0x223: {  	_ =	swait.ge [sflag:s19], $0x2800  }
0x224: {  	[sflag:s19] =	ssyncset.done $0x0  }
0x225: {  	s8 =	rddreg [dreg:$0xe];
	[sflag:s19] =	ssyncadd.s32 $0xFFFFD800  }
0x226: {  	[tilespmem:s14], [sflag:$0x1] =	stream.indirect.gather [hbm4b:s4+s13], $0x80, s8, s13, $0xb8;
	[tilespmem:$0x1D800] =	vst v63  }
0x227: {  	_ =	swait.ge [sflag:s20], $0x2800  }
0x228: {  	[sflag:s20] =	ssyncset.done $0x0  }
0x229: {  	s9 =	rddreg [dreg:$0xf];
	[sflag:s20] =	ssyncadd.s32 $0xFFFFD800  }
0x22a: {  	[spmem:s2] =	stream.indirect.scatter.add.f32 [tilespmem:s17], [sflag:$0x6], $0x80, s9, s13, $0xb8;
	[tilespmem:$0x1D800] =	vst v63  }
0x22b: {  	_ =	swait.ge [sflag:s21], $0x2800  }
0x22c: {  	[sflag:s21] =	ssyncset.done $0x0  }
0x22d: {  	s7 =	rddreg [dreg:$0x10];
	[sflag:s21] =	ssyncadd.s32 $0xFFFFD800  }
0x22e: {  	[tilespmem:s15], [sflag:$0x2] =	stream.indirect.gather [hbm4b:s4+s13], $0x80, s7, s13, $0xb8;
	[tilespmem:$0x1D800] =	vst v63  }
0x22f: {  	_ =	swait.ge [sflag:s16], $0x2800  }
0x230: {  	[sflag:s16] =	ssyncset.done $0x0  }
0x231: {  	s8 =	rddreg [dreg:$0x11];
	[sflag:s16] =	ssyncadd.s32 $0xFFFFD800  }
0x232: {  	[spmem:s2] =	stream.indirect.scatter.add.f32 [tilespmem:s14], [sflag:$0x4], $0x80, s8, s13, $0xb8;
	[tilespmem:$0x1D800] =	vst v63  }
0x233: {  	_ =	swait.ge [sflag:s22], $0x2800  }
0x234: {  	[sflag:s22] =	ssyncset.done $0x0  }
0x235: {  	s9 =	rddreg [dreg:$0x12];
	[sflag:s22] =	ssyncadd.s32 $0xFFFFD800  }
0x236: {  	[tilespmem:s17], [sflag:$0x3] =	stream.indirect.gather [hbm4b:s4+s13], $0x80, s9, s13, $0xb8;
	[tilespmem:$0x1D800] =	vst v63  }
0x237: {  	_ =	swait.ge [sflag:s18], $0x2800  }
0x238: {  	[sflag:s18] =	ssyncset.done $0x0  }
0x239: {  	s7 =	rddreg [dreg:$0x13];
	[sflag:s18] =	ssyncadd.s32 $0xFFFFD800  }
0x23a: {  	[spmem:s2] =	stream.indirect.scatter.add.f32 [tilespmem:s15], [sflag:$0x5], $0x80, s7, s13, $0xb8;
	[tilespmem:$0x1D800] =	vst v63  }
0x23b: {  	_ =	swait.ge [sflag:s19], $0x2800  }
0x23c: {  	[sflag:s19] =	ssyncset.done $0x0  }
0x23d: {  	s8 =	rddreg [dreg:$0x14];
	[sflag:s19] =	ssyncadd.s32 $0xFFFFD800  }
0x23e: {  	[tilespmem:s14], [sflag:$0x1] =	stream.indirect.gather [hbm4b:s4+s13], $0x80, s8, s13, $0xb8;
	[tilespmem:$0x1D800] =	vst v63  }
0x23f: {  	_ =	swait.ge [sflag:s20], $0x2800  }
0x240: {  	[sflag:s20] =	ssyncset.done $0x0  }
0x241: {  	s9 =	rddreg [dreg:$0x15];
	[sflag:s20] =	ssyncadd.s32 $0xFFFFD800  }
0x242: {  	[spmem:s2] =	stream.indirect.scatter.add.f32 [tilespmem:s17], [sflag:$0x6], $0x80, s9, s13, $0xb8;
	[tilespmem:$0x1D800] =	vst v63  }
0x243: {  	_ =	swait.ge [sflag:s21], $0x2800  }
0x244: {  	[sflag:s21] =	ssyncset.done $0x0  }
0x245: {  	s7 =	rddreg [dreg:$0x16];
	[sflag:s21] =	ssyncadd.s32 $0xFFFFD800  }
0x246: {  	[tilespmem:s15], [sflag:$0x2] =	stream.indirect.gather [hbm4b:s4+s13], $0x80, s7, s13, $0xb8;
	[tilespmem:$0x1D800] =	vst v63  }
0x247: {  	_ =	swait.ge [sflag:s16], $0x2800  }
0x248: {  	[sflag:s16] =	ssyncset.done $0x0  }
0x249: {  	s8 =	rddreg [dreg:$0x17];
	[sflag:s16] =	ssyncadd.s32 $0xFFFFD800  }
0x24a: {  	[spmem:s2] =	stream.indirect.scatter.add.f32 [tilespmem:s14], [sflag:$0x4], $0x80, s8, s13, $0xb8;
	[tilespmem:$0x1D800] =	vst v63  }
0x24b: {  	_ =	swait.ge [sflag:s22], $0x2800  }
0x24c: {  	[sflag:s22] =	ssyncset.done $0x0  }
0x24d: {  	s9 =	rddreg [dreg:$0x18];
	[sflag:s22] =	ssyncadd.s32 $0xFFFFD800  }
0x24e: {  	[tilespmem:s17], [sflag:$0x3] =	stream.indirect.gather [hbm4b:s4+s13], $0x80, s9, s13, $0xb8;
	[tilespmem:$0x1D800] =	vst v63  }
0x24f: {  	_ =	swait.ge [sflag:s18], $0x2800  }
0x250: {  	[sflag:s18] =	ssyncset.done $0x0  }
0x251: {  	s7 =	rddreg [dreg:$0x19];
	[sflag:s18] =	ssyncadd.s32 $0xFFFFD800  }
0x252: {  	[spmem:s2] =	stream.indirect.scatter.add.f32 [tilespmem:s15], [sflag:$0x5], $0x80, s7, s13, $0xb8;
	[tilespmem:$0x1D800] =	vst v63  }
0x253: {  	_ =	swait.ge [sflag:s19], $0x2800  }
0x254: {  	[sflag:s19] =	ssyncset.done $0x0  }
0x255: {  	s8 =	rddreg [dreg:$0x1a];
	[sflag:s19] =	ssyncadd.s32 $0xFFFFD800  }
0x256: {  	[tilespmem:s14], [sflag:$0x1] =	stream.indirect.gather [hbm4b:s4+s13], $0x80, s8, s13, $0xb8;
	[tilespmem:$0x1D800] =	vst v63  }
0x257: {  	_ =	swait.ge [sflag:s20], $0x2800  }
0x258: {  	[sflag:s20] =	ssyncset.done $0x0  }
0x259: {  	s9 =	rddreg [dreg:$0x1b];
	[sflag:s20] =	ssyncadd.s32 $0xFFFFD800  }
0x25a: {  	[spmem:s2] =	stream.indirect.scatter.add.f32 [tilespmem:s17], [sflag:$0x6], $0x80, s9, s13, $0xb8;
	[tilespmem:$0x1D800] =	vst v63  }
0x25b: {  	_ =	swait.ge [sflag:s21], $0x2800  }
0x25c: {  	[sflag:s21] =	ssyncset.done $0x0  }
0x25d: {  	s7 =	rddreg [dreg:$0x1c];
	[sflag:s21] =	ssyncadd.s32 $0xFFFFD800  }
0x25e: {  	[tilespmem:s15], [sflag:$0x2] =	stream.indirect.gather [hbm4b:s4+s13], $0x80, s7, s13, $0xb8;
	[tilespmem:$0x1D800] =	vst v63  }
0x25f: {  	_ =	swait.ge [sflag:s16], $0x2800  }
0x260: {  	[sflag:s16] =	ssyncset.done $0x0  }
0x261: {  	s8 =	rddreg [dreg:$0x1d];
	[sflag:s16] =	ssyncadd.s32 $0xFFFFD800  }
0x262: {  	[spmem:s2] =	stream.indirect.scatter.add.f32 [tilespmem:s14], [sflag:$0x4], $0x80, s8, s13, $0xb8;
	[tilespmem:$0x1D800] =	vst v63  }
0x263: {  	_ =	swait.ge [sflag:s22], $0x2800  }
0x264: {  	[sflag:s22] =	ssyncset.done $0x0  }
0x265: {  	s9 =	rddreg [dreg:$0x1e];
	[sflag:s22] =	ssyncadd.s32 $0xFFFFD800  }
0x266: {  	[tilespmem:s17], [sflag:$0x3] =	stream.indirect.gather [hbm4b:s4+s13], $0x80, s9, s13, $0xb8;
	[tilespmem:$0x1D800] =	vst v63  }
0x267: {  	_ =	swait.ge [sflag:s18], $0x2800  }
0x268: {  	[sflag:s18] =	ssyncset.done $0x0  }
0x269: {  	s7 =	rddreg [dreg:$0x1f];
	[sflag:s18] =	ssyncadd.s32 $0xFFFFD800  }
0x26a: {  	[spmem:s2] =	stream.indirect.scatter.add.f32 [tilespmem:s15], [sflag:$0x5], $0x80, s7, s13, $0xb8;
	[tilespmem:$0x1D800] =	vst v63  }
0x26b: {  	_ =	swait.ge [sflag:s19], $0x2800  }
0x26c: {  	s8 =	sld [smem:$0x7F2]  }
0x26d: {  	[sflag:s19] =	ssyncset.done $0x0  }
0x26e: {  	[sflag:s19] =	ssyncadd.s32 $0xFFFFD800  }
0x26f: {  	[tilespmem:s14], [sflag:$0x1] =	stream.indirect.gather [hbm4b:s4+s13], $0x80, s8, s13, $0xb8;
	[tilespmem:$0x1D800] =	vst v63  }
0x270: {  	_ =	swait.ge [sflag:s20], $0x2800  }
0x271: {  	s9 =	sld [smem:$0x7F3]  }
0x272: {  	[sflag:s20] =	ssyncset.done $0x0  }
0x273: {  	[sflag:s20] =	ssyncadd.s32 $0xFFFFD800  }
0x274: {  	[spmem:s2] =	stream.indirect.scatter.add.f32 [tilespmem:s17], [sflag:$0x6], $0x80, s9, s13, $0xb8;
	[tilespmem:$0x1D800] =	vst v63  }
0x275: {  	_ =	swait.ge [sflag:s21], $0x2800  }
0x276: {  	s7 =	sld [smem:$0x7F4]  }
0x277: {  	[sflag:s21] =	ssyncset.done $0x0  }
0x278: {  	[sflag:s21] =	ssyncadd.s32 $0xFFFFD800  }
0x279: {  	[tilespmem:s15], [sflag:$0x2] =	stream.indirect.gather [hbm4b:s4+s13], $0x80, s7, s13, $0xb8;
	[tilespmem:$0x1D800] =	vst v63  }
0x27a: {  	_ =	swait.ge [sflag:s16], $0x2800  }
0x27b: {  	s8 =	sld [smem:$0x7F5]  }
0x27c: {  	[sflag:s16] =	ssyncset.done $0x0  }
0x27d: {  	[sflag:s16] =	ssyncadd.s32 $0xFFFFD800  }
0x27e: {  	[spmem:s2] =	stream.indirect.scatter.add.f32 [tilespmem:s14], [sflag:$0x4], $0x80, s8, s13, $0xb8;
	[tilespmem:$0x1D800] =	vst v63  }
0x27f: {  	_ =	swait.ge [sflag:s22], $0x2800  }
0x280: {  	s9 =	sld [smem:$0x7F6]  }
0x281: {  	[sflag:s22] =	ssyncset.done $0x0  }
0x282: {  	[sflag:s22] =	ssyncadd.s32 $0xFFFFD800  }
0x283: {  	[tilespmem:s17], [sflag:$0x3] =	stream.indirect.gather [hbm4b:s4+s13], $0x80, s9, s13, $0xb8;
	[tilespmem:$0x1D800] =	vst v63  }
0x284: {  	_ =	swait.ge [sflag:s18], $0x2800  }
0x285: {  	s7 =	sld [smem:$0x7F7]  }
0x286: {  	[sflag:s18] =	ssyncset.done $0x0  }
0x287: {  	[sflag:s18] =	ssyncadd.s32 $0xFFFFD800  }
0x288: {  	[spmem:s2] =	stream.indirect.scatter.add.f32 [tilespmem:s15], [sflag:$0x5], $0x80, s7, s13, $0xb8;
	[tilespmem:$0x1D800] =	vst v63  }
0x289: {  	_ =	swait.ge [sflag:s19], $0x2800  }
0x28a: {  	s8 =	sld [smem:$0x7F8]  }
0x28b: {  	[sflag:s19] =	ssyncset.done $0x0  }
0x28c: {  	[sflag:s19] =	ssyncadd.s32 $0xFFFFD800  }
0x28d: {  	[tilespmem:s14], [sflag:$0x1] =	stream.indirect.gather [hbm4b:s4+s13], $0x80, s8, s13, $0xb8;
	[tilespmem:$0x1D800] =	vst v63  }
0x28e: {  	_ =	swait.ge [sflag:s20], $0x2800  }
0x28f: {  	s9 =	sld [smem:$0x7F9]  }
0x290: {  	[sflag:s20] =	ssyncset.done $0x0  }
0x291: {  	[sflag:s20] =	ssyncadd.s32 $0xFFFFD800  }
0x292: {  	[spmem:s2] =	stream.indirect.scatter.add.f32 [tilespmem:s17], [sflag:$0x6], $0x80, s9, s13, $0xb8;
	[tilespmem:$0x1D800] =	vst v63  }
0x293: {  	_ =	swait.ge [sflag:s21], $0x2800  }
0x294: {  	s7 =	sld [smem:$0x7FA]  }
0x295: {  	[sflag:s21] =	ssyncset.done $0x0  }
0x296: {  	[sflag:s21] =	ssyncadd.s32 $0xFFFFD800  }
0x297: {  	[tilespmem:s15], [sflag:$0x2] =	stream.indirect.gather [hbm4b:s4+s13], $0x80, s7, s13, $0xb8;
	[tilespmem:$0x1D800] =	vst v63  }
0x298: {  	_ =	swait.ge [sflag:s16], $0x2800  }
0x299: {  	s8 =	sld [smem:$0x7FB]  }
0x29a: {  	[sflag:s16] =	ssyncset.done $0x0  }
0x29b: {  	[sflag:s16] =	ssyncadd.s32 $0xFFFFD800  }
0x29c: {  	[spmem:s2] =	stream.indirect.scatter.add.f32 [tilespmem:s14], [sflag:$0x4], $0x80, s8, s13, $0xb8;
	[tilespmem:$0x1D800] =	vst v63  }
0x29d: {  	_ =	swait.ge [sflag:s22], $0x2800  }
0x29e: {  	[sflag:s22] =	ssyncset.done $0x0  }
0x29f: {  	[sflag:s22] =	ssyncadd.s32 $0xFFFFD800  }
0x2a0: {  	[tilespmem:s17], [sflag:$0x3] =	stream.indirect.gather [hbm4b:s4+s13], $0x80, s23, s13, $0xb8;
	[tilespmem:$0x1D800] =	vst v63  }
0x2a1: {  	_ =	swait.ge [sflag:s18], $0x2800  }
0x2a2: {  	[sflag:s18] =	ssyncset.done $0x0  }
0x2a3: {  	[sflag:s18] =	ssyncadd.s32 $0xFFFFD800  }
0x2a4: {  	[spmem:s2] =	stream.indirect.scatter.add.f32 [tilespmem:s15], [sflag:$0x5], $0x80, s24, s13, $0xb8;
	[tilespmem:$0x1D800] =	vst v63  }
0x2a5: {  	_ =	swait.ge [sflag:s19], $0x2800  }
0x2a6: {  	[sflag:s19] =	ssyncset.done $0x0  }
0x2a7: {  	[sflag:s19] =	ssyncadd.s32 $0xFFFFD800  }
0x2a8: {  	[tilespmem:s14], [sflag:$0x1] =	stream.indirect.gather [hbm4b:s4+s13], $0x80, s25, s13, $0xb8;
	[tilespmem:$0x1D800] =	vst v63  }
0x2a9: {  	_ =	swait.ge [sflag:s20], $0x2800  }
0x2aa: {  	[sflag:s20] =	ssyncset.done $0x0  }
0x2ab: {  	[sflag:s20] =	ssyncadd.s32 $0xFFFFD800  }
0x2ac: {  	[spmem:s2] =	stream.indirect.scatter.add.f32 [tilespmem:s17], [sflag:$0x6], $0x80, s26, s13, $0xb8;
	[tilespmem:$0x1D800] =	vst v63  }
0x2ad: {  	_ =	swait.ge [sflag:s21], $0x2800  }
0x2ae: {  	[sflag:s21] =	ssyncset.done $0x0  }
0x2af: {  	[sflag:s21] =	ssyncadd.s32 $0xFFFFD800  }
0x2b0: {  	[tilespmem:s15], [sflag:$0x2] =	stream.indirect.gather [hbm4b:s4+s13], $0x80, s28, s13, $0xb8;
	[tilespmem:$0x1D800] =	vst v63  }
0x2b1: {  	_ =	swait.ge [sflag:s16], $0x2800  }
0x2b2: {  	[sflag:s16] =	ssyncset.done $0x0  }
0x2b3: {  	[sflag:s16] =	ssyncadd.s32 $0xFFFFD800  }
0x2b4: {  	[spmem:s2] =	stream.indirect.scatter.add.f32 [tilespmem:s14], [sflag:$0x4], $0x80, s29, s13, $0xb8;
	[tilespmem:$0x1D800] =	vst v63  }
0x2b5: {  	_ =	swait.ge [sflag:s22], $0x2800  }
0x2b6: {  	[sflag:s22] =	ssyncset.done $0x0  }
0x2b7: {  	[sflag:s22] =	ssyncadd.s32 $0xFFFFD800  }
0x2b8: {  	[tilespmem:s17], [sflag:$0x3] =	stream.indirect.gather [hbm4b:s4+s13], $0x80, s30, s13, $0xb8;
	[tilespmem:$0x1D800] =	vst v63  }
0x2b9: {  	_ =	swait.ge [sflag:s18], $0x2800  }
0x2ba: {  	[sflag:s18] =	ssyncset.done $0x0  }
0x2bb: {  	[sflag:s18] =	ssyncadd.s32 $0xFFFFD800  }
0x2bc: {  	[spmem:s2] =	stream.indirect.scatter.add.f32 [tilespmem:s15], [sflag:$0x5], $0x80, s31, s13, $0xb8;
	[tilespmem:$0x1D800] =	vst v63  }
0x2bd: {  	_ =	swait.ge [sflag:s19], $0x2800  }
0x2be: {  	[sflag:s19] =	ssyncset.done $0x0  }
0x2bf: {  	[sflag:s19] =	ssyncadd.s32 $0xFFFFD800  }
0x2c0: {  	[tilespmem:s14], [sflag:$0x1] =	stream.indirect.gather [hbm4b:s4+s13], $0x80, s1, s13, $0xb8;
	[tilespmem:$0x1D800] =	vst v63  }
0x2c1: {  	_ =	swait.ge [sflag:s20], $0x2800  }
0x2c2: {  	[sflag:s20] =	ssyncset.done $0x0  }
0x2c3: {  	[sflag:s20] =	ssyncadd.s32 $0xFFFFD800  }
0x2c4: {  	[spmem:s2] =	stream.indirect.scatter.add.f32 [tilespmem:s17], [sflag:$0x6], $0x80, s0, s13, $0xb8;
	[tilespmem:$0x1D800] =	vst v63  }
0x2c5: {  	_ =	swait.ge [sflag:s16], $0x2800  }
0x2c6: {  	[sflag:s16] =	ssyncset.done $0x0  }
0x2c7: {  	[sflag:s16] =	ssyncadd.s32 $0xFFFFD800  }
0x2c8: {  	[spmem:s2] =	stream.indirect.scatter.add.f32 [tilespmem:s14], [sflag:$0x4], $0x80, s6, s13, $0xb8;
	[tilespmem:$0x1D800] =	vst v63  }
0x2c9: {  	_ =	swait.ge [sflag:s19], $0x2800  }
0x2ca: {  	[sflag:s19] =	ssyncset.done $0x0  }
0x2cb: {  	[sflag:s19] =	ssyncadd.s32 $0xFFFFD800  }
0x2cc: {  	_ =	swait.ge [sflag:s21], $0x2800  }
0x2cd: {  	[sflag:s21] =	ssyncset.done $0x0  }
0x2ce: {  	[sflag:s21] =	ssyncadd.s32 $0xFFFFD800  }
0x2cf: {  	_ =	swait.ge [sflag:s22], $0x2800  }
0x2d0: {  	[sflag:s22] =	ssyncset.done $0x0  }
0x2d1: {  	[sflag:s22] =	ssyncadd.s32 $0xFFFFD800  }
0x2d2: {  	[bflag:$0x0] =	sbarrier.arrive $0xFFFF  }
0x2d3: {  	s9 =	sld [smem:$0x7F0]  }
0x2d4: {  	s7 =	sld [smem:$0x7FC]  }
0x2d5: {  	s8 =	sld [smem:$0x7FD];
	_ =	sdelay $0x2  }
0x2d6: {  	[hbm:s9], [sflag:s7] =	dma.local [spmem:s8], $0x2800  }
0x2d7: {  	_ =	swait.ge [sflag:s10], $0x2800  }
0x2d8: {  	s5 =	sld [smem:$0x7EE];
	_ =	sdelay $0x2  }
0x2d9: {  	s9 =	sadd.s32 $0x1, s5;
	s5 =	sld [smem:$0x7EF];
	_ =	sdelay $0x2  }
0x2da: {  	p0 =	sne.s32 s9, s5  }
.Ltmp1:
0x2db: {  	_ = 	snop;
	(pc) =	sbr.rel @p0 .LBB2_1-.Ltmp1, $3  }
0x2dc: {  	_ =	sdelay $0x1  }
0x2dd: {  	[sflag:s10] =	ssyncset.done $0x0  }
0x2de: {  	[sflag:s10] =	ssyncadd.s32 $0xFFFFD800  }
0x2df: {  	_ =	sfence.sel $0x180000  }
0x2e0: {  	[bflag:$0x0] =	sbarrier.arrive $0xFFFF  }
0x2e1: {  	_ =	strace $0x9000004D  }
0x2e2: {  	s0 =	stileid.u32;
	[bflag:$0x2] =	sbarrier.arrive $0xFFFF  }
0x2e3: {  	p0 =	sne.s32 s0, $0x0;
	s0 =	rddreg [dreg:$0x2]  }
0x2e4: {  	s0 =	sadd.s32 @!p0 $0x100000, s0  }
0x2e5: {  	[sflag:s0] =	ssyncadd.tile.s32 @!p0 $0x1;
	_ =	shalt  }
.Lfunc_end2:
_tile_overlayer_lowered:
.L_overlay_start_2:
0x2e6: {  	(tag) =	ssettag $0x2  }
0x2e7: {  	s0 =	rddreg [dreg:$0x0];
	s2 =	stileid.u32  }
0x2e8: {  	s1 =	rddreg [dreg:$0x1];
	p0 =	sne.s32 s2, $0x0  }
0x2e9: {  	s3 =	rddreg [dreg:$0x2];
	[bflag:$0x3] =	sbarrier.arrive $0xFFFF;
	s2 =	simm.s32 @!p0 $0x1C07  }
0x2ea: {  	[timem:s3], [sflag:s2] =	dma.local @!p0 [hbm:s0], s1  }
0x2eb: {  	s0 =	simm.s32 @!p0 $0x7  }
0x2ec: {  	_ =	swait.ge @!p0 [sflag:s0], s1  }
0x2ed: {  	s1 =	ssub.s32 @!p0 $0x0, s1;
	[sflag:s0] =	ssyncset.done @!p0 $0x0  }
0x2ee: {  	[sflag:s0] =	ssyncadd.s32 @!p0 s1  }
0x2ef: {  	[bflag:$0x3] =	sbarrier.arrive $0xFFFF  }
0x2f0: {  	_ =	shalt  }

// kernel: kernel.7.cloned.1.call-start
scs
__scs_entry_jumppad:
0x0: {  	(pc) =	sbr.rel $0x88, $3  }
0x1: {  	(tag) =	ssettag $0x0;
	lr =	simm.s32 $0x1  }
0x2: {  	[smem:$0x3F99] =	sst lr;
	_ =	strace $0xD0000000  }
0x3: {  	_ = 	snop  }
0x4: {  	_ = 	snop  }
0x5: {  	_ = 	snop  }
0x6: {  	_ = 	snop  }
0x7: {  	_ = 	snop  }
__scs_overlays_trampoline_lowered:
0x8: {  	[smem:$0x3FA8] =	sst s0  }
0x9: {  	[smem:$0x3FA9] =	sst s1  }
0xa: {  	[smem:$0x3FAA] =	sst s2  }
0xb: {  	[smem:$0x3FAB] =	sst s3  }
0xc: {  	[smem:$0x3FAC] =	sst s4  }
0xd: {  	[smem:$0x3FAD] =	sst s5  }
0xe: {  	[smem:$0x3FAE] =	sst s6  }
0xf: {  	[smem:$0x3FAF] =	sst s7  }
0x10: {  	[smem:$0x3FB0] =	sst s8  }
0x11: {  	[smem:$0x3FB1] =	sst s9;
	s0 =	simm.s32 @!p0 $0x0  }
0x12: {  	s1 =	sld [smem:$0x3F97];
	s0 =	simm.s32 @p0 $0x1  }
0x13: {  	[smem:$0x3FB2] =	sst s0;
	s0 =	simm.s32 @!p1 $0x0  }
0x14: {  	s2 =	sld [smem:$0x3F96];
	s0 =	simm.s32 @p1 $0x1  }
0x15: {  	[smem:$0x3FB3] =	sst s0;
	s0 =	simm.s32 @!p2 $0x0  }
0x16: {  	s3 =	sld [smem:$0x3FDB];
	s0 =	simm.s32 @p2 $0x1  }
0x17: {  	s4 =	simm.s32 $0x1BF5;
	[smem:$0x3FB5] =	sst s0  }
0x18: {  	s0 =	sld [smem:$0x3F98];
	_ =	swait.ge [sflag:s4], $0x0  }
0x19: {  	s7 =	sld [smem:$0x3F99]  }
0x1a: {  	s8 =	sadd.s32 $0xFFFFE003, lr  }
0x1b: {  	s9 =	sadd.s32 $0xFFFFFEF7, lr;
	s5 =	simm.s32 $0xFFFFFFFF;
	p2 =	slt.u32 s8, $0xFFFFF086  }
0x1c: {  	p1 =	slt.u32 s9, $0xF7A;
	s5 =	simm.s32 @!p2 $0x0  }
0x1d: {  	s5 =	simm.s32 @p1 $0x1;
	p0 =	seq.s32 s7, s2  }
0x1e: {  	s7 =	smul.u32 @!p0 $0xF7A, s2;
	p2 =	seq.s32 @!p0 s5, $0x0  }
0x1f: {  	s9 =	smul.u32 $0xF7A, s1;
	s8 =	simm.s32 @!p0 $0x1BF5;
	p2 =	por !p2, p0  }
0x20: {  	[sflag:s8] =	ssyncset.s32 @!p0 $0xFFFFF086;
	s6 =	sadd.s32 @!p0 s3, s7;
	s7 =	simm.s32 @!p0 $0x108  }
0x21: {  	s3 =	sadd.s32 s3, s9;
	s6 =	sadd.s32 @!p0 $0x88, s6;
	s7 =	simm.s32 @p2 $0x1082  }
0x22: {  	[simem:s7], [sflag:s8] =	dma.local @!p0 [hbm:s6], $0xF7A  }
0x23: {  	s9 =	sor.u32 $0xD0000000, s2;
	s6 =	simm.s32 $0x108;
	_ =	swait.ge @!p0 [sflag:s8], $0x0  }
0x24: {  	s3 =	sadd.s32 $0x88, s3;
	s6 =	simm.s32 @!p1 $0x1082;
	[sflag:s4] =	ssyncset.s32 $0xFFFFF086  }
0x25: {  	[simem:s6], [sflag:s4] =	dma.local [hbm:s3], $0xF7A  }
0x26: {  	[smem:$0x3F99] =	sst s1;
	(tag) =	ssettag s2;
	_ =	strace s9  }
0x27: {  	s1 =	sld [smem:$0x3FA9]  }
0x28: {  	s2 =	sld [smem:$0x3FAA]  }
0x29: {  	s4 =	sld [smem:$0x3FAC]  }
0x2a: {  	p0 =	seq.s32 s5, $0x0;
	s5 =	sld [smem:$0x3FAD]  }
0x2b: {  	s6 =	sld [smem:$0x3FAE]  }
0x2c: {  	s7 =	sld [smem:$0x3FAF]  }
0x2d: {  	s3 =	simm.s32 $0x108;
	s8 =	sld [smem:$0x3FB0]  }
0x2e: {  	s3 =	simm.s32 @!p0 $0x1082;
	s9 =	sld [smem:$0x3FB1]  }
0x2f: {  	lr =	sadd.s32 s0, s3;
	s0 =	sld [smem:$0x3FA8]  }
0x30: {  	s3 =	sld [smem:$0x3FAB]  }
0x31: {  	[smem:$0x3FB4] =	sst s10  }
0x32: {  	s10 =	sld [smem:$0x3FB2];
	_ =	sdelay $0x3  }
0x33: {  	p0 =	seq.s32 s10, $0x1;
	s10 =	sld [smem:$0x3FB4];
	_ =	sdelay $0x3  }
0x34: {  	[smem:$0x3FB4] =	sst s10  }
0x35: {  	s10 =	sld [smem:$0x3FB3];
	_ =	sdelay $0x3  }
0x36: {  	p1 =	seq.s32 s10, $0x1;
	s10 =	sld [smem:$0x3FB4];
	_ =	sdelay $0x3  }
0x37: {  	[smem:$0x3FB4] =	sst s10  }
0x38: {  	s10 =	sld [smem:$0x3FB5]  }
0x39: {  	_ = 	snop;
	(pc) =	sbr.ind lr, $3  }
0x3a: {  	_ = 	snop  }
0x3b: {  	_ = 	snop  }
0x3c: {  	p2 =	seq.s32 s10, $0x1;
	s10 =	sld [smem:$0x3FB4]  }
0x3d: {  	_ =	shalt  }
0x3e: {  	_ =	shalt  }
0x3f: {  	_ =	shalt  }
0x40: {  	_ =	shalt  }
0x41: {  	_ =	shalt  }
0x42: {  	_ =	shalt  }
0x43: {  	_ =	shalt  }
0x44: {  	_ =	shalt  }
0x45: {  	_ =	shalt  }
0x46: {  	_ =	shalt  }
0x47: {  	_ =	shalt  }
0x48: {  	_ =	shalt  }
0x49: {  	_ =	shalt  }
0x4a: {  	_ =	shalt  }
0x4b: {  	_ =	shalt  }
0x4c: {  	_ =	shalt  }
0x4d: {  	_ =	shalt  }
0x4e: {  	_ =	shalt  }
0x4f: {  	_ =	shalt  }
0x50: {  	_ =	shalt  }
0x51: {  	_ =	shalt  }
0x52: {  	_ =	shalt  }
0x53: {  	_ =	shalt  }
0x54: {  	_ =	shalt  }
0x55: {  	_ =	shalt  }
0x56: {  	_ =	shalt  }
0x57: {  	_ =	shalt  }
0x58: {  	_ =	shalt  }
0x59: {  	_ =	shalt  }
0x5a: {  	_ =	shalt  }
0x5b: {  	_ =	shalt  }
0x5c: {  	_ =	shalt  }
0x5d: {  	_ =	shalt  }
0x5e: {  	_ =	shalt  }
0x5f: {  	_ =	shalt  }
0x60: {  	_ =	shalt  }
0x61: {  	_ =	shalt  }
0x62: {  	_ =	shalt  }
0x63: {  	_ =	shalt  }
0x64: {  	_ =	shalt  }
0x65: {  	_ =	shalt  }
0x66: {  	_ =	shalt  }
0x67: {  	_ =	shalt  }
0x68: {  	_ =	shalt  }
0x69: {  	_ =	shalt  }
0x6a: {  	_ =	shalt  }
0x6b: {  	_ =	shalt  }
0x6c: {  	_ =	shalt  }
0x6d: {  	_ =	shalt  }
0x6e: {  	_ =	shalt  }
0x6f: {  	_ =	shalt  }
0x70: {  	_ =	shalt  }
0x71: {  	_ =	shalt  }
0x72: {  	_ =	shalt  }
0x73: {  	_ =	shalt  }
0x74: {  	_ =	shalt  }
0x75: {  	_ =	shalt  }
0x76: {  	_ =	shalt  }
0x77: {  	_ =	shalt  }
0x78: {  	_ =	shalt  }
0x79: {  	_ =	shalt  }
0x7a: {  	_ =	shalt  }
0x7b: {  	_ =	shalt  }
0x7c: {  	_ =	shalt  }
0x7d: {  	_ =	shalt  }
0x7e: {  	_ =	shalt  }
0x7f: {  	_ =	shalt  }
0x80: {  	_ =	shalt  }
0x81: {  	_ =	shalt  }
0x82: {  	_ =	shalt  }
0x83: {  	_ =	shalt  }
0x84: {  	_ =	shalt  }
0x85: {  	_ =	shalt  }
0x86: {  	_ =	shalt  }
0x87: {  	_ =	shalt  }
.Lfunc_end0:
.L_simem_size_0:
called_computation_lowered:
.L_overlay_start_0:
0x88: {  	s2 =	sld [smem:$0x3FD9]  }
0x89: {  	s3 =	sld [smem:$0x3FFE];
	_ =	sdelay $0x1  }
0x8a: {  	s1 =	srdreg.scid  }
0x8b: {  	s0 =	sand.u32 $0x1, s1  }
0x8c: {  	s16 =	sshll.u32 s0, $0xA;
	s2 =	sadd.s32 s3, s2  }
0x8d: {  	s2 =	sadd.s32 s2, s16  }
0x8e: {  	[smem:$0x3FC0] =	sst s2  }
0x8f: {  	_ = 	snop  }
0x90: {  	(tm) =	ssettm $0x1  }
0x91: {  	s17 =	sld [smem:$0x3FFB];
	_ =	sdelay $0x3  }
0x92: {  	_ =	strace s17  }
0x93: {  	s2 =	sld [smem:$0x3FFC];
	_ =	sdelay $0x3  }
0x94: {  	_ =	strace s2  }
0x95: {  	s2 =	sld [smem:$0x3FFD];
	_ =	sdelay $0x3  }
0x96: {  	_ =	strace s2  }
0x97: {  	_ =	strace $0x8FFFFFFF  }
0x98: {  	s18 =	sld [smem:$0x3FDB];
	_ =	sdelay $0x1  }
0x99: {  	s19 =	simm.s32 $_scs_section_size  }
0x9a: {  	s4 =	simm.s32 $_size__tile_overlayer_lowered;
	s5 =	simm.s32 $_tile_overlayer_lowered  }
0x9b: {  	s22 =	simm.s32 $0x1BFF;
	s21 =	sshll.u32 s5, $0x1;
	s2 =	sadd.s32 s19, s18  }
0x9c: {  	s6 =	simm.s32 $0x0;
	s20 =	sshll.u32 s4, $0x1;
	s4 =	sadd.s32 s21, s2  }
0x9d: {  	[timem:s6], [sflag:s22] =	dma.local [hbm:s4], s20  }
0x9e: {  	_ =	swait.ge [sflag:s22], s20  }
0x9f: {  	s3 =	ssub.s32 $0x0, s20;
	[sflag:s22] =	ssyncset.done $0x0  }
0xa0: {  	[sflag:s22] =	ssyncadd.s32 s3;
	_ =	sdelay $0x1  }
0xa1: {  	s23 =	simm.s32 $0x1B8B  }
0xa2: {  	_ =	swait.ge [sflag:s23], $0x1  }
0xa3: {  	[sflag:s23] =	ssyncset.done $0x0  }
0xa4: {  	s25 =	simm.s32 $0x1B8E;
	s24 =	sld [smem:$0x3FFE];
	[sflag:s23] =	ssyncadd.s32 $0xFFFFFFFF  }
0xa5: {  	s26 =	simm.s32 $execute0_lowered;
	[smem:$0x3FD2] =	sst s25  }
0xa6: {  	s4 =	sshll.u32 s26, $0x1;
	_ =	strace $0x80000046;
	[dreg:$0x1] =	wrdreg $0xFFFFFFFF  }
0xa7: {  	s28 =	simm.s32 $_size_execute0_lowered;
	s2 =	sadd.s32 s2, s4;
	[dreg:$0x0] =	wrdreg $0x0  }
0xa8: {  	s4 =	sshll.u32 s28, $0x1;
	[dreg:$0x2] =	wrdreg s2  }
0xa9: {  	[dreg:$0x3] =	wrdreg s4  }
0xaa: {  	[dreg:$0x4] =	wrdreg $0xC0  }
0xab: {  	_ =	task [dreg:s6], $0x5FFFF  }
0xac: {  	[dreg:$0x1] =	wrdreg $0xFFFFFFFF  }
0xad: {  	[dreg:$0x0] =	wrdreg $0x60  }
0xae: {  	[dreg:$0x2] =	wrdreg s24  }
0xaf: {  	[dreg:$0x3] =	wrdreg $0x0  }
0xb0: {  	[dreg:$0x4] =	wrdreg $0x2800  }
0xb1: {  	[dreg:$0x5] =	wrdreg $0x9  }
0xb2: {  	_ =	task.clear_ibuf [dreg:s6], $0x6FFFF;
	_ =	strace $0x90000046  }
0xb3: {  	s29 =	simm.s32 $0x9;
	_ =	strace $0x80000048  }
0xb4: {  	_ =	swait.ge [sflag:s29], $0x1  }
0xb5: {  	[sflag:s29] =	ssyncadd.s32 $0xFFFFFFFF  }
0xb6: {  	_ =	strace $0x90000048  }
0xb7: {  	_ =	sfence  }
0xb8: {  	s30 =	sld [smem:$0x0];
	_ =	sdelay $0x2  }
0xb9: {  	s31 =	sshll.u32 s1, $0xD;
	s1 =	sshrl.u32 s1, $0x2  }
0xba: {  	s3 =	sand.u32 $0x4000, s31;
	s1 =	sadd.s32 s1, s30  }
0xbb: {  	s0 =	sor.u32 s3, s0;
	s1 =	sshll.u32 s1, $0x11  }
0xbc: {  	s0 =	sor.u32 s1, s0  }
0xbd: {  	s0 =	sadd.s32 $0x8F2B, s0  }
0xbe: {  	[sflag:s0] =	ssyncadd.remote.s32 $0x1  }
0xbf: {  	_ =	sfence.sel $0xFFFF  }
0xc0: {  	[dreg:$0x0] =	wrdreg $0xFFFFFFFF;
	(pc) =	sbr.abs _section_cstart, $3  }
0xc1: {  	[dreg:$0x1] =	wrdreg $0xFFFFFFFF  }
0xc2: {  	_ =	task.clear_ibuf [dreg:s6], $0x2FFFF;
	_ =	strace $0x9FFFFFFF  }
0xc3: {  	(tm) =	ssettm $0x7FFFFFFF  }
tec
execute0_lowered:
.L_overlay_start_1:
0x0: {  	(tag) =	ssettag $0x1  }
0x1: {  	s0 =	rddreg [dreg:$0x0]  }
0x2: {  	s1 =	rddreg [dreg:$0x1]  }
0x3: {  	s2 =	rddreg [dreg:$0x2];
	s3 =	srdreg.scid;
	s4 =	simm.s32 $0x0  }
0x4: {  	s23 =	stileid.u32;
	s13 =	simm.s32 $0x3;
	s14 =	simm.s32 $0x500  }
0x5: {  	s30 =	simm.s32 $0x50;
	s31 =	simm.s32 $0xA500;
	s28 =	simm.s32 $0x2  }
0x6: {  	s29 =	simm.s32 $0x20;
	s16 =	simm.s32 $0x0;
	s8 =	smul.u32 $0x500, s23  }
0x7: {  	s5 =	sand.u32 $0x1, s3;
	[smem:$0x7FF] =	sst s4;
	s24 =	smul.u32 $0x280, s23  }
0x8: {  	s6 =	sshll.u32 s5, $0x4;
	s7 =	smul.u32 $0x5000, s5;
	s5 =	ssub.s32 $0x2, s5  }
0x9: {  	_ =	strace $0x80000047;
	s6 =	sor.u32 s23, s6;
	s26 =	sshrl.u32 s5, $0x1  }
0xa: {  	s23 =	simm.s32 $0x5500;
	s6 =	smul.u32 $0xA00, s6;
	s7 =	sadd.s32 s8, s7  }
0xb: {  	s11 =	ssub.s32 s5, s26;
	s5 =	sadd.s32 s24, s1;
	s26 =	simm.s32 $0x1  }
0xc: {  	s25 =	sshrl.u32 s7, $0x3;
	s11 =	smax.u32 s11, $0x1;
	s9 =	sadd.s32 s6, s0  }
0xd: {  	s0 =	sadd.s32 s25, s0;
	s6 =	sadd.s32 s24, s2;
	s7 =	sadd.s32 $0x2400, s9  }
0xe: {  	s8 =	sadd.s32 $0x16400, s9;
	s9 =	sadd.s32 $0x2A400, s0;
	s10 =	sadd.s32 $0x2A410, s0  }
0xf: {  	s0 =	simm.s32 $0x10;
	s15 =	sadd.s32 $0x200, s7;
	s17 =	sadd.s32 $0x400, s7  }
0x10: {  	v0 =	vimm.f32 $1.000000000e+00;
	v1 =	vimm.f32 $0.0e+00;
	s19 =	sadd.s32 $0x600, s7;
	s21 =	sadd.s32 $0x800, s7;
	s24 =	sadd.s32 $0x200, s8  }
.LBB2_1:
0x11: {  	[tilespmem:$0xA500] =	vst v0  }
0x12: {  	[tilespmem:$0xA510] =	vst v0  }
0x13: {  	[tilespmem:$0xA520] =	vst v0  }
0x14: {  	[tilespmem:$0xA530] =	vst v0  }
0x15: {  	[tilespmem:$0xA540] =	vst v0  }
0x16: {  	[tilespmem:$0xA580] =	vst v1  }
0x17: {  	[tilespmem:$0xA590] =	vst v1  }
0x18: {  	[tilespmem:$0xA5A0] =	vst v1  }
0x19: {  	[tilespmem:$0xA5B0] =	vst v1  }
0x1a: {  	[tilespmem:$0xA5C0] =	vst v1  }
0x1b: {  	[tilespmem:$0xA5D0] =	vst v1  }
0x1c: {  	[tilespmem:$0xA5E0] =	vst v1  }
0x1d: {  	[tilespmem:$0xA5F0] =	vst v1  }
0x1e: {  	[tilespmem:$0xA600] =	vst v1  }
0x1f: {  	[tilespmem:$0xA610] =	vst v1  }
0x20: {  	[tilespmem:$0xA620] =	vst v1  }
0x21: {  	[tilespmem:$0xA630] =	vst v1  }
0x22: {  	[tilespmem:$0xA640] =	vst v1  }
0x23: {  	[tilespmem:$0xA650] =	vst v1  }
0x24: {  	[tilespmem:$0xA660] =	vst v1  }
0x25: {  	[tilespmem:$0xA670] =	vst v1  }
0x26: {  	[tilespmem:$0xA680] =	vst v1  }
0x27: {  	[tilespmem:$0xA690] =	vst v1  }
0x28: {  	[tilespmem:$0xA6A0] =	vst v1  }
0x29: {  	[tilespmem:$0xA6B0] =	vst v1  }
0x2a: {  	[tilespmem:$0xA6C0] =	vst v1  }
0x2b: {  	[tilespmem:$0xA6D0] =	vst v1  }
0x2c: {  	[tilespmem:$0xA6E0] =	vst v1  }
0x2d: {  	[tilespmem:$0xA6F0] =	vst v1  }
0x2e: {  	[tilespmem:$0xA700] =	vst v1  }
0x2f: {  	[tilespmem:$0xA710] =	vst v1  }
0x30: {  	[tilespmem:$0xA720] =	vst v1  }
0x31: {  	[tilespmem:$0xA730] =	vst v1  }
0x32: {  	[tilespmem:$0xA740] =	vst v1  }
0x33: {  	[tilespmem:$0xA750] =	vst v1  }
0x34: {  	[tilespmem:$0xA760] =	vst v1  }
0x35: {  	[tilespmem:$0xA770] =	vst v1  }
0x36: {  	[tilespmem:$0xA780] =	vst v1  }
0x37: {  	[tilespmem:$0xA790] =	vst v1  }
0x38: {  	[tilespmem:$0xA7A0] =	vst v1  }
0x39: {  	[tilespmem:$0xA7B0] =	vst v1  }
0x3a: {  	[tilespmem:$0xA7C0] =	vst v1  }
0x3b: {  	[tilespmem:$0xA7D0] =	vst v1  }
0x3c: {  	[tilespmem:$0xA7E0] =	vst v1  }
0x3d: {  	[tilespmem:$0xA7F0] =	vst v1;
	s3 =	simm.s32 $0xA580  }
0x3e: {  	[spmem:s5] =	stream.linear.scatter [tilespmem:s3], [sflag:$0x3], $0x280, $0x38;
	[tilespmem:$0xA800] =	vst v63  }
0x3f: {  	_ =	swait.ge [sflag:s13], $0x280  }
0x40: {  	[sflag:s13] =	ssyncset.done $0x0  }
0x41: {  	[sflag:s13] =	ssyncadd.s32 $0xFFFFFD80  }
0x42: {  	[spmem:s6] =	stream.linear.scatter [tilespmem:s3], [sflag:$0x3], $0x280, $0x38;
	[tilespmem:$0xA800] =	vst v63  }
0x43: {  	_ =	swait.ge [sflag:s13], $0x280  }
0x44: {  	[sflag:s13] =	ssyncset.done $0x0  }
0x45: {  	[sflag:s13] =	ssyncadd.s32 $0xFFFFFD80  }
0x46: {  	[bflag:$0x0] =	sbarrier.arrive $0xFFFF  }
0x47: {  	[tilespmem:s14], [sflag:$0x3] =	stream.linear.gather [hbm4b:s7+s4], $0xC80, $0x38;
	[tilespmem:$0xA800] =	vst v63  }
0x48: {  	s20 =	simm.s32 $0x1500  }
0x49: {  	[tilespmem:s20], [sflag:$0x3] =	stream.linear.gather [hbm4b:s15+s4], $0xC80, $0x38;
	[tilespmem:$0xA800] =	vst v63  }
0x4a: {  	s22 =	simm.s32 $0x2500  }
0x4b: {  	[tilespmem:s22], [sflag:$0x3] =	stream.linear.gather [hbm4b:s17+s4], $0xC80, $0x38;
	[tilespmem:$0xA800] =	vst v63  }
0x4c: {  	s25 =	simm.s32 $0x3500  }
0x4d: {  	[tilespmem:s25], [sflag:$0x3] =	stream.linear.gather [hbm4b:s19+s4], $0xC80, $0x38;
	[tilespmem:$0xA800] =	vst v63  }
0x4e: {  	s12 =	simm.s32 $0x4500  }
0x4f: {  	[tilespmem:s12], [sflag:$0x3] =	stream.linear.gather [hbm4b:s21+s4], $0xC80, $0x38;
	[tilespmem:$0xA800] =	vst v63  }
0x50: {  	_ =	swait.ge [sflag:s13], $0x3E80  }
0x51: {  	[sflag:s13] =	ssyncset.done $0x0  }
0x52: {  	[sflag:s13] =	ssyncadd.s32 $0xFFFFC180  }
0x53: {  	[tilespmem:s23], [sflag:$0x3] =	stream.linear.gather [hbm4b:s8+s4], $0xC80, $0x38;
	[tilespmem:$0xA800] =	vst v63  }
0x54: {  	s18 =	simm.s32 $0x6500  }
0x55: {  	[tilespmem:s18], [sflag:$0x3] =	stream.linear.gather [hbm4b:s24+s4], $0xC80, $0x38;
	[tilespmem:$0xA800] =	vst v63  }
0x56: {  	s20 =	simm.s32 $0x7500;
	s18 =	sadd.s32 $0x400, s8  }
0x57: {  	[tilespmem:s20], [sflag:$0x3] =	stream.linear.gather [hbm4b:s18+s4], $0xC80, $0x38;
	[tilespmem:$0xA800] =	vst v63  }
0x58: {  	s22 =	sadd.s32 $0x600, s8;
	s25 =	simm.s32 $0x8500  }
0x59: {  	[tilespmem:s25], [sflag:$0x3] =	stream.linear.gather [hbm4b:s22+s4], $0xC80, $0x38;
	[tilespmem:$0xA800] =	vst v63  }
0x5a: {  	s3 =	sadd.s32 $0x800, s8;
	s12 =	simm.s32 $0x9500  }
0x5b: {  	[tilespmem:s12], [sflag:$0x3] =	stream.linear.gather [hbm4b:s3+s4], $0xC80, $0x38;
	[tilespmem:$0xA800] =	vst v63  }
0x5c: {  	_ =	swait.ge [sflag:s13], $0x3E80  }
0x5d: {  	[sflag:s13] =	ssyncset.done $0x0  }
0x5e: {  	[sflag:s13] =	ssyncadd.s32 $0xFFFFC180  }
0x5f: {  	[spmem:s1] =	stream.indirect.scatter.add.f32 [tilespmem:s31], [sflag:$0x1], $0x1, s14, s30, $0xb8;
	[tilespmem:$0xA800] =	vst v63  }
0x60: {  	_ = 	snop  }
0x61: {  	[spmem:s2] =	stream.indirect.scatter.add.f32 [tilespmem:s31], [sflag:$0x2], $0x1, s23, s30, $0xb8;
	[tilespmem:$0xA800] =	vst v63  }
0x62: {  	s20 =	simm.s32 $0x580  }
0x63: {  	[spmem:s1] =	stream.indirect.scatter.add.f32 [tilespmem:s31], [sflag:$0x1], $0x1, s20, s30, $0xb8;
	[tilespmem:$0xA800] =	vst v63  }
0x64: {  	s22 =	simm.s32 $0x5580  }
0x65: {  	[spmem:s2] =	stream.indirect.scatter.add.f32 [tilespmem:s31], [sflag:$0x2], $0x1, s22, s30, $0xb8;
	[tilespmem:$0xA800] =	vst v63  }
0x66: {  	s25 =	simm.s32 $0x600  }
0x67: {  	[spmem:s1] =	stream.indirect.scatter.add.f32 [tilespmem:s31], [sflag:$0x1], $0x1, s25, s30, $0xb8;
	[tilespmem:$0xA800] =	vst v63  }
0x68: {  	s12 =	simm.s32 $0x5600  }
0x69: {  	[spmem:s2] =	stream.indirect.scatter.add.f32 [tilespmem:s31], [sflag:$0x2], $0x1, s12, s30, $0xb8;
	[tilespmem:$0xA800] =	vst v63  }
0x6a: {  	s18 =	simm.s32 $0x680  }
0x6b: {  	[spmem:s1] =	stream.indirect.scatter.add.f32 [tilespmem:s31], [sflag:$0x1], $0x1, s18, s30, $0xb8;
	[tilespmem:$0xA800] =	vst v63  }
0x6c: {  	s20 =	simm.s32 $0x5680  }
0x6d: {  	[spmem:s2] =	stream.indirect.scatter.add.f32 [tilespmem:s31], [sflag:$0x2], $0x1, s20, s30, $0xb8;
	[tilespmem:$0xA800] =	vst v63  }
0x6e: {  	s22 =	simm.s32 $0x700  }
0x6f: {  	[spmem:s1] =	stream.indirect.scatter.add.f32 [tilespmem:s31], [sflag:$0x1], $0x1, s22, s30, $0xb8;
	[tilespmem:$0xA800] =	vst v63  }
0x70: {  	s25 =	simm.s32 $0x5700  }
0x71: {  	[spmem:s2] =	stream.indirect.scatter.add.f32 [tilespmem:s31], [sflag:$0x2], $0x1, s25, s30, $0xb8;
	[tilespmem:$0xA800] =	vst v63  }
0x72: {  	_ =	swait.ge [sflag:s26], $0x50  }
0x73: {  	[sflag:s26] =	ssyncset.done $0x0  }
0x74: {  	[sflag:s26] =	ssyncadd.s32 $0xFFFFFFB0  }
0x75: {  	_ =	swait.ge [sflag:s28], $0x50  }
0x76: {  	s18 =	simm.s32 $0x280;
	s20 =	simm.s32 $0xC00;
	[sflag:s28] =	ssyncset.done $0x0  }
.LBB2_2:
0x77: {  	s22 =	sadd.s32 $0x500, s18  }
0x78: {  	[sflag:s28] =	ssyncadd.s32 $0xFFFFFFB0;
	s25 =	smov.u32 s20;
	s3 =	sadd.s32 $0x200, s20  }
0x79: {  	[spmem:s1] =	stream.indirect.scatter.add.f32 [tilespmem:s31], [sflag:$0x1], $0x1, s22, s30, $0xb8;
	[tilespmem:$0xA800] =	vst v63  }
0x7a: {  	p0 =	sne.s32 s20, $0x3000;
	s18 =	sadd.s32 $0x5500, s18  }
0x7b: {  	[spmem:s2] =	stream.indirect.scatter.add.f32 [tilespmem:s31], [sflag:$0x2], $0x1, s18, s30, $0xb8;
	[tilespmem:$0xA800] =	vst v63  }
.Ltmp0:
0x7c: {  	_ =	swait.ge [sflag:s26], $0x50;
	(pc) =	sbr.rel @p0 .LBB2_2-.Ltmp0, $4  }
0x7d: {  	[sflag:s26] =	ssyncset.done $0x0  }
0x7e: {  	[sflag:s26] =	ssyncadd.s32 $0xFFFFFFB0  }
0x7f: {  	_ =	swait.ge [sflag:s28], $0x50  }
0x80: {  	s20 =	smov.u32 s3;
	s18 =	sshra.s32 s25, $0x2;
	[sflag:s28] =	ssyncset.done $0x0  }
0x81: {  	s3 =	sadd.s32 $0x500, s18;
	[sflag:s28] =	ssyncadd.s32 $0xFFFFFFB0  }
0x82: {  	[spmem:s1] =	stream.indirect.scatter.add.f32 [tilespmem:s31], [sflag:$0x1], $0x1, s3, s30, $0xb8;
	[tilespmem:$0xA800] =	vst v63  }
0x83: {  	s25 =	sadd.s32 $0x5500, s18  }
0x84: {  	[spmem:s2] =	stream.indirect.scatter.add.f32 [tilespmem:s31], [sflag:$0x2], $0x1, s25, s30, $0xb8;
	[tilespmem:$0xA800] =	vst v63  }
0x85: {  	p1 =	por $0x1, $0x1;
	_ =	swait.ge [sflag:s26], $0x50  }
.Ltmp1:
0x86: {  	[sflag:s26] =	ssyncset.done $0x0;
	(pc) =	sbr.rel @!p1 .LBB2_6-.Ltmp1, $4  }
0x87: {  	[sflag:s26] =	ssyncadd.s32 $0xFFFFFFB0  }
0x88: {  	_ =	swait.ge [sflag:s28], $0x50  }
0x89: {  	s18 =	simm.s32 $0x0;
	p0 =	por $0x0, $0x0;
	[sflag:s28] =	ssyncset.done $0x0  }
0x8a: {  	s20 =	simm.s32 $0x0;
	p2 =	por $0x0, $0x0;
	[sflag:s28] =	ssyncadd.s32 $0xFFFFFFB0  }
0x8b: {  	s3 =	simm.s32 $0x1500  }
0x8c: {  	[spmem:s1] =	stream.indirect.scatter.add.f32 [tilespmem:s31], [sflag:$0x1], $0x1, s3, s30, $0xb8;
	[tilespmem:$0xA800] =	vst v63  }
0x8d: {  	s25 =	simm.s32 $0x6500;
	p3 =	por $0x1, $0x1  }
0x8e: {  	[spmem:s2] =	stream.indirect.scatter.add.f32 [tilespmem:s31], [sflag:$0x2], $0x1, s25, s30, $0xb8;
	[tilespmem:$0xA800] =	vst v63  }
.Ltmp2:
0x8f: {  	_ =	swait.ge [sflag:s26], $0x50;
	(pc) =	sbr.rel @!p3 .LBB2_6-.Ltmp2, $4  }
0x90: {  	[sflag:s26] =	ssyncset.done $0x0  }
0x91: {  	[sflag:s26] =	ssyncadd.s32 $0xFFFFFFB0  }
0x92: {  	s22 =	simm.s32 $0x400;
	_ =	swait.ge [sflag:s28], $0x50  }
0x93: {  	s20 =	simm.s32 $0x80;
	p2 =	por $0x1, $0x1;
	[sflag:s28] =	ssyncset.done $0x0  }
.LBB2_5:
0x94: {  	s3 =	sadd.s32 $0x1500, s20  }
0x95: {  	[sflag:s28] =	ssyncadd.s32 $0xFFFFFFB0;
	s25 =	smov.u32 s22;
	s12 =	sadd.s32 $0x200, s22  }
0x96: {  	[spmem:s1] =	stream.indirect.scatter.add.f32 [tilespmem:s31], [sflag:$0x1], $0x1, s3, s30, $0xb8;
	[tilespmem:$0xA800] =	vst v63  }
0x97: {  	p3 =	sne.s32 s22, $0x3000;
	s3 =	sadd.s32 $0x6500, s20  }
0x98: {  	[spmem:s2] =	stream.indirect.scatter.add.f32 [tilespmem:s31], [sflag:$0x2], $0x1, s3, s30, $0xb8;
	[tilespmem:$0xA800] =	vst v63  }
.Ltmp3:
0x99: {  	_ =	swait.ge [sflag:s26], $0x50;
	(pc) =	sbr.rel @p3 .LBB2_5-.Ltmp3, $4  }
0x9a: {  	[sflag:s26] =	ssyncset.done $0x0  }
0x9b: {  	[sflag:s26] =	ssyncadd.s32 $0xFFFFFFB0  }
0x9c: {  	_ =	swait.ge [sflag:s28], $0x50  }
0x9d: {  	s20 =	sshra.s32 s25, $0x2;
	s22 =	smov.u32 s12;
	[sflag:s28] =	ssyncset.done $0x0  }
.LBB2_6:
0x9e: {  	s3 =	sadd.s32 $0x1500, s20;
	[sflag:s28] =	ssyncadd.s32 @p2 $0xFFFFFFB0  }
0x9f: {  	[spmem:s1] =	stream.indirect.scatter.add.f32 [tilespmem:s31], [sflag:$0x1], $0x1, s3, s30, $0xb8;
	[tilespmem:$0xA800] =	vst v63  }
0xa0: {  	s25 =	sadd.s32 $0x6500, s20  }
0xa1: {  	[spmem:s2] =	stream.indirect.scatter.add.f32 [tilespmem:s31], [sflag:$0x2], $0x1, s25, s30, $0xb8;
	[tilespmem:$0xA800] =	vst v63  }
0xa2: {  	_ =	swait.ge [sflag:s26], $0x50  }
.Ltmp4:
0xa3: {  	[sflag:s26] =	ssyncset.done $0x0;
	(pc) =	sbr.rel @!p1 .LBB2_9-.Ltmp4, $4  }
0xa4: {  	[sflag:s26] =	ssyncadd.s32 $0xFFFFFFB0  }
0xa5: {  	_ =	swait.ge [sflag:s28], $0x50  }
0xa6: {  	[sflag:s28] =	ssyncset.done $0x0  }
0xa7: {  	[sflag:s28] =	ssyncadd.s32 $0xFFFFFFB0  }
0xa8: {  	s3 =	simm.s32 $0x2500  }
0xa9: {  	[spmem:s1] =	stream.indirect.scatter.add.f32 [tilespmem:s31], [sflag:$0x1], $0x1, s3, s30, $0xb8;
	[tilespmem:$0xA800] =	vst v63  }
0xaa: {  	s25 =	simm.s32 $0x7500;
	p1 =	por $0x1, $0x1  }
0xab: {  	[spmem:s2] =	stream.indirect.scatter.add.f32 [tilespmem:s31], [sflag:$0x2], $0x1, s25, s30, $0xb8;
	[tilespmem:$0xA800] =	vst v63  }
.Ltmp5:
0xac: {  	_ =	swait.ge [sflag:s26], $0x50;
	(pc) =	sbr.rel @!p1 .LBB2_9-.Ltmp5, $4  }
0xad: {  	[sflag:s26] =	ssyncset.done $0x0  }
0xae: {  	[sflag:s26] =	ssyncadd.s32 $0xFFFFFFB0  }
0xaf: {  	s20 =	simm.s32 $0x400;
	_ =	swait.ge [sflag:s28], $0x50  }
0xb0: {  	s18 =	simm.s32 $0x80;
	p0 =	por $0x1, $0x1;
	[sflag:s28] =	ssyncset.done $0x0  }
.LBB2_8:
0xb1: {  	s3 =	sadd.s32 $0x2500, s18  }
0xb2: {  	[sflag:s28] =	ssyncadd.s32 $0xFFFFFFB0;
	s12 =	smov.u32 s20;
	s22 =	sadd.s32 $0x200, s20  }
0xb3: {  	[spmem:s1] =	stream.indirect.scatter.add.f32 [tilespmem:s31], [sflag:$0x1], $0x1, s3, s30, $0xb8;
	[tilespmem:$0xA800] =	vst v63  }
0xb4: {  	p1 =	sne.s32 s20, $0x3000;
	s3 =	sadd.s32 $0x7500, s18  }
0xb5: {  	[spmem:s2] =	stream.indirect.scatter.add.f32 [tilespmem:s31], [sflag:$0x2], $0x1, s3, s30, $0xb8;
	[tilespmem:$0xA800] =	vst v63  }
.Ltmp6:
0xb6: {  	_ =	swait.ge [sflag:s26], $0x50;
	(pc) =	sbr.rel @p1 .LBB2_8-.Ltmp6, $4  }
0xb7: {  	[sflag:s26] =	ssyncset.done $0x0  }
0xb8: {  	[sflag:s26] =	ssyncadd.s32 $0xFFFFFFB0  }
0xb9: {  	_ =	swait.ge [sflag:s28], $0x50  }
0xba: {  	s18 =	sshra.s32 s12, $0x2;
	s20 =	smov.u32 s22;
	[sflag:s28] =	ssyncset.done $0x0  }
.LBB2_9:
0xbb: {  	s3 =	sadd.s32 $0x2500, s18;
	[sflag:s28] =	ssyncadd.s32 @p0 $0xFFFFFFB0  }
0xbc: {  	[spmem:s1] =	stream.indirect.scatter.add.f32 [tilespmem:s31], [sflag:$0x1], $0x1, s3, s30, $0xb8;
	[tilespmem:$0xA800] =	vst v63  }
0xbd: {  	s25 =	sadd.s32 $0x7500, s18  }
0xbe: {  	[spmem:s2] =	stream.indirect.scatter.add.f32 [tilespmem:s31], [sflag:$0x2], $0x1, s25, s30, $0xb8;
	[tilespmem:$0xA800] =	vst v63  }
0xbf: {  	p1 =	por $0x1, $0x1;
	_ =	swait.ge [sflag:s26], $0x50  }
.Ltmp7:
0xc0: {  	[sflag:s26] =	ssyncset.done $0x0;
	(pc) =	sbr.rel @!p1 .LBB2_12-.Ltmp7, $4  }
0xc1: {  	[sflag:s26] =	ssyncadd.s32 $0xFFFFFFB0  }
0xc2: {  	_ =	swait.ge [sflag:s28], $0x50  }
0xc3: {  	s18 =	simm.s32 $0x0;
	p0 =	por $0x0, $0x0;
	[sflag:s28] =	ssyncset.done $0x0  }
0xc4: {  	s20 =	simm.s32 $0x0;
	p2 =	por $0x0, $0x0;
	[sflag:s28] =	ssyncadd.s32 $0xFFFFFFB0  }
0xc5: {  	s3 =	simm.s32 $0x3500  }
0xc6: {  	[spmem:s1] =	stream.indirect.scatter.add.f32 [tilespmem:s31], [sflag:$0x1], $0x1, s3, s30, $0xb8;
	[tilespmem:$0xA800] =	vst v63  }
0xc7: {  	s25 =	simm.s32 $0x8500;
	p3 =	por $0x1, $0x1  }
0xc8: {  	[spmem:s2] =	stream.indirect.scatter.add.f32 [tilespmem:s31], [sflag:$0x2], $0x1, s25, s30, $0xb8;
	[tilespmem:$0xA800] =	vst v63  }
.Ltmp8:
0xc9: {  	_ =	swait.ge [sflag:s26], $0x50;
	(pc) =	sbr.rel @!p3 .LBB2_12-.Ltmp8, $4  }
0xca: {  	[sflag:s26] =	ssyncset.done $0x0  }
0xcb: {  	[sflag:s26] =	ssyncadd.s32 $0xFFFFFFB0  }
0xcc: {  	s22 =	simm.s32 $0x400;
	_ =	swait.ge [sflag:s28], $0x50  }
0xcd: {  	s20 =	simm.s32 $0x80;
	p2 =	por $0x1, $0x1;
	[sflag:s28] =	ssyncset.done $0x0  }
.LBB2_11:
0xce: {  	s3 =	sadd.s32 $0x3500, s20  }
0xcf: {  	[sflag:s28] =	ssyncadd.s32 $0xFFFFFFB0;
	s12 =	smov.u32 s22;
	s25 =	sadd.s32 $0x200, s22  }
0xd0: {  	[spmem:s1] =	stream.indirect.scatter.add.f32 [tilespmem:s31], [sflag:$0x1], $0x1, s3, s30, $0xb8;
	[tilespmem:$0xA800] =	vst v63  }
0xd1: {  	p3 =	sne.s32 s22, $0x3000;
	s3 =	sadd.s32 $0x8500, s20  }
0xd2: {  	[spmem:s2] =	stream.indirect.scatter.add.f32 [tilespmem:s31], [sflag:$0x2], $0x1, s3, s30, $0xb8;
	[tilespmem:$0xA800] =	vst v63  }
.Ltmp9:
0xd3: {  	_ =	swait.ge [sflag:s26], $0x50;
	(pc) =	sbr.rel @p3 .LBB2_11-.Ltmp9, $4  }
0xd4: {  	[sflag:s26] =	ssyncset.done $0x0  }
0xd5: {  	[sflag:s26] =	ssyncadd.s32 $0xFFFFFFB0  }
0xd6: {  	_ =	swait.ge [sflag:s28], $0x50  }
0xd7: {  	s20 =	sshra.s32 s12, $0x2;
	s22 =	smov.u32 s25;
	[sflag:s28] =	ssyncset.done $0x0  }
.LBB2_12:
0xd8: {  	s3 =	sadd.s32 $0x3500, s20;
	[sflag:s28] =	ssyncadd.s32 @p2 $0xFFFFFFB0  }
0xd9: {  	[spmem:s1] =	stream.indirect.scatter.add.f32 [tilespmem:s31], [sflag:$0x1], $0x1, s3, s30, $0xb8;
	[tilespmem:$0xA800] =	vst v63  }
0xda: {  	s25 =	sadd.s32 $0x8500, s20  }
0xdb: {  	[spmem:s2] =	stream.indirect.scatter.add.f32 [tilespmem:s31], [sflag:$0x2], $0x1, s25, s30, $0xb8;
	[tilespmem:$0xA800] =	vst v63  }
0xdc: {  	_ =	swait.ge [sflag:s26], $0x50  }
.Ltmp10:
0xdd: {  	[sflag:s26] =	ssyncset.done $0x0;
	(pc) =	sbr.rel @!p1 .LBB2_15-.Ltmp10, $4  }
0xde: {  	[sflag:s26] =	ssyncadd.s32 $0xFFFFFFB0  }
0xdf: {  	_ =	swait.ge [sflag:s28], $0x50  }
0xe0: {  	[sflag:s28] =	ssyncset.done $0x0  }
0xe1: {  	[sflag:s28] =	ssyncadd.s32 $0xFFFFFFB0  }
0xe2: {  	s3 =	simm.s32 $0x4500  }
0xe3: {  	[spmem:s1] =	stream.indirect.scatter.add.f32 [tilespmem:s31], [sflag:$0x1], $0x1, s3, s30, $0xb8;
	[tilespmem:$0xA800] =	vst v63  }
0xe4: {  	s25 =	simm.s32 $0x9500;
	p1 =	por $0x1, $0x1  }
0xe5: {  	[spmem:s2] =	stream.indirect.scatter.add.f32 [tilespmem:s31], [sflag:$0x2], $0x1, s25, s30, $0xb8;
	[tilespmem:$0xA800] =	vst v63  }
.Ltmp11:
0xe6: {  	_ =	swait.ge [sflag:s26], $0x50;
	(pc) =	sbr.rel @!p1 .LBB2_15-.Ltmp11, $4  }
0xe7: {  	[sflag:s26] =	ssyncset.done $0x0  }
0xe8: {  	[sflag:s26] =	ssyncadd.s32 $0xFFFFFFB0  }
0xe9: {  	s20 =	simm.s32 $0x400;
	_ =	swait.ge [sflag:s28], $0x50  }
0xea: {  	s18 =	simm.s32 $0x80;
	p0 =	por $0x1, $0x1;
	[sflag:s28] =	ssyncset.done $0x0  }
.LBB2_14:
0xeb: {  	s3 =	sadd.s32 $0x4500, s18  }
0xec: {  	[sflag:s28] =	ssyncadd.s32 $0xFFFFFFB0;
	s12 =	smov.u32 s20;
	s22 =	sadd.s32 $0x200, s20  }
0xed: {  	[spmem:s1] =	stream.indirect.scatter.add.f32 [tilespmem:s31], [sflag:$0x1], $0x1, s3, s30, $0xb8;
	[tilespmem:$0xA800] =	vst v63  }
0xee: {  	p1 =	sne.s32 s20, $0x3000;
	s3 =	sadd.s32 $0x9500, s18  }
0xef: {  	[spmem:s2] =	stream.indirect.scatter.add.f32 [tilespmem:s31], [sflag:$0x2], $0x1, s3, s30, $0xb8;
	[tilespmem:$0xA800] =	vst v63  }
.Ltmp12:
0xf0: {  	_ =	swait.ge [sflag:s26], $0x50;
	(pc) =	sbr.rel @p1 .LBB2_14-.Ltmp12, $4  }
0xf1: {  	[sflag:s26] =	ssyncset.done $0x0  }
0xf2: {  	[sflag:s26] =	ssyncadd.s32 $0xFFFFFFB0  }
0xf3: {  	_ =	swait.ge [sflag:s28], $0x50  }
0xf4: {  	s18 =	sshra.s32 s12, $0x2;
	s20 =	smov.u32 s22;
	[sflag:s28] =	ssyncset.done $0x0  }
.LBB2_15:
0xf5: {  	s3 =	sadd.s32 $0x4500, s18;
	[sflag:s28] =	ssyncadd.s32 @p0 $0xFFFFFFB0  }
0xf6: {  	[spmem:s1] =	stream.indirect.scatter.add.f32 [tilespmem:s31], [sflag:$0x1], $0x1, s3, s30, $0xb8;
	[tilespmem:$0xA800] =	vst v63  }
0xf7: {  	s20 =	sadd.s32 $0x9500, s18  }
0xf8: {  	[spmem:s2] =	stream.indirect.scatter.add.f32 [tilespmem:s31], [sflag:$0x2], $0x1, s20, s30, $0xb8;
	[tilespmem:$0xA800] =	vst v63  }
0xf9: {  	_ =	swait.ge [sflag:s26], $0x50  }
0xfa: {  	[sflag:s26] =	ssyncset.done $0x0  }
0xfb: {  	[sflag:s26] =	ssyncadd.s32 $0xFFFFFFB0  }
0xfc: {  	_ =	swait.ge [sflag:s28], $0x50  }
0xfd: {  	[sflag:s28] =	ssyncset.done $0x0  }
0xfe: {  	[sflag:s28] =	ssyncadd.s32 $0xFFFFFFB0  }
0xff: {  	_ =	swait.ge [sflag:s26], $0x50  }
0x100: {  	[sflag:s26] =	ssyncset.done $0x0  }
0x101: {  	[sflag:s26] =	ssyncadd.s32 $0xFFFFFFB0  }
0x102: {  	_ =	swait.ge [sflag:s28], $0x50  }
0x103: {  	[sflag:s28] =	ssyncset.done $0x0  }
0x104: {  	[sflag:s28] =	ssyncadd.s32 $0xFFFFFFB0  }
0x105: {  	_ =	swait.ge [sflag:s26], $0x50  }
0x106: {  	[sflag:s26] =	ssyncset.done $0x0  }
0x107: {  	[sflag:s26] =	ssyncadd.s32 $0xFFFFFFB0  }
0x108: {  	_ =	swait.ge [sflag:s28], $0x50  }
0x109: {  	[sflag:s28] =	ssyncset.done $0x0  }
0x10a: {  	[sflag:s28] =	ssyncadd.s32 $0xFFFFFFB0  }
0x10b: {  	_ =	swait.ge [sflag:s26], $0x50  }
0x10c: {  	[sflag:s26] =	ssyncset.done $0x0  }
0x10d: {  	[sflag:s26] =	ssyncadd.s32 $0xFFFFFFB0  }
0x10e: {  	_ =	swait.ge [sflag:s28], $0x50  }
0x10f: {  	[sflag:s28] =	ssyncset.done $0x0  }
0x110: {  	[sflag:s28] =	ssyncadd.s32 $0xFFFFFFB0  }
0x111: {  	_ =	swait.ge [sflag:s26], $0x50  }
0x112: {  	[sflag:s26] =	ssyncset.done $0x0  }
0x113: {  	[sflag:s26] =	ssyncadd.s32 $0xFFFFFFB0  }
0x114: {  	_ =	swait.ge [sflag:s28], $0x50  }
0x115: {  	s22 =	stileid.u32;
	[sflag:s28] =	ssyncset.done $0x0  }
0x116: {  	s3 =	sshll.u32 s22, $0x6;
	[sflag:s28] =	ssyncadd.s32 $0xFFFFFFB0  }
0x117: {  	s12 =	sshrl.u32 s5, $0x3;
	s3 =	sor.u32 $0x1C03, s3;
	[bflag:$0x0] =	sbarrier.arrive $0xFFFF  }
0x118: {  	[hbm:s9@s29], [sflag:s3] =	dma.strided [spmem:s12@s0], $0x50, s26, $0x10   }
0x119: {  	s16 =	sadd.s32 $0x1, s16;
	_ =	swait.ge [sflag:s13], $0x50  }
0x11a: {  	p0 =	sne.s32 s16, s11;
	[sflag:s13] =	ssyncset.done $0x0  }
.Ltmp13:
0x11b: {  	s25 =	sshrl.u32 s6, $0x3;
	[sflag:s13] =	ssyncadd.s32 $0xFFFFFFB0;
	(pc) =	sbr.rel @p0 .LBB2_1-.Ltmp13, $4  }
0x11c: {  	[hbm:s10@s29], [sflag:s3] =	dma.strided [spmem:s25@s0], $0x50, s26, $0x10   }
0x11d: {  	_ =	swait.ge [sflag:s13], $0x50  }
0x11e: {  	[sflag:s13] =	ssyncset.done $0x0  }
0x11f: {  	[sflag:s13] =	ssyncadd.s32 $0xFFFFFFB0  }
0x120: {  	_ =	sfence.sel $0x180000  }
0x121: {  	[bflag:$0x0] =	sbarrier.arrive $0xFFFF  }
0x122: {  	_ =	strace $0x90000047  }
0x123: {  	s0 =	stileid.u32;
	[bflag:$0x2] =	sbarrier.arrive $0xFFFF  }
0x124: {  	p0 =	sne.s32 s0, $0x0;
	s0 =	rddreg [dreg:$0x3]  }
0x125: {  	s0 =	sadd.s32 @!p0 $0x100000, s0  }
0x126: {  	[sflag:s0] =	ssyncadd.tile.s32 @!p0 $0x1;
	_ =	shalt  }
.Lfunc_end2:
_tile_overlayer_lowered:
.L_overlay_start_2:
0x127: {  	(tag) =	ssettag $0x2  }
0x128: {  	s0 =	rddreg [dreg:$0x0];
	s2 =	stileid.u32  }
0x129: {  	s1 =	rddreg [dreg:$0x1];
	p0 =	sne.s32 s2, $0x0  }
0x12a: {  	s3 =	rddreg [dreg:$0x2];
	[bflag:$0x3] =	sbarrier.arrive $0xFFFF;
	s2 =	simm.s32 @!p0 $0x1C03  }
0x12b: {  	[timem:s3], [sflag:s2] =	dma.local @!p0 [hbm:s0], s1  }
0x12c: {  	s0 =	simm.s32 @!p0 $0x3  }
0x12d: {  	_ =	swait.ge @!p0 [sflag:s0], s1  }
0x12e: {  	s1 =	ssub.s32 @!p0 $0x0, s1;
	[sflag:s0] =	ssyncset.done @!p0 $0x0  }
0x12f: {  	[sflag:s0] =	ssyncadd.s32 @!p0 s1  }
0x130: {  	[bflag:$0x3] =	sbarrier.arrive $0xFFFF  }
0x131: {  	_ =	shalt  }

</sc_bundles>
